<compile_context>
chip_gen: v7x
topology: tpu7x:2x2x1
jax: 0.10.2.dev20260603
libtpu: 0.0.44.dev20260713+nightly
codegen_flags: <defaults>
</compile_context>

<pallas_src>
import jax
import jax.numpy as jnp
from jax import lax
from jax.experimental import pallas as pl
from jax.experimental.pallas import tpu as pltpu
from jax.experimental.pallas import tpu_sc as plsc

N = 10000
E = 160000
D = 128
H = 128
DE = 16
CP = 16
N8 = 1280

NC = 2
NS = 16
NW = NC * NS
NPT = 624
NPC = 640
NPT8 = N8 // NS

CHG = 80
NCHG = E // CHG
JMAXG = (NCHG + NW - 1) // NW
NFULLG = NCHG // NW
EPWG = JMAXG * CHG

CHS = 64
NCHS = E // CHS
JMAXS = (NCHS + NW - 1) // NW
NFULLS = NCHS // NW

EBLK = 2000
NBLK = 2000


def _silu(x):
    return x / (1.0 + jnp.exp(-x))


def _pre_body(h_ref, wat_ref, wbt_ref, t1_ref, t2_ref):
    hb = h_ref[...]
    t1_ref[...] = jnp.dot(hb, wat_ref[...], preferred_element_type=jnp.float32)
    t2_ref[...] = jnp.dot(hb, wbt_ref[...], preferred_element_type=jnp.float32)


def _tc_pre(h, wat, wbt):
    grid = N // NBLK
    return pl.pallas_call(
        _pre_body,
        grid=(grid,),
        in_specs=[
            pl.BlockSpec((NBLK, D), lambda i: (i, 0)),
            pl.BlockSpec((D, D), lambda i: (0, 0)),
            pl.BlockSpec((D, D), lambda i: (0, 0)),
        ],
        out_specs=[
            pl.BlockSpec((NBLK, D), lambda i: (i, 0)),
            pl.BlockSpec((NBLK, D), lambda i: (i, 0)),
        ],
        out_shape=[
            jax.ShapeDtypeStruct((N, D), jnp.float32),
            jax.ShapeDtypeStruct((N, D), jnp.float32),
        ],
    )(h, wat, wbt)


def _gather_body(t1_hbm, t2_hbm, rw_hbm, cw_hbm, c3_hbm, g_hbm, d4_hbm,
                 idxr, idxc, b1a, b2a, dba, b1b, b2b, dbb, c3, semg, semw):
    c = lax.axis_index("c")
    s = lax.axis_index("s")
    wid = s * NC + c
    pltpu.sync_copy(rw_hbm.at[pl.ds(wid * EPWG, EPWG)], idxr)
    pltpu.sync_copy(cw_hbm.at[pl.ds(wid * EPWG, EPWG)], idxc)
    pltpu.sync_copy(c3_hbm, c3)
    z16 = jnp.zeros((16,), jnp.float32)

    def zrow(r, cc):
        dba[r, :] = z16
        dbb[r, :] = z16
        return cc

    lax.fori_loop(0, CHG, zrow, 0)
    lane = lax.iota(jnp.int32, 16)

    def esl(j):
        return pl.ds((wid + j * NW) * CHG, CHG)

    def isl(j):
        return pl.ds(pl.multiple_of(j * CHG, 8), CHG)

    def compute(j, b1, b2, db):
        def addrow(r, cc):
            for q in range(D // 16):
                sl = pl.ds(q * 16, 16)
                b1[r, sl] = b1[r, sl] + b2[r, sl]
            return cc

        lax.fori_loop(0, CHG, addrow, 0)
        for k in range(CHG // 16):
            rows = k * 16 + lane
            off = pl.multiple_of(j * CHG + k * 16, 8)
            ir = idxr[pl.ds(off, 16)]
            ic = idxc[pl.ds(off, 16)]
            ir3 = ir * 3
            ic3 = ic * 3
            rad = z16
            for q in range(3):
                cq = jnp.full((16,), q, jnp.int32)
                xr = plsc.load_gather(c3, [ir3 + q])
                xc = plsc.load_gather(c3, [ic3 + q])
                dd = xr - xc
                rad = rad + dd * dd
                plsc.store_scatter(db, [rows, cq], dd)
            plsc.store_scatter(db, [rows, jnp.full((16,), 3, jnp.int32)], rad)
            rem = (ir & 7).astype(jnp.float32)
            plsc.store_scatter(db, [rows, jnp.full((16,), 4, jnp.int32)], rem)

    def step(j, b1, b2, db, ob1, ob2, odb):
        @pl.when(j >= 1)
        def _():
            pltpu.make_async_copy(ob1, g_hbm.at[esl(j - 1)], semw).wait()
            pltpu.make_async_copy(odb, d4_hbm.at[esl(j - 1)], semw).wait()

        @pl.when(j <= NFULLG - 2)
        def _():
            pltpu.async_copy(t1_hbm.at[idxr.at[isl(j + 1)]], ob1, semg)
            pltpu.async_copy(t2_hbm.at[idxc.at[isl(j + 1)]], ob2, semg)

        pltpu.make_async_copy(t1_hbm.at[idxr.at[isl(j)]], b1, semg).wait()
        pltpu.make_async_copy(t2_hbm.at[idxc.at[isl(j)]], b2, semg).wait()
        compute(j, b1, b2, db)
        pltpu.async_copy(b1, g_hbm.at[esl(j)], semw)
        pltpu.async_copy(db, d4_hbm.at[esl(j)], semw)

    pltpu.async_copy(t1_hbm.at[idxr.at[isl(0)]], b1a, semg)
    pltpu.async_copy(t2_hbm.at[idxc.at[isl(0)]], b2a, semg)

    def pair(m, cc):
        j = 2 * m
        step(j, b1a, b2a, dba, b1b, b2b, dbb)
        step(j + 1, b1b, b2b, dbb, b1a, b2a, dba)
        return cc

    lax.fori_loop(0, NFULLG // 2, pair, 0)
    pltpu.make_async_copy(b1b, g_hbm.at[esl(NFULLG - 1)], semw).wait()
    pltpu.make_async_copy(dbb, d4_hbm.at[esl(NFULLG - 1)], semw).wait()

    @pl.when(wid < NCHG - NFULLG * NW)
    def _():
        j = NFULLG
        pltpu.async_copy(t1_hbm.at[idxr.at[isl(j)]], b1a, semg).wait()
        pltpu.async_copy(t2_hbm.at[idxc.at[isl(j)]], b2a, semg).wait()
        compute(j, b1a, b2a, dba)
        pltpu.sync_copy(b1a, g_hbm.at[esl(j)])
        pltpu.sync_copy(dba, d4_hbm.at[esl(j)])


def _sc_gather(t1, t2, roww, colw, c3flat):
    mesh = plsc.VectorSubcoreMesh(core_axis_name="c", subcore_axis_name="s",
                                  num_cores=NC, num_subcores=NS)
    f = pl.kernel(
        _gather_body,
        out_type=(
            jax.ShapeDtypeStruct((E, D), jnp.float32),
            jax.ShapeDtypeStruct((E, CP), jnp.float32),
        ),
        mesh=mesh,
        compiler_params=pltpu.CompilerParams(needs_layout_passes=False),
        scratch_types=[
            pltpu.VMEM((EPWG,), jnp.int32),
            pltpu.VMEM((EPWG,), jnp.int32),
            pltpu.VMEM((CHG, D), jnp.float32),
            pltpu.VMEM((CHG, D), jnp.float32),
            pltpu.VMEM((CHG, CP), jnp.float32),
            pltpu.VMEM((CHG, D), jnp.float32),
            pltpu.VMEM((CHG, D), jnp.float32),
            pltpu.VMEM((CHG, CP), jnp.float32),
            pltpu.VMEM((3 * N,), jnp.float32),
            pltpu.SemaphoreType.DMA,
            pltpu.SemaphoreType.DMA,
        ],
    )
    return f(t1, t2, roww, colw, c3flat)


def _edge_body(g_ref, d4_ref, ea_ref, wr_ref, wet_ref, eb1_ref, w2t_ref,
               eb2_ref, c1t_ref, cb1_ref, cw2_ref, e_ref, pay_ref):
    pre = g_ref[...]
    d4 = d4_ref[...]
    radial = d4[:, 3:4]
    z = (pre + radial * wr_ref[...] + eb1_ref[...]
         + jnp.dot(ea_ref[...], wet_ref[...], preferred_element_type=jnp.float32))
    x = _silu(z)
    e = _silu(jnp.dot(x, w2t_ref[...], preferred_element_type=jnp.float32)
              + eb2_ref[...])
    u = _silu(jnp.dot(e, c1t_ref[...], preferred_element_type=jnp.float32)
              + cb1_ref[...])
    t = jnp.sum(u * cw2_ref[...], axis=1, keepdims=True)
    inv = t / (jnp.sqrt(radial) + 1e-8)
    lane16 = lax.broadcasted_iota(jnp.int32, d4.shape, 1)
    tr = (d4 * inv * jnp.where(lane16 < 3, 1.0, 0.0)
          + jnp.where(lane16 == 3, 1.0, 0.0))
    mi = d4[:, 4:5].astype(jnp.int32)
    lane128 = lax.broadcasted_iota(jnp.int32, pre.shape, 1)
    tr8 = jnp.concatenate([tr] * (D // CP), axis=1)
    pay = jnp.where(lane128 // CP == mi, tr8, 0.0)
    e_ref[...] = e
    pay_ref[...] = pay


def _tc_edge(g, d4, edge_attr, wr, wet, eb1, w2t, eb2, c1t, cb1, cw2):
    grid = E // EBLK
    return pl.pallas_call(
        _edge_body,
        grid=(grid,),
        in_specs=[
            pl.BlockSpec((EBLK, D), lambda i: (i, 0)),
            pl.BlockSpec((EBLK, CP), lambda i: (i, 0)),
            pl.BlockSpec((EBLK, DE), lambda i: (i, 0)),
            pl.BlockSpec((1, D), lambda i: (0, 0)),
            pl.BlockSpec((DE, D), lambda i: (0, 0)),
            pl.BlockSpec((1, D), lambda i: (0, 0)),
            pl.BlockSpec((D, D), lambda i: (0, 0)),
            pl.BlockSpec((1, D), lambda i: (0, 0)),
            pl.BlockSpec((D, D), lambda i: (0, 0)),
            pl.BlockSpec((1, D), lambda i: (0, 0)),
            pl.BlockSpec((1, D), lambda i: (0, 0)),
        ],
        out_specs=[
            pl.BlockSpec((EBLK, D), lambda i: (i, 0)),
            pl.BlockSpec((EBLK, D), lambda i: (i, 0)),
        ],
        out_shape=[
            jax.ShapeDtypeStruct((E, D), jnp.float32),
            jax.ShapeDtypeStruct((E, D), jnp.float32),
        ],
    )(g, d4, edge_attr, wr, wet, eb1, w2t, eb2, c1t, cb1, cw2)


def _scatter_body(e_hbm, pay_hbm, row_hbm, row8_hbm, z_hbm,
                  aggp_hbm, ntp_hbm, ira, i8a, eba, pba, irb, i8b, ebb, pbb,
                  agg_sh, nt_sh, semr, sems):
    c = lax.axis_index("c")
    s = lax.axis_index("s")
    wid = s * NC + c
    nb = s * NPT
    pltpu.sync_copy(z_hbm.at[pl.ds(nb, NPC)], agg_sh.at[pl.ds(nb, NPC)])
    pltpu.sync_copy(z_hbm.at[pl.ds(s * NPT8, NPT8)],
                    nt_sh.at[pl.ds(s * NPT8, NPT8)])
    plsc.subcore_barrier()

    def esl(j):
        return pl.ds((wid + j * NW) * CHS, CHS)

    def loads(j, ir, i8, eb, pb):
        pltpu.async_copy(row_hbm.at[esl(j)], ir, semr)
        pltpu.async_copy(row8_hbm.at[esl(j)], i8, semr)
        pltpu.async_copy(e_hbm.at[esl(j)], eb, semr)
        pltpu.async_copy(pay_hbm.at[esl(j)], pb, semr)

    def wait_loads(j, ir, i8, eb, pb):
        pltpu.make_async_copy(row_hbm.at[esl(j)], ir, semr).wait()
        pltpu.make_async_copy(row8_hbm.at[esl(j)], i8, semr).wait()
        pltpu.make_async_copy(e_hbm.at[esl(j)], eb, semr).wait()
        pltpu.make_async_copy(pay_hbm.at[esl(j)], pb, semr).wait()

    def step(j, ir, i8, eb, pb, oir, oi8, oeb, opb):
        @pl.when(j >= 1)
        def _():
            pltpu.make_async_copy(oeb, agg_sh.at[oir], sems).wait()
            pltpu.make_async_copy(opb, nt_sh.at[oi8], sems).wait()

        @pl.when(j <= NFULLS - 2)
        def _():
            loads(j + 1, oir, oi8, oeb, opb)

        wait_loads(j, ir, i8, eb, pb)
        pltpu.async_copy(eb, agg_sh.at[ir], sems, add=True)
        pltpu.async_copy(pb, nt_sh.at[i8], sems, add=True)

    loads(0, ira, i8a, eba, pba)

    def pair(m, cc):
        j = 2 * m
        step(j, ira, i8a, eba, pba, irb, i8b, ebb, pbb)
        step(j + 1, irb, i8b, ebb, pbb, ira, i8a, eba, pba)
        return cc

    lax.fori_loop(0, NFULLS // 2, pair, 0)
    pltpu.make_async_copy(ebb, agg_sh.at[irb], sems).wait()
    pltpu.make_async_copy(pbb, nt_sh.at[i8b], sems).wait()

    @pl.when(wid < NCHS - NFULLS * NW)
    def _():
        j = NFULLS
        loads(j, ira, i8a, eba, pba)
        wait_loads(j, ira, i8a, eba, pba)
        pltpu.sync_copy(eba, agg_sh.at[ira], add=True)
        pltpu.sync_copy(pba, nt_sh.at[i8a], add=True)

    plsc.subcore_barrier()
    pltpu.sync_copy(agg_sh.at[pl.ds(nb, NPC)],
                    aggp_hbm.at[c, pl.ds(nb, NPC)])
    pltpu.sync_copy(nt_sh.at[pl.ds(s * NPT8, NPT8)],
                    ntp_hbm.at[c, pl.ds(s * NPT8, NPT8)])


def _sc_scatter(e, pay, row, row8, z):
    mesh = plsc.VectorSubcoreMesh(core_axis_name="c", subcore_axis_name="s",
                                  num_cores=NC, num_subcores=NS)
    f = pl.kernel(
        _scatter_body,
        out_type=(
            jax.ShapeDtypeStruct((NC, N, D), jnp.float32),
            jax.ShapeDtypeStruct((NC, N8, D), jnp.float32),
        ),
        mesh=mesh,
        scratch_types=[
            pltpu.VMEM((CHS,), jnp.int32),
            pltpu.VMEM((CHS,), jnp.int32),
            pltpu.VMEM((CHS, D), jnp.float32),
            pltpu.VMEM((CHS, D), jnp.float32),
            pltpu.VMEM((CHS,), jnp.int32),
            pltpu.VMEM((CHS,), jnp.int32),
            pltpu.VMEM((CHS, D), jnp.float32),
            pltpu.VMEM((CHS, D), jnp.float32),
            pltpu.VMEM_SHARED((N, D), jnp.float32),
            pltpu.VMEM_SHARED((N8, D), jnp.float32),
            pltpu.SemaphoreType.DMA,
            pltpu.SemaphoreType.DMA,
        ],
    )
    return f(e, pay, row, row8, z)


def _node_body(h_ref, ap_ref, nt_ref, cp_ref, w1ht_ref, w1at_ref, nb1_ref,
               w2t_ref, nb2_ref, lnw_ref, lnb_ref, ho_ref, co_ref):
    hb = h_ref[...]
    agg = ap_ref[0] + ap_ref[1]
    st = nt_ref[0] + nt_ref[1]
    x = _silu(jnp.dot(hb, w1ht_ref[...], preferred_element_type=jnp.float32)
              + jnp.dot(agg, w1at_ref[...], preferred_element_type=jnp.float32)
              + nb1_ref[...])
    n = jnp.dot(x, w2t_ref[...], preferred_element_type=jnp.float32) + nb2_ref[...]
    ho = hb + n
    mu = jnp.mean(ho, axis=1, keepdims=True)
    var = jnp.mean((ho - mu) ** 2, axis=1, keepdims=True)
    ho_ref[...] = (ho - mu) / jnp.sqrt(var + 1e-5) * lnw_ref[...] + lnb_ref[...]
    den = st[:, 3:4]
    co_ref[...] = cp_ref[...] + st / (den + 1e-8)


def _tc_node(h, aggp, ntp, cpad, w1ht, w1at, nb1, w2t, nb2, lnw, lnb):
    grid = N // NBLK
    return pl.pallas_call(
        _node_body,
        grid=(grid,),
        in_specs=[
            pl.BlockSpec((NBLK, D), lambda i: (i, 0)),
            pl.BlockSpec((NC, NBLK, D), lambda i: (0, i, 0)),
            pl.BlockSpec((NC, NBLK, CP), lambda i: (0, i, 0)),
            pl.BlockSpec((NBLK, CP), lambda i: (i, 0)),
            pl.BlockSpec((D, D), lambda i: (0, 0)),
            pl.BlockSpec((D, D), lambda i: (0, 0)),
            pl.BlockSpec((1, D), lambda i: (0, 0)),
            pl.BlockSpec((D, D), lambda i: (0, 0)),
            pl.BlockSpec((1, D), lambda i: (0, 0)),
            pl.BlockSpec((1, D), lambda i: (0, 0)),
            pl.BlockSpec((1, D), lambda i: (0, 0)),
        ],
        out_specs=[
            pl.BlockSpec((NBLK, D), lambda i: (i, 0)),
            pl.BlockSpec((NBLK, CP), lambda i: (i, 0)),
        ],
        out_shape=[
            jax.ShapeDtypeStruct((N, D), jnp.float32),
            jax.ShapeDtypeStruct((N, CP), jnp.float32),
        ],
    )(h, aggp, ntp, cpad, w1ht, w1at, nb1, w2t, nb2, lnw, lnb)


def kernel(h, edge_index, coord, edge_attr, ew1, eb1, ew2, eb2,
           nw1, nb1, nw2, nb2, cw1, cb1, cw2, ln_w, ln_b):
    row = edge_index[0].astype(jnp.int32)
    col = edge_index[1].astype(jnp.int32)

    def wmajor(ix):
        ixp = jnp.pad(ix, (0, JMAXG * NW * CHG - E))
        return ixp.reshape(JMAXG, NW, CHG).transpose(1, 0, 2).reshape(-1)

    roww = wmajor(row)
    colw = wmajor(col)
    row8 = row >> 3
    cpad = jnp.pad(coord, ((0, 0), (0, CP - 3)))
    c3flat = coord.reshape(-1)

    wat = ew1[:, :D].T
    wbt = ew1[:, D:2 * D].T
    wr = ew1[:, 2 * D].reshape(1, D)
    wet = ew1[:, 2 * D + 1:].T
    w1ht = nw1[:, :D].T
    w1at = nw1[:, D:].T

    t1, t2 = _tc_pre(h, wat, wbt)
    g, d4 = _sc_gather(t1, t2, roww, colw, c3flat)
    e, pay = _tc_edge(g, d4, edge_attr, wr, wet, eb1.reshape(1, D), ew2.T,
                      eb2.reshape(1, D), cw1.T, cb1.reshape(1, D), cw2)
    z = jnp.zeros((N, D), jnp.float32)
    aggp, ntp = _sc_scatter(e, pay, row, row8, z)
    nt = ntp.reshape(NC, N8 * 8, CP)[:, :N, :]
    h_out, co = _tc_node(h, aggp, nt, cpad, w1ht, w1at, nb1.reshape(1, D),
                         nw2.T, nb2.reshape(1, D), ln_w.reshape(1, D),
                         ln_b.reshape(1, D))
    return (h_out, co[:, :3], e)

# --- scband reference (transcript-rebuilt; emitter-appended) ---
"""Pipeline reference for scband-e-gcl-43851616092222 (READ-ONLY COPY).

The authoritative reference and input builder live on the scoring server;
editing this copy changes nothing except your own understanding.
"""

import jax, jax.numpy as jnp
import numpy as np

N = 10000
E = 160000
D = 128
H = 128
DE = 16

def setup_inputs(seed: int = 0):
    key = jax.random.key(seed)
    ks = jax.random.split(key, 20)
    s = lambda k, shp: jax.random.normal(k, shp, dtype=jnp.float32) * 0.05
    inp = {
        "h": jax.random.normal(ks[0], (N, D), dtype=jnp.float32),
        "edge_index": jax.random.randint(ks[1], (2, E), 0, N),
        "coord": jax.random.normal(ks[2], (N, 3), dtype=jnp.float32),
        "edge_attr": jax.random.normal(ks[3], (E, DE), dtype=jnp.float32),
        "ew1": s(ks[4], (H, 2 * D + 1 + DE)),
        "eb1": jnp.zeros((H,), jnp.float32),
        "ew2": s(ks[5], (H, H)),
        "eb2": jnp.zeros((H,), jnp.float32),
        "nw1": s(ks[6], (H, H + D)),
        "nb1": jnp.zeros((H,), jnp.float32),
        "nw2": s(ks[7], (D, H)),
        "nb2": jnp.zeros((D,), jnp.float32),
        "cw1": s(ks[8], (H, H)),
        "cb1": jnp.zeros((H,), jnp.float32),
        "cw2": s(ks[9], (1, H)) * 0.001,
        "ln_w": jnp.ones((D,), jnp.float32),
        "ln_b": jnp.zeros((D,), jnp.float32),
    }
    return inp

def reference(h, edge_index, coord, edge_attr, ew1, eb1, ew2, eb2, nw1, nb1, nw2, nb2, cw1, cb1, cw2, ln_w, ln_b):
    eps = 1e-8
    row = edge_index[0]
    col = edge_index[1]
    # coord2radial (normalize=False)
    coord_diff = coord[row] - coord[col]
    radial = jnp.sum(coord_diff ** 2, axis=1, keepdims=True)
    # edge model (attention=False)
    h_row = h[row]
    h_col = h[col]
    e_in = jnp.concatenate([h_row, h_col, radial, edge_attr], axis=1)
    e = jax.nn.silu(e_in @ ew1.T + eb1)
    e = jax.nn.silu(e @ ew2.T + eb2)
    # coord model (coords_agg='mean', tanh=False)
    cd_norm = coord_diff / (jnp.linalg.norm(coord_diff, axis=-1, keepdims=True) + eps)
    t = jax.nn.silu(e @ cw1.T + cb1)
    t = t @ cw2.T
    trans = cd_norm * t
    num = jax.ops.segment_sum(trans, row, num_segments=N)
    den = jax.ops.segment_sum(jnp.ones_like(trans), row, num_segments=N)
    coord_out = coord + num / (den + 1e-8)
    # node model (residual=True)
    agg = jax.ops.segment_sum(e, row, num_segments=N)
    n_in = jnp.concatenate([h, agg], axis=1)
    n = jax.nn.silu(n_in @ nw1.T + nb1)
    n = n @ nw2.T + nb2
    h_out = h + n
    # node_norm LayerNorm
    mu = jnp.mean(h_out, axis=-1, keepdims=True)
    var = jnp.mean((h_out - mu) ** 2, axis=-1, keepdims=True)
    h_out = (h_out - mu) / jnp.sqrt(var + 1e-5) * ln_w + ln_b
    return (h_out, coord_out, e)

if __name__ == "__main__":
    import jax
    _d = setup_inputs()
    print(jax.jit(kernel)(*tuple(_d.values())))

</pallas_src>

<mosaic_0001>
#map = affine_map<(d0, d1) -> (0, 0)>
#map1 = affine_map<(d0, d1) -> (0)>
module attributes {stable_mosaic.version = 14 : i64} {
  func.func @_gather_body(%arg0: i32, %arg1: i32, %arg2: memref<10000x128xf32, #tpu.memory_space<hbm>>, %arg3: memref<10000x128xf32, #tpu.memory_space<hbm>>, %arg4: memref<161280xi32, #tpu.memory_space<hbm>>, %arg5: memref<161280xi32, #tpu.memory_space<hbm>>, %arg6: memref<30000xf32, #tpu.memory_space<hbm>>, %arg7: memref<160000x128xf32, #tpu.memory_space<hbm>>, %arg8: memref<160000x16xf32, #tpu.memory_space<hbm>>, %arg9: memref<5040xi32, #tpu.memory_space<vmem>>, %arg10: memref<5040xi32, #tpu.memory_space<vmem>>, %arg11: memref<80x128xf32, #tpu.memory_space<vmem>>, %arg12: memref<80x128xf32, #tpu.memory_space<vmem>>, %arg13: memref<80x16xf32, #tpu.memory_space<vmem>>, %arg14: memref<80x128xf32, #tpu.memory_space<vmem>>, %arg15: memref<80x128xf32, #tpu.memory_space<vmem>>, %arg16: memref<80x16xf32, #tpu.memory_space<vmem>>, %arg17: memref<30000xf32, #tpu.memory_space<vmem>>, %arg18: memref<!tpu.dma_semaphore, #tpu.memory_space<semaphore_mem>>, %arg19: memref<!tpu.dma_semaphore, #tpu.memory_space<semaphore_mem>>) attributes {dimension_semantics = [#tpu.dimension_semantics<core_parallel>, #tpu.dimension_semantics<subcore_parallel>], iteration_bounds = array<i64: 2, 16>, scalar_prefetch = 0 : i64, scratch_operands = 11 : i64, tpu.core_type = #tpu.core_type<sc_vector_subcore>, window_params = [{transform_indices = #map}, {transform_indices = #map}, {transform_indices = #map1}, {transform_indices = #map1}, {transform_indices = #map1}, {transform_indices = #map}, {transform_indices = #map}]} {
    %mul3A = arith.constant 2 : i32
    %mul3A_0 = arith.muli %arg1, %mul3A : i32
    %add3A = arith.addi %mul3A_0, %arg0 : i32
    %mul3A_1 = arith.constant 5040 : i32
    %mul3A_2 = arith.muli %add3A, %mul3A_1 : i32
    "tpu.region"() ({
      %run_scoped3A = tpu.sem_alloc : memref<!tpu.dma_semaphore, #tpu.memory_space<semaphore_mem>>
      %dma_start3A_44 = tpu.memref_slice %arg4[%mul3A_2] : memref<161280xi32, #tpu.memory_space<hbm>> -> memref<5040xi32, #tpu.memory_space<hbm>>
      %dma_start3A_45 = tpu.memref_slice %arg4[%mul3A_2] : memref<161280xi32, #tpu.memory_space<hbm>> -> memref<5040xi32, #tpu.memory_space<hbm>>
      tpu.enqueue_dma source(%dma_start3A_45 : memref<5040xi32, #tpu.memory_space<hbm>>) target(%arg9 : memref<5040xi32, #tpu.memory_space<vmem>>) target_semaphore(%run_scoped3A : memref<!tpu.dma_semaphore, #tpu.memory_space<semaphore_mem>>)
      %dma_wait3A_46 = tpu.memref_slice %arg4[%mul3A_2] : memref<161280xi32, #tpu.memory_space<hbm>> -> memref<5040xi32, #tpu.memory_space<hbm>>
      %dma_wait3A_47 = tpu.memref_slice %arg4[%mul3A_2] : memref<161280xi32, #tpu.memory_space<hbm>> -> memref<5040xi32, #tpu.memory_space<hbm>>
      tpu.wait_dma2 semaphore(%run_scoped3A : memref<!tpu.dma_semaphore, #tpu.memory_space<semaphore_mem>>) src(%dma_wait3A_47 : memref<5040xi32, #tpu.memory_space<hbm>>) dst(%arg9 : memref<5040xi32, #tpu.memory_space<vmem>>)
      tpu.yield
    }) : () -> ()
    %mul3A_3 = arith.constant 5040 : i32
    %mul3A_4 = arith.muli %add3A, %mul3A_3 : i32
    "tpu.region"() ({
      %run_scoped3A = tpu.sem_alloc : memref<!tpu.dma_semaphore, #tpu.memory_space<semaphore_mem>>
      %dma_start3A_44 = tpu.memref_slice %arg5[%mul3A_4] : memref<161280xi32, #tpu.memory_space<hbm>> -> memref<5040xi32, #tpu.memory_space<hbm>>
      %dma_start3A_45 = tpu.memref_slice %arg5[%mul3A_4] : memref<161280xi32, #tpu.memory_space<hbm>> -> memref<5040xi32, #tpu.memory_space<hbm>>
      tpu.enqueue_dma source(%dma_start3A_45 : memref<5040xi32, #tpu.memory_space<hbm>>) target(%arg10 : memref<5040xi32, #tpu.memory_space<vmem>>) target_semaphore(%run_scoped3A : memref<!tpu.dma_semaphore, #tpu.memory_space<semaphore_mem>>)
      %dma_wait3A_46 = tpu.memref_slice %arg5[%mul3A_4] : memref<161280xi32, #tpu.memory_space<hbm>> -> memref<5040xi32, #tpu.memory_space<hbm>>
      %dma_wait3A_47 = tpu.memref_slice %arg5[%mul3A_4] : memref<161280xi32, #tpu.memory_space<hbm>> -> memref<5040xi32, #tpu.memory_space<hbm>>
      tpu.wait_dma2 semaphore(%run_scoped3A : memref<!tpu.dma_semaphore, #tpu.memory_space<semaphore_mem>>) src(%dma_wait3A_47 : memref<5040xi32, #tpu.memory_space<hbm>>) dst(%arg10 : memref<5040xi32, #tpu.memory_space<vmem>>)
      tpu.yield
    }) : () -> ()
    "tpu.region"() ({
      %run_scoped3A = tpu.sem_alloc : memref<!tpu.dma_semaphore, #tpu.memory_space<semaphore_mem>>
      tpu.enqueue_dma source(%arg6 : memref<30000xf32, #tpu.memory_space<hbm>>) target(%arg17 : memref<30000xf32, #tpu.memory_space<vmem>>) target_semaphore(%run_scoped3A : memref<!tpu.dma_semaphore, #tpu.memory_space<semaphore_mem>>)
      tpu.wait_dma2 semaphore(%run_scoped3A : memref<!tpu.dma_semaphore, #tpu.memory_space<semaphore_mem>>) src(%arg6 : memref<30000xf32, #tpu.memory_space<hbm>>) dst(%arg17 : memref<30000xf32, #tpu.memory_space<vmem>>)
      tpu.yield
    }) : () -> ()
    %broadcast_in_dim3A = arith.constant 0.000000e+00 : f32
    %broadcast_in_dim3A_5 = vector.broadcast %broadcast_in_dim3A : f32 to vector<16xf32>
    %scan3A = arith.constant 0 : i32
    %scan3A_6 = arith.constant 0 : i32
    %scan3A_7 = arith.constant 80 : i32
    %scan3A_8 = arith.addi %scan3A_6, %scan3A_7 : i32
    %scan3A_9 = arith.constant 1 : i32
    scf.for %scan3A_44 = %scan3A_6 to %scan3A_8 step %scan3A_9  : i32 {
      %swap3A = arith.index_cast %scan3A_44 : i32 to index
      %swap3A_45 = arith.constant 0 : index
      %swap3A_46 = tpu.vector_load %arg13[%swap3A, %swap3A_45] {strides = array<i32>} : memref<80x16xf32, #tpu.memory_space<vmem>>, vector<16xf32>,
      tpu.vector_store %arg13[%swap3A, %swap3A_45], %broadcast_in_dim3A_5 {strides = array<i32>} : memref<80x16xf32, #tpu.memory_space<vmem>>, vector<16xf32>,
      %swap3A_47 = arith.index_cast %scan3A_44 : i32 to index
      %swap3A_48 = arith.constant 0 : index
      %swap3A_49 = tpu.vector_load %arg16[%swap3A_47, %swap3A_48] {strides = array<i32>} : memref<80x16xf32, #tpu.memory_space<vmem>>, vector<16xf32>,
      tpu.vector_store %arg16[%swap3A_47, %swap3A_48], %broadcast_in_dim3A_5 {strides = array<i32>} : memref<80x16xf32, #tpu.memory_space<vmem>>, vector<16xf32>,
    }
    %scan3A_10 = arith.constant 80 : i32
    %iota3A = tpu.iota {dimensions = array<i32: 0>} : vector<16xi32>
    %multiple_of3A = arith.constant 0 : i32
    %multiple_of3A_11 = tpu.assume_multiple %multiple_of3A, 8 : i32
    %dma_start3A = tpu.memref_slice %arg9[%multiple_of3A_11] : memref<5040xi32, #tpu.memory_space<vmem>> -> memref<80xi32, #tpu.memory_space<vmem>>
    %dma_start3A_12 = arith.constant 0 : i32
    %dma_start3A_13 = arith.constant 0 : i32
    %dma_start3A_14 = tpu.memref_slice %arg2[%dma_start3A_12, %dma_start3A_13] : memref<10000x128xf32, #tpu.memory_space<hbm>> -> memref<10000x128xf32, #tpu.memory_space<hbm>>
    tpu.enqueue_indirect_dma source(%dma_start3A_14 : memref<10000x128xf32, #tpu.memory_space<hbm>>) target(%arg11 : memref<80x128xf32, #tpu.memory_space<vmem>>) offsets(%dma_start3A : memref<80xi32, #tpu.memory_space<vmem>>) semaphore(%arg18 : memref<!tpu.dma_semaphore, #tpu.memory_space<semaphore_mem>>)
    %multiple_of3A_15 = arith.constant 0 : i32
    %multiple_of3A_16 = tpu.assume_multiple %multiple_of3A_15, 8 : i32
    %dma_start3A_17 = tpu.memref_slice %arg10[%multiple_of3A_16] : memref<5040xi32, #tpu.memory_space<vmem>> -> memref<80xi32, #tpu.memory_space<vmem>>
    %dma_start3A_18 = arith.constant 0 : i32
    %dma_start3A_19 = arith.constant 0 : i32
    %dma_start3A_20 = tpu.memref_slice %arg3[%dma_start3A_18, %dma_start3A_19] : memref<10000x128xf32, #tpu.memory_space<hbm>> -> memref<10000x128xf32, #tpu.memory_space<hbm>>
    tpu.enqueue_indirect_dma source(%dma_start3A_20 : memref<10000x128xf32, #tpu.memory_space<hbm>>) target(%arg12 : memref<80x128xf32, #tpu.memory_space<vmem>>) offsets(%dma_start3A_17 : memref<80xi32, #tpu.memory_space<vmem>>) semaphore(%arg18 : memref<!tpu.dma_semaphore, #tpu.memory_space<semaphore_mem>>)
    %scan3A_21 = arith.constant 0 : i32
    %scan3A_22 = arith.constant 0 : i32
    %scan3A_23 = arith.constant 31 : i32
    %scan3A_24 = arith.addi %scan3A_22, %scan3A_23 : i32
    %scan3A_25 = arith.constant 1 : i32
    scf.for %scan3A_44 = %scan3A_22 to %scan3A_24 step %scan3A_25  : i32 {
      %mul3A_45 = arith.constant 2 : i32
      %mul3A_46 = arith.muli %mul3A_45, %scan3A_44 : i32
      %ge3A = arith.constant 1 : i32
      %ge3A_47 = arith.cmpi sge, %mul3A_46, %ge3A : i32
      %convert_element_type3A_48 = arith.extui %ge3A_47 : i1 to i32
      %cond3A_49 = arith.constant 0 : i32
      %cond3A_50 = arith.cmpi ne, %convert_element_type3A_48, %cond3A_49 : i32
      scf.if %cond3A_50 {
        %sub3A_789 = arith.constant 1 : i32
        %sub3A_790 = arith.subi %mul3A_46, %sub3A_789 : i32
        %mul3A_791 = arith.constant 32 : i32
        %mul3A_792 = arith.muli %sub3A_790, %mul3A_791 : i32
        %add3A_793 = arith.addi %add3A, %mul3A_792 : i32
        %mul3A_794 = arith.constant 80 : i32
        %mul3A_795 = arith.muli %add3A_793, %mul3A_794 : i32
        %dma_wait3A_796 = arith.constant 0 : i32
        %dma_wait3A_797 = tpu.memref_slice %arg7[%mul3A_795, %dma_wait3A_796] : memref<160000x128xf32, #tpu.memory_space<hbm>> -> memref<80x128xf32, #tpu.memory_space<hbm>>
        %dma_wait3A_798 = arith.constant 0 : i32
        %dma_wait3A_799 = tpu.memref_slice %arg7[%mul3A_795, %dma_wait3A_798] : memref<160000x128xf32, #tpu.memory_space<hbm>> -> memref<80x128xf32, #tpu.memory_space<hbm>>
        tpu.wait_dma2 semaphore(%arg19 : memref<!tpu.dma_semaphore, #tpu.memory_space<semaphore_mem>>) src(%arg14 : memref<80x128xf32, #tpu.memory_space<vmem>>) dst(%dma_wait3A_799 : memref<80x128xf32, #tpu.memory_space<hbm>>)
        %sub3A_800 = arith.constant 1 : i32
        %sub3A_801 = arith.subi %mul3A_46, %sub3A_800 : i32
        %mul3A_802 = arith.constant 32 : i32
        %mul3A_803 = arith.muli %sub3A_801, %mul3A_802 : i32
        %add3A_804 = arith.addi %add3A, %mul3A_803 : i32
        %mul3A_805 = arith.constant 80 : i32
        %mul3A_806 = arith.muli %add3A_804, %mul3A_805 : i32
        %dma_wait3A_807 = arith.constant 0 : i32
        %dma_wait3A_808 = tpu.memref_slice %arg8[%mul3A_806, %dma_wait3A_807] : memref<160000x16xf32, #tpu.memory_space<hbm>> -> memref<80x16xf32, #tpu.memory_space<hbm>>
        %dma_wait3A_809 = arith.constant 0 : i32
        %dma_wait3A_810 = tpu.memref_slice %arg8[%mul3A_806, %dma_wait3A_809] : memref<160000x16xf32, #tpu.memory_space<hbm>> -> memref<80x16xf32, #tpu.memory_space<hbm>>
        tpu.wait_dma2 semaphore(%arg19 : memref<!tpu.dma_semaphore, #tpu.memory_space<semaphore_mem>>) src(%arg16 : memref<80x16xf32, #tpu.memory_space<vmem>>) dst(%dma_wait3A_810 : memref<80x16xf32, #tpu.memory_space<hbm>>)
      } else {
      }
      %le3A = arith.constant 60 : i32
      %le3A_51 = arith.cmpi sle, %mul3A_46, %le3A : i32
      %convert_element_type3A_52 = arith.extui %le3A_51 : i1 to i32
      %cond3A_53 = arith.constant 0 : i32
      %cond3A_54 = arith.cmpi ne, %convert_element_type3A_52, %cond3A_53 : i32
      scf.if %cond3A_54 {
        %add3A_789 = arith.constant 1 : i32
        %add3A_790 = arith.addi %mul3A_46, %add3A_789 : i32
        %mul3A_791 = arith.constant 80 : i32
        %mul3A_792 = arith.muli %add3A_790, %mul3A_791 : i32
        %multiple_of3A_793 = tpu.assume_multiple %mul3A_792, 8 : i32
        %dma_start3A_794 = tpu.memref_slice %arg9[%multiple_of3A_793] : memref<5040xi32, #tpu.memory_space<vmem>> -> memref<80xi32, #tpu.memory_space<vmem>>
        %dma_start3A_795 = arith.constant 0 : i32
        %dma_start3A_796 = arith.constant 0 : i32
        %dma_start3A_797 = tpu.memref_slice %arg2[%dma_start3A_795, %dma_start3A_796] : memref<10000x128xf32, #tpu.memory_space<hbm>> -> memref<10000x128xf32, #tpu.memory_space<hbm>>
        tpu.enqueue_indirect_dma source(%dma_start3A_797 : memref<10000x128xf32, #tpu.memory_space<hbm>>) target(%arg14 : memref<80x128xf32, #tpu.memory_space<vmem>>) offsets(%dma_start3A_794 : memref<80xi32, #tpu.memory_space<vmem>>) semaphore(%arg18 : memref<!tpu.dma_semaphore, #tpu.memory_space<semaphore_mem>>)
        %add3A_798 = arith.constant 1 : i32
        %add3A_799 = arith.addi %mul3A_46, %add3A_798 : i32
        %mul3A_800 = arith.constant 80 : i32
        %mul3A_801 = arith.muli %add3A_799, %mul3A_800 : i32
        %multiple_of3A_802 = tpu.assume_multiple %mul3A_801, 8 : i32
        %dma_start3A_803 = tpu.memref_slice %arg10[%multiple_of3A_802] : memref<5040xi32, #tpu.memory_space<vmem>> -> memref<80xi32, #tpu.memory_space<vmem>>
        %dma_start3A_804 = arith.constant 0 : i32
        %dma_start3A_805 = arith.constant 0 : i32
        %dma_start3A_806 = tpu.memref_slice %arg3[%dma_start3A_804, %dma_start3A_805] : memref<10000x128xf32, #tpu.memory_space<hbm>> -> memref<10000x128xf32, #tpu.memory_space<hbm>>
        tpu.enqueue_indirect_dma source(%dma_start3A_806 : memref<10000x128xf32, #tpu.memory_space<hbm>>) target(%arg15 : memref<80x128xf32, #tpu.memory_space<vmem>>) offsets(%dma_start3A_803 : memref<80xi32, #tpu.memory_space<vmem>>) semaphore(%arg18 : memref<!tpu.dma_semaphore, #tpu.memory_space<semaphore_mem>>)
      } else {
      }
      %mul3A_55 = arith.constant 80 : i32
      %mul3A_56 = arith.muli %mul3A_46, %mul3A_55 : i32
      %multiple_of3A_57 = tpu.assume_multiple %mul3A_56, 8 : i32
      %dma_wait3A_58 = tpu.memref_slice %arg9[%multiple_of3A_57] : memref<5040xi32, #tpu.memory_space<vmem>> -> memref<80xi32, #tpu.memory_space<vmem>>
      %dma_wait3A_59 = arith.constant 0 : i32
      %dma_wait3A_60 = arith.constant 0 : i32
      %dma_wait3A_61 = tpu.memref_slice %arg2[%dma_wait3A_59, %dma_wait3A_60] : memref<10000x128xf32, #tpu.memory_space<hbm>> -> memref<10000x128xf32, #tpu.memory_space<hbm>>
      tpu.wait_indirect_dma semaphore(%arg18 : memref<!tpu.dma_semaphore, #tpu.memory_space<semaphore_mem>>) src(%dma_wait3A_61 : memref<10000x128xf32, #tpu.memory_space<hbm>>) dst(%arg11 : memref<80x128xf32, #tpu.memory_space<vmem>>)
      %mul3A_62 = arith.constant 80 : i32
      %mul3A_63 = arith.muli %mul3A_46, %mul3A_62 : i32
      %multiple_of3A_64 = tpu.assume_multiple %mul3A_63, 8 : i32
      %dma_wait3A_65 = tpu.memref_slice %arg10[%multiple_of3A_64] : memref<5040xi32, #tpu.memory_space<vmem>> -> memref<80xi32, #tpu.memory_space<vmem>>
      %dma_wait3A_66 = arith.constant 0 : i32
      %dma_wait3A_67 = arith.constant 0 : i32
      %dma_wait3A_68 = tpu.memref_slice %arg3[%dma_wait3A_66, %dma_wait3A_67] : memref<10000x128xf32, #tpu.memory_space<hbm>> -> memref<10000x128xf32, #tpu.memory_space<hbm>>
      tpu.wait_indirect_dma semaphore(%arg18 : memref<!tpu.dma_semaphore, #tpu.memory_space<semaphore_mem>>) src(%dma_wait3A_68 : memref<10000x128xf32, #tpu.memory_space<hbm>>) dst(%arg12 : memref<80x128xf32, #tpu.memory_space<vmem>>)
      %scan3A_69 = arith.constant 0 : i32
      %scan3A_70 = arith.constant 0 : i32
      %scan3A_71 = arith.constant 80 : i32
      %scan3A_72 = arith.addi %scan3A_70, %scan3A_71 : i32
      %scan3A_73 = arith.constant 1 : i32
      scf.for %scan3A_789 = %scan3A_70 to %scan3A_72 step %scan3A_73  : i32 {
        %get3A_790 = arith.index_cast %scan3A_789 : i32 to index
        %get3A_791 = arith.constant 0 : index
        %get3A_792 = tpu.vector_load %arg11[%get3A_790, %get3A_791] {strides = array<i32>} : memref<80x128xf32, #tpu.memory_space<vmem>>, vector<16xf32>,
        %get3A_793 = arith.index_cast %scan3A_789 : i32 to index
        %get3A_794 = arith.constant 0 : index
        %get3A_795 = tpu.vector_load %arg12[%get3A_793, %get3A_794] {strides = array<i32>} : memref<80x128xf32, #tpu.memory_space<vmem>>, vector<16xf32>,
        %add3A_796 = arith.addf %get3A_792, %get3A_795 : vector<16xf32>
        %swap3A = arith.index_cast %scan3A_789 : i32 to index
        %swap3A_797 = arith.constant 0 : index
        %swap3A_798 = tpu.vector_load %arg11[%swap3A, %swap3A_797] {strides = array<i32>} : memref<80x128xf32, #tpu.memory_space<vmem>>, vector<16xf32>,
        tpu.vector_store %arg11[%swap3A, %swap3A_797], %add3A_796 {strides = array<i32>} : memref<80x128xf32, #tpu.memory_space<vmem>>, vector<16xf32>,
        %get3A_799 = arith.index_cast %scan3A_789 : i32 to index
        %get3A_800 = arith.constant 16 : index
        %get3A_801 = tpu.vector_load %arg11[%get3A_799, %get3A_800] {strides = array<i32>} : memref<80x128xf32, #tpu.memory_space<vmem>>, vector<16xf32>,
        %get3A_802 = arith.index_cast %scan3A_789 : i32 to index
        %get3A_803 = arith.constant 16 : index
        %get3A_804 = tpu.vector_load %arg12[%get3A_802, %get3A_803] {strides = array<i32>} : memref<80x128xf32, #tpu.memory_space<vmem>>, vector<16xf32>,
        %add3A_805 = arith.addf %get3A_801, %get3A_804 : vector<16xf32>
        %swap3A_806 = arith.index_cast %scan3A_789 : i32 to index
        %swap3A_807 = arith.constant 16 : index
        %swap3A_808 = tpu.vector_load %arg11[%swap3A_806, %swap3A_807] {strides = array<i32>} : memref<80x128xf32, #tpu.memory_space<vmem>>, vector<16xf32>,
        tpu.vector_store %arg11[%swap3A_806, %swap3A_807], %add3A_805 {strides = array<i32>} : memref<80x128xf32, #tpu.memory_space<vmem>>, vector<16xf32>,
        %get3A_809 = arith.index_cast %scan3A_789 : i32 to index
        %get3A_810 = arith.constant 32 : index
        %get3A_811 = tpu.vector_load %arg11[%get3A_809, %get3A_810] {strides = array<i32>} : memref<80x128xf32, #tpu.memory_space<vmem>>, vector<16xf32>,
        %get3A_812 = arith.index_cast %scan3A_789 : i32 to index
        %get3A_813 = arith.constant 32 : index
        %get3A_814 = tpu.vector_load %arg12[%get3A_812, %get3A_813] {strides = array<i32>} : memref<80x128xf32, #tpu.memory_space<vmem>>, vector<16xf32>,
        %add3A_815 = arith.addf %get3A_811, %get3A_814 : vector<16xf32>
        %swap3A_816 = arith.index_cast %scan3A_789 : i32 to index
        %swap3A_817 = arith.constant 32 : index
        %swap3A_818 = tpu.vector_load %arg11[%swap3A_816, %swap3A_817] {strides = array<i32>} : memref<80x128xf32, #tpu.memory_space<vmem>>, vector<16xf32>,
        tpu.vector_store %arg11[%swap3A_816, %swap3A_817], %add3A_815 {strides = array<i32>} : memref<80x128xf32, #tpu.memory_space<vmem>>, vector<16xf32>,
        %get3A_819 = arith.index_cast %scan3A_789 : i32 to index
        %get3A_820 = arith.constant 48 : index
        %get3A_821 = tpu.vector_load %arg11[%get3A_819, %get3A_820] {strides = array<i32>} : memref<80x128xf32, #tpu.memory_space<vmem>>, vector<16xf32>,
        %get3A_822 = arith.index_cast %scan3A_789 : i32 to index
        %get3A_823 = arith.constant 48 : index
        %get3A_824 = tpu.vector_load %arg12[%get3A_822, %get3A_823] {strides = array<i32>} : memref<80x128xf32, #tpu.memory_space<vmem>>, vector<16xf32>,
        %add3A_825 = arith.addf %get3A_821, %get3A_824 : vector<16xf32>
        %swap3A_826 = arith.index_cast %scan3A_789 : i32 to index
        %swap3A_827 = arith.constant 48 : index
        %swap3A_828 = tpu.vector_load %arg11[%swap3A_826, %swap3A_827] {strides = array<i32>} : memref<80x128xf32, #tpu.memory_space<vmem>>, vector<16xf32>,
        tpu.vector_store %arg11[%swap3A_826, %swap3A_827], %add3A_825 {strides = array<i32>} : memref<80x128xf32, #tpu.memory_space<vmem>>, vector<16xf32>,
        %get3A_829 = arith.index_cast %scan3A_789 : i32 to index
        %get3A_830 = arith.constant 64 : index
        %get3A_831 = tpu.vector_load %arg11[%get3A_829, %get3A_830] {strides = array<i32>} : memref<80x128xf32, #tpu.memory_space<vmem>>, vector<16xf32>,
        %get3A_832 = arith.index_cast %scan3A_789 : i32 to index
        %get3A_833 = arith.constant 64 : index
        %get3A_834 = tpu.vector_load %arg12[%get3A_832, %get3A_833] {strides = array<i32>} : memref<80x128xf32, #tpu.memory_space<vmem>>, vector<16xf32>,
        %add3A_835 = arith.addf %get3A_831, %get3A_834 : vector<16xf32>
        %swap3A_836 = arith.index_cast %scan3A_789 : i32 to index
        %swap3A_837 = arith.constant 64 : index
        %swap3A_838 = tpu.vector_load %arg11[%swap3A_836, %swap3A_837] {strides = array<i32>} : memref<80x128xf32, #tpu.memory_space<vmem>>, vector<16xf32>,
        tpu.vector_store %arg11[%swap3A_836, %swap3A_837], %add3A_835 {strides = array<i32>} : memref<80x128xf32, #tpu.memory_space<vmem>>, vector<16xf32>,
        %get3A_839 = arith.index_cast %scan3A_789 : i32 to index
        %get3A_840 = arith.constant 80 : index
        %get3A_841 = tpu.vector_load %arg11[%get3A_839, %get3A_840] {strides = array<i32>} : memref<80x128xf32, #tpu.memory_space<vmem>>, vector<16xf32>,
        %get3A_842 = arith.index_cast %scan3A_789 : i32 to index
        %get3A_843 = arith.constant 80 : index
        %get3A_844 = tpu.vector_load %arg12[%get3A_842, %get3A_843] {strides = array<i32>} : memref<80x128xf32, #tpu.memory_space<vmem>>, vector<16xf32>,
        %add3A_845 = arith.addf %get3A_841, %get3A_844 : vector<16xf32>
        %swap3A_846 = arith.index_cast %scan3A_789 : i32 to index
        %swap3A_847 = arith.constant 80 : index
        %swap3A_848 = tpu.vector_load %arg11[%swap3A_846, %swap3A_847] {strides = array<i32>} : memref<80x128xf32, #tpu.memory_space<vmem>>, vector<16xf32>,
        tpu.vector_store %arg11[%swap3A_846, %swap3A_847], %add3A_845 {strides = array<i32>} : memref<80x128xf32, #tpu.memory_space<vmem>>, vector<16xf32>,
        %get3A_849 = arith.index_cast %scan3A_789 : i32 to index
        %get3A_850 = arith.constant 96 : index
        %get3A_851 = tpu.vector_load %arg11[%get3A_849, %get3A_850] {strides = array<i32>} : memref<80x128xf32, #tpu.memory_space<vmem>>, vector<16xf32>,
        %get3A_852 = arith.index_cast %scan3A_789 : i32 to index
        %get3A_853 = arith.constant 96 : index
        %get3A_854 = tpu.vector_load %arg12[%get3A_852, %get3A_853] {strides = array<i32>} : memref<80x128xf32, #tpu.memory_space<vmem>>, vector<16xf32>,
        %add3A_855 = arith.addf %get3A_851, %get3A_854 : vector<16xf32>
        %swap3A_856 = arith.index_cast %scan3A_789 : i32 to index
        %swap3A_857 = arith.constant 96 : index
        %swap3A_858 = tpu.vector_load %arg11[%swap3A_856, %swap3A_857] {strides = array<i32>} : memref<80x128xf32, #tpu.memory_space<vmem>>, vector<16xf32>,
        tpu.vector_store %arg11[%swap3A_856, %swap3A_857], %add3A_855 {strides = array<i32>} : memref<80x128xf32, #tpu.memory_space<vmem>>, vector<16xf32>,
        %get3A_859 = arith.index_cast %scan3A_789 : i32 to index
        %get3A_860 = arith.constant 112 : index
        %get3A_861 = tpu.vector_load %arg11[%get3A_859, %get3A_860] {strides = array<i32>} : memref<80x128xf32, #tpu.memory_space<vmem>>, vector<16xf32>,
        %get3A_862 = arith.index_cast %scan3A_789 : i32 to index
        %get3A_863 = arith.constant 112 : index
        %get3A_864 = tpu.vector_load %arg12[%get3A_862, %get3A_863] {strides = array<i32>} : memref<80x128xf32, #tpu.memory_space<vmem>>, vector<16xf32>,
        %add3A_865 = arith.addf %get3A_861, %get3A_864 : vector<16xf32>
        %swap3A_866 = arith.index_cast %scan3A_789 : i32 to index
        %swap3A_867 = arith.constant 112 : index
        %swap3A_868 = tpu.vector_load %arg11[%swap3A_866, %swap3A_867] {strides = array<i32>} : memref<80x128xf32, #tpu.memory_space<vmem>>, vector<16xf32>,
        tpu.vector_store %arg11[%swap3A_866, %swap3A_867], %add3A_865 {strides = array<i32>} : memref<80x128xf32, #tpu.memory_space<vmem>>, vector<16xf32>,
      }
      %scan3A_74 = arith.constant 80 : i32
      %add3A_75 = arith.constant 0 : i32
      %add3A_76 = vector.broadcast %add3A_75 : i32 to vector<16xi32>
      %add3A_77 = arith.addi %add3A_76, %iota3A : vector<16xi32>
      %mul3A_78 = arith.constant 80 : i32
      %mul3A_79 = arith.muli %mul3A_46, %mul3A_78 : i32
      %add3A_80 = arith.constant 0 : i32
      %add3A_81 = arith.addi %mul3A_79, %add3A_80 : i32
      %multiple_of3A_82 = tpu.assume_multiple %add3A_81, 8 : i32
      %get3A = arith.index_cast %multiple_of3A_82 : i32 to index
      %get3A_83 = tpu.vector_load %arg9[%get3A] {strides = array<i32>} : memref<5040xi32, #tpu.memory_space<vmem>>, vector<16xi32>,
      %get3A_84 = arith.index_cast %multiple_of3A_82 : i32 to index
      %get3A_85 = tpu.vector_load %arg10[%get3A_84] {strides = array<i32>} : memref<5040xi32, #tpu.memory_space<vmem>>, vector<16xi32>,
      %mul3A_86 = arith.constant 3 : i32
      %mul3A_87 = vector.broadcast %mul3A_86 : i32 to vector<16xi32>
      %mul3A_88 = arith.muli %get3A_83, %mul3A_87 : vector<16xi32>
      %mul3A_89 = arith.constant 3 : i32
      %mul3A_90 = vector.broadcast %mul3A_89 : i32 to vector<16xi32>
      %mul3A_91 = arith.muli %get3A_85, %mul3A_90 : vector<16xi32>
      %broadcast_in_dim3A_92 = arith.constant 0 : i32
      %broadcast_in_dim3A_93 = vector.broadcast %broadcast_in_dim3A_92 : i32 to vector<16xi32>
      %add3A_94 = arith.constant 0 : i32
      %add3A_95 = vector.broadcast %add3A_94 : i32 to vector<16xi32>
      %add3A_96 = arith.addi %mul3A_88, %add3A_95 : vector<16xi32>
      %gather3A = tpu.vector_load_idx %arg17[%add3A_96] : memref<30000xf32, #tpu.memory_space<vmem>>[vector<16xi32>], vector<16xf32>,
      %add3A_97 = arith.constant 0 : i32
      %add3A_98 = vector.broadcast %add3A_97 : i32 to vector<16xi32>
      %add3A_99 = arith.addi %mul3A_91, %add3A_98 : vector<16xi32>
      %gather3A_100 = tpu.vector_load_idx %arg17[%add3A_99] : memref<30000xf32, #tpu.memory_space<vmem>>[vector<16xi32>], vector<16xf32>,
      %sub3A = arith.subf %gather3A, %gather3A_100 : vector<16xf32>
      %mul3A_101 = arith.mulf %sub3A, %sub3A : vector<16xf32>
      %add3A_102 = arith.addf %broadcast_in_dim3A_5, %mul3A_101 : vector<16xf32>
      tpu.vector_store_idx %arg13[%add3A_77, %broadcast_in_dim3A_93], %sub3A : memref<80x16xf32, #tpu.memory_space<vmem>>[vector<16xi32>, vector<16xi32>], vector<16xf32>,
      %broadcast_in_dim3A_103 = arith.constant 1 : i32
      %broadcast_in_dim3A_104 = vector.broadcast %broadcast_in_dim3A_103 : i32 to vector<16xi32>
      %add3A_105 = arith.constant 1 : i32
      %add3A_106 = vector.broadcast %add3A_105 : i32 to vector<16xi32>
      %add3A_107 = arith.addi %mul3A_88, %add3A_106 : vector<16xi32>
      %gather3A_108 = tpu.vector_load_idx %arg17[%add3A_107] : memref<30000xf32, #tpu.memory_space<vmem>>[vector<16xi32>], vector<16xf32>,
      %add3A_109 = arith.constant 1 : i32
      %add3A_110 = vector.broadcast %add3A_109 : i32 to vector<16xi32>
      %add3A_111 = arith.addi %mul3A_91, %add3A_110 : vector<16xi32>
      %gather3A_112 = tpu.vector_load_idx %arg17[%add3A_111] : memref<30000xf32, #tpu.memory_space<vmem>>[vector<16xi32>], vector<16xf32>,
      %sub3A_113 = arith.subf %gather3A_108, %gather3A_112 : vector<16xf32>
      %mul3A_114 = arith.mulf %sub3A_113, %sub3A_113 : vector<16xf32>
      %add3A_115 = arith.addf %add3A_102, %mul3A_114 : vector<16xf32>
      tpu.vector_store_idx %arg13[%add3A_77, %broadcast_in_dim3A_104], %sub3A_113 : memref<80x16xf32, #tpu.memory_space<vmem>>[vector<16xi32>, vector<16xi32>], vector<16xf32>,
      %broadcast_in_dim3A_116 = arith.constant 2 : i32
      %broadcast_in_dim3A_117 = vector.broadcast %broadcast_in_dim3A_116 : i32 to vector<16xi32>
      %add3A_118 = arith.constant 2 : i32
      %add3A_119 = vector.broadcast %add3A_118 : i32 to vector<16xi32>
      %add3A_120 = arith.addi %mul3A_88, %add3A_119 : vector<16xi32>
      %gather3A_121 = tpu.vector_load_idx %arg17[%add3A_120] : memref<30000xf32, #tpu.memory_space<vmem>>[vector<16xi32>], vector<16xf32>,
      %add3A_122 = arith.constant 2 : i32
      %add3A_123 = vector.broadcast %add3A_122 : i32 to vector<16xi32>
      %add3A_124 = arith.addi %mul3A_91, %add3A_123 : vector<16xi32>
      %gather3A_125 = tpu.vector_load_idx %arg17[%add3A_124] : memref<30000xf32, #tpu.memory_space<vmem>>[vector<16xi32>], vector<16xf32>,
      %sub3A_126 = arith.subf %gather3A_121, %gather3A_125 : vector<16xf32>
      %mul3A_127 = arith.mulf %sub3A_126, %sub3A_126 : vector<16xf32>
      %add3A_128 = arith.addf %add3A_115, %mul3A_127 : vector<16xf32>
      tpu.vector_store_idx %arg13[%add3A_77, %broadcast_in_dim3A_117], %sub3A_126 : memref<80x16xf32, #tpu.memory_space<vmem>>[vector<16xi32>, vector<16xi32>], vector<16xf32>,
      %broadcast_in_dim3A_129 = arith.constant 3 : i32
      %broadcast_in_dim3A_130 = vector.broadcast %broadcast_in_dim3A_129 : i32 to vector<16xi32>
      tpu.vector_store_idx %arg13[%add3A_77, %broadcast_in_dim3A_130], %add3A_128 : memref<80x16xf32, #tpu.memory_space<vmem>>[vector<16xi32>, vector<16xi32>], vector<16xf32>,
      %and3A = arith.constant 7 : i32
      %and3A_131 = vector.broadcast %and3A : i32 to vector<16xi32>
      %and3A_132 = arith.andi %get3A_83, %and3A_131 : vector<16xi32>
      %convert_element_type3A_133 = arith.sitofp %and3A_132 : vector<16xi32> to vector<16xf32>
      %broadcast_in_dim3A_134 = arith.constant 4 : i32
      %broadcast_in_dim3A_135 = vector.broadcast %broadcast_in_dim3A_134 : i32 to vector<16xi32>
      tpu.vector_store_idx %arg13[%add3A_77, %broadcast_in_dim3A_135], %convert_element_type3A_133 : memref<80x16xf32, #tpu.memory_space<vmem>>[vector<16xi32>, vector<16xi32>], vector<16xf32>,
      %add3A_136 = arith.constant 16 : i32
      %add3A_137 = vector.broadcast %add3A_136 : i32 to vector<16xi32>
      %add3A_138 = arith.addi %add3A_137, %iota3A : vector<16xi32>
      %mul3A_139 = arith.constant 80 : i32
      %mul3A_140 = arith.muli %mul3A_46, %mul3A_139 : i32
      %add3A_141 = arith.constant 16 : i32
      %add3A_142 = arith.addi %mul3A_140, %add3A_141 : i32
      %multiple_of3A_143 = tpu.assume_multiple %add3A_142, 8 : i32
      %get3A_144 = arith.index_cast %multiple_of3A_143 : i32 to index
      %get3A_145 = tpu.vector_load %arg9[%get3A_144] {strides = array<i32>} : memref<5040xi32, #tpu.memory_space<vmem>>, vector<16xi32>,
      %get3A_146 = arith.index_cast %multiple_of3A_143 : i32 to index
      %get3A_147 = tpu.vector_load %arg10[%get3A_146] {strides = array<i32>} : memref<5040xi32, #tpu.memory_space<vmem>>, vector<16xi32>,
      %mul3A_148 = arith.constant 3 : i32
      %mul3A_149 = vector.broadcast %mul3A_148 : i32 to vector<16xi32>
      %mul3A_150 = arith.muli %get3A_145, %mul3A_149 : vector<16xi32>
      %mul3A_151 = arith.constant 3 : i32
      %mul3A_152 = vector.broadcast %mul3A_151 : i32 to vector<16xi32>
      %mul3A_153 = arith.muli %get3A_147, %mul3A_152 : vector<16xi32>
      %broadcast_in_dim3A_154 = arith.constant 0 : i32
      %broadcast_in_dim3A_155 = vector.broadcast %broadcast_in_dim3A_154 : i32 to vector<16xi32>
      %add3A_156 = arith.constant 0 : i32
      %add3A_157 = vector.broadcast %add3A_156 : i32 to vector<16xi32>
      %add3A_158 = arith.addi %mul3A_150, %add3A_157 : vector<16xi32>
      %gather3A_159 = tpu.vector_load_idx %arg17[%add3A_158] : memref<30000xf32, #tpu.memory_space<vmem>>[vector<16xi32>], vector<16xf32>,
      %add3A_160 = arith.constant 0 : i32
      %add3A_161 = vector.broadcast %add3A_160 : i32 to vector<16xi32>
      %add3A_162 = arith.addi %mul3A_153, %add3A_161 : vector<16xi32>
      %gather3A_163 = tpu.vector_load_idx %arg17[%add3A_162] : memref<30000xf32, #tpu.memory_space<vmem>>[vector<16xi32>], vector<16xf32>,
      %sub3A_164 = arith.subf %gather3A_159, %gather3A_163 : vector<16xf32>
      %mul3A_165 = arith.mulf %sub3A_164, %sub3A_164 : vector<16xf32>
      %add3A_166 = arith.addf %broadcast_in_dim3A_5, %mul3A_165 : vector<16xf32>
      tpu.vector_store_idx %arg13[%add3A_138, %broadcast_in_dim3A_155], %sub3A_164 : memref<80x16xf32, #tpu.memory_space<vmem>>[vector<16xi32>, vector<16xi32>], vector<16xf32>,
      %broadcast_in_dim3A_167 = arith.constant 1 : i32
      %broadcast_in_dim3A_168 = vector.broadcast %broadcast_in_dim3A_167 : i32 to vector<16xi32>
      %add3A_169 = arith.constant 1 : i32
      %add3A_170 = vector.broadcast %add3A_169 : i32 to vector<16xi32>
      %add3A_171 = arith.addi %mul3A_150, %add3A_170 : vector<16xi32>
      %gather3A_172 = tpu.vector_load_idx %arg17[%add3A_171] : memref<30000xf32, #tpu.memory_space<vmem>>[vector<16xi32>], vector<16xf32>,
      %add3A_173 = arith.constant 1 : i32
      %add3A_174 = vector.broadcast %add3A_173 : i32 to vector<16xi32>
      %add3A_175 = arith.addi %mul3A_153, %add3A_174 : vector<16xi32>
      %gather3A_176 = tpu.vector_load_idx %arg17[%add3A_175] : memref<30000xf32, #tpu.memory_space<vmem>>[vector<16xi32>], vector<16xf32>,
      %sub3A_177 = arith.subf %gather3A_172, %gather3A_176 : vector<16xf32>
      %mul3A_178 = arith.mulf %sub3A_177, %sub3A_177 : vector<16xf32>
      %add3A_179 = arith.addf %add3A_166, %mul3A_178 : vector<16xf32>
      tpu.vector_store_idx %arg13[%add3A_138, %broadcast_in_dim3A_168], %sub3A_177 : memref<80x16xf32, #tpu.memory_space<vmem>>[vector<16xi32>, vector<16xi32>], vector<16xf32>,
      %broadcast_in_dim3A_180 = arith.constant 2 : i32
      %broadcast_in_dim3A_181 = vector.broadcast %broadcast_in_dim3A_180 : i32 to vector<16xi32>
      %add3A_182 = arith.constant 2 : i32
      %add3A_183 = vector.broadcast %add3A_182 : i32 to vector<16xi32>
      %add3A_184 = arith.addi %mul3A_150, %add3A_183 : vector<16xi32>
      %gather3A_185 = tpu.vector_load_idx %arg17[%add3A_184] : memref<30000xf32, #tpu.memory_space<vmem>>[vector<16xi32>], vector<16xf32>,
      %add3A_186 = arith.constant 2 : i32
      %add3A_187 = vector.broadcast %add3A_186 : i32 to vector<16xi32>
      %add3A_188 = arith.addi %mul3A_153, %add3A_187 : vector<16xi32>
      %gather3A_189 = tpu.vector_load_idx %arg17[%add3A_188] : memref<30000xf32, #tpu.memory_space<vmem>>[vector<16xi32>], vector<16xf32>,
      %sub3A_190 = arith.subf %gather3A_185, %gather3A_189 : vector<16xf32>
      %mul3A_191 = arith.mulf %sub3A_190, %sub3A_190 : vector<16xf32>
      %add3A_192 = arith.addf %add3A_179, %mul3A_191 : vector<16xf32>
      tpu.vector_store_idx %arg13[%add3A_138, %broadcast_in_dim3A_181], %sub3A_190 : memref<80x16xf32, #tpu.memory_space<vmem>>[vector<16xi32>, vector<16xi32>], vector<16xf32>,
      %broadcast_in_dim3A_193 = arith.constant 3 : i32
      %broadcast_in_dim3A_194 = vector.broadcast %broadcast_in_dim3A_193 : i32 to vector<16xi32>
      tpu.vector_store_idx %arg13[%add3A_138, %broadcast_in_dim3A_194], %add3A_192 : memref<80x16xf32, #tpu.memory_space<vmem>>[vector<16xi32>, vector<16xi32>], vector<16xf32>,
      %and3A_195 = arith.constant 7 : i32
      %and3A_196 = vector.broadcast %and3A_195 : i32 to vector<16xi32>
      %and3A_197 = arith.andi %get3A_145, %and3A_196 : vector<16xi32>
      %convert_element_type3A_198 = arith.sitofp %and3A_197 : vector<16xi32> to vector<16xf32>
      %broadcast_in_dim3A_199 = arith.constant 4 : i32
      %broadcast_in_dim3A_200 = vector.broadcast %broadcast_in_dim3A_199 : i32 to vector<16xi32>
      tpu.vector_store_idx %arg13[%add3A_138, %broadcast_in_dim3A_200], %convert_element_type3A_198 : memref<80x16xf32, #tpu.memory_space<vmem>>[vector<16xi32>, vector<16xi32>], vector<16xf32>,
      %add3A_201 = arith.constant 32 : i32
      %add3A_202 = vector.broadcast %add3A_201 : i32 to vector<16xi32>
      %add3A_203 = arith.addi %add3A_202, %iota3A : vector<16xi32>
      %mul3A_204 = arith.constant 80 : i32
      %mul3A_205 = arith.muli %mul3A_46, %mul3A_204 : i32
      %add3A_206 = arith.constant 32 : i32
      %add3A_207 = arith.addi %mul3A_205, %add3A_206 : i32
      %multiple_of3A_208 = tpu.assume_multiple %add3A_207, 8 : i32
      %get3A_209 = arith.index_cast %multiple_of3A_208 : i32 to index
      %get3A_210 = tpu.vector_load %arg9[%get3A_209] {strides = array<i32>} : memref<5040xi32, #tpu.memory_space<vmem>>, vector<16xi32>,
      %get3A_211 = arith.index_cast %multiple_of3A_208 : i32 to index
      %get3A_212 = tpu.vector_load %arg10[%get3A_211] {strides = array<i32>} : memref<5040xi32, #tpu.memory_space<vmem>>, vector<16xi32>,
      %mul3A_213 = arith.constant 3 : i32
      %mul3A_214 = vector.broadcast %mul3A_213 : i32 to vector<16xi32>
      %mul3A_215 = arith.muli %get3A_210, %mul3A_214 : vector<16xi32>
      %mul3A_216 = arith.constant 3 : i32
      %mul3A_217 = vector.broadcast %mul3A_216 : i32 to vector<16xi32>
      %mul3A_218 = arith.muli %get3A_212, %mul3A_217 : vector<16xi32>
      %broadcast_in_dim3A_219 = arith.constant 0 : i32
      %broadcast_in_dim3A_220 = vector.broadcast %broadcast_in_dim3A_219 : i32 to vector<16xi32>
      %add3A_221 = arith.constant 0 : i32
      %add3A_222 = vector.broadcast %add3A_221 : i32 to vector<16xi32>
      %add3A_223 = arith.addi %mul3A_215, %add3A_222 : vector<16xi32>
      %gather3A_224 = tpu.vector_load_idx %arg17[%add3A_223] : memref<30000xf32, #tpu.memory_space<vmem>>[vector<16xi32>], vector<16xf32>,
      %add3A_225 = arith.constant 0 : i32
      %add3A_226 = vector.broadcast %add3A_225 : i32 to vector<16xi32>
      %add3A_227 = arith.addi %mul3A_218, %add3A_226 : vector<16xi32>
      %gather3A_228 = tpu.vector_load_idx %arg17[%add3A_227] : memref<30000xf32, #tpu.memory_space<vmem>>[vector<16xi32>], vector<16xf32>,
      %sub3A_229 = arith.subf %gather3A_224, %gather3A_228 : vector<16xf32>
      %mul3A_230 = arith.mulf %sub3A_229, %sub3A_229 : vector<16xf32>
      %add3A_231 = arith.addf %broadcast_in_dim3A_5, %mul3A_230 : vector<16xf32>
      tpu.vector_store_idx %arg13[%add3A_203, %broadcast_in_dim3A_220], %sub3A_229 : memref<80x16xf32, #tpu.memory_space<vmem>>[vector<16xi32>, vector<16xi32>], vector<16xf32>,
      %broadcast_in_dim3A_232 = arith.constant 1 : i32
      %broadcast_in_dim3A_233 = vector.broadcast %broadcast_in_dim3A_232 : i32 to vector<16xi32>
      %add3A_234 = arith.constant 1 : i32
      %add3A_235 = vector.broadcast %add3A_234 : i32 to vector<16xi32>
      %add3A_236 = arith.addi %mul3A_215, %add3A_235 : vector<16xi32>
      %gather3A_237 = tpu.vector_load_idx %arg17[%add3A_236] : memref<30000xf32, #tpu.memory_space<vmem>>[vector<16xi32>], vector<16xf32>,
      %add3A_238 = arith.constant 1 : i32
      %add3A_239 = vector.broadcast %add3A_238 : i32 to vector<16xi32>
      %add3A_240 = arith.addi %mul3A_218, %add3A_239 : vector<16xi32>
      %gather3A_241 = tpu.vector_load_idx %arg17[%add3A_240] : memref<30000xf32, #tpu.memory_space<vmem>>[vector<16xi32>], vector<16xf32>,
      %sub3A_242 = arith.subf %gather3A_237, %gather3A_241 : vector<16xf32>
      %mul3A_243 = arith.mulf %sub3A_242, %sub3A_242 : vector<16xf32>
      %add3A_244 = arith.addf %add3A_231, %mul3A_243 : vector<16xf32>
      tpu.vector_store_idx %arg13[%add3A_203, %broadcast_in_dim3A_233], %sub3A_242 : memref<80x16xf32, #tpu.memory_space<vmem>>[vector<16xi32>, vector<16xi32>], vector<16xf32>,
      %broadcast_in_dim3A_245 = arith.constant 2 : i32
      %broadcast_in_dim3A_246 = vector.broadcast %broadcast_in_dim3A_245 : i32 to vector<16xi32>
      %add3A_247 = arith.constant 2 : i32
      %add3A_248 = vector.broadcast %add3A_247 : i32 to vector<16xi32>
      %add3A_249 = arith.addi %mul3A_215, %add3A_248 : vector<16xi32>
      %gather3A_250 = tpu.vector_load_idx %arg17[%add3A_249] : memref<30000xf32, #tpu.memory_space<vmem>>[vector<16xi32>], vector<16xf32>,
      %add3A_251 = arith.constant 2 : i32
      %add3A_252 = vector.broadcast %add3A_251 : i32 to vector<16xi32>
      %add3A_253 = arith.addi %mul3A_218, %add3A_252 : vector<16xi32>
      %gather3A_254 = tpu.vector_load_idx %arg17[%add3A_253] : memref<30000xf32, #tpu.memory_space<vmem>>[vector<16xi32>], vector<16xf32>,
      %sub3A_255 = arith.subf %gather3A_250, %gather3A_254 : vector<16xf32>
      %mul3A_256 = arith.mulf %sub3A_255, %sub3A_255 : vector<16xf32>
      %add3A_257 = arith.addf %add3A_244, %mul3A_256 : vector<16xf32>
      tpu.vector_store_idx %arg13[%add3A_203, %broadcast_in_dim3A_246], %sub3A_255 : memref<80x16xf32, #tpu.memory_space<vmem>>[vector<16xi32>, vector<16xi32>], vector<16xf32>,
      %broadcast_in_dim3A_258 = arith.constant 3 : i32
      %broadcast_in_dim3A_259 = vector.broadcast %broadcast_in_dim3A_258 : i32 to vector<16xi32>
      tpu.vector_store_idx %arg13[%add3A_203, %broadcast_in_dim3A_259], %add3A_257 : memref<80x16xf32, #tpu.memory_space<vmem>>[vector<16xi32>, vector<16xi32>], vector<16xf32>,
      %and3A_260 = arith.constant 7 : i32
      %and3A_261 = vector.broadcast %and3A_260 : i32 to vector<16xi32>
      %and3A_262 = arith.andi %get3A_210, %and3A_261 : vector<16xi32>
      %convert_element_type3A_263 = arith.sitofp %and3A_262 : vector<16xi32> to vector<16xf32>
      %broadcast_in_dim3A_264 = arith.constant 4 : i32
      %broadcast_in_dim3A_265 = vector.broadcast %broadcast_in_dim3A_264 : i32 to vector<16xi32>
      tpu.vector_store_idx %arg13[%add3A_203, %broadcast_in_dim3A_265], %convert_element_type3A_263 : memref<80x16xf32, #tpu.memory_space<vmem>>[vector<16xi32>, vector<16xi32>], vector<16xf32>,
      %add3A_266 = arith.constant 48 : i32
      %add3A_267 = vector.broadcast %add3A_266 : i32 to vector<16xi32>
      %add3A_268 = arith.addi %add3A_267, %iota3A : vector<16xi32>
      %mul3A_269 = arith.constant 80 : i32
      %mul3A_270 = arith.muli %mul3A_46, %mul3A_269 : i32
      %add3A_271 = arith.constant 48 : i32
      %add3A_272 = arith.addi %mul3A_270, %add3A_271 : i32
      %multiple_of3A_273 = tpu.assume_multiple %add3A_272, 8 : i32
      %get3A_274 = arith.index_cast %multiple_of3A_273 : i32 to index
      %get3A_275 = tpu.vector_load %arg9[%get3A_274] {strides = array<i32>} : memref<5040xi32, #tpu.memory_space<vmem>>, vector<16xi32>,
      %get3A_276 = arith.index_cast %multiple_of3A_273 : i32 to index
      %get3A_277 = tpu.vector_load %arg10[%get3A_276] {strides = array<i32>} : memref<5040xi32, #tpu.memory_space<vmem>>, vector<16xi32>,
      %mul3A_278 = arith.constant 3 : i32
      %mul3A_279 = vector.broadcast %mul3A_278 : i32 to vector<16xi32>
      %mul3A_280 = arith.muli %get3A_275, %mul3A_279 : vector<16xi32>
      %mul3A_281 = arith.constant 3 : i32
      %mul3A_282 = vector.broadcast %mul3A_281 : i32 to vector<16xi32>
      %mul3A_283 = arith.muli %get3A_277, %mul3A_282 : vector<16xi32>
      %broadcast_in_dim3A_284 = arith.constant 0 : i32
      %broadcast_in_dim3A_285 = vector.broadcast %broadcast_in_dim3A_284 : i32 to vector<16xi32>
      %add3A_286 = arith.constant 0 : i32
      %add3A_287 = vector.broadcast %add3A_286 : i32 to vector<16xi32>
      %add3A_288 = arith.addi %mul3A_280, %add3A_287 : vector<16xi32>
      %gather3A_289 = tpu.vector_load_idx %arg17[%add3A_288] : memref<30000xf32, #tpu.memory_space<vmem>>[vector<16xi32>], vector<16xf32>,
      %add3A_290 = arith.constant 0 : i32
      %add3A_291 = vector.broadcast %add3A_290 : i32 to vector<16xi32>
      %add3A_292 = arith.addi %mul3A_283, %add3A_291 : vector<16xi32>
      %gather3A_293 = tpu.vector_load_idx %arg17[%add3A_292] : memref<30000xf32, #tpu.memory_space<vmem>>[vector<16xi32>], vector<16xf32>,
      %sub3A_294 = arith.subf %gather3A_289, %gather3A_293 : vector<16xf32>
      %mul3A_295 = arith.mulf %sub3A_294, %sub3A_294 : vector<16xf32>
      %add3A_296 = arith.addf %broadcast_in_dim3A_5, %mul3A_295 : vector<16xf32>
      tpu.vector_store_idx %arg13[%add3A_268, %broadcast_in_dim3A_285], %sub3A_294 : memref<80x16xf32, #tpu.memory_space<vmem>>[vector<16xi32>, vector<16xi32>], vector<16xf32>,
      %broadcast_in_dim3A_297 = arith.constant 1 : i32
      %broadcast_in_dim3A_298 = vector.broadcast %broadcast_in_dim3A_297 : i32 to vector<16xi32>
      %add3A_299 = arith.constant 1 : i32
      %add3A_300 = vector.broadcast %add3A_299 : i32 to vector<16xi32>
      %add3A_301 = arith.addi %mul3A_280, %add3A_300 : vector<16xi32>
      %gather3A_302 = tpu.vector_load_idx %arg17[%add3A_301] : memref<30000xf32, #tpu.memory_space<vmem>>[vector<16xi32>], vector<16xf32>,
      %add3A_303 = arith.constant 1 : i32
      %add3A_304 = vector.broadcast %add3A_303 : i32 to vector<16xi32>
      %add3A_305 = arith.addi %mul3A_283, %add3A_304 : vector<16xi32>
      %gather3A_306 = tpu.vector_load_idx %arg17[%add3A_305] : memref<30000xf32, #tpu.memory_space<vmem>>[vector<16xi32>], vector<16xf32>,
      %sub3A_307 = arith.subf %gather3A_302, %gather3A_306 : vector<16xf32>
      %mul3A_308 = arith.mulf %sub3A_307, %sub3A_307 : vector<16xf32>
      %add3A_309 = arith.addf %add3A_296, %mul3A_308 : vector<16xf32>
      tpu.vector_store_idx %arg13[%add3A_268, %broadcast_in_dim3A_298], %sub3A_307 : memref<80x16xf32, #tpu.memory_space<vmem>>[vector<16xi32>, vector<16xi32>], vector<16xf32>,
      %broadcast_in_dim3A_310 = arith.constant 2 : i32
      %broadcast_in_dim3A_311 = vector.broadcast %broadcast_in_dim3A_310 : i32 to vector<16xi32>
      %add3A_312 = arith.constant 2 : i32
      %add3A_313 = vector.broadcast %add3A_312 : i32 to vector<16xi32>
      %add3A_314 = arith.addi %mul3A_280, %add3A_313 : vector<16xi32>
      %gather3A_315 = tpu.vector_load_idx %arg17[%add3A_314] : memref<30000xf32, #tpu.memory_space<vmem>>[vector<16xi32>], vector<16xf32>,
      %add3A_316 = arith.constant 2 : i32
      %add3A_317 = vector.broadcast %add3A_316 : i32 to vector<16xi32>
      %add3A_318 = arith.addi %mul3A_283, %add3A_317 : vector<16xi32>
      %gather3A_319 = tpu.vector_load_idx %arg17[%add3A_318] : memref<30000xf32, #tpu.memory_space<vmem>>[vector<16xi32>], vector<16xf32>,
      %sub3A_320 = arith.subf %gather3A_315, %gather3A_319 : vector<16xf32>
      %mul3A_321 = arith.mulf %sub3A_320, %sub3A_320 : vector<16xf32>
      %add3A_322 = arith.addf %add3A_309, %mul3A_321 : vector<16xf32>
      tpu.vector_store_idx %arg13[%add3A_268, %broadcast_in_dim3A_311], %sub3A_320 : memref<80x16xf32, #tpu.memory_space<vmem>>[vector<16xi32>, vector<16xi32>], vector<16xf32>,
      %broadcast_in_dim3A_323 = arith.constant 3 : i32
      %broadcast_in_dim3A_324 = vector.broadcast %broadcast_in_dim3A_323 : i32 to vector<16xi32>
      tpu.vector_store_idx %arg13[%add3A_268, %broadcast_in_dim3A_324], %add3A_322 : memref<80x16xf32, #tpu.memory_space<vmem>>[vector<16xi32>, vector<16xi32>], vector<16xf32>,
      %and3A_325 = arith.constant 7 : i32
      %and3A_326 = vector.broadcast %and3A_325 : i32 to vector<16xi32>
      %and3A_327 = arith.andi %get3A_275, %and3A_326 : vector<16xi32>
      %convert_element_type3A_328 = arith.sitofp %and3A_327 : vector<16xi32> to vector<16xf32>
      %broadcast_in_dim3A_329 = arith.constant 4 : i32
      %broadcast_in_dim3A_330 = vector.broadcast %broadcast_in_dim3A_329 : i32 to vector<16xi32>
      tpu.vector_store_idx %arg13[%add3A_268, %broadcast_in_dim3A_330], %convert_element_type3A_328 : memref<80x16xf32, #tpu.memory_space<vmem>>[vector<16xi32>, vector<16xi32>], vector<16xf32>,
      %add3A_331 = arith.constant 64 : i32
      %add3A_332 = vector.broadcast %add3A_331 : i32 to vector<16xi32>
      %add3A_333 = arith.addi %add3A_332, %iota3A : vector<16xi32>
      %mul3A_334 = arith.constant 80 : i32
      %mul3A_335 = arith.muli %mul3A_46, %mul3A_334 : i32
      %add3A_336 = arith.constant 64 : i32
      %add3A_337 = arith.addi %mul3A_335, %add3A_336 : i32
      %multiple_of3A_338 = tpu.assume_multiple %add3A_337, 8 : i32
      %get3A_339 = arith.index_cast %multiple_of3A_338 : i32 to index
      %get3A_340 = tpu.vector_load %arg9[%get3A_339] {strides = array<i32>} : memref<5040xi32, #tpu.memory_space<vmem>>, vector<16xi32>,
      %get3A_341 = arith.index_cast %multiple_of3A_338 : i32 to index
      %get3A_342 = tpu.vector_load %arg10[%get3A_341] {strides = array<i32>} : memref<5040xi32, #tpu.memory_space<vmem>>, vector<16xi32>,
      %mul3A_343 = arith.constant 3 : i32
      %mul3A_344 = vector.broadcast %mul3A_343 : i32 to vector<16xi32>
      %mul3A_345 = arith.muli %get3A_340, %mul3A_344 : vector<16xi32>
      %mul3A_346 = arith.constant 3 : i32
      %mul3A_347 = vector.broadcast %mul3A_346 : i32 to vector<16xi32>
      %mul3A_348 = arith.muli %get3A_342, %mul3A_347 : vector<16xi32>
      %broadcast_in_dim3A_349 = arith.constant 0 : i32
      %broadcast_in_dim3A_350 = vector.broadcast %broadcast_in_dim3A_349 : i32 to vector<16xi32>
      %add3A_351 = arith.constant 0 : i32
      %add3A_352 = vector.broadcast %add3A_351 : i32 to vector<16xi32>
      %add3A_353 = arith.addi %mul3A_345, %add3A_352 : vector<16xi32>
      %gather3A_354 = tpu.vector_load_idx %arg17[%add3A_353] : memref<30000xf32, #tpu.memory_space<vmem>>[vector<16xi32>], vector<16xf32>,
      %add3A_355 = arith.constant 0 : i32
      %add3A_356 = vector.broadcast %add3A_355 : i32 to vector<16xi32>
      %add3A_357 = arith.addi %mul3A_348, %add3A_356 : vector<16xi32>
      %gather3A_358 = tpu.vector_load_idx %arg17[%add3A_357] : memref<30000xf32, #tpu.memory_space<vmem>>[vector<16xi32>], vector<16xf32>,
      %sub3A_359 = arith.subf %gather3A_354, %gather3A_358 : vector<16xf32>
      %mul3A_360 = arith.mulf %sub3A_359, %sub3A_359 : vector<16xf32>
      %add3A_361 = arith.addf %broadcast_in_dim3A_5, %mul3A_360 : vector<16xf32>
      tpu.vector_store_idx %arg13[%add3A_333, %broadcast_in_dim3A_350], %sub3A_359 : memref<80x16xf32, #tpu.memory_space<vmem>>[vector<16xi32>, vector<16xi32>], vector<16xf32>,
      %broadcast_in_dim3A_362 = arith.constant 1 : i32
      %broadcast_in_dim3A_363 = vector.broadcast %broadcast_in_dim3A_362 : i32 to vector<16xi32>
      %add3A_364 = arith.constant 1 : i32
      %add3A_365 = vector.broadcast %add3A_364 : i32 to vector<16xi32>
      %add3A_366 = arith.addi %mul3A_345, %add3A_365 : vector<16xi32>
      %gather3A_367 = tpu.vector_load_idx %arg17[%add3A_366] : memref<30000xf32, #tpu.memory_space<vmem>>[vector<16xi32>], vector<16xf32>,
      %add3A_368 = arith.constant 1 : i32
      %add3A_369 = vector.broadcast %add3A_368 : i32 to vector<16xi32>
      %add3A_370 = arith.addi %mul3A_348, %add3A_369 : vector<16xi32>
      %gather3A_371 = tpu.vector_load_idx %arg17[%add3A_370] : memref<30000xf32, #tpu.memory_space<vmem>>[vector<16xi32>], vector<16xf32>,
      %sub3A_372 = arith.subf %gather3A_367, %gather3A_371 : vector<16xf32>
      %mul3A_373 = arith.mulf %sub3A_372, %sub3A_372 : vector<16xf32>
      %add3A_374 = arith.addf %add3A_361, %mul3A_373 : vector<16xf32>
      tpu.vector_store_idx %arg13[%add3A_333, %broadcast_in_dim3A_363], %sub3A_372 : memref<80x16xf32, #tpu.memory_space<vmem>>[vector<16xi32>, vector<16xi32>], vector<16xf32>,
      %broadcast_in_dim3A_375 = arith.constant 2 : i32
      %broadcast_in_dim3A_376 = vector.broadcast %broadcast_in_dim3A_375 : i32 to vector<16xi32>
      %add3A_377 = arith.constant 2 : i32
      %add3A_378 = vector.broadcast %add3A_377 : i32 to vector<16xi32>
      %add3A_379 = arith.addi %mul3A_345, %add3A_378 : vector<16xi32>
      %gather3A_380 = tpu.vector_load_idx %arg17[%add3A_379] : memref<30000xf32, #tpu.memory_space<vmem>>[vector<16xi32>], vector<16xf32>,
      %add3A_381 = arith.constant 2 : i32
      %add3A_382 = vector.broadcast %add3A_381 : i32 to vector<16xi32>
      %add3A_383 = arith.addi %mul3A_348, %add3A_382 : vector<16xi32>
      %gather3A_384 = tpu.vector_load_idx %arg17[%add3A_383] : memref<30000xf32, #tpu.memory_space<vmem>>[vector<16xi32>], vector<16xf32>,
      %sub3A_385 = arith.subf %gather3A_380, %gather3A_384 : vector<16xf32>
      %mul3A_386 = arith.mulf %sub3A_385, %sub3A_385 : vector<16xf32>
      %add3A_387 = arith.addf %add3A_374, %mul3A_386 : vector<16xf32>
      tpu.vector_store_idx %arg13[%add3A_333, %broadcast_in_dim3A_376], %sub3A_385 : memref<80x16xf32, #tpu.memory_space<vmem>>[vector<16xi32>, vector<16xi32>], vector<16xf32>,
      %broadcast_in_dim3A_388 = arith.constant 3 : i32
      %broadcast_in_dim3A_389 = vector.broadcast %broadcast_in_dim3A_388 : i32 to vector<16xi32>
      tpu.vector_store_idx %arg13[%add3A_333, %broadcast_in_dim3A_389], %add3A_387 : memref<80x16xf32, #tpu.memory_space<vmem>>[vector<16xi32>, vector<16xi32>], vector<16xf32>,
      %and3A_390 = arith.constant 7 : i32
      %and3A_391 = vector.broadcast %and3A_390 : i32 to vector<16xi32>
      %and3A_392 = arith.andi %get3A_340, %and3A_391 : vector<16xi32>
      %convert_element_type3A_393 = arith.sitofp %and3A_392 : vector<16xi32> to vector<16xf32>
      %broadcast_in_dim3A_394 = arith.constant 4 : i32
      %broadcast_in_dim3A_395 = vector.broadcast %broadcast_in_dim3A_394 : i32 to vector<16xi32>
      tpu.vector_store_idx %arg13[%add3A_333, %broadcast_in_dim3A_395], %convert_element_type3A_393 : memref<80x16xf32, #tpu.memory_space<vmem>>[vector<16xi32>, vector<16xi32>], vector<16xf32>,
      %mul3A_396 = arith.constant 32 : i32
      %mul3A_397 = arith.muli %mul3A_46, %mul3A_396 : i32
      %add3A_398 = arith.addi %add3A, %mul3A_397 : i32
      %mul3A_399 = arith.constant 80 : i32
      %mul3A_400 = arith.muli %add3A_398, %mul3A_399 : i32
      %dma_start3A_401 = arith.constant 0 : i32
      %dma_start3A_402 = tpu.memref_slice %arg7[%mul3A_400, %dma_start3A_401] : memref<160000x128xf32, #tpu.memory_space<hbm>> -> memref<80x128xf32, #tpu.memory_space<hbm>>
      %dma_start3A_403 = arith.constant 0 : i32
      %dma_start3A_404 = tpu.memref_slice %arg7[%mul3A_400, %dma_start3A_403] : memref<160000x128xf32, #tpu.memory_space<hbm>> -> memref<80x128xf32, #tpu.memory_space<hbm>>
      tpu.enqueue_dma source(%arg11 : memref<80x128xf32, #tpu.memory_space<vmem>>) target(%dma_start3A_404 : memref<80x128xf32, #tpu.memory_space<hbm>>) target_semaphore(%arg19 : memref<!tpu.dma_semaphore, #tpu.memory_space<semaphore_mem>>)
      %mul3A_405 = arith.constant 32 : i32
      %mul3A_406 = arith.muli %mul3A_46, %mul3A_405 : i32
      %add3A_407 = arith.addi %add3A, %mul3A_406 : i32
      %mul3A_408 = arith.constant 80 : i32
      %mul3A_409 = arith.muli %add3A_407, %mul3A_408 : i32
      %dma_start3A_410 = arith.constant 0 : i32
      %dma_start3A_411 = tpu.memref_slice %arg8[%mul3A_409, %dma_start3A_410] : memref<160000x16xf32, #tpu.memory_space<hbm>> -> memref<80x16xf32, #tpu.memory_space<hbm>>
      %dma_start3A_412 = arith.constant 0 : i32
      %dma_start3A_413 = tpu.memref_slice %arg8[%mul3A_409, %dma_start3A_412] : memref<160000x16xf32, #tpu.memory_space<hbm>> -> memref<80x16xf32, #tpu.memory_space<hbm>>
      tpu.enqueue_dma source(%arg13 : memref<80x16xf32, #tpu.memory_space<vmem>>) target(%dma_start3A_413 : memref<80x16xf32, #tpu.memory_space<hbm>>) target_semaphore(%arg19 : memref<!tpu.dma_semaphore, #tpu.memory_space<semaphore_mem>>)
      %add3A_414 = arith.constant 1 : i32
      %add3A_415 = arith.addi %mul3A_46, %add3A_414 : i32
      %ge3A_416 = arith.constant 1 : i32
      %ge3A_417 = arith.cmpi sge, %add3A_415, %ge3A_416 : i32
      %convert_element_type3A_418 = arith.extui %ge3A_417 : i1 to i32
      %cond3A_419 = arith.constant 0 : i32
      %cond3A_420 = arith.cmpi ne, %convert_element_type3A_418, %cond3A_419 : i32
      scf.if %cond3A_420 {
        %sub3A_789 = arith.constant 1 : i32
        %sub3A_790 = arith.subi %add3A_415, %sub3A_789 : i32
        %mul3A_791 = arith.constant 32 : i32
        %mul3A_792 = arith.muli %sub3A_790, %mul3A_791 : i32
        %add3A_793 = arith.addi %add3A, %mul3A_792 : i32
        %mul3A_794 = arith.constant 80 : i32
        %mul3A_795 = arith.muli %add3A_793, %mul3A_794 : i32
        %dma_wait3A_796 = arith.constant 0 : i32
        %dma_wait3A_797 = tpu.memref_slice %arg7[%mul3A_795, %dma_wait3A_796] : memref<160000x128xf32, #tpu.memory_space<hbm>> -> memref<80x128xf32, #tpu.memory_space<hbm>>
        %dma_wait3A_798 = arith.constant 0 : i32
        %dma_wait3A_799 = tpu.memref_slice %arg7[%mul3A_795, %dma_wait3A_798] : memref<160000x128xf32, #tpu.memory_space<hbm>> -> memref<80x128xf32, #tpu.memory_space<hbm>>
        tpu.wait_dma2 semaphore(%arg19 : memref<!tpu.dma_semaphore, #tpu.memory_space<semaphore_mem>>) src(%arg11 : memref<80x128xf32, #tpu.memory_space<vmem>>) dst(%dma_wait3A_799 : memref<80x128xf32, #tpu.memory_space<hbm>>)
        %sub3A_800 = arith.constant 1 : i32
        %sub3A_801 = arith.subi %add3A_415, %sub3A_800 : i32
        %mul3A_802 = arith.constant 32 : i32
        %mul3A_803 = arith.muli %sub3A_801, %mul3A_802 : i32
        %add3A_804 = arith.addi %add3A, %mul3A_803 : i32
        %mul3A_805 = arith.constant 80 : i32
        %mul3A_806 = arith.muli %add3A_804, %mul3A_805 : i32
        %dma_wait3A_807 = arith.constant 0 : i32
        %dma_wait3A_808 = tpu.memref_slice %arg8[%mul3A_806, %dma_wait3A_807] : memref<160000x16xf32, #tpu.memory_space<hbm>> -> memref<80x16xf32, #tpu.memory_space<hbm>>
        %dma_wait3A_809 = arith.constant 0 : i32
        %dma_wait3A_810 = tpu.memref_slice %arg8[%mul3A_806, %dma_wait3A_809] : memref<160000x16xf32, #tpu.memory_space<hbm>> -> memref<80x16xf32, #tpu.memory_space<hbm>>
        tpu.wait_dma2 semaphore(%arg19 : memref<!tpu.dma_semaphore, #tpu.memory_space<semaphore_mem>>) src(%arg13 : memref<80x16xf32, #tpu.memory_space<vmem>>) dst(%dma_wait3A_810 : memref<80x16xf32, #tpu.memory_space<hbm>>)
      } else {
      }
      %le3A_421 = arith.constant 60 : i32
      %le3A_422 = arith.cmpi sle, %add3A_415, %le3A_421 : i32
      %convert_element_type3A_423 = arith.extui %le3A_422 : i1 to i32
      %cond3A_424 = arith.constant 0 : i32
      %cond3A_425 = arith.cmpi ne, %convert_element_type3A_423, %cond3A_424 : i32
      scf.if %cond3A_425 {
        %add3A_789 = arith.constant 1 : i32
        %add3A_790 = arith.addi %add3A_415, %add3A_789 : i32
        %mul3A_791 = arith.constant 80 : i32
        %mul3A_792 = arith.muli %add3A_790, %mul3A_791 : i32
        %multiple_of3A_793 = tpu.assume_multiple %mul3A_792, 8 : i32
        %dma_start3A_794 = tpu.memref_slice %arg9[%multiple_of3A_793] : memref<5040xi32, #tpu.memory_space<vmem>> -> memref<80xi32, #tpu.memory_space<vmem>>
        %dma_start3A_795 = arith.constant 0 : i32
        %dma_start3A_796 = arith.constant 0 : i32
        %dma_start3A_797 = tpu.memref_slice %arg2[%dma_start3A_795, %dma_start3A_796] : memref<10000x128xf32, #tpu.memory_space<hbm>> -> memref<10000x128xf32, #tpu.memory_space<hbm>>
        tpu.enqueue_indirect_dma source(%dma_start3A_797 : memref<10000x128xf32, #tpu.memory_space<hbm>>) target(%arg11 : memref<80x128xf32, #tpu.memory_space<vmem>>) offsets(%dma_start3A_794 : memref<80xi32, #tpu.memory_space<vmem>>) semaphore(%arg18 : memref<!tpu.dma_semaphore, #tpu.memory_space<semaphore_mem>>)
        %add3A_798 = arith.constant 1 : i32
        %add3A_799 = arith.addi %add3A_415, %add3A_798 : i32
        %mul3A_800 = arith.constant 80 : i32
        %mul3A_801 = arith.muli %add3A_799, %mul3A_800 : i32
        %multiple_of3A_802 = tpu.assume_multiple %mul3A_801, 8 : i32
        %dma_start3A_803 = tpu.memref_slice %arg10[%multiple_of3A_802] : memref<5040xi32, #tpu.memory_space<vmem>> -> memref<80xi32, #tpu.memory_space<vmem>>
        %dma_start3A_804 = arith.constant 0 : i32
        %dma_start3A_805 = arith.constant 0 : i32
        %dma_start3A_806 = tpu.memref_slice %arg3[%dma_start3A_804, %dma_start3A_805] : memref<10000x128xf32, #tpu.memory_space<hbm>> -> memref<10000x128xf32, #tpu.memory_space<hbm>>
        tpu.enqueue_indirect_dma source(%dma_start3A_806 : memref<10000x128xf32, #tpu.memory_space<hbm>>) target(%arg12 : memref<80x128xf32, #tpu.memory_space<vmem>>) offsets(%dma_start3A_803 : memref<80xi32, #tpu.memory_space<vmem>>) semaphore(%arg18 : memref<!tpu.dma_semaphore, #tpu.memory_space<semaphore_mem>>)
      } else {
      }
      %mul3A_426 = arith.constant 80 : i32
      %mul3A_427 = arith.muli %add3A_415, %mul3A_426 : i32
      %multiple_of3A_428 = tpu.assume_multiple %mul3A_427, 8 : i32
      %dma_wait3A_429 = tpu.memref_slice %arg9[%multiple_of3A_428] : memref<5040xi32, #tpu.memory_space<vmem>> -> memref<80xi32, #tpu.memory_space<vmem>>
      %dma_wait3A_430 = arith.constant 0 : i32
      %dma_wait3A_431 = arith.constant 0 : i32
      %dma_wait3A_432 = tpu.memref_slice %arg2[%dma_wait3A_430, %dma_wait3A_431] : memref<10000x128xf32, #tpu.memory_space<hbm>> -> memref<10000x128xf32, #tpu.memory_space<hbm>>
      tpu.wait_indirect_dma semaphore(%arg18 : memref<!tpu.dma_semaphore, #tpu.memory_space<semaphore_mem>>) src(%dma_wait3A_432 : memref<10000x128xf32, #tpu.memory_space<hbm>>) dst(%arg14 : memref<80x128xf32, #tpu.memory_space<vmem>>)
      %mul3A_433 = arith.constant 80 : i32
      %mul3A_434 = arith.muli %add3A_415, %mul3A_433 : i32
      %multiple_of3A_435 = tpu.assume_multiple %mul3A_434, 8 : i32
      %dma_wait3A_436 = tpu.memref_slice %arg10[%multiple_of3A_435] : memref<5040xi32, #tpu.memory_space<vmem>> -> memref<80xi32, #tpu.memory_space<vmem>>
      %dma_wait3A_437 = arith.constant 0 : i32
      %dma_wait3A_438 = arith.constant 0 : i32
      %dma_wait3A_439 = tpu.memref_slice %arg3[%dma_wait3A_437, %dma_wait3A_438] : memref<10000x128xf32, #tpu.memory_space<hbm>> -> memref<10000x128xf32, #tpu.memory_space<hbm>>
      tpu.wait_indirect_dma semaphore(%arg18 : memref<!tpu.dma_semaphore, #tpu.memory_space<semaphore_mem>>) src(%dma_wait3A_439 : memref<10000x128xf32, #tpu.memory_space<hbm>>) dst(%arg15 : memref<80x128xf32, #tpu.memory_space<vmem>>)
      %scan3A_440 = arith.constant 0 : i32
      %scan3A_441 = arith.constant 0 : i32
      %scan3A_442 = arith.constant 80 : i32
      %scan3A_443 = arith.addi %scan3A_441, %scan3A_442 : i32
      %scan3A_444 = arith.constant 1 : i32
      scf.for %scan3A_789 = %scan3A_441 to %scan3A_443 step %scan3A_444  : i32 {
        %get3A_790 = arith.index_cast %scan3A_789 : i32 to index
        %get3A_791 = arith.constant 0 : index
        %get3A_792 = tpu.vector_load %arg14[%get3A_790, %get3A_791] {strides = array<i32>} : memref<80x128xf32, #tpu.memory_space<vmem>>, vector<16xf32>,
        %get3A_793 = arith.index_cast %scan3A_789 : i32 to index
        %get3A_794 = arith.constant 0 : index
        %get3A_795 = tpu.vector_load %arg15[%get3A_793, %get3A_794] {strides = array<i32>} : memref<80x128xf32, #tpu.memory_space<vmem>>, vector<16xf32>,
        %add3A_796 = arith.addf %get3A_792, %get3A_795 : vector<16xf32>
        %swap3A = arith.index_cast %scan3A_789 : i32 to index
        %swap3A_797 = arith.constant 0 : index
        %swap3A_798 = tpu.vector_load %arg14[%swap3A, %swap3A_797] {strides = array<i32>} : memref<80x128xf32, #tpu.memory_space<vmem>>, vector<16xf32>,
        tpu.vector_store %arg14[%swap3A, %swap3A_797], %add3A_796 {strides = array<i32>} : memref<80x128xf32, #tpu.memory_space<vmem>>, vector<16xf32>,
        %get3A_799 = arith.index_cast %scan3A_789 : i32 to index
        %get3A_800 = arith.constant 16 : index
        %get3A_801 = tpu.vector_load %arg14[%get3A_799, %get3A_800] {strides = array<i32>} : memref<80x128xf32, #tpu.memory_space<vmem>>, vector<16xf32>,
        %get3A_802 = arith.index_cast %scan3A_789 : i32 to index
        %get3A_803 = arith.constant 16 : index
        %get3A_804 = tpu.vector_load %arg15[%get3A_802, %get3A_803] {strides = array<i32>} : memref<80x128xf32, #tpu.memory_space<vmem>>, vector<16xf32>,
        %add3A_805 = arith.addf %get3A_801, %get3A_804 : vector<16xf32>
        %swap3A_806 = arith.index_cast %scan3A_789 : i32 to index
        %swap3A_807 = arith.constant 16 : index
        %swap3A_808 = tpu.vector_load %arg14[%swap3A_806, %swap3A_807] {strides = array<i32>} : memref<80x128xf32, #tpu.memory_space<vmem>>, vector<16xf32>,
        tpu.vector_store %arg14[%swap3A_806, %swap3A_807], %add3A_805 {strides = array<i32>} : memref<80x128xf32, #tpu.memory_space<vmem>>, vector<16xf32>,
        %get3A_809 = arith.index_cast %scan3A_789 : i32 to index
        %get3A_810 = arith.constant 32 : index
        %get3A_811 = tpu.vector_load %arg14[%get3A_809, %get3A_810] {strides = array<i32>} : memref<80x128xf32, #tpu.memory_space<vmem>>, vector<16xf32>,
        %get3A_812 = arith.index_cast %scan3A_789 : i32 to index
        %get3A_813 = arith.constant 32 : index
        %get3A_814 = tpu.vector_load %arg15[%get3A_812, %get3A_813] {strides = array<i32>} : memref<80x128xf32, #tpu.memory_space<vmem>>, vector<16xf32>,
        %add3A_815 = arith.addf %get3A_811, %get3A_814 : vector<16xf32>
        %swap3A_816 = arith.index_cast %scan3A_789 : i32 to index
        %swap3A_817 = arith.constant 32 : index
        %swap3A_818 = tpu.vector_load %arg14[%swap3A_816, %swap3A_817] {strides = array<i32>} : memref<80x128xf32, #tpu.memory_space<vmem>>, vector<16xf32>,
        tpu.vector_store %arg14[%swap3A_816, %swap3A_817], %add3A_815 {strides = array<i32>} : memref<80x128xf32, #tpu.memory_space<vmem>>, vector<16xf32>,
        %get3A_819 = arith.index_cast %scan3A_789 : i32 to index
        %get3A_820 = arith.constant 48 : index
        %get3A_821 = tpu.vector_load %arg14[%get3A_819, %get3A_820] {strides = array<i32>} : memref<80x128xf32, #tpu.memory_space<vmem>>, vector<16xf32>,
        %get3A_822 = arith.index_cast %scan3A_789 : i32 to index
        %get3A_823 = arith.constant 48 : index
        %get3A_824 = tpu.vector_load %arg15[%get3A_822, %get3A_823] {strides = array<i32>} : memref<80x128xf32, #tpu.memory_space<vmem>>, vector<16xf32>,
        %add3A_825 = arith.addf %get3A_821, %get3A_824 : vector<16xf32>
        %swap3A_826 = arith.index_cast %scan3A_789 : i32 to index
        %swap3A_827 = arith.constant 48 : index
        %swap3A_828 = tpu.vector_load %arg14[%swap3A_826, %swap3A_827] {strides = array<i32>} : memref<80x128xf32, #tpu.memory_space<vmem>>, vector<16xf32>,
        tpu.vector_store %arg14[%swap3A_826, %swap3A_827], %add3A_825 {strides = array<i32>} : memref<80x128xf32, #tpu.memory_space<vmem>>, vector<16xf32>,
        %get3A_829 = arith.index_cast %scan3A_789 : i32 to index
        %get3A_830 = arith.constant 64 : index
        %get3A_831 = tpu.vector_load %arg14[%get3A_829, %get3A_830] {strides = array<i32>} : memref<80x128xf32, #tpu.memory_space<vmem>>, vector<16xf32>,
        %get3A_832 = arith.index_cast %scan3A_789 : i32 to index
        %get3A_833 = arith.constant 64 : index
        %get3A_834 = tpu.vector_load %arg15[%get3A_832, %get3A_833] {strides = array<i32>} : memref<80x128xf32, #tpu.memory_space<vmem>>, vector<16xf32>,
        %add3A_835 = arith.addf %get3A_831, %get3A_834 : vector<16xf32>
        %swap3A_836 = arith.index_cast %scan3A_789 : i32 to index
        %swap3A_837 = arith.constant 64 : index
        %swap3A_838 = tpu.vector_load %arg14[%swap3A_836, %swap3A_837] {strides = array<i32>} : memref<80x128xf32, #tpu.memory_space<vmem>>, vector<16xf32>,
        tpu.vector_store %arg14[%swap3A_836, %swap3A_837], %add3A_835 {strides = array<i32>} : memref<80x128xf32, #tpu.memory_space<vmem>>, vector<16xf32>,
        %get3A_839 = arith.index_cast %scan3A_789 : i32 to index
        %get3A_840 = arith.constant 80 : index
        %get3A_841 = tpu.vector_load %arg14[%get3A_839, %get3A_840] {strides = array<i32>} : memref<80x128xf32, #tpu.memory_space<vmem>>, vector<16xf32>,
        %get3A_842 = arith.index_cast %scan3A_789 : i32 to index
        %get3A_843 = arith.constant 80 : index
        %get3A_844 = tpu.vector_load %arg15[%get3A_842, %get3A_843] {strides = array<i32>} : memref<80x128xf32, #tpu.memory_space<vmem>>, vector<16xf32>,
        %add3A_845 = arith.addf %get3A_841, %get3A_844 : vector<16xf32>
        %swap3A_846 = arith.index_cast %scan3A_789 : i32 to index
        %swap3A_847 = arith.constant 80 : index
        %swap3A_848 = tpu.vector_load %arg14[%swap3A_846, %swap3A_847] {strides = array<i32>} : memref<80x128xf32, #tpu.memory_space<vmem>>, vector<16xf32>,
        tpu.vector_store %arg14[%swap3A_846, %swap3A_847], %add3A_845 {strides = array<i32>} : memref<80x128xf32, #tpu.memory_space<vmem>>, vector<16xf32>,
        %get3A_849 = arith.index_cast %scan3A_789 : i32 to index
        %get3A_850 = arith.constant 96 : index
        %get3A_851 = tpu.vector_load %arg14[%get3A_849, %get3A_850] {strides = array<i32>} : memref<80x128xf32, #tpu.memory_space<vmem>>, vector<16xf32>,
        %get3A_852 = arith.index_cast %scan3A_789 : i32 to index
        %get3A_853 = arith.constant 96 : index
        %get3A_854 = tpu.vector_load %arg15[%get3A_852, %get3A_853] {strides = array<i32>} : memref<80x128xf32, #tpu.memory_space<vmem>>, vector<16xf32>,
        %add3A_855 = arith.addf %get3A_851, %get3A_854 : vector<16xf32>
        %swap3A_856 = arith.index_cast %scan3A_789 : i32 to index
        %swap3A_857 = arith.constant 96 : index
        %swap3A_858 = tpu.vector_load %arg14[%swap3A_856, %swap3A_857] {strides = array<i32>} : memref<80x128xf32, #tpu.memory_space<vmem>>, vector<16xf32>,
        tpu.vector_store %arg14[%swap3A_856, %swap3A_857], %add3A_855 {strides = array<i32>} : memref<80x128xf32, #tpu.memory_space<vmem>>, vector<16xf32>,
        %get3A_859 = arith.index_cast %scan3A_789 : i32 to index
        %get3A_860 = arith.constant 112 : index
        %get3A_861 = tpu.vector_load %arg14[%get3A_859, %get3A_860] {strides = array<i32>} : memref<80x128xf32, #tpu.memory_space<vmem>>, vector<16xf32>,
        %get3A_862 = arith.index_cast %scan3A_789 : i32 to index
        %get3A_863 = arith.constant 112 : index
        %get3A_864 = tpu.vector_load %arg15[%get3A_862, %get3A_863] {strides = array<i32>} : memref<80x128xf32, #tpu.memory_space<vmem>>, vector<16xf32>,
        %add3A_865 = arith.addf %get3A_861, %get3A_864 : vector<16xf32>
        %swap3A_866 = arith.index_cast %scan3A_789 : i32 to index
        %swap3A_867 = arith.constant 112 : index
        %swap3A_868 = tpu.vector_load %arg14[%swap3A_866, %swap3A_867] {strides = array<i32>} : memref<80x128xf32, #tpu.memory_space<vmem>>, vector<16xf32>,
        tpu.vector_store %arg14[%swap3A_866, %swap3A_867], %add3A_865 {strides = array<i32>} : memref<80x128xf32, #tpu.memory_space<vmem>>, vector<16xf32>,
      }
      %scan3A_445 = arith.constant 80 : i32
      %add3A_446 = arith.constant 0 : i32
      %add3A_447 = vector.broadcast %add3A_446 : i32 to vector<16xi32>
      %add3A_448 = arith.addi %add3A_447, %iota3A : vector<16xi32>
      %mul3A_449 = arith.constant 80 : i32
      %mul3A_450 = arith.muli %add3A_415, %mul3A_449 : i32
      %add3A_451 = arith.constant 0 : i32
      %add3A_452 = arith.addi %mul3A_450, %add3A_451 : i32
      %multiple_of3A_453 = tpu.assume_multiple %add3A_452, 8 : i32
      %get3A_454 = arith.index_cast %multiple_of3A_453 : i32 to index
      %get3A_455 = tpu.vector_load %arg9[%get3A_454] {strides = array<i32>} : memref<5040xi32, #tpu.memory_space<vmem>>, vector<16xi32>,
      %get3A_456 = arith.index_cast %multiple_of3A_453 : i32 to index
      %get3A_457 = tpu.vector_load %arg10[%get3A_456] {strides = array<i32>} : memref<5040xi32, #tpu.memory_space<vmem>>, vector<16xi32>,
      %mul3A_458 = arith.constant 3 : i32
      %mul3A_459 = vector.broadcast %mul3A_458 : i32 to vector<16xi32>
      %mul3A_460 = arith.muli %get3A_455, %mul3A_459 : vector<16xi32>
      %mul3A_461 = arith.constant 3 : i32
      %mul3A_462 = vector.broadcast %mul3A_461 : i32 to vector<16xi32>
      %mul3A_463 = arith.muli %get3A_457, %mul3A_462 : vector<16xi32>
      %broadcast_in_dim3A_464 = arith.constant 0 : i32
      %broadcast_in_dim3A_465 = vector.broadcast %broadcast_in_dim3A_464 : i32 to vector<16xi32>
      %add3A_466 = arith.constant 0 : i32
      %add3A_467 = vector.broadcast %add3A_466 : i32 to vector<16xi32>
      %add3A_468 = arith.addi %mul3A_460, %add3A_467 : vector<16xi32>
      %gather3A_469 = tpu.vector_load_idx %arg17[%add3A_468] : memref<30000xf32, #tpu.memory_space<vmem>>[vector<16xi32>], vector<16xf32>,
      %add3A_470 = arith.constant 0 : i32
      %add3A_471 = vector.broadcast %add3A_470 : i32 to vector<16xi32>
      %add3A_472 = arith.addi %mul3A_463, %add3A_471 : vector<16xi32>
      %gather3A_473 = tpu.vector_load_idx %arg17[%add3A_472] : memref<30000xf32, #tpu.memory_space<vmem>>[vector<16xi32>], vector<16xf32>,
      %sub3A_474 = arith.subf %gather3A_469, %gather3A_473 : vector<16xf32>
      %mul3A_475 = arith.mulf %sub3A_474, %sub3A_474 : vector<16xf32>
      %add3A_476 = arith.addf %broadcast_in_dim3A_5, %mul3A_475 : vector<16xf32>
      tpu.vector_store_idx %arg16[%add3A_448, %broadcast_in_dim3A_465], %sub3A_474 : memref<80x16xf32, #tpu.memory_space<vmem>>[vector<16xi32>, vector<16xi32>], vector<16xf32>,
      %broadcast_in_dim3A_477 = arith.constant 1 : i32
      %broadcast_in_dim3A_478 = vector.broadcast %broadcast_in_dim3A_477 : i32 to vector<16xi32>
      %add3A_479 = arith.constant 1 : i32
      %add3A_480 = vector.broadcast %add3A_479 : i32 to vector<16xi32>
      %add3A_481 = arith.addi %mul3A_460, %add3A_480 : vector<16xi32>
      %gather3A_482 = tpu.vector_load_idx %arg17[%add3A_481] : memref<30000xf32, #tpu.memory_space<vmem>>[vector<16xi32>], vector<16xf32>,
      %add3A_483 = arith.constant 1 : i32
      %add3A_484 = vector.broadcast %add3A_483 : i32 to vector<16xi32>
      %add3A_485 = arith.addi %mul3A_463, %add3A_484 : vector<16xi32>
      %gather3A_486 = tpu.vector_load_idx %arg17[%add3A_485] : memref<30000xf32, #tpu.memory_space<vmem>>[vector<16xi32>], vector<16xf32>,
      %sub3A_487 = arith.subf %gather3A_482, %gather3A_486 : vector<16xf32>
      %mul3A_488 = arith.mulf %sub3A_487, %sub3A_487 : vector<16xf32>
      %add3A_489 = arith.addf %add3A_476, %mul3A_488 : vector<16xf32>
      tpu.vector_store_idx %arg16[%add3A_448, %broadcast_in_dim3A_478], %sub3A_487 : memref<80x16xf32, #tpu.memory_space<vmem>>[vector<16xi32>, vector<16xi32>], vector<16xf32>,
      %broadcast_in_dim3A_490 = arith.constant 2 : i32
      %broadcast_in_dim3A_491 = vector.broadcast %broadcast_in_dim3A_490 : i32 to vector<16xi32>
      %add3A_492 = arith.constant 2 : i32
      %add3A_493 = vector.broadcast %add3A_492 : i32 to vector<16xi32>
      %add3A_494 = arith.addi %mul3A_460, %add3A_493 : vector<16xi32>
      %gather3A_495 = tpu.vector_load_idx %arg17[%add3A_494] : memref<30000xf32, #tpu.memory_space<vmem>>[vector<16xi32>], vector<16xf32>,
      %add3A_496 = arith.constant 2 : i32
      %add3A_497 = vector.broadcast %add3A_496 : i32 to vector<16xi32>
      %add3A_498 = arith.addi %mul3A_463, %add3A_497 : vector<16xi32>
      %gather3A_499 = tpu.vector_load_idx %arg17[%add3A_498] : memref<30000xf32, #tpu.memory_space<vmem>>[vector<16xi32>], vector<16xf32>,
      %sub3A_500 = arith.subf %gather3A_495, %gather3A_499 : vector<16xf32>
      %mul3A_501 = arith.mulf %sub3A_500, %sub3A_500 : vector<16xf32>
      %add3A_502 = arith.addf %add3A_489, %mul3A_501 : vector<16xf32>
      tpu.vector_store_idx %arg16[%add3A_448, %broadcast_in_dim3A_491], %sub3A_500 : memref<80x16xf32, #tpu.memory_space<vmem>>[vector<16xi32>, vector<16xi32>], vector<16xf32>,
      %broadcast_in_dim3A_503 = arith.constant 3 : i32
      %broadcast_in_dim3A_504 = vector.broadcast %broadcast_in_dim3A_503 : i32 to vector<16xi32>
      tpu.vector_store_idx %arg16[%add3A_448, %broadcast_in_dim3A_504], %add3A_502 : memref<80x16xf32, #tpu.memory_space<vmem>>[vector<16xi32>, vector<16xi32>], vector<16xf32>,
      %and3A_505 = arith.constant 7 : i32
      %and3A_506 = vector.broadcast %and3A_505 : i32 to vector<16xi32>
      %and3A_507 = arith.andi %get3A_455, %and3A_506 : vector<16xi32>
      %convert_element_type3A_508 = arith.sitofp %and3A_507 : vector<16xi32> to vector<16xf32>
      %broadcast_in_dim3A_509 = arith.constant 4 : i32
      %broadcast_in_dim3A_510 = vector.broadcast %broadcast_in_dim3A_509 : i32 to vector<16xi32>
      tpu.vector_store_idx %arg16[%add3A_448, %broadcast_in_dim3A_510], %convert_element_type3A_508 : memref<80x16xf32, #tpu.memory_space<vmem>>[vector<16xi32>, vector<16xi32>], vector<16xf32>,
      %add3A_511 = arith.constant 16 : i32
      %add3A_512 = vector.broadcast %add3A_511 : i32 to vector<16xi32>
      %add3A_513 = arith.addi %add3A_512, %iota3A : vector<16xi32>
      %mul3A_514 = arith.constant 80 : i32
      %mul3A_515 = arith.muli %add3A_415, %mul3A_514 : i32
      %add3A_516 = arith.constant 16 : i32
      %add3A_517 = arith.addi %mul3A_515, %add3A_516 : i32
      %multiple_of3A_518 = tpu.assume_multiple %add3A_517, 8 : i32
      %get3A_519 = arith.index_cast %multiple_of3A_518 : i32 to index
      %get3A_520 = tpu.vector_load %arg9[%get3A_519] {strides = array<i32>} : memref<5040xi32, #tpu.memory_space<vmem>>, vector<16xi32>,
      %get3A_521 = arith.index_cast %multiple_of3A_518 : i32 to index
      %get3A_522 = tpu.vector_load %arg10[%get3A_521] {strides = array<i32>} : memref<5040xi32, #tpu.memory_space<vmem>>, vector<16xi32>,
      %mul3A_523 = arith.constant 3 : i32
      %mul3A_524 = vector.broadcast %mul3A_523 : i32 to vector<16xi32>
      %mul3A_525 = arith.muli %get3A_520, %mul3A_524 : vector<16xi32>
      %mul3A_526 = arith.constant 3 : i32
      %mul3A_527 = vector.broadcast %mul3A_526 : i32 to vector<16xi32>
      %mul3A_528 = arith.muli %get3A_522, %mul3A_527 : vector<16xi32>
      %broadcast_in_dim3A_529 = arith.constant 0 : i32
      %broadcast_in_dim3A_530 = vector.broadcast %broadcast_in_dim3A_529 : i32 to vector<16xi32>
      %add3A_531 = arith.constant 0 : i32
      %add3A_532 = vector.broadcast %add3A_531 : i32 to vector<16xi32>
      %add3A_533 = arith.addi %mul3A_525, %add3A_532 : vector<16xi32>
      %gather3A_534 = tpu.vector_load_idx %arg17[%add3A_533] : memref<30000xf32, #tpu.memory_space<vmem>>[vector<16xi32>], vector<16xf32>,
      %add3A_535 = arith.constant 0 : i32
      %add3A_536 = vector.broadcast %add3A_535 : i32 to vector<16xi32>
      %add3A_537 = arith.addi %mul3A_528, %add3A_536 : vector<16xi32>
      %gather3A_538 = tpu.vector_load_idx %arg17[%add3A_537] : memref<30000xf32, #tpu.memory_space<vmem>>[vector<16xi32>], vector<16xf32>,
      %sub3A_539 = arith.subf %gather3A_534, %gather3A_538 : vector<16xf32>
      %mul3A_540 = arith.mulf %sub3A_539, %sub3A_539 : vector<16xf32>
      %add3A_541 = arith.addf %broadcast_in_dim3A_5, %mul3A_540 : vector<16xf32>
      tpu.vector_store_idx %arg16[%add3A_513, %broadcast_in_dim3A_530], %sub3A_539 : memref<80x16xf32, #tpu.memory_space<vmem>>[vector<16xi32>, vector<16xi32>], vector<16xf32>,
      %broadcast_in_dim3A_542 = arith.constant 1 : i32
      %broadcast_in_dim3A_543 = vector.broadcast %broadcast_in_dim3A_542 : i32 to vector<16xi32>
      %add3A_544 = arith.constant 1 : i32
      %add3A_545 = vector.broadcast %add3A_544 : i32 to vector<16xi32>
      %add3A_546 = arith.addi %mul3A_525, %add3A_545 : vector<16xi32>
      %gather3A_547 = tpu.vector_load_idx %arg17[%add3A_546] : memref<30000xf32, #tpu.memory_space<vmem>>[vector<16xi32>], vector<16xf32>,
      %add3A_548 = arith.constant 1 : i32
      %add3A_549 = vector.broadcast %add3A_548 : i32 to vector<16xi32>
      %add3A_550 = arith.addi %mul3A_528, %add3A_549 : vector<16xi32>
      %gather3A_551 = tpu.vector_load_idx %arg17[%add3A_550] : memref<30000xf32, #tpu.memory_space<vmem>>[vector<16xi32>], vector<16xf32>,
      %sub3A_552 = arith.subf %gather3A_547, %gather3A_551 : vector<16xf32>
      %mul3A_553 = arith.mulf %sub3A_552, %sub3A_552 : vector<16xf32>
      %add3A_554 = arith.addf %add3A_541, %mul3A_553 : vector<16xf32>
      tpu.vector_store_idx %arg16[%add3A_513, %broadcast_in_dim3A_543], %sub3A_552 : memref<80x16xf32, #tpu.memory_space<vmem>>[vector<16xi32>, vector<16xi32>], vector<16xf32>,
      %broadcast_in_dim3A_555 = arith.constant 2 : i32
      %broadcast_in_dim3A_556 = vector.broadcast %broadcast_in_dim3A_555 : i32 to vector<16xi32>
      %add3A_557 = arith.constant 2 : i32
      %add3A_558 = vector.broadcast %add3A_557 : i32 to vector<16xi32>
      %add3A_559 = arith.addi %mul3A_525, %add3A_558 : vector<16xi32>
      %gather3A_560 = tpu.vector_load_idx %arg17[%add3A_559] : memref<30000xf32, #tpu.memory_space<vmem>>[vector<16xi32>], vector<16xf32>,
      %add3A_561 = arith.constant 2 : i32
      %add3A_562 = vector.broadcast %add3A_561 : i32 to vector<16xi32>
      %add3A_563 = arith.addi %mul3A_528, %add3A_562 : vector<16xi32>
      %gather3A_564 = tpu.vector_load_idx %arg17[%add3A_563] : memref<30000xf32, #tpu.memory_space<vmem>>[vector<16xi32>], vector<16xf32>,
      %sub3A_565 = arith.subf %gather3A_560, %gather3A_564 : vector<16xf32>
      %mul3A_566 = arith.mulf %sub3A_565, %sub3A_565 : vector<16xf32>
      %add3A_567 = arith.addf %add3A_554, %mul3A_566 : vector<16xf32>
      tpu.vector_store_idx %arg16[%add3A_513, %broadcast_in_dim3A_556], %sub3A_565 : memref<80x16xf32, #tpu.memory_space<vmem>>[vector<16xi32>, vector<16xi32>], vector<16xf32>,
      %broadcast_in_dim3A_568 = arith.constant 3 : i32
      %broadcast_in_dim3A_569 = vector.broadcast %broadcast_in_dim3A_568 : i32 to vector<16xi32>
      tpu.vector_store_idx %arg16[%add3A_513, %broadcast_in_dim3A_569], %add3A_567 : memref<80x16xf32, #tpu.memory_space<vmem>>[vector<16xi32>, vector<16xi32>], vector<16xf32>,
      %and3A_570 = arith.constant 7 : i32
      %and3A_571 = vector.broadcast %and3A_570 : i32 to vector<16xi32>
      %and3A_572 = arith.andi %get3A_520, %and3A_571 : vector<16xi32>
      %convert_element_type3A_573 = arith.sitofp %and3A_572 : vector<16xi32> to vector<16xf32>
      %broadcast_in_dim3A_574 = arith.constant 4 : i32
      %broadcast_in_dim3A_575 = vector.broadcast %broadcast_in_dim3A_574 : i32 to vector<16xi32>
      tpu.vector_store_idx %arg16[%add3A_513, %broadcast_in_dim3A_575], %convert_element_type3A_573 : memref<80x16xf32, #tpu.memory_space<vmem>>[vector<16xi32>, vector<16xi32>], vector<16xf32>,
      %add3A_576 = arith.constant 32 : i32
      %add3A_577 = vector.broadcast %add3A_576 : i32 to vector<16xi32>
      %add3A_578 = arith.addi %add3A_577, %iota3A : vector<16xi32>
      %mul3A_579 = arith.constant 80 : i32
      %mul3A_580 = arith.muli %add3A_415, %mul3A_579 : i32
      %add3A_581 = arith.constant 32 : i32
      %add3A_582 = arith.addi %mul3A_580, %add3A_581 : i32
      %multiple_of3A_583 = tpu.assume_multiple %add3A_582, 8 : i32
      %get3A_584 = arith.index_cast %multiple_of3A_583 : i32 to index
      %get3A_585 = tpu.vector_load %arg9[%get3A_584] {strides = array<i32>} : memref<5040xi32, #tpu.memory_space<vmem>>, vector<16xi32>,
      %get3A_586 = arith.index_cast %multiple_of3A_583 : i32 to index
      %get3A_587 = tpu.vector_load %arg10[%get3A_586] {strides = array<i32>} : memref<5040xi32, #tpu.memory_space<vmem>>, vector<16xi32>,
      %mul3A_588 = arith.constant 3 : i32
      %mul3A_589 = vector.broadcast %mul3A_588 : i32 to vector<16xi32>
      %mul3A_590 = arith.muli %get3A_585, %mul3A_589 : vector<16xi32>
      %mul3A_591 = arith.constant 3 : i32
      %mul3A_592 = vector.broadcast %mul3A_591 : i32 to vector<16xi32>
      %mul3A_593 = arith.muli %get3A_587, %mul3A_592 : vector<16xi32>
      %broadcast_in_dim3A_594 = arith.constant 0 : i32
      %broadcast_in_dim3A_595 = vector.broadcast %broadcast_in_dim3A_594 : i32 to vector<16xi32>
      %add3A_596 = arith.constant 0 : i32
      %add3A_597 = vector.broadcast %add3A_596 : i32 to vector<16xi32>
      %add3A_598 = arith.addi %mul3A_590, %add3A_597 : vector<16xi32>
      %gather3A_599 = tpu.vector_load_idx %arg17[%add3A_598] : memref<30000xf32, #tpu.memory_space<vmem>>[vector<16xi32>], vector<16xf32>,
      %add3A_600 = arith.constant 0 : i32
      %add3A_601 = vector.broadcast %add3A_600 : i32 to vector<16xi32>
      %add3A_602 = arith.addi %mul3A_593, %add3A_601 : vector<16xi32>
      %gather3A_603 = tpu.vector_load_idx %arg17[%add3A_602] : memref<30000xf32, #tpu.memory_space<vmem>>[vector<16xi32>], vector<16xf32>,
      %sub3A_604 = arith.subf %gather3A_599, %gather3A_603 : vector<16xf32>
      %mul3A_605 = arith.mulf %sub3A_604, %sub3A_604 : vector<16xf32>
      %add3A_606 = arith.addf %broadcast_in_dim3A_5, %mul3A_605 : vector<16xf32>
      tpu.vector_store_idx %arg16[%add3A_578, %broadcast_in_dim3A_595], %sub3A_604 : memref<80x16xf32, #tpu.memory_space<vmem>>[vector<16xi32>, vector<16xi32>], vector<16xf32>,
      %broadcast_in_dim3A_607 = arith.constant 1 : i32
      %broadcast_in_dim3A_608 = vector.broadcast %broadcast_in_dim3A_607 : i32 to vector<16xi32>
      %add3A_609 = arith.constant 1 : i32
      %add3A_610 = vector.broadcast %add3A_609 : i32 to vector<16xi32>
      %add3A_611 = arith.addi %mul3A_590, %add3A_610 : vector<16xi32>
      %gather3A_612 = tpu.vector_load_idx %arg17[%add3A_611] : memref<30000xf32, #tpu.memory_space<vmem>>[vector<16xi32>], vector<16xf32>,
      %add3A_613 = arith.constant 1 : i32
      %add3A_614 = vector.broadcast %add3A_613 : i32 to vector<16xi32>
      %add3A_615 = arith.addi %mul3A_593, %add3A_614 : vector<16xi32>
      %gather3A_616 = tpu.vector_load_idx %arg17[%add3A_615] : memref<30000xf32, #tpu.memory_space<vmem>>[vector<16xi32>], vector<16xf32>,
      %sub3A_617 = arith.subf %gather3A_612, %gather3A_616 : vector<16xf32>
      %mul3A_618 = arith.mulf %sub3A_617, %sub3A_617 : vector<16xf32>
      %add3A_619 = arith.addf %add3A_606, %mul3A_618 : vector<16xf32>
      tpu.vector_store_idx %arg16[%add3A_578, %broadcast_in_dim3A_608], %sub3A_617 : memref<80x16xf32, #tpu.memory_space<vmem>>[vector<16xi32>, vector<16xi32>], vector<16xf32>,
      %broadcast_in_dim3A_620 = arith.constant 2 : i32
      %broadcast_in_dim3A_621 = vector.broadcast %broadcast_in_dim3A_620 : i32 to vector<16xi32>
      %add3A_622 = arith.constant 2 : i32
      %add3A_623 = vector.broadcast %add3A_622 : i32 to vector<16xi32>
      %add3A_624 = arith.addi %mul3A_590, %add3A_623 : vector<16xi32>
      %gather3A_625 = tpu.vector_load_idx %arg17[%add3A_624] : memref<30000xf32, #tpu.memory_space<vmem>>[vector<16xi32>], vector<16xf32>,
      %add3A_626 = arith.constant 2 : i32
      %add3A_627 = vector.broadcast %add3A_626 : i32 to vector<16xi32>
      %add3A_628 = arith.addi %mul3A_593, %add3A_627 : vector<16xi32>
      %gather3A_629 = tpu.vector_load_idx %arg17[%add3A_628] : memref<30000xf32, #tpu.memory_space<vmem>>[vector<16xi32>], vector<16xf32>,
      %sub3A_630 = arith.subf %gather3A_625, %gather3A_629 : vector<16xf32>
      %mul3A_631 = arith.mulf %sub3A_630, %sub3A_630 : vector<16xf32>
      %add3A_632 = arith.addf %add3A_619, %mul3A_631 : vector<16xf32>
      tpu.vector_store_idx %arg16[%add3A_578, %broadcast_in_dim3A_621], %sub3A_630 : memref<80x16xf32, #tpu.memory_space<vmem>>[vector<16xi32>, vector<16xi32>], vector<16xf32>,
      %broadcast_in_dim3A_633 = arith.constant 3 : i32
      %broadcast_in_dim3A_634 = vector.broadcast %broadcast_in_dim3A_633 : i32 to vector<16xi32>
      tpu.vector_store_idx %arg16[%add3A_578, %broadcast_in_dim3A_634], %add3A_632 : memref<80x16xf32, #tpu.memory_space<vmem>>[vector<16xi32>, vector<16xi32>], vector<16xf32>,
      %and3A_635 = arith.constant 7 : i32
      %and3A_636 = vector.broadcast %and3A_635 : i32 to vector<16xi32>
      %and3A_637 = arith.andi %get3A_585, %and3A_636 : vector<16xi32>
      %convert_element_type3A_638 = arith.sitofp %and3A_637 : vector<16xi32> to vector<16xf32>
      %broadcast_in_dim3A_639 = arith.constant 4 : i32
      %broadcast_in_dim3A_640 = vector.broadcast %broadcast_in_dim3A_639 : i32 to vector<16xi32>
      tpu.vector_store_idx %arg16[%add3A_578, %broadcast_in_dim3A_640], %convert_element_type3A_638 : memref<80x16xf32, #tpu.memory_space<vmem>>[vector<16xi32>, vector<16xi32>], vector<16xf32>,
      %add3A_641 = arith.constant 48 : i32
      %add3A_642 = vector.broadcast %add3A_641 : i32 to vector<16xi32>
      %add3A_643 = arith.addi %add3A_642, %iota3A : vector<16xi32>
      %mul3A_644 = arith.constant 80 : i32
      %mul3A_645 = arith.muli %add3A_415, %mul3A_644 : i32
      %add3A_646 = arith.constant 48 : i32
      %add3A_647 = arith.addi %mul3A_645, %add3A_646 : i32
      %multiple_of3A_648 = tpu.assume_multiple %add3A_647, 8 : i32
      %get3A_649 = arith.index_cast %multiple_of3A_648 : i32 to index
      %get3A_650 = tpu.vector_load %arg9[%get3A_649] {strides = array<i32>} : memref<5040xi32, #tpu.memory_space<vmem>>, vector<16xi32>,
      %get3A_651 = arith.index_cast %multiple_of3A_648 : i32 to index
      %get3A_652 = tpu.vector_load %arg10[%get3A_651] {strides = array<i32>} : memref<5040xi32, #tpu.memory_space<vmem>>, vector<16xi32>,
      %mul3A_653 = arith.constant 3 : i32
      %mul3A_654 = vector.broadcast %mul3A_653 : i32 to vector<16xi32>
      %mul3A_655 = arith.muli %get3A_650, %mul3A_654 : vector<16xi32>
      %mul3A_656 = arith.constant 3 : i32
      %mul3A_657 = vector.broadcast %mul3A_656 : i32 to vector<16xi32>
      %mul3A_658 = arith.muli %get3A_652, %mul3A_657 : vector<16xi32>
      %broadcast_in_dim3A_659 = arith.constant 0 : i32
      %broadcast_in_dim3A_660 = vector.broadcast %broadcast_in_dim3A_659 : i32 to vector<16xi32>
      %add3A_661 = arith.constant 0 : i32
      %add3A_662 = vector.broadcast %add3A_661 : i32 to vector<16xi32>
      %add3A_663 = arith.addi %mul3A_655, %add3A_662 : vector<16xi32>
      %gather3A_664 = tpu.vector_load_idx %arg17[%add3A_663] : memref<30000xf32, #tpu.memory_space<vmem>>[vector<16xi32>], vector<16xf32>,
      %add3A_665 = arith.constant 0 : i32
      %add3A_666 = vector.broadcast %add3A_665 : i32 to vector<16xi32>
      %add3A_667 = arith.addi %mul3A_658, %add3A_666 : vector<16xi32>
      %gather3A_668 = tpu.vector_load_idx %arg17[%add3A_667] : memref<30000xf32, #tpu.memory_space<vmem>>[vector<16xi32>], vector<16xf32>,
      %sub3A_669 = arith.subf %gather3A_664, %gather3A_668 : vector<16xf32>
      %mul3A_670 = arith.mulf %sub3A_669, %sub3A_669 : vector<16xf32>
      %add3A_671 = arith.addf %broadcast_in_dim3A_5, %mul3A_670 : vector<16xf32>
      tpu.vector_store_idx %arg16[%add3A_643, %broadcast_in_dim3A_660], %sub3A_669 : memref<80x16xf32, #tpu.memory_space<vmem>>[vector<16xi32>, vector<16xi32>], vector<16xf32>,
      %broadcast_in_dim3A_672 = arith.constant 1 : i32
      %broadcast_in_dim3A_673 = vector.broadcast %broadcast_in_dim3A_672 : i32 to vector<16xi32>
      %add3A_674 = arith.constant 1 : i32
      %add3A_675 = vector.broadcast %add3A_674 : i32 to vector<16xi32>
      %add3A_676 = arith.addi %mul3A_655, %add3A_675 : vector<16xi32>
      %gather3A_677 = tpu.vector_load_idx %arg17[%add3A_676] : memref<30000xf32, #tpu.memory_space<vmem>>[vector<16xi32>], vector<16xf32>,
      %add3A_678 = arith.constant 1 : i32
      %add3A_679 = vector.broadcast %add3A_678 : i32 to vector<16xi32>
      %add3A_680 = arith.addi %mul3A_658, %add3A_679 : vector<16xi32>
      %gather3A_681 = tpu.vector_load_idx %arg17[%add3A_680] : memref<30000xf32, #tpu.memory_space<vmem>>[vector<16xi32>], vector<16xf32>,
      %sub3A_682 = arith.subf %gather3A_677, %gather3A_681 : vector<16xf32>
      %mul3A_683 = arith.mulf %sub3A_682, %sub3A_682 : vector<16xf32>
      %add3A_684 = arith.addf %add3A_671, %mul3A_683 : vector<16xf32>
      tpu.vector_store_idx %arg16[%add3A_643, %broadcast_in_dim3A_673], %sub3A_682 : memref<80x16xf32, #tpu.memory_space<vmem>>[vector<16xi32>, vector<16xi32>], vector<16xf32>,
      %broadcast_in_dim3A_685 = arith.constant 2 : i32
      %broadcast_in_dim3A_686 = vector.broadcast %broadcast_in_dim3A_685 : i32 to vector<16xi32>
      %add3A_687 = arith.constant 2 : i32
      %add3A_688 = vector.broadcast %add3A_687 : i32 to vector<16xi32>
      %add3A_689 = arith.addi %mul3A_655, %add3A_688 : vector<16xi32>
      %gather3A_690 = tpu.vector_load_idx %arg17[%add3A_689] : memref<30000xf32, #tpu.memory_space<vmem>>[vector<16xi32>], vector<16xf32>,
      %add3A_691 = arith.constant 2 : i32
      %add3A_692 = vector.broadcast %add3A_691 : i32 to vector<16xi32>
      %add3A_693 = arith.addi %mul3A_658, %add3A_692 : vector<16xi32>
      %gather3A_694 = tpu.vector_load_idx %arg17[%add3A_693] : memref<30000xf32, #tpu.memory_space<vmem>>[vector<16xi32>], vector<16xf32>,
      %sub3A_695 = arith.subf %gather3A_690, %gather3A_694 : vector<16xf32>
      %mul3A_696 = arith.mulf %sub3A_695, %sub3A_695 : vector<16xf32>
      %add3A_697 = arith.addf %add3A_684, %mul3A_696 : vector<16xf32>
      tpu.vector_store_idx %arg16[%add3A_643, %broadcast_in_dim3A_686], %sub3A_695 : memref<80x16xf32, #tpu.memory_space<vmem>>[vector<16xi32>, vector<16xi32>], vector<16xf32>,
      %broadcast_in_dim3A_698 = arith.constant 3 : i32
      %broadcast_in_dim3A_699 = vector.broadcast %broadcast_in_dim3A_698 : i32 to vector<16xi32>
      tpu.vector_store_idx %arg16[%add3A_643, %broadcast_in_dim3A_699], %add3A_697 : memref<80x16xf32, #tpu.memory_space<vmem>>[vector<16xi32>, vector<16xi32>], vector<16xf32>,
      %and3A_700 = arith.constant 7 : i32
      %and3A_701 = vector.broadcast %and3A_700 : i32 to vector<16xi32>
      %and3A_702 = arith.andi %get3A_650, %and3A_701 : vector<16xi32>
      %convert_element_type3A_703 = arith.sitofp %and3A_702 : vector<16xi32> to vector<16xf32>
      %broadcast_in_dim3A_704 = arith.constant 4 : i32
      %broadcast_in_dim3A_705 = vector.broadcast %broadcast_in_dim3A_704 : i32 to vector<16xi32>
      tpu.vector_store_idx %arg16[%add3A_643, %broadcast_in_dim3A_705], %convert_element_type3A_703 : memref<80x16xf32, #tpu.memory_space<vmem>>[vector<16xi32>, vector<16xi32>], vector<16xf32>,
      %add3A_706 = arith.constant 64 : i32
      %add3A_707 = vector.broadcast %add3A_706 : i32 to vector<16xi32>
      %add3A_708 = arith.addi %add3A_707, %iota3A : vector<16xi32>
      %mul3A_709 = arith.constant 80 : i32
      %mul3A_710 = arith.muli %add3A_415, %mul3A_709 : i32
      %add3A_711 = arith.constant 64 : i32
      %add3A_712 = arith.addi %mul3A_710, %add3A_711 : i32
      %multiple_of3A_713 = tpu.assume_multiple %add3A_712, 8 : i32
      %get3A_714 = arith.index_cast %multiple_of3A_713 : i32 to index
      %get3A_715 = tpu.vector_load %arg9[%get3A_714] {strides = array<i32>} : memref<5040xi32, #tpu.memory_space<vmem>>, vector<16xi32>,
      %get3A_716 = arith.index_cast %multiple_of3A_713 : i32 to index
      %get3A_717 = tpu.vector_load %arg10[%get3A_716] {strides = array<i32>} : memref<5040xi32, #tpu.memory_space<vmem>>, vector<16xi32>,
      %mul3A_718 = arith.constant 3 : i32
      %mul3A_719 = vector.broadcast %mul3A_718 : i32 to vector<16xi32>
      %mul3A_720 = arith.muli %get3A_715, %mul3A_719 : vector<16xi32>
      %mul3A_721 = arith.constant 3 : i32
      %mul3A_722 = vector.broadcast %mul3A_721 : i32 to vector<16xi32>
      %mul3A_723 = arith.muli %get3A_717, %mul3A_722 : vector<16xi32>
      %broadcast_in_dim3A_724 = arith.constant 0 : i32
      %broadcast_in_dim3A_725 = vector.broadcast %broadcast_in_dim3A_724 : i32 to vector<16xi32>
      %add3A_726 = arith.constant 0 : i32
      %add3A_727 = vector.broadcast %add3A_726 : i32 to vector<16xi32>
      %add3A_728 = arith.addi %mul3A_720, %add3A_727 : vector<16xi32>
      %gather3A_729 = tpu.vector_load_idx %arg17[%add3A_728] : memref<30000xf32, #tpu.memory_space<vmem>>[vector<16xi32>], vector<16xf32>,
      %add3A_730 = arith.constant 0 : i32
      %add3A_731 = vector.broadcast %add3A_730 : i32 to vector<16xi32>
      %add3A_732 = arith.addi %mul3A_723, %add3A_731 : vector<16xi32>
      %gather3A_733 = tpu.vector_load_idx %arg17[%add3A_732] : memref<30000xf32, #tpu.memory_space<vmem>>[vector<16xi32>], vector<16xf32>,
      %sub3A_734 = arith.subf %gather3A_729, %gather3A_733 : vector<16xf32>
      %mul3A_735 = arith.mulf %sub3A_734, %sub3A_734 : vector<16xf32>
      %add3A_736 = arith.addf %broadcast_in_dim3A_5, %mul3A_735 : vector<16xf32>
      tpu.vector_store_idx %arg16[%add3A_708, %broadcast_in_dim3A_725], %sub3A_734 : memref<80x16xf32, #tpu.memory_space<vmem>>[vector<16xi32>, vector<16xi32>], vector<16xf32>,
      %broadcast_in_dim3A_737 = arith.constant 1 : i32
      %broadcast_in_dim3A_738 = vector.broadcast %broadcast_in_dim3A_737 : i32 to vector<16xi32>
      %add3A_739 = arith.constant 1 : i32
      %add3A_740 = vector.broadcast %add3A_739 : i32 to vector<16xi32>
      %add3A_741 = arith.addi %mul3A_720, %add3A_740 : vector<16xi32>
      %gather3A_742 = tpu.vector_load_idx %arg17[%add3A_741] : memref<30000xf32, #tpu.memory_space<vmem>>[vector<16xi32>], vector<16xf32>,
      %add3A_743 = arith.constant 1 : i32
      %add3A_744 = vector.broadcast %add3A_743 : i32 to vector<16xi32>
      %add3A_745 = arith.addi %mul3A_723, %add3A_744 : vector<16xi32>
      %gather3A_746 = tpu.vector_load_idx %arg17[%add3A_745] : memref<30000xf32, #tpu.memory_space<vmem>>[vector<16xi32>], vector<16xf32>,
      %sub3A_747 = arith.subf %gather3A_742, %gather3A_746 : vector<16xf32>
      %mul3A_748 = arith.mulf %sub3A_747, %sub3A_747 : vector<16xf32>
      %add3A_749 = arith.addf %add3A_736, %mul3A_748 : vector<16xf32>
      tpu.vector_store_idx %arg16[%add3A_708, %broadcast_in_dim3A_738], %sub3A_747 : memref<80x16xf32, #tpu.memory_space<vmem>>[vector<16xi32>, vector<16xi32>], vector<16xf32>,
      %broadcast_in_dim3A_750 = arith.constant 2 : i32
      %broadcast_in_dim3A_751 = vector.broadcast %broadcast_in_dim3A_750 : i32 to vector<16xi32>
      %add3A_752 = arith.constant 2 : i32
      %add3A_753 = vector.broadcast %add3A_752 : i32 to vector<16xi32>
      %add3A_754 = arith.addi %mul3A_720, %add3A_753 : vector<16xi32>
      %gather3A_755 = tpu.vector_load_idx %arg17[%add3A_754] : memref<30000xf32, #tpu.memory_space<vmem>>[vector<16xi32>], vector<16xf32>,
      %add3A_756 = arith.constant 2 : i32
      %add3A_757 = vector.broadcast %add3A_756 : i32 to vector<16xi32>
      %add3A_758 = arith.addi %mul3A_723, %add3A_757 : vector<16xi32>
      %gather3A_759 = tpu.vector_load_idx %arg17[%add3A_758] : memref<30000xf32, #tpu.memory_space<vmem>>[vector<16xi32>], vector<16xf32>,
      %sub3A_760 = arith.subf %gather3A_755, %gather3A_759 : vector<16xf32>
      %mul3A_761 = arith.mulf %sub3A_760, %sub3A_760 : vector<16xf32>
      %add3A_762 = arith.addf %add3A_749, %mul3A_761 : vector<16xf32>
      tpu.vector_store_idx %arg16[%add3A_708, %broadcast_in_dim3A_751], %sub3A_760 : memref<80x16xf32, #tpu.memory_space<vmem>>[vector<16xi32>, vector<16xi32>], vector<16xf32>,
      %broadcast_in_dim3A_763 = arith.constant 3 : i32
      %broadcast_in_dim3A_764 = vector.broadcast %broadcast_in_dim3A_763 : i32 to vector<16xi32>
      tpu.vector_store_idx %arg16[%add3A_708, %broadcast_in_dim3A_764], %add3A_762 : memref<80x16xf32, #tpu.memory_space<vmem>>[vector<16xi32>, vector<16xi32>], vector<16xf32>,
      %and3A_765 = arith.constant 7 : i32
      %and3A_766 = vector.broadcast %and3A_765 : i32 to vector<16xi32>
      %and3A_767 = arith.andi %get3A_715, %and3A_766 : vector<16xi32>
      %convert_element_type3A_768 = arith.sitofp %and3A_767 : vector<16xi32> to vector<16xf32>
      %broadcast_in_dim3A_769 = arith.constant 4 : i32
      %broadcast_in_dim3A_770 = vector.broadcast %broadcast_in_dim3A_769 : i32 to vector<16xi32>
      tpu.vector_store_idx %arg16[%add3A_708, %broadcast_in_dim3A_770], %convert_element_type3A_768 : memref<80x16xf32, #tpu.memory_space<vmem>>[vector<16xi32>, vector<16xi32>], vector<16xf32>,
      %mul3A_771 = arith.constant 32 : i32
      %mul3A_772 = arith.muli %add3A_415, %mul3A_771 : i32
      %add3A_773 = arith.addi %add3A, %mul3A_772 : i32
      %mul3A_774 = arith.constant 80 : i32
      %mul3A_775 = arith.muli %add3A_773, %mul3A_774 : i32
      %dma_start3A_776 = arith.constant 0 : i32
      %dma_start3A_777 = tpu.memref_slice %arg7[%mul3A_775, %dma_start3A_776] : memref<160000x128xf32, #tpu.memory_space<hbm>> -> memref<80x128xf32, #tpu.memory_space<hbm>>
      %dma_start3A_778 = arith.constant 0 : i32
      %dma_start3A_779 = tpu.memref_slice %arg7[%mul3A_775, %dma_start3A_778] : memref<160000x128xf32, #tpu.memory_space<hbm>> -> memref<80x128xf32, #tpu.memory_space<hbm>>
      tpu.enqueue_dma source(%arg14 : memref<80x128xf32, #tpu.memory_space<vmem>>) target(%dma_start3A_779 : memref<80x128xf32, #tpu.memory_space<hbm>>) target_semaphore(%arg19 : memref<!tpu.dma_semaphore, #tpu.memory_space<semaphore_mem>>)
      %mul3A_780 = arith.constant 32 : i32
      %mul3A_781 = arith.muli %add3A_415, %mul3A_780 : i32
      %add3A_782 = arith.addi %add3A, %mul3A_781 : i32
      %mul3A_783 = arith.constant 80 : i32
      %mul3A_784 = arith.muli %add3A_782, %mul3A_783 : i32
      %dma_start3A_785 = arith.constant 0 : i32
      %dma_start3A_786 = tpu.memref_slice %arg8[%mul3A_784, %dma_start3A_785] : memref<160000x16xf32, #tpu.memory_space<hbm>> -> memref<80x16xf32, #tpu.memory_space<hbm>>
      %dma_start3A_787 = arith.constant 0 : i32
      %dma_start3A_788 = tpu.memref_slice %arg8[%mul3A_784, %dma_start3A_787] : memref<160000x16xf32, #tpu.memory_space<hbm>> -> memref<80x16xf32, #tpu.memory_space<hbm>>
      tpu.enqueue_dma source(%arg16 : memref<80x16xf32, #tpu.memory_space<vmem>>) target(%dma_start3A_788 : memref<80x16xf32, #tpu.memory_space<hbm>>) target_semaphore(%arg19 : memref<!tpu.dma_semaphore, #tpu.memory_space<semaphore_mem>>)
    }
    %scan3A_26 = arith.constant 31 : i32
    %add3A_27 = arith.constant 1952 : i32
    %add3A_28 = arith.addi %add3A, %add3A_27 : i32
    %mul3A_29 = arith.constant 80 : i32
    %mul3A_30 = arith.muli %add3A_28, %mul3A_29 : i32
    %dma_wait3A = arith.constant 0 : i32
    %dma_wait3A_31 = tpu.memref_slice %arg7[%mul3A_30, %dma_wait3A] : memref<160000x128xf32, #tpu.memory_space<hbm>> -> memref<80x128xf32, #tpu.memory_space<hbm>>
    %dma_wait3A_32 = arith.constant 0 : i32
    %dma_wait3A_33 = tpu.memref_slice %arg7[%mul3A_30, %dma_wait3A_32] : memref<160000x128xf32, #tpu.memory_space<hbm>> -> memref<80x128xf32, #tpu.memory_space<hbm>>
    tpu.wait_dma2 semaphore(%arg19 : memref<!tpu.dma_semaphore, #tpu.memory_space<semaphore_mem>>) src(%arg14 : memref<80x128xf32, #tpu.memory_space<vmem>>) dst(%dma_wait3A_33 : memref<80x128xf32, #tpu.memory_space<hbm>>)
    %add3A_34 = arith.constant 1952 : i32
    %add3A_35 = arith.addi %add3A, %add3A_34 : i32
    %mul3A_36 = arith.constant 80 : i32
    %mul3A_37 = arith.muli %add3A_35, %mul3A_36 : i32
    %dma_wait3A_38 = arith.constant 0 : i32
    %dma_wait3A_39 = tpu.memref_slice %arg8[%mul3A_37, %dma_wait3A_38] : memref<160000x16xf32, #tpu.memory_space<hbm>> -> memref<80x16xf32, #tpu.memory_space<hbm>>
    %dma_wait3A_40 = arith.constant 0 : i32
    %dma_wait3A_41 = tpu.memref_slice %arg8[%mul3A_37, %dma_wait3A_40] : memref<160000x16xf32, #tpu.memory_space<hbm>> -> memref<80x16xf32, #tpu.memory_space<hbm>>
    tpu.wait_dma2 semaphore(%arg19 : memref<!tpu.dma_semaphore, #tpu.memory_space<semaphore_mem>>) src(%arg16 : memref<80x16xf32, #tpu.memory_space<vmem>>) dst(%dma_wait3A_41 : memref<80x16xf32, #tpu.memory_space<hbm>>)
    %lt3A = arith.constant 16 : i32
    %lt3A_42 = arith.cmpi slt, %add3A, %lt3A : i32
    %convert_element_type3A = arith.extui %lt3A_42 : i1 to i32
    %cond3A = arith.constant 0 : i32
    %cond3A_43 = arith.cmpi ne, %convert_element_type3A, %cond3A : i32
    scf.if %cond3A_43 {
      %multiple_of3A_44 = arith.constant 4960 : i32
      %multiple_of3A_45 = tpu.assume_multiple %multiple_of3A_44, 8 : i32
      %dma_start3A_46 = tpu.memref_slice %arg9[%multiple_of3A_45] : memref<5040xi32, #tpu.memory_space<vmem>> -> memref<80xi32, #tpu.memory_space<vmem>>
      %dma_start3A_47 = arith.constant 0 : i32
      %dma_start3A_48 = arith.constant 0 : i32
      %dma_start3A_49 = tpu.memref_slice %arg2[%dma_start3A_47, %dma_start3A_48] : memref<10000x128xf32, #tpu.memory_space<hbm>> -> memref<10000x128xf32, #tpu.memory_space<hbm>>
      tpu.enqueue_indirect_dma source(%dma_start3A_49 : memref<10000x128xf32, #tpu.memory_space<hbm>>) target(%arg11 : memref<80x128xf32, #tpu.memory_space<vmem>>) offsets(%dma_start3A_46 : memref<80xi32, #tpu.memory_space<vmem>>) semaphore(%arg18 : memref<!tpu.dma_semaphore, #tpu.memory_space<semaphore_mem>>)
      %dma_wait3A_50 = tpu.memref_slice %arg9[%multiple_of3A_45] : memref<5040xi32, #tpu.memory_space<vmem>> -> memref<80xi32, #tpu.memory_space<vmem>>
      %dma_wait3A_51 = arith.constant 0 : i32
      %dma_wait3A_52 = arith.constant 0 : i32
      %dma_wait3A_53 = tpu.memref_slice %arg2[%dma_wait3A_51, %dma_wait3A_52] : memref<10000x128xf32, #tpu.memory_space<hbm>> -> memref<10000x128xf32, #tpu.memory_space<hbm>>
      tpu.wait_indirect_dma semaphore(%arg18 : memref<!tpu.dma_semaphore, #tpu.memory_space<semaphore_mem>>) src(%dma_wait3A_53 : memref<10000x128xf32, #tpu.memory_space<hbm>>) dst(%arg11 : memref<80x128xf32, #tpu.memory_space<vmem>>)
      %multiple_of3A_54 = arith.constant 4960 : i32
      %multiple_of3A_55 = tpu.assume_multiple %multiple_of3A_54, 8 : i32
      %dma_start3A_56 = tpu.memref_slice %arg10[%multiple_of3A_55] : memref<5040xi32, #tpu.memory_space<vmem>> -> memref<80xi32, #tpu.memory_space<vmem>>
      %dma_start3A_57 = arith.constant 0 : i32
      %dma_start3A_58 = arith.constant 0 : i32
      %dma_start3A_59 = tpu.memref_slice %arg3[%dma_start3A_57, %dma_start3A_58] : memref<10000x128xf32, #tpu.memory_space<hbm>> -> memref<10000x128xf32, #tpu.memory_space<hbm>>
      tpu.enqueue_indirect_dma source(%dma_start3A_59 : memref<10000x128xf32, #tpu.memory_space<hbm>>) target(%arg12 : memref<80x128xf32, #tpu.memory_space<vmem>>) offsets(%dma_start3A_56 : memref<80xi32, #tpu.memory_space<vmem>>) semaphore(%arg18 : memref<!tpu.dma_semaphore, #tpu.memory_space<semaphore_mem>>)
      %dma_wait3A_60 = tpu.memref_slice %arg10[%multiple_of3A_55] : memref<5040xi32, #tpu.memory_space<vmem>> -> memref<80xi32, #tpu.memory_space<vmem>>
      %dma_wait3A_61 = arith.constant 0 : i32
      %dma_wait3A_62 = arith.constant 0 : i32
      %dma_wait3A_63 = tpu.memref_slice %arg3[%dma_wait3A_61, %dma_wait3A_62] : memref<10000x128xf32, #tpu.memory_space<hbm>> -> memref<10000x128xf32, #tpu.memory_space<hbm>>
      tpu.wait_indirect_dma semaphore(%arg18 : memref<!tpu.dma_semaphore, #tpu.memory_space<semaphore_mem>>) src(%dma_wait3A_63 : memref<10000x128xf32, #tpu.memory_space<hbm>>) dst(%arg12 : memref<80x128xf32, #tpu.memory_space<vmem>>)
      %scan3A_64 = arith.constant 0 : i32
      %scan3A_65 = arith.constant 0 : i32
      %scan3A_66 = arith.constant 80 : i32
      %scan3A_67 = arith.addi %scan3A_65, %scan3A_66 : i32
      %scan3A_68 = arith.constant 1 : i32
      scf.for %scan3A_384 = %scan3A_65 to %scan3A_67 step %scan3A_68  : i32 {
        %get3A_385 = arith.index_cast %scan3A_384 : i32 to index
        %get3A_386 = arith.constant 0 : index
        %get3A_387 = tpu.vector_load %arg11[%get3A_385, %get3A_386] {strides = array<i32>} : memref<80x128xf32, #tpu.memory_space<vmem>>, vector<16xf32>,
        %get3A_388 = arith.index_cast %scan3A_384 : i32 to index
        %get3A_389 = arith.constant 0 : index
        %get3A_390 = tpu.vector_load %arg12[%get3A_388, %get3A_389] {strides = array<i32>} : memref<80x128xf32, #tpu.memory_space<vmem>>, vector<16xf32>,
        %add3A_391 = arith.addf %get3A_387, %get3A_390 : vector<16xf32>
        %swap3A = arith.index_cast %scan3A_384 : i32 to index
        %swap3A_392 = arith.constant 0 : index
        %swap3A_393 = tpu.vector_load %arg11[%swap3A, %swap3A_392] {strides = array<i32>} : memref<80x128xf32, #tpu.memory_space<vmem>>, vector<16xf32>,
        tpu.vector_store %arg11[%swap3A, %swap3A_392], %add3A_391 {strides = array<i32>} : memref<80x128xf32, #tpu.memory_space<vmem>>, vector<16xf32>,
        %get3A_394 = arith.index_cast %scan3A_384 : i32 to index
        %get3A_395 = arith.constant 16 : index
        %get3A_396 = tpu.vector_load %arg11[%get3A_394, %get3A_395] {strides = array<i32>} : memref<80x128xf32, #tpu.memory_space<vmem>>, vector<16xf32>,
        %get3A_397 = arith.index_cast %scan3A_384 : i32 to index
        %get3A_398 = arith.constant 16 : index
        %get3A_399 = tpu.vector_load %arg12[%get3A_397, %get3A_398] {strides = array<i32>} : memref<80x128xf32, #tpu.memory_space<vmem>>, vector<16xf32>,
        %add3A_400 = arith.addf %get3A_396, %get3A_399 : vector<16xf32>
        %swap3A_401 = arith.index_cast %scan3A_384 : i32 to index
        %swap3A_402 = arith.constant 16 : index
        %swap3A_403 = tpu.vector_load %arg11[%swap3A_401, %swap3A_402] {strides = array<i32>} : memref<80x128xf32, #tpu.memory_space<vmem>>, vector<16xf32>,
        tpu.vector_store %arg11[%swap3A_401, %swap3A_402], %add3A_400 {strides = array<i32>} : memref<80x128xf32, #tpu.memory_space<vmem>>, vector<16xf32>,
        %get3A_404 = arith.index_cast %scan3A_384 : i32 to index
        %get3A_405 = arith.constant 32 : index
        %get3A_406 = tpu.vector_load %arg11[%get3A_404, %get3A_405] {strides = array<i32>} : memref<80x128xf32, #tpu.memory_space<vmem>>, vector<16xf32>,
        %get3A_407 = arith.index_cast %scan3A_384 : i32 to index
        %get3A_408 = arith.constant 32 : index
        %get3A_409 = tpu.vector_load %arg12[%get3A_407, %get3A_408] {strides = array<i32>} : memref<80x128xf32, #tpu.memory_space<vmem>>, vector<16xf32>,
        %add3A_410 = arith.addf %get3A_406, %get3A_409 : vector<16xf32>
        %swap3A_411 = arith.index_cast %scan3A_384 : i32 to index
        %swap3A_412 = arith.constant 32 : index
        %swap3A_413 = tpu.vector_load %arg11[%swap3A_411, %swap3A_412] {strides = array<i32>} : memref<80x128xf32, #tpu.memory_space<vmem>>, vector<16xf32>,
        tpu.vector_store %arg11[%swap3A_411, %swap3A_412], %add3A_410 {strides = array<i32>} : memref<80x128xf32, #tpu.memory_space<vmem>>, vector<16xf32>,
        %get3A_414 = arith.index_cast %scan3A_384 : i32 to index
        %get3A_415 = arith.constant 48 : index
        %get3A_416 = tpu.vector_load %arg11[%get3A_414, %get3A_415] {strides = array<i32>} : memref<80x128xf32, #tpu.memory_space<vmem>>, vector<16xf32>,
        %get3A_417 = arith.index_cast %scan3A_384 : i32 to index
        %get3A_418 = arith.constant 48 : index
        %get3A_419 = tpu.vector_load %arg12[%get3A_417, %get3A_418] {strides = array<i32>} : memref<80x128xf32, #tpu.memory_space<vmem>>, vector<16xf32>,
        %add3A_420 = arith.addf %get3A_416, %get3A_419 : vector<16xf32>
        %swap3A_421 = arith.index_cast %scan3A_384 : i32 to index
        %swap3A_422 = arith.constant 48 : index
        %swap3A_423 = tpu.vector_load %arg11[%swap3A_421, %swap3A_422] {strides = array<i32>} : memref<80x128xf32, #tpu.memory_space<vmem>>, vector<16xf32>,
        tpu.vector_store %arg11[%swap3A_421, %swap3A_422], %add3A_420 {strides = array<i32>} : memref<80x128xf32, #tpu.memory_space<vmem>>, vector<16xf32>,
        %get3A_424 = arith.index_cast %scan3A_384 : i32 to index
        %get3A_425 = arith.constant 64 : index
        %get3A_426 = tpu.vector_load %arg11[%get3A_424, %get3A_425] {strides = array<i32>} : memref<80x128xf32, #tpu.memory_space<vmem>>, vector<16xf32>,
        %get3A_427 = arith.index_cast %scan3A_384 : i32 to index
        %get3A_428 = arith.constant 64 : index
        %get3A_429 = tpu.vector_load %arg12[%get3A_427, %get3A_428] {strides = array<i32>} : memref<80x128xf32, #tpu.memory_space<vmem>>, vector<16xf32>,
        %add3A_430 = arith.addf %get3A_426, %get3A_429 : vector<16xf32>
        %swap3A_431 = arith.index_cast %scan3A_384 : i32 to index
        %swap3A_432 = arith.constant 64 : index
        %swap3A_433 = tpu.vector_load %arg11[%swap3A_431, %swap3A_432] {strides = array<i32>} : memref<80x128xf32, #tpu.memory_space<vmem>>, vector<16xf32>,
        tpu.vector_store %arg11[%swap3A_431, %swap3A_432], %add3A_430 {strides = array<i32>} : memref<80x128xf32, #tpu.memory_space<vmem>>, vector<16xf32>,
        %get3A_434 = arith.index_cast %scan3A_384 : i32 to index
        %get3A_435 = arith.constant 80 : index
        %get3A_436 = tpu.vector_load %arg11[%get3A_434, %get3A_435] {strides = array<i32>} : memref<80x128xf32, #tpu.memory_space<vmem>>, vector<16xf32>,
        %get3A_437 = arith.index_cast %scan3A_384 : i32 to index
        %get3A_438 = arith.constant 80 : index
        %get3A_439 = tpu.vector_load %arg12[%get3A_437, %get3A_438] {strides = array<i32>} : memref<80x128xf32, #tpu.memory_space<vmem>>, vector<16xf32>,
        %add3A_440 = arith.addf %get3A_436, %get3A_439 : vector<16xf32>
        %swap3A_441 = arith.index_cast %scan3A_384 : i32 to index
        %swap3A_442 = arith.constant 80 : index
        %swap3A_443 = tpu.vector_load %arg11[%swap3A_441, %swap3A_442] {strides = array<i32>} : memref<80x128xf32, #tpu.memory_space<vmem>>, vector<16xf32>,
        tpu.vector_store %arg11[%swap3A_441, %swap3A_442], %add3A_440 {strides = array<i32>} : memref<80x128xf32, #tpu.memory_space<vmem>>, vector<16xf32>,
        %get3A_444 = arith.index_cast %scan3A_384 : i32 to index
        %get3A_445 = arith.constant 96 : index
        %get3A_446 = tpu.vector_load %arg11[%get3A_444, %get3A_445] {strides = array<i32>} : memref<80x128xf32, #tpu.memory_space<vmem>>, vector<16xf32>,
        %get3A_447 = arith.index_cast %scan3A_384 : i32 to index
        %get3A_448 = arith.constant 96 : index
        %get3A_449 = tpu.vector_load %arg12[%get3A_447, %get3A_448] {strides = array<i32>} : memref<80x128xf32, #tpu.memory_space<vmem>>, vector<16xf32>,
        %add3A_450 = arith.addf %get3A_446, %get3A_449 : vector<16xf32>
        %swap3A_451 = arith.index_cast %scan3A_384 : i32 to index
        %swap3A_452 = arith.constant 96 : index
        %swap3A_453 = tpu.vector_load %arg11[%swap3A_451, %swap3A_452] {strides = array<i32>} : memref<80x128xf32, #tpu.memory_space<vmem>>, vector<16xf32>,
        tpu.vector_store %arg11[%swap3A_451, %swap3A_452], %add3A_450 {strides = array<i32>} : memref<80x128xf32, #tpu.memory_space<vmem>>, vector<16xf32>,
        %get3A_454 = arith.index_cast %scan3A_384 : i32 to index
        %get3A_455 = arith.constant 112 : index
        %get3A_456 = tpu.vector_load %arg11[%get3A_454, %get3A_455] {strides = array<i32>} : memref<80x128xf32, #tpu.memory_space<vmem>>, vector<16xf32>,
        %get3A_457 = arith.index_cast %scan3A_384 : i32 to index
        %get3A_458 = arith.constant 112 : index
        %get3A_459 = tpu.vector_load %arg12[%get3A_457, %get3A_458] {strides = array<i32>} : memref<80x128xf32, #tpu.memory_space<vmem>>, vector<16xf32>,
        %add3A_460 = arith.addf %get3A_456, %get3A_459 : vector<16xf32>
        %swap3A_461 = arith.index_cast %scan3A_384 : i32 to index
        %swap3A_462 = arith.constant 112 : index
        %swap3A_463 = tpu.vector_load %arg11[%swap3A_461, %swap3A_462] {strides = array<i32>} : memref<80x128xf32, #tpu.memory_space<vmem>>, vector<16xf32>,
        tpu.vector_store %arg11[%swap3A_461, %swap3A_462], %add3A_460 {strides = array<i32>} : memref<80x128xf32, #tpu.memory_space<vmem>>, vector<16xf32>,
      }
      %scan3A_69 = arith.constant 80 : i32
      %add3A_70 = arith.constant 0 : i32
      %add3A_71 = vector.broadcast %add3A_70 : i32 to vector<16xi32>
      %add3A_72 = arith.addi %add3A_71, %iota3A : vector<16xi32>
      %multiple_of3A_73 = arith.constant 4960 : i32
      %multiple_of3A_74 = tpu.assume_multiple %multiple_of3A_73, 8 : i32
      %get3A = arith.index_cast %multiple_of3A_74 : i32 to index
      %get3A_75 = tpu.vector_load %arg9[%get3A] {strides = array<i32>} : memref<5040xi32, #tpu.memory_space<vmem>>, vector<16xi32>,
      %get3A_76 = arith.index_cast %multiple_of3A_74 : i32 to index
      %get3A_77 = tpu.vector_load %arg10[%get3A_76] {strides = array<i32>} : memref<5040xi32, #tpu.memory_space<vmem>>, vector<16xi32>,
      %mul3A_78 = arith.constant 3 : i32
      %mul3A_79 = vector.broadcast %mul3A_78 : i32 to vector<16xi32>
      %mul3A_80 = arith.muli %get3A_75, %mul3A_79 : vector<16xi32>
      %mul3A_81 = arith.constant 3 : i32
      %mul3A_82 = vector.broadcast %mul3A_81 : i32 to vector<16xi32>
      %mul3A_83 = arith.muli %get3A_77, %mul3A_82 : vector<16xi32>
      %broadcast_in_dim3A_84 = arith.constant 0 : i32
      %broadcast_in_dim3A_85 = vector.broadcast %broadcast_in_dim3A_84 : i32 to vector<16xi32>
      %add3A_86 = arith.constant 0 : i32
      %add3A_87 = vector.broadcast %add3A_86 : i32 to vector<16xi32>
      %add3A_88 = arith.addi %mul3A_80, %add3A_87 : vector<16xi32>
      %gather3A = tpu.vector_load_idx %arg17[%add3A_88] : memref<30000xf32, #tpu.memory_space<vmem>>[vector<16xi32>], vector<16xf32>,
      %add3A_89 = arith.constant 0 : i32
      %add3A_90 = vector.broadcast %add3A_89 : i32 to vector<16xi32>
      %add3A_91 = arith.addi %mul3A_83, %add3A_90 : vector<16xi32>
      %gather3A_92 = tpu.vector_load_idx %arg17[%add3A_91] : memref<30000xf32, #tpu.memory_space<vmem>>[vector<16xi32>], vector<16xf32>,
      %sub3A = arith.subf %gather3A, %gather3A_92 : vector<16xf32>
      %mul3A_93 = arith.mulf %sub3A, %sub3A : vector<16xf32>
      %add3A_94 = arith.addf %broadcast_in_dim3A_5, %mul3A_93 : vector<16xf32>
      tpu.vector_store_idx %arg13[%add3A_72, %broadcast_in_dim3A_85], %sub3A : memref<80x16xf32, #tpu.memory_space<vmem>>[vector<16xi32>, vector<16xi32>], vector<16xf32>,
      %broadcast_in_dim3A_95 = arith.constant 1 : i32
      %broadcast_in_dim3A_96 = vector.broadcast %broadcast_in_dim3A_95 : i32 to vector<16xi32>
      %add3A_97 = arith.constant 1 : i32
      %add3A_98 = vector.broadcast %add3A_97 : i32 to vector<16xi32>
      %add3A_99 = arith.addi %mul3A_80, %add3A_98 : vector<16xi32>
      %gather3A_100 = tpu.vector_load_idx %arg17[%add3A_99] : memref<30000xf32, #tpu.memory_space<vmem>>[vector<16xi32>], vector<16xf32>,
      %add3A_101 = arith.constant 1 : i32
      %add3A_102 = vector.broadcast %add3A_101 : i32 to vector<16xi32>
      %add3A_103 = arith.addi %mul3A_83, %add3A_102 : vector<16xi32>
      %gather3A_104 = tpu.vector_load_idx %arg17[%add3A_103] : memref<30000xf32, #tpu.memory_space<vmem>>[vector<16xi32>], vector<16xf32>,
      %sub3A_105 = arith.subf %gather3A_100, %gather3A_104 : vector<16xf32>
      %mul3A_106 = arith.mulf %sub3A_105, %sub3A_105 : vector<16xf32>
      %add3A_107 = arith.addf %add3A_94, %mul3A_106 : vector<16xf32>
      tpu.vector_store_idx %arg13[%add3A_72, %broadcast_in_dim3A_96], %sub3A_105 : memref<80x16xf32, #tpu.memory_space<vmem>>[vector<16xi32>, vector<16xi32>], vector<16xf32>,
      %broadcast_in_dim3A_108 = arith.constant 2 : i32
      %broadcast_in_dim3A_109 = vector.broadcast %broadcast_in_dim3A_108 : i32 to vector<16xi32>
      %add3A_110 = arith.constant 2 : i32
      %add3A_111 = vector.broadcast %add3A_110 : i32 to vector<16xi32>
      %add3A_112 = arith.addi %mul3A_80, %add3A_111 : vector<16xi32>
      %gather3A_113 = tpu.vector_load_idx %arg17[%add3A_112] : memref<30000xf32, #tpu.memory_space<vmem>>[vector<16xi32>], vector<16xf32>,
      %add3A_114 = arith.constant 2 : i32
      %add3A_115 = vector.broadcast %add3A_114 : i32 to vector<16xi32>
      %add3A_116 = arith.addi %mul3A_83, %add3A_115 : vector<16xi32>
      %gather3A_117 = tpu.vector_load_idx %arg17[%add3A_116] : memref<30000xf32, #tpu.memory_space<vmem>>[vector<16xi32>], vector<16xf32>,
      %sub3A_118 = arith.subf %gather3A_113, %gather3A_117 : vector<16xf32>
      %mul3A_119 = arith.mulf %sub3A_118, %sub3A_118 : vector<16xf32>
      %add3A_120 = arith.addf %add3A_107, %mul3A_119 : vector<16xf32>
      tpu.vector_store_idx %arg13[%add3A_72, %broadcast_in_dim3A_109], %sub3A_118 : memref<80x16xf32, #tpu.memory_space<vmem>>[vector<16xi32>, vector<16xi32>], vector<16xf32>,
      %broadcast_in_dim3A_121 = arith.constant 3 : i32
      %broadcast_in_dim3A_122 = vector.broadcast %broadcast_in_dim3A_121 : i32 to vector<16xi32>
      tpu.vector_store_idx %arg13[%add3A_72, %broadcast_in_dim3A_122], %add3A_120 : memref<80x16xf32, #tpu.memory_space<vmem>>[vector<16xi32>, vector<16xi32>], vector<16xf32>,
      %and3A = arith.constant 7 : i32
      %and3A_123 = vector.broadcast %and3A : i32 to vector<16xi32>
      %and3A_124 = arith.andi %get3A_75, %and3A_123 : vector<16xi32>
      %convert_element_type3A_125 = arith.sitofp %and3A_124 : vector<16xi32> to vector<16xf32>
      %broadcast_in_dim3A_126 = arith.constant 4 : i32
      %broadcast_in_dim3A_127 = vector.broadcast %broadcast_in_dim3A_126 : i32 to vector<16xi32>
      tpu.vector_store_idx %arg13[%add3A_72, %broadcast_in_dim3A_127], %convert_element_type3A_125 : memref<80x16xf32, #tpu.memory_space<vmem>>[vector<16xi32>, vector<16xi32>], vector<16xf32>,
      %add3A_128 = arith.constant 16 : i32
      %add3A_129 = vector.broadcast %add3A_128 : i32 to vector<16xi32>
      %add3A_130 = arith.addi %add3A_129, %iota3A : vector<16xi32>
      %multiple_of3A_131 = arith.constant 4976 : i32
      %multiple_of3A_132 = tpu.assume_multiple %multiple_of3A_131, 8 : i32
      %get3A_133 = arith.index_cast %multiple_of3A_132 : i32 to index
      %get3A_134 = tpu.vector_load %arg9[%get3A_133] {strides = array<i32>} : memref<5040xi32, #tpu.memory_space<vmem>>, vector<16xi32>,
      %get3A_135 = arith.index_cast %multiple_of3A_132 : i32 to index
      %get3A_136 = tpu.vector_load %arg10[%get3A_135] {strides = array<i32>} : memref<5040xi32, #tpu.memory_space<vmem>>, vector<16xi32>,
      %mul3A_137 = arith.constant 3 : i32
      %mul3A_138 = vector.broadcast %mul3A_137 : i32 to vector<16xi32>
      %mul3A_139 = arith.muli %get3A_134, %mul3A_138 : vector<16xi32>
      %mul3A_140 = arith.constant 3 : i32
      %mul3A_141 = vector.broadcast %mul3A_140 : i32 to vector<16xi32>
      %mul3A_142 = arith.muli %get3A_136, %mul3A_141 : vector<16xi32>
      %broadcast_in_dim3A_143 = arith.constant 0 : i32
      %broadcast_in_dim3A_144 = vector.broadcast %broadcast_in_dim3A_143 : i32 to vector<16xi32>
      %add3A_145 = arith.constant 0 : i32
      %add3A_146 = vector.broadcast %add3A_145 : i32 to vector<16xi32>
      %add3A_147 = arith.addi %mul3A_139, %add3A_146 : vector<16xi32>
      %gather3A_148 = tpu.vector_load_idx %arg17[%add3A_147] : memref<30000xf32, #tpu.memory_space<vmem>>[vector<16xi32>], vector<16xf32>,
      %add3A_149 = arith.constant 0 : i32
      %add3A_150 = vector.broadcast %add3A_149 : i32 to vector<16xi32>
      %add3A_151 = arith.addi %mul3A_142, %add3A_150 : vector<16xi32>
      %gather3A_152 = tpu.vector_load_idx %arg17[%add3A_151] : memref<30000xf32, #tpu.memory_space<vmem>>[vector<16xi32>], vector<16xf32>,
      %sub3A_153 = arith.subf %gather3A_148, %gather3A_152 : vector<16xf32>
      %mul3A_154 = arith.mulf %sub3A_153, %sub3A_153 : vector<16xf32>
      %add3A_155 = arith.addf %broadcast_in_dim3A_5, %mul3A_154 : vector<16xf32>
      tpu.vector_store_idx %arg13[%add3A_130, %broadcast_in_dim3A_144], %sub3A_153 : memref<80x16xf32, #tpu.memory_space<vmem>>[vector<16xi32>, vector<16xi32>], vector<16xf32>,
      %broadcast_in_dim3A_156 = arith.constant 1 : i32
      %broadcast_in_dim3A_157 = vector.broadcast %broadcast_in_dim3A_156 : i32 to vector<16xi32>
      %add3A_158 = arith.constant 1 : i32
      %add3A_159 = vector.broadcast %add3A_158 : i32 to vector<16xi32>
      %add3A_160 = arith.addi %mul3A_139, %add3A_159 : vector<16xi32>
      %gather3A_161 = tpu.vector_load_idx %arg17[%add3A_160] : memref<30000xf32, #tpu.memory_space<vmem>>[vector<16xi32>], vector<16xf32>,
      %add3A_162 = arith.constant 1 : i32
      %add3A_163 = vector.broadcast %add3A_162 : i32 to vector<16xi32>
      %add3A_164 = arith.addi %mul3A_142, %add3A_163 : vector<16xi32>
      %gather3A_165 = tpu.vector_load_idx %arg17[%add3A_164] : memref<30000xf32, #tpu.memory_space<vmem>>[vector<16xi32>], vector<16xf32>,
      %sub3A_166 = arith.subf %gather3A_161, %gather3A_165 : vector<16xf32>
      %mul3A_167 = arith.mulf %sub3A_166, %sub3A_166 : vector<16xf32>
      %add3A_168 = arith.addf %add3A_155, %mul3A_167 : vector<16xf32>
      tpu.vector_store_idx %arg13[%add3A_130, %broadcast_in_dim3A_157], %sub3A_166 : memref<80x16xf32, #tpu.memory_space<vmem>>[vector<16xi32>, vector<16xi32>], vector<16xf32>,
      %broadcast_in_dim3A_169 = arith.constant 2 : i32
      %broadcast_in_dim3A_170 = vector.broadcast %broadcast_in_dim3A_169 : i32 to vector<16xi32>
      %add3A_171 = arith.constant 2 : i32
      %add3A_172 = vector.broadcast %add3A_171 : i32 to vector<16xi32>
      %add3A_173 = arith.addi %mul3A_139, %add3A_172 : vector<16xi32>
      %gather3A_174 = tpu.vector_load_idx %arg17[%add3A_173] : memref<30000xf32, #tpu.memory_space<vmem>>[vector<16xi32>], vector<16xf32>,
      %add3A_175 = arith.constant 2 : i32
      %add3A_176 = vector.broadcast %add3A_175 : i32 to vector<16xi32>
      %add3A_177 = arith.addi %mul3A_142, %add3A_176 : vector<16xi32>
      %gather3A_178 = tpu.vector_load_idx %arg17[%add3A_177] : memref<30000xf32, #tpu.memory_space<vmem>>[vector<16xi32>], vector<16xf32>,
      %sub3A_179 = arith.subf %gather3A_174, %gather3A_178 : vector<16xf32>
      %mul3A_180 = arith.mulf %sub3A_179, %sub3A_179 : vector<16xf32>
      %add3A_181 = arith.addf %add3A_168, %mul3A_180 : vector<16xf32>
      tpu.vector_store_idx %arg13[%add3A_130, %broadcast_in_dim3A_170], %sub3A_179 : memref<80x16xf32, #tpu.memory_space<vmem>>[vector<16xi32>, vector<16xi32>], vector<16xf32>,
      %broadcast_in_dim3A_182 = arith.constant 3 : i32
      %broadcast_in_dim3A_183 = vector.broadcast %broadcast_in_dim3A_182 : i32 to vector<16xi32>
      tpu.vector_store_idx %arg13[%add3A_130, %broadcast_in_dim3A_183], %add3A_181 : memref<80x16xf32, #tpu.memory_space<vmem>>[vector<16xi32>, vector<16xi32>], vector<16xf32>,
      %and3A_184 = arith.constant 7 : i32
      %and3A_185 = vector.broadcast %and3A_184 : i32 to vector<16xi32>
      %and3A_186 = arith.andi %get3A_134, %and3A_185 : vector<16xi32>
      %convert_element_type3A_187 = arith.sitofp %and3A_186 : vector<16xi32> to vector<16xf32>
      %broadcast_in_dim3A_188 = arith.constant 4 : i32
      %broadcast_in_dim3A_189 = vector.broadcast %broadcast_in_dim3A_188 : i32 to vector<16xi32>
      tpu.vector_store_idx %arg13[%add3A_130, %broadcast_in_dim3A_189], %convert_element_type3A_187 : memref<80x16xf32, #tpu.memory_space<vmem>>[vector<16xi32>, vector<16xi32>], vector<16xf32>,
      %add3A_190 = arith.constant 32 : i32
      %add3A_191 = vector.broadcast %add3A_190 : i32 to vector<16xi32>
      %add3A_192 = arith.addi %add3A_191, %iota3A : vector<16xi32>
      %multiple_of3A_193 = arith.constant 4992 : i32
      %multiple_of3A_194 = tpu.assume_multiple %multiple_of3A_193, 8 : i32
      %get3A_195 = arith.index_cast %multiple_of3A_194 : i32 to index
      %get3A_196 = tpu.vector_load %arg9[%get3A_195] {strides = array<i32>} : memref<5040xi32, #tpu.memory_space<vmem>>, vector<16xi32>,
      %get3A_197 = arith.index_cast %multiple_of3A_194 : i32 to index
      %get3A_198 = tpu.vector_load %arg10[%get3A_197] {strides = array<i32>} : memref<5040xi32, #tpu.memory_space<vmem>>, vector<16xi32>,
      %mul3A_199 = arith.constant 3 : i32
      %mul3A_200 = vector.broadcast %mul3A_199 : i32 to vector<16xi32>
      %mul3A_201 = arith.muli %get3A_196, %mul3A_200 : vector<16xi32>
      %mul3A_202 = arith.constant 3 : i32
      %mul3A_203 = vector.broadcast %mul3A_202 : i32 to vector<16xi32>
      %mul3A_204 = arith.muli %get3A_198, %mul3A_203 : vector<16xi32>
      %broadcast_in_dim3A_205 = arith.constant 0 : i32
      %broadcast_in_dim3A_206 = vector.broadcast %broadcast_in_dim3A_205 : i32 to vector<16xi32>
      %add3A_207 = arith.constant 0 : i32
      %add3A_208 = vector.broadcast %add3A_207 : i32 to vector<16xi32>
      %add3A_209 = arith.addi %mul3A_201, %add3A_208 : vector<16xi32>
      %gather3A_210 = tpu.vector_load_idx %arg17[%add3A_209] : memref<30000xf32, #tpu.memory_space<vmem>>[vector<16xi32>], vector<16xf32>,
      %add3A_211 = arith.constant 0 : i32
      %add3A_212 = vector.broadcast %add3A_211 : i32 to vector<16xi32>
      %add3A_213 = arith.addi %mul3A_204, %add3A_212 : vector<16xi32>
      %gather3A_214 = tpu.vector_load_idx %arg17[%add3A_213] : memref<30000xf32, #tpu.memory_space<vmem>>[vector<16xi32>], vector<16xf32>,
      %sub3A_215 = arith.subf %gather3A_210, %gather3A_214 : vector<16xf32>
      %mul3A_216 = arith.mulf %sub3A_215, %sub3A_215 : vector<16xf32>
      %add3A_217 = arith.addf %broadcast_in_dim3A_5, %mul3A_216 : vector<16xf32>
      tpu.vector_store_idx %arg13[%add3A_192, %broadcast_in_dim3A_206], %sub3A_215 : memref<80x16xf32, #tpu.memory_space<vmem>>[vector<16xi32>, vector<16xi32>], vector<16xf32>,
      %broadcast_in_dim3A_218 = arith.constant 1 : i32
      %broadcast_in_dim3A_219 = vector.broadcast %broadcast_in_dim3A_218 : i32 to vector<16xi32>
      %add3A_220 = arith.constant 1 : i32
      %add3A_221 = vector.broadcast %add3A_220 : i32 to vector<16xi32>
      %add3A_222 = arith.addi %mul3A_201, %add3A_221 : vector<16xi32>
      %gather3A_223 = tpu.vector_load_idx %arg17[%add3A_222] : memref<30000xf32, #tpu.memory_space<vmem>>[vector<16xi32>], vector<16xf32>,
      %add3A_224 = arith.constant 1 : i32
      %add3A_225 = vector.broadcast %add3A_224 : i32 to vector<16xi32>
      %add3A_226 = arith.addi %mul3A_204, %add3A_225 : vector<16xi32>
      %gather3A_227 = tpu.vector_load_idx %arg17[%add3A_226] : memref<30000xf32, #tpu.memory_space<vmem>>[vector<16xi32>], vector<16xf32>,
      %sub3A_228 = arith.subf %gather3A_223, %gather3A_227 : vector<16xf32>
      %mul3A_229 = arith.mulf %sub3A_228, %sub3A_228 : vector<16xf32>
      %add3A_230 = arith.addf %add3A_217, %mul3A_229 : vector<16xf32>
      tpu.vector_store_idx %arg13[%add3A_192, %broadcast_in_dim3A_219], %sub3A_228 : memref<80x16xf32, #tpu.memory_space<vmem>>[vector<16xi32>, vector<16xi32>], vector<16xf32>,
      %broadcast_in_dim3A_231 = arith.constant 2 : i32
      %broadcast_in_dim3A_232 = vector.broadcast %broadcast_in_dim3A_231 : i32 to vector<16xi32>
      %add3A_233 = arith.constant 2 : i32
      %add3A_234 = vector.broadcast %add3A_233 : i32 to vector<16xi32>
      %add3A_235 = arith.addi %mul3A_201, %add3A_234 : vector<16xi32>
      %gather3A_236 = tpu.vector_load_idx %arg17[%add3A_235] : memref<30000xf32, #tpu.memory_space<vmem>>[vector<16xi32>], vector<16xf32>,
      %add3A_237 = arith.constant 2 : i32
      %add3A_238 = vector.broadcast %add3A_237 : i32 to vector<16xi32>
      %add3A_239 = arith.addi %mul3A_204, %add3A_238 : vector<16xi32>
      %gather3A_240 = tpu.vector_load_idx %arg17[%add3A_239] : memref<30000xf32, #tpu.memory_space<vmem>>[vector<16xi32>], vector<16xf32>,
      %sub3A_241 = arith.subf %gather3A_236, %gather3A_240 : vector<16xf32>
      %mul3A_242 = arith.mulf %sub3A_241, %sub3A_241 : vector<16xf32>
      %add3A_243 = arith.addf %add3A_230, %mul3A_242 : vector<16xf32>
      tpu.vector_store_idx %arg13[%add3A_192, %broadcast_in_dim3A_232], %sub3A_241 : memref<80x16xf32, #tpu.memory_space<vmem>>[vector<16xi32>, vector<16xi32>], vector<16xf32>,
      %broadcast_in_dim3A_244 = arith.constant 3 : i32
      %broadcast_in_dim3A_245 = vector.broadcast %broadcast_in_dim3A_244 : i32 to vector<16xi32>
      tpu.vector_store_idx %arg13[%add3A_192, %broadcast_in_dim3A_245], %add3A_243 : memref<80x16xf32, #tpu.memory_space<vmem>>[vector<16xi32>, vector<16xi32>], vector<16xf32>,
      %and3A_246 = arith.constant 7 : i32
      %and3A_247 = vector.broadcast %and3A_246 : i32 to vector<16xi32>
      %and3A_248 = arith.andi %get3A_196, %and3A_247 : vector<16xi32>
      %convert_element_type3A_249 = arith.sitofp %and3A_248 : vector<16xi32> to vector<16xf32>
      %broadcast_in_dim3A_250 = arith.constant 4 : i32
      %broadcast_in_dim3A_251 = vector.broadcast %broadcast_in_dim3A_250 : i32 to vector<16xi32>
      tpu.vector_store_idx %arg13[%add3A_192, %broadcast_in_dim3A_251], %convert_element_type3A_249 : memref<80x16xf32, #tpu.memory_space<vmem>>[vector<16xi32>, vector<16xi32>], vector<16xf32>,
      %add3A_252 = arith.constant 48 : i32
      %add3A_253 = vector.broadcast %add3A_252 : i32 to vector<16xi32>
      %add3A_254 = arith.addi %add3A_253, %iota3A : vector<16xi32>
      %multiple_of3A_255 = arith.constant 5008 : i32
      %multiple_of3A_256 = tpu.assume_multiple %multiple_of3A_255, 8 : i32
      %get3A_257 = arith.index_cast %multiple_of3A_256 : i32 to index
      %get3A_258 = tpu.vector_load %arg9[%get3A_257] {strides = array<i32>} : memref<5040xi32, #tpu.memory_space<vmem>>, vector<16xi32>,
      %get3A_259 = arith.index_cast %multiple_of3A_256 : i32 to index
      %get3A_260 = tpu.vector_load %arg10[%get3A_259] {strides = array<i32>} : memref<5040xi32, #tpu.memory_space<vmem>>, vector<16xi32>,
      %mul3A_261 = arith.constant 3 : i32
      %mul3A_262 = vector.broadcast %mul3A_261 : i32 to vector<16xi32>
      %mul3A_263 = arith.muli %get3A_258, %mul3A_262 : vector<16xi32>
      %mul3A_264 = arith.constant 3 : i32
      %mul3A_265 = vector.broadcast %mul3A_264 : i32 to vector<16xi32>
      %mul3A_266 = arith.muli %get3A_260, %mul3A_265 : vector<16xi32>
      %broadcast_in_dim3A_267 = arith.constant 0 : i32
      %broadcast_in_dim3A_268 = vector.broadcast %broadcast_in_dim3A_267 : i32 to vector<16xi32>
      %add3A_269 = arith.constant 0 : i32
      %add3A_270 = vector.broadcast %add3A_269 : i32 to vector<16xi32>
      %add3A_271 = arith.addi %mul3A_263, %add3A_270 : vector<16xi32>
      %gather3A_272 = tpu.vector_load_idx %arg17[%add3A_271] : memref<30000xf32, #tpu.memory_space<vmem>>[vector<16xi32>], vector<16xf32>,
      %add3A_273 = arith.constant 0 : i32
      %add3A_274 = vector.broadcast %add3A_273 : i32 to vector<16xi32>
      %add3A_275 = arith.addi %mul3A_266, %add3A_274 : vector<16xi32>
      %gather3A_276 = tpu.vector_load_idx %arg17[%add3A_275] : memref<30000xf32, #tpu.memory_space<vmem>>[vector<16xi32>], vector<16xf32>,
      %sub3A_277 = arith.subf %gather3A_272, %gather3A_276 : vector<16xf32>
      %mul3A_278 = arith.mulf %sub3A_277, %sub3A_277 : vector<16xf32>
      %add3A_279 = arith.addf %broadcast_in_dim3A_5, %mul3A_278 : vector<16xf32>
      tpu.vector_store_idx %arg13[%add3A_254, %broadcast_in_dim3A_268], %sub3A_277 : memref<80x16xf32, #tpu.memory_space<vmem>>[vector<16xi32>, vector<16xi32>], vector<16xf32>,
      %broadcast_in_dim3A_280 = arith.constant 1 : i32
      %broadcast_in_dim3A_281 = vector.broadcast %broadcast_in_dim3A_280 : i32 to vector<16xi32>
      %add3A_282 = arith.constant 1 : i32
      %add3A_283 = vector.broadcast %add3A_282 : i32 to vector<16xi32>
      %add3A_284 = arith.addi %mul3A_263, %add3A_283 : vector<16xi32>
      %gather3A_285 = tpu.vector_load_idx %arg17[%add3A_284] : memref<30000xf32, #tpu.memory_space<vmem>>[vector<16xi32>], vector<16xf32>,
      %add3A_286 = arith.constant 1 : i32
      %add3A_287 = vector.broadcast %add3A_286 : i32 to vector<16xi32>
      %add3A_288 = arith.addi %mul3A_266, %add3A_287 : vector<16xi32>
      %gather3A_289 = tpu.vector_load_idx %arg17[%add3A_288] : memref<30000xf32, #tpu.memory_space<vmem>>[vector<16xi32>], vector<16xf32>,
      %sub3A_290 = arith.subf %gather3A_285, %gather3A_289 : vector<16xf32>
      %mul3A_291 = arith.mulf %sub3A_290, %sub3A_290 : vector<16xf32>
      %add3A_292 = arith.addf %add3A_279, %mul3A_291 : vector<16xf32>
      tpu.vector_store_idx %arg13[%add3A_254, %broadcast_in_dim3A_281], %sub3A_290 : memref<80x16xf32, #tpu.memory_space<vmem>>[vector<16xi32>, vector<16xi32>], vector<16xf32>,
      %broadcast_in_dim3A_293 = arith.constant 2 : i32
      %broadcast_in_dim3A_294 = vector.broadcast %broadcast_in_dim3A_293 : i32 to vector<16xi32>
      %add3A_295 = arith.constant 2 : i32
      %add3A_296 = vector.broadcast %add3A_295 : i32 to vector<16xi32>
      %add3A_297 = arith.addi %mul3A_263, %add3A_296 : vector<16xi32>
      %gather3A_298 = tpu.vector_load_idx %arg17[%add3A_297] : memref<30000xf32, #tpu.memory_space<vmem>>[vector<16xi32>], vector<16xf32>,
      %add3A_299 = arith.constant 2 : i32
      %add3A_300 = vector.broadcast %add3A_299 : i32 to vector<16xi32>
      %add3A_301 = arith.addi %mul3A_266, %add3A_300 : vector<16xi32>
      %gather3A_302 = tpu.vector_load_idx %arg17[%add3A_301] : memref<30000xf32, #tpu.memory_space<vmem>>[vector<16xi32>], vector<16xf32>,
      %sub3A_303 = arith.subf %gather3A_298, %gather3A_302 : vector<16xf32>
      %mul3A_304 = arith.mulf %sub3A_303, %sub3A_303 : vector<16xf32>
      %add3A_305 = arith.addf %add3A_292, %mul3A_304 : vector<16xf32>
      tpu.vector_store_idx %arg13[%add3A_254, %broadcast_in_dim3A_294], %sub3A_303 : memref<80x16xf32, #tpu.memory_space<vmem>>[vector<16xi32>, vector<16xi32>], vector<16xf32>,
      %broadcast_in_dim3A_306 = arith.constant 3 : i32
      %broadcast_in_dim3A_307 = vector.broadcast %broadcast_in_dim3A_306 : i32 to vector<16xi32>
      tpu.vector_store_idx %arg13[%add3A_254, %broadcast_in_dim3A_307], %add3A_305 : memref<80x16xf32, #tpu.memory_space<vmem>>[vector<16xi32>, vector<16xi32>], vector<16xf32>,
      %and3A_308 = arith.constant 7 : i32
      %and3A_309 = vector.broadcast %and3A_308 : i32 to vector<16xi32>
      %and3A_310 = arith.andi %get3A_258, %and3A_309 : vector<16xi32>
      %convert_element_type3A_311 = arith.sitofp %and3A_310 : vector<16xi32> to vector<16xf32>
      %broadcast_in_dim3A_312 = arith.constant 4 : i32
      %broadcast_in_dim3A_313 = vector.broadcast %broadcast_in_dim3A_312 : i32 to vector<16xi32>
      tpu.vector_store_idx %arg13[%add3A_254, %broadcast_in_dim3A_313], %convert_element_type3A_311 : memref<80x16xf32, #tpu.memory_space<vmem>>[vector<16xi32>, vector<16xi32>], vector<16xf32>,
      %add3A_314 = arith.constant 64 : i32
      %add3A_315 = vector.broadcast %add3A_314 : i32 to vector<16xi32>
      %add3A_316 = arith.addi %add3A_315, %iota3A : vector<16xi32>
      %multiple_of3A_317 = arith.constant 5024 : i32
      %multiple_of3A_318 = tpu.assume_multiple %multiple_of3A_317, 8 : i32
      %get3A_319 = arith.index_cast %multiple_of3A_318 : i32 to index
      %get3A_320 = tpu.vector_load %arg9[%get3A_319] {strides = array<i32>} : memref<5040xi32, #tpu.memory_space<vmem>>, vector<16xi32>,
      %get3A_321 = arith.index_cast %multiple_of3A_318 : i32 to index
      %get3A_322 = tpu.vector_load %arg10[%get3A_321] {strides = array<i32>} : memref<5040xi32, #tpu.memory_space<vmem>>, vector<16xi32>,
      %mul3A_323 = arith.constant 3 : i32
      %mul3A_324 = vector.broadcast %mul3A_323 : i32 to vector<16xi32>
      %mul3A_325 = arith.muli %get3A_320, %mul3A_324 : vector<16xi32>
      %mul3A_326 = arith.constant 3 : i32
      %mul3A_327 = vector.broadcast %mul3A_326 : i32 to vector<16xi32>
      %mul3A_328 = arith.muli %get3A_322, %mul3A_327 : vector<16xi32>
      %broadcast_in_dim3A_329 = arith.constant 0 : i32
      %broadcast_in_dim3A_330 = vector.broadcast %broadcast_in_dim3A_329 : i32 to vector<16xi32>
      %add3A_331 = arith.constant 0 : i32
      %add3A_332 = vector.broadcast %add3A_331 : i32 to vector<16xi32>
      %add3A_333 = arith.addi %mul3A_325, %add3A_332 : vector<16xi32>
      %gather3A_334 = tpu.vector_load_idx %arg17[%add3A_333] : memref<30000xf32, #tpu.memory_space<vmem>>[vector<16xi32>], vector<16xf32>,
      %add3A_335 = arith.constant 0 : i32
      %add3A_336 = vector.broadcast %add3A_335 : i32 to vector<16xi32>
      %add3A_337 = arith.addi %mul3A_328, %add3A_336 : vector<16xi32>
      %gather3A_338 = tpu.vector_load_idx %arg17[%add3A_337] : memref<30000xf32, #tpu.memory_space<vmem>>[vector<16xi32>], vector<16xf32>,
      %sub3A_339 = arith.subf %gather3A_334, %gather3A_338 : vector<16xf32>
      %mul3A_340 = arith.mulf %sub3A_339, %sub3A_339 : vector<16xf32>
      %add3A_341 = arith.addf %broadcast_in_dim3A_5, %mul3A_340 : vector<16xf32>
      tpu.vector_store_idx %arg13[%add3A_316, %broadcast_in_dim3A_330], %sub3A_339 : memref<80x16xf32, #tpu.memory_space<vmem>>[vector<16xi32>, vector<16xi32>], vector<16xf32>,
      %broadcast_in_dim3A_342 = arith.constant 1 : i32
      %broadcast_in_dim3A_343 = vector.broadcast %broadcast_in_dim3A_342 : i32 to vector<16xi32>
      %add3A_344 = arith.constant 1 : i32
      %add3A_345 = vector.broadcast %add3A_344 : i32 to vector<16xi32>
      %add3A_346 = arith.addi %mul3A_325, %add3A_345 : vector<16xi32>
      %gather3A_347 = tpu.vector_load_idx %arg17[%add3A_346] : memref<30000xf32, #tpu.memory_space<vmem>>[vector<16xi32>], vector<16xf32>,
      %add3A_348 = arith.constant 1 : i32
      %add3A_349 = vector.broadcast %add3A_348 : i32 to vector<16xi32>
      %add3A_350 = arith.addi %mul3A_328, %add3A_349 : vector<16xi32>
      %gather3A_351 = tpu.vector_load_idx %arg17[%add3A_350] : memref<30000xf32, #tpu.memory_space<vmem>>[vector<16xi32>], vector<16xf32>,
      %sub3A_352 = arith.subf %gather3A_347, %gather3A_351 : vector<16xf32>
      %mul3A_353 = arith.mulf %sub3A_352, %sub3A_352 : vector<16xf32>
      %add3A_354 = arith.addf %add3A_341, %mul3A_353 : vector<16xf32>
      tpu.vector_store_idx %arg13[%add3A_316, %broadcast_in_dim3A_343], %sub3A_352 : memref<80x16xf32, #tpu.memory_space<vmem>>[vector<16xi32>, vector<16xi32>], vector<16xf32>,
      %broadcast_in_dim3A_355 = arith.constant 2 : i32
      %broadcast_in_dim3A_356 = vector.broadcast %broadcast_in_dim3A_355 : i32 to vector<16xi32>
      %add3A_357 = arith.constant 2 : i32
      %add3A_358 = vector.broadcast %add3A_357 : i32 to vector<16xi32>
      %add3A_359 = arith.addi %mul3A_325, %add3A_358 : vector<16xi32>
      %gather3A_360 = tpu.vector_load_idx %arg17[%add3A_359] : memref<30000xf32, #tpu.memory_space<vmem>>[vector<16xi32>], vector<16xf32>,
      %add3A_361 = arith.constant 2 : i32
      %add3A_362 = vector.broadcast %add3A_361 : i32 to vector<16xi32>
      %add3A_363 = arith.addi %mul3A_328, %add3A_362 : vector<16xi32>
      %gather3A_364 = tpu.vector_load_idx %arg17[%add3A_363] : memref<30000xf32, #tpu.memory_space<vmem>>[vector<16xi32>], vector<16xf32>,
      %sub3A_365 = arith.subf %gather3A_360, %gather3A_364 : vector<16xf32>
      %mul3A_366 = arith.mulf %sub3A_365, %sub3A_365 : vector<16xf32>
      %add3A_367 = arith.addf %add3A_354, %mul3A_366 : vector<16xf32>
      tpu.vector_store_idx %arg13[%add3A_316, %broadcast_in_dim3A_356], %sub3A_365 : memref<80x16xf32, #tpu.memory_space<vmem>>[vector<16xi32>, vector<16xi32>], vector<16xf32>,
      %broadcast_in_dim3A_368 = arith.constant 3 : i32
      %broadcast_in_dim3A_369 = vector.broadcast %broadcast_in_dim3A_368 : i32 to vector<16xi32>
      tpu.vector_store_idx %arg13[%add3A_316, %broadcast_in_dim3A_369], %add3A_367 : memref<80x16xf32, #tpu.memory_space<vmem>>[vector<16xi32>, vector<16xi32>], vector<16xf32>,
      %and3A_370 = arith.constant 7 : i32
      %and3A_371 = vector.broadcast %and3A_370 : i32 to vector<16xi32>
      %and3A_372 = arith.andi %get3A_320, %and3A_371 : vector<16xi32>
      %convert_element_type3A_373 = arith.sitofp %and3A_372 : vector<16xi32> to vector<16xf32>
      %broadcast_in_dim3A_374 = arith.constant 4 : i32
      %broadcast_in_dim3A_375 = vector.broadcast %broadcast_in_dim3A_374 : i32 to vector<16xi32>
      tpu.vector_store_idx %arg13[%add3A_316, %broadcast_in_dim3A_375], %convert_element_type3A_373 : memref<80x16xf32, #tpu.memory_space<vmem>>[vector<16xi32>, vector<16xi32>], vector<16xf32>,
      %add3A_376 = arith.constant 1984 : i32
      %add3A_377 = arith.addi %add3A, %add3A_376 : i32
      %mul3A_378 = arith.constant 80 : i32
      %mul3A_379 = arith.muli %add3A_377, %mul3A_378 : i32
      "tpu.region"() ({
        %run_scoped3A = tpu.sem_alloc : memref<!tpu.dma_semaphore, #tpu.memory_space<semaphore_mem>>
        %dma_start3A_384 = arith.constant 0 : i32
        %dma_start3A_385 = tpu.memref_slice %arg7[%mul3A_379, %dma_start3A_384] : memref<160000x128xf32, #tpu.memory_space<hbm>> -> memref<80x128xf32, #tpu.memory_space<hbm>>
        %dma_start3A_386 = arith.constant 0 : i32
        %dma_start3A_387 = tpu.memref_slice %arg7[%mul3A_379, %dma_start3A_386] : memref<160000x128xf32, #tpu.memory_space<hbm>> -> memref<80x128xf32, #tpu.memory_space<hbm>>
        tpu.enqueue_dma source(%arg11 : memref<80x128xf32, #tpu.memory_space<vmem>>) target(%dma_start3A_387 : memref<80x128xf32, #tpu.memory_space<hbm>>) target_semaphore(%run_scoped3A : memref<!tpu.dma_semaphore, #tpu.memory_space<semaphore_mem>>)
        %dma_wait3A_388 = arith.constant 0 : i32
        %dma_wait3A_389 = tpu.memref_slice %arg7[%mul3A_379, %dma_wait3A_388] : memref<160000x128xf32, #tpu.memory_space<hbm>> -> memref<80x128xf32, #tpu.memory_space<hbm>>
        %dma_wait3A_390 = arith.constant 0 : i32
        %dma_wait3A_391 = tpu.memref_slice %arg7[%mul3A_379, %dma_wait3A_390] : memref<160000x128xf32, #tpu.memory_space<hbm>> -> memref<80x128xf32, #tpu.memory_space<hbm>>
        tpu.wait_dma2 semaphore(%run_scoped3A : memref<!tpu.dma_semaphore, #tpu.memory_space<semaphore_mem>>) src(%arg11 : memref<80x128xf32, #tpu.memory_space<vmem>>) dst(%dma_wait3A_391 : memref<80x128xf32, #tpu.memory_space<hbm>>)
        tpu.yield
      }) : () -> ()
      %add3A_380 = arith.constant 1984 : i32
      %add3A_381 = arith.addi %add3A, %add3A_380 : i32
      %mul3A_382 = arith.constant 80 : i32
      %mul3A_383 = arith.muli %add3A_381, %mul3A_382 : i32
      "tpu.region"() ({
        %run_scoped3A = tpu.sem_alloc : memref<!tpu.dma_semaphore, #tpu.memory_space<semaphore_mem>>
        %dma_start3A_384 = arith.constant 0 : i32
        %dma_start3A_385 = tpu.memref_slice %arg8[%mul3A_383, %dma_start3A_384] : memref<160000x16xf32, #tpu.memory_space<hbm>> -> memref<80x16xf32, #tpu.memory_space<hbm>>
        %dma_start3A_386 = arith.constant 0 : i32
        %dma_start3A_387 = tpu.memref_slice %arg8[%mul3A_383, %dma_start3A_386] : memref<160000x16xf32, #tpu.memory_space<hbm>> -> memref<80x16xf32, #tpu.memory_space<hbm>>
        tpu.enqueue_dma source(%arg13 : memref<80x16xf32, #tpu.memory_space<vmem>>) target(%dma_start3A_387 : memref<80x16xf32, #tpu.memory_space<hbm>>) target_semaphore(%run_scoped3A : memref<!tpu.dma_semaphore, #tpu.memory_space<semaphore_mem>>)
        %dma_wait3A_388 = arith.constant 0 : i32
        %dma_wait3A_389 = tpu.memref_slice %arg8[%mul3A_383, %dma_wait3A_388] : memref<160000x16xf32, #tpu.memory_space<hbm>> -> memref<80x16xf32, #tpu.memory_space<hbm>>
        %dma_wait3A_390 = arith.constant 0 : i32
        %dma_wait3A_391 = tpu.memref_slice %arg8[%mul3A_383, %dma_wait3A_390] : memref<160000x16xf32, #tpu.memory_space<hbm>> -> memref<80x16xf32, #tpu.memory_space<hbm>>
        tpu.wait_dma2 semaphore(%run_scoped3A : memref<!tpu.dma_semaphore, #tpu.memory_space<semaphore_mem>>) src(%arg13 : memref<80x16xf32, #tpu.memory_space<vmem>>) dst(%dma_wait3A_391 : memref<80x16xf32, #tpu.memory_space<hbm>>)
        tpu.yield
      }) : () -> ()
    } else {
    }
    return
  }
}

#map = affine_map<(d0, d1) -> (0, 0)>
#map1 = affine_map<(d0, d1) -> (0)>
#map2 = affine_map<(d0, d1) -> (0, 0, 0)>
module attributes {stable_mosaic.version = 14 : i64} {
  func.func @_scatter_body(%arg0: i32, %arg1: i32, %arg2: memref<160000x128xf32, #tpu.memory_space<hbm>>, %arg3: memref<160000x128xf32, #tpu.memory_space<hbm>>, %arg4: memref<160000xi32, #tpu.memory_space<hbm>>, %arg5: memref<160000xi32, #tpu.memory_space<hbm>>, %arg6: memref<10000x128xf32, #tpu.memory_space<hbm>>, %arg7: memref<2x10000x128xf32, #tpu.memory_space<hbm>>, %arg8: memref<2x1280x128xf32, #tpu.memory_space<hbm>>, %arg9: memref<64xi32, #tpu.memory_space<vmem>>, %arg10: memref<64xi32, #tpu.memory_space<vmem>>, %arg11: memref<64x128xf32, #tpu.memory_space<vmem>>, %arg12: memref<64x128xf32, #tpu.memory_space<vmem>>, %arg13: memref<64xi32, #tpu.memory_space<vmem>>, %arg14: memref<64xi32, #tpu.memory_space<vmem>>, %arg15: memref<64x128xf32, #tpu.memory_space<vmem>>, %arg16: memref<64x128xf32, #tpu.memory_space<vmem>>, %arg17: memref<10000x128xf32, #tpu.memory_space<vmem_shared>>, %arg18: memref<1280x128xf32, #tpu.memory_space<vmem_shared>>, %arg19: memref<!tpu.dma_semaphore, #tpu.memory_space<semaphore_mem>>, %arg20: memref<!tpu.dma_semaphore, #tpu.memory_space<semaphore_mem>>) attributes {dimension_semantics = [#tpu.dimension_semantics<core_parallel>, #tpu.dimension_semantics<subcore_parallel>], iteration_bounds = array<i64: 2, 16>, scalar_prefetch = 0 : i64, scratch_operands = 12 : i64, tpu.core_type = #tpu.core_type<sc_vector_subcore>, window_params = [{transform_indices = #map}, {transform_indices = #map}, {transform_indices = #map1}, {transform_indices = #map1}, {transform_indices = #map}, {transform_indices = #map2}, {transform_indices = #map2}]} {
    %mul3A = arith.constant 2 : i32
    %mul3A_0 = arith.muli %arg1, %mul3A : i32
    %add3A = arith.addi %mul3A_0, %arg0 : i32
    %mul3A_1 = arith.constant 624 : i32
    %mul3A_2 = arith.muli %arg1, %mul3A_1 : i32
    "tpu.region"() ({
      %run_scoped3A = tpu.sem_alloc : memref<!tpu.dma_semaphore, #tpu.memory_space<semaphore_mem>>
      %dma_start3A_51 = arith.constant 0 : i32
      %dma_start3A_52 = tpu.memref_slice %arg17[%mul3A_2, %dma_start3A_51] : memref<10000x128xf32, #tpu.memory_space<vmem_shared>> -> memref<640x128xf32, #tpu.memory_space<vmem_shared>>
      %dma_start3A_53 = arith.constant 0 : i32
      %dma_start3A_54 = tpu.memref_slice %arg6[%mul3A_2, %dma_start3A_53] : memref<10000x128xf32, #tpu.memory_space<hbm>> -> memref<640x128xf32, #tpu.memory_space<hbm>>
      tpu.enqueue_dma source(%dma_start3A_54 : memref<640x128xf32, #tpu.memory_space<hbm>>) target(%dma_start3A_52 : memref<640x128xf32, #tpu.memory_space<vmem_shared>>) target_semaphore(%run_scoped3A : memref<!tpu.dma_semaphore, #tpu.memory_space<semaphore_mem>>)
      %dma_wait3A_55 = arith.constant 0 : i32
      %dma_wait3A_56 = tpu.memref_slice %arg17[%mul3A_2, %dma_wait3A_55] : memref<10000x128xf32, #tpu.memory_space<vmem_shared>> -> memref<640x128xf32, #tpu.memory_space<vmem_shared>>
      %dma_wait3A_57 = arith.constant 0 : i32
      %dma_wait3A_58 = tpu.memref_slice %arg6[%mul3A_2, %dma_wait3A_57] : memref<10000x128xf32, #tpu.memory_space<hbm>> -> memref<640x128xf32, #tpu.memory_space<hbm>>
      tpu.wait_dma2 semaphore(%run_scoped3A : memref<!tpu.dma_semaphore, #tpu.memory_space<semaphore_mem>>) src(%dma_wait3A_58 : memref<640x128xf32, #tpu.memory_space<hbm>>) dst(%dma_wait3A_56 : memref<640x128xf32, #tpu.memory_space<vmem_shared>>)
      tpu.yield
    }) : () -> ()
    %mul3A_3 = arith.constant 80 : i32
    %mul3A_4 = arith.muli %arg1, %mul3A_3 : i32
    %mul3A_5 = arith.constant 80 : i32
    %mul3A_6 = arith.muli %arg1, %mul3A_5 : i32
    "tpu.region"() ({
      %run_scoped3A = tpu.sem_alloc : memref<!tpu.dma_semaphore, #tpu.memory_space<semaphore_mem>>
      %dma_start3A_51 = arith.constant 0 : i32
      %dma_start3A_52 = tpu.memref_slice %arg18[%mul3A_6, %dma_start3A_51] : memref<1280x128xf32, #tpu.memory_space<vmem_shared>> -> memref<80x128xf32, #tpu.memory_space<vmem_shared>>
      %dma_start3A_53 = arith.constant 0 : i32
      %dma_start3A_54 = tpu.memref_slice %arg6[%mul3A_4, %dma_start3A_53] : memref<10000x128xf32, #tpu.memory_space<hbm>> -> memref<80x128xf32, #tpu.memory_space<hbm>>
      tpu.enqueue_dma source(%dma_start3A_54 : memref<80x128xf32, #tpu.memory_space<hbm>>) target(%dma_start3A_52 : memref<80x128xf32, #tpu.memory_space<vmem_shared>>) target_semaphore(%run_scoped3A : memref<!tpu.dma_semaphore, #tpu.memory_space<semaphore_mem>>)
      %dma_wait3A_55 = arith.constant 0 : i32
      %dma_wait3A_56 = tpu.memref_slice %arg18[%mul3A_6, %dma_wait3A_55] : memref<1280x128xf32, #tpu.memory_space<vmem_shared>> -> memref<80x128xf32, #tpu.memory_space<vmem_shared>>
      %dma_wait3A_57 = arith.constant 0 : i32
      %dma_wait3A_58 = tpu.memref_slice %arg6[%mul3A_4, %dma_wait3A_57] : memref<10000x128xf32, #tpu.memory_space<hbm>> -> memref<80x128xf32, #tpu.memory_space<hbm>>
      tpu.wait_dma2 semaphore(%run_scoped3A : memref<!tpu.dma_semaphore, #tpu.memory_space<semaphore_mem>>) src(%dma_wait3A_58 : memref<80x128xf32, #tpu.memory_space<hbm>>) dst(%dma_wait3A_56 : memref<80x128xf32, #tpu.memory_space<vmem_shared>>)
      tpu.yield
    }) : () -> ()
    %barrier3A = arith.constant 0 : index
    tpu.barrier barrier_id(%barrier3A)
    %add3A_7 = arith.constant 0 : i32
    %add3A_8 = arith.addi %add3A, %add3A_7 : i32
    %mul3A_9 = arith.constant 64 : i32
    %mul3A_10 = arith.muli %add3A_8, %mul3A_9 : i32
    %dma_start3A = tpu.memref_slice %arg4[%mul3A_10] : memref<160000xi32, #tpu.memory_space<hbm>> -> memref<64xi32, #tpu.memory_space<hbm>>
    %dma_start3A_11 = tpu.memref_slice %arg4[%mul3A_10] : memref<160000xi32, #tpu.memory_space<hbm>> -> memref<64xi32, #tpu.memory_space<hbm>>
    tpu.enqueue_dma source(%dma_start3A_11 : memref<64xi32, #tpu.memory_space<hbm>>) target(%arg9 : memref<64xi32, #tpu.memory_space<vmem>>) target_semaphore(%arg19 : memref<!tpu.dma_semaphore, #tpu.memory_space<semaphore_mem>>)
    %add3A_12 = arith.constant 0 : i32
    %add3A_13 = arith.addi %add3A, %add3A_12 : i32
    %mul3A_14 = arith.constant 64 : i32
    %mul3A_15 = arith.muli %add3A_13, %mul3A_14 : i32
    %dma_start3A_16 = tpu.memref_slice %arg5[%mul3A_15] : memref<160000xi32, #tpu.memory_space<hbm>> -> memref<64xi32, #tpu.memory_space<hbm>>
    %dma_start3A_17 = tpu.memref_slice %arg5[%mul3A_15] : memref<160000xi32, #tpu.memory_space<hbm>> -> memref<64xi32, #tpu.memory_space<hbm>>
    tpu.enqueue_dma source(%dma_start3A_17 : memref<64xi32, #tpu.memory_space<hbm>>) target(%arg10 : memref<64xi32, #tpu.memory_space<vmem>>) target_semaphore(%arg19 : memref<!tpu.dma_semaphore, #tpu.memory_space<semaphore_mem>>)
    %add3A_18 = arith.constant 0 : i32
    %add3A_19 = arith.addi %add3A, %add3A_18 : i32
    %mul3A_20 = arith.constant 64 : i32
    %mul3A_21 = arith.muli %add3A_19, %mul3A_20 : i32
    %dma_start3A_22 = arith.constant 0 : i32
    %dma_start3A_23 = tpu.memref_slice %arg2[%mul3A_21, %dma_start3A_22] : memref<160000x128xf32, #tpu.memory_space<hbm>> -> memref<64x128xf32, #tpu.memory_space<hbm>>
    %dma_start3A_24 = arith.constant 0 : i32
    %dma_start3A_25 = tpu.memref_slice %arg2[%mul3A_21, %dma_start3A_24] : memref<160000x128xf32, #tpu.memory_space<hbm>> -> memref<64x128xf32, #tpu.memory_space<hbm>>
    tpu.enqueue_dma source(%dma_start3A_25 : memref<64x128xf32, #tpu.memory_space<hbm>>) target(%arg11 : memref<64x128xf32, #tpu.memory_space<vmem>>) target_semaphore(%arg19 : memref<!tpu.dma_semaphore, #tpu.memory_space<semaphore_mem>>)
    %add3A_26 = arith.constant 0 : i32
    %add3A_27 = arith.addi %add3A, %add3A_26 : i32
    %mul3A_28 = arith.constant 64 : i32
    %mul3A_29 = arith.muli %add3A_27, %mul3A_28 : i32
    %dma_start3A_30 = arith.constant 0 : i32
    %dma_start3A_31 = tpu.memref_slice %arg3[%mul3A_29, %dma_start3A_30] : memref<160000x128xf32, #tpu.memory_space<hbm>> -> memref<64x128xf32, #tpu.memory_space<hbm>>
    %dma_start3A_32 = arith.constant 0 : i32
    %dma_start3A_33 = tpu.memref_slice %arg3[%mul3A_29, %dma_start3A_32] : memref<160000x128xf32, #tpu.memory_space<hbm>> -> memref<64x128xf32, #tpu.memory_space<hbm>>
    tpu.enqueue_dma source(%dma_start3A_33 : memref<64x128xf32, #tpu.memory_space<hbm>>) target(%arg12 : memref<64x128xf32, #tpu.memory_space<vmem>>) target_semaphore(%arg19 : memref<!tpu.dma_semaphore, #tpu.memory_space<semaphore_mem>>)
    %scan3A = arith.constant 0 : i32
    %scan3A_34 = arith.constant 0 : i32
    %scan3A_35 = arith.constant 39 : i32
    %scan3A_36 = arith.addi %scan3A_34, %scan3A_35 : i32
    %scan3A_37 = arith.constant 1 : i32
    scf.for %scan3A_51 = %scan3A_34 to %scan3A_36 step %scan3A_37  : i32 {
      %mul3A_52 = arith.constant 2 : i32
      %mul3A_53 = arith.muli %mul3A_52, %scan3A_51 : i32
      %ge3A = arith.constant 1 : i32
      %ge3A_54 = arith.cmpi sge, %mul3A_53, %ge3A : i32
      %convert_element_type3A_55 = arith.extui %ge3A_54 : i1 to i32
      %cond3A_56 = arith.constant 0 : i32
      %cond3A_57 = arith.cmpi ne, %convert_element_type3A_55, %cond3A_56 : i32
      scf.if %cond3A_57 {
        %dma_wait3A_150 = arith.constant 0 : i32
        %dma_wait3A_151 = arith.constant 0 : i32
        %dma_wait3A_152 = tpu.memref_slice %arg17[%dma_wait3A_150, %dma_wait3A_151] : memref<10000x128xf32, #tpu.memory_space<vmem_shared>> -> memref<10000x128xf32, #tpu.memory_space<vmem_shared>>
        tpu.wait_indirect_dma semaphore(%arg20 : memref<!tpu.dma_semaphore, #tpu.memory_space<semaphore_mem>>) src(%arg15 : memref<64x128xf32, #tpu.memory_space<vmem>>) dst(%dma_wait3A_152 : memref<10000x128xf32, #tpu.memory_space<vmem_shared>>)
        %dma_wait3A_153 = arith.constant 0 : i32
        %dma_wait3A_154 = arith.constant 0 : i32
        %dma_wait3A_155 = tpu.memref_slice %arg18[%dma_wait3A_153, %dma_wait3A_154] : memref<1280x128xf32, #tpu.memory_space<vmem_shared>> -> memref<1280x128xf32, #tpu.memory_space<vmem_shared>>
        tpu.wait_indirect_dma semaphore(%arg20 : memref<!tpu.dma_semaphore, #tpu.memory_space<semaphore_mem>>) src(%arg16 : memref<64x128xf32, #tpu.memory_space<vmem>>) dst(%dma_wait3A_155 : memref<1280x128xf32, #tpu.memory_space<vmem_shared>>)
      } else {
      }
      %le3A = arith.constant 76 : i32
      %le3A_58 = arith.cmpi sle, %mul3A_53, %le3A : i32
      %convert_element_type3A_59 = arith.extui %le3A_58 : i1 to i32
      %cond3A_60 = arith.constant 0 : i32
      %cond3A_61 = arith.cmpi ne, %convert_element_type3A_59, %cond3A_60 : i32
      scf.if %cond3A_61 {
        %add3A_150 = arith.constant 1 : i32
        %add3A_151 = arith.addi %mul3A_53, %add3A_150 : i32
        %mul3A_152 = arith.constant 32 : i32
        %mul3A_153 = arith.muli %add3A_151, %mul3A_152 : i32
        %add3A_154 = arith.addi %add3A, %mul3A_153 : i32
        %mul3A_155 = arith.constant 64 : i32
        %mul3A_156 = arith.muli %add3A_154, %mul3A_155 : i32
        %dma_start3A_157 = tpu.memref_slice %arg4[%mul3A_156] : memref<160000xi32, #tpu.memory_space<hbm>> -> memref<64xi32, #tpu.memory_space<hbm>>
        %dma_start3A_158 = tpu.memref_slice %arg4[%mul3A_156] : memref<160000xi32, #tpu.memory_space<hbm>> -> memref<64xi32, #tpu.memory_space<hbm>>
        tpu.enqueue_dma source(%dma_start3A_158 : memref<64xi32, #tpu.memory_space<hbm>>) target(%arg13 : memref<64xi32, #tpu.memory_space<vmem>>) target_semaphore(%arg19 : memref<!tpu.dma_semaphore, #tpu.memory_space<semaphore_mem>>)
        %mul3A_159 = arith.constant 32 : i32
        %mul3A_160 = arith.muli %add3A_151, %mul3A_159 : i32
        %add3A_161 = arith.addi %add3A, %mul3A_160 : i32
        %mul3A_162 = arith.constant 64 : i32
        %mul3A_163 = arith.muli %add3A_161, %mul3A_162 : i32
        %dma_start3A_164 = tpu.memref_slice %arg5[%mul3A_163] : memref<160000xi32, #tpu.memory_space<hbm>> -> memref<64xi32, #tpu.memory_space<hbm>>
        %dma_start3A_165 = tpu.memref_slice %arg5[%mul3A_163] : memref<160000xi32, #tpu.memory_space<hbm>> -> memref<64xi32, #tpu.memory_space<hbm>>
        tpu.enqueue_dma source(%dma_start3A_165 : memref<64xi32, #tpu.memory_space<hbm>>) target(%arg14 : memref<64xi32, #tpu.memory_space<vmem>>) target_semaphore(%arg19 : memref<!tpu.dma_semaphore, #tpu.memory_space<semaphore_mem>>)
        %mul3A_166 = arith.constant 32 : i32
        %mul3A_167 = arith.muli %add3A_151, %mul3A_166 : i32
        %add3A_168 = arith.addi %add3A, %mul3A_167 : i32
        %mul3A_169 = arith.constant 64 : i32
        %mul3A_170 = arith.muli %add3A_168, %mul3A_169 : i32
        %dma_start3A_171 = arith.constant 0 : i32
        %dma_start3A_172 = tpu.memref_slice %arg2[%mul3A_170, %dma_start3A_171] : memref<160000x128xf32, #tpu.memory_space<hbm>> -> memref<64x128xf32, #tpu.memory_space<hbm>>
        %dma_start3A_173 = arith.constant 0 : i32
        %dma_start3A_174 = tpu.memref_slice %arg2[%mul3A_170, %dma_start3A_173] : memref<160000x128xf32, #tpu.memory_space<hbm>> -> memref<64x128xf32, #tpu.memory_space<hbm>>
        tpu.enqueue_dma source(%dma_start3A_174 : memref<64x128xf32, #tpu.memory_space<hbm>>) target(%arg15 : memref<64x128xf32, #tpu.memory_space<vmem>>) target_semaphore(%arg19 : memref<!tpu.dma_semaphore, #tpu.memory_space<semaphore_mem>>)
        %mul3A_175 = arith.constant 32 : i32
        %mul3A_176 = arith.muli %add3A_151, %mul3A_175 : i32
        %add3A_177 = arith.addi %add3A, %mul3A_176 : i32
        %mul3A_178 = arith.constant 64 : i32
        %mul3A_179 = arith.muli %add3A_177, %mul3A_178 : i32
        %dma_start3A_180 = arith.constant 0 : i32
        %dma_start3A_181 = tpu.memref_slice %arg3[%mul3A_179, %dma_start3A_180] : memref<160000x128xf32, #tpu.memory_space<hbm>> -> memref<64x128xf32, #tpu.memory_space<hbm>>
        %dma_start3A_182 = arith.constant 0 : i32
        %dma_start3A_183 = tpu.memref_slice %arg3[%mul3A_179, %dma_start3A_182] : memref<160000x128xf32, #tpu.memory_space<hbm>> -> memref<64x128xf32, #tpu.memory_space<hbm>>
        tpu.enqueue_dma source(%dma_start3A_183 : memref<64x128xf32, #tpu.memory_space<hbm>>) target(%arg16 : memref<64x128xf32, #tpu.memory_space<vmem>>) target_semaphore(%arg19 : memref<!tpu.dma_semaphore, #tpu.memory_space<semaphore_mem>>)
      } else {
      }
      %mul3A_62 = arith.constant 32 : i32
      %mul3A_63 = arith.muli %mul3A_53, %mul3A_62 : i32
      %add3A_64 = arith.addi %add3A, %mul3A_63 : i32
      %mul3A_65 = arith.constant 64 : i32
      %mul3A_66 = arith.muli %add3A_64, %mul3A_65 : i32
      %dma_wait3A_67 = tpu.memref_slice %arg4[%mul3A_66] : memref<160000xi32, #tpu.memory_space<hbm>> -> memref<64xi32, #tpu.memory_space<hbm>>
      %dma_wait3A_68 = tpu.memref_slice %arg4[%mul3A_66] : memref<160000xi32, #tpu.memory_space<hbm>> -> memref<64xi32, #tpu.memory_space<hbm>>
      tpu.wait_dma2 semaphore(%arg19 : memref<!tpu.dma_semaphore, #tpu.memory_space<semaphore_mem>>) src(%dma_wait3A_68 : memref<64xi32, #tpu.memory_space<hbm>>) dst(%arg9 : memref<64xi32, #tpu.memory_space<vmem>>)
      %mul3A_69 = arith.constant 32 : i32
      %mul3A_70 = arith.muli %mul3A_53, %mul3A_69 : i32
      %add3A_71 = arith.addi %add3A, %mul3A_70 : i32
      %mul3A_72 = arith.constant 64 : i32
      %mul3A_73 = arith.muli %add3A_71, %mul3A_72 : i32
      %dma_wait3A_74 = tpu.memref_slice %arg5[%mul3A_73] : memref<160000xi32, #tpu.memory_space<hbm>> -> memref<64xi32, #tpu.memory_space<hbm>>
      %dma_wait3A_75 = tpu.memref_slice %arg5[%mul3A_73] : memref<160000xi32, #tpu.memory_space<hbm>> -> memref<64xi32, #tpu.memory_space<hbm>>
      tpu.wait_dma2 semaphore(%arg19 : memref<!tpu.dma_semaphore, #tpu.memory_space<semaphore_mem>>) src(%dma_wait3A_75 : memref<64xi32, #tpu.memory_space<hbm>>) dst(%arg10 : memref<64xi32, #tpu.memory_space<vmem>>)
      %mul3A_76 = arith.constant 32 : i32
      %mul3A_77 = arith.muli %mul3A_53, %mul3A_76 : i32
      %add3A_78 = arith.addi %add3A, %mul3A_77 : i32
      %mul3A_79 = arith.constant 64 : i32
      %mul3A_80 = arith.muli %add3A_78, %mul3A_79 : i32
      %dma_wait3A_81 = arith.constant 0 : i32
      %dma_wait3A_82 = tpu.memref_slice %arg2[%mul3A_80, %dma_wait3A_81] : memref<160000x128xf32, #tpu.memory_space<hbm>> -> memref<64x128xf32, #tpu.memory_space<hbm>>
      %dma_wait3A_83 = arith.constant 0 : i32
      %dma_wait3A_84 = tpu.memref_slice %arg2[%mul3A_80, %dma_wait3A_83] : memref<160000x128xf32, #tpu.memory_space<hbm>> -> memref<64x128xf32, #tpu.memory_space<hbm>>
      tpu.wait_dma2 semaphore(%arg19 : memref<!tpu.dma_semaphore, #tpu.memory_space<semaphore_mem>>) src(%dma_wait3A_84 : memref<64x128xf32, #tpu.memory_space<hbm>>) dst(%arg11 : memref<64x128xf32, #tpu.memory_space<vmem>>)
      %mul3A_85 = arith.constant 32 : i32
      %mul3A_86 = arith.muli %mul3A_53, %mul3A_85 : i32
      %add3A_87 = arith.addi %add3A, %mul3A_86 : i32
      %mul3A_88 = arith.constant 64 : i32
      %mul3A_89 = arith.muli %add3A_87, %mul3A_88 : i32
      %dma_wait3A_90 = arith.constant 0 : i32
      %dma_wait3A_91 = tpu.memref_slice %arg3[%mul3A_89, %dma_wait3A_90] : memref<160000x128xf32, #tpu.memory_space<hbm>> -> memref<64x128xf32, #tpu.memory_space<hbm>>
      %dma_wait3A_92 = arith.constant 0 : i32
      %dma_wait3A_93 = tpu.memref_slice %arg3[%mul3A_89, %dma_wait3A_92] : memref<160000x128xf32, #tpu.memory_space<hbm>> -> memref<64x128xf32, #tpu.memory_space<hbm>>
      tpu.wait_dma2 semaphore(%arg19 : memref<!tpu.dma_semaphore, #tpu.memory_space<semaphore_mem>>) src(%dma_wait3A_93 : memref<64x128xf32, #tpu.memory_space<hbm>>) dst(%arg12 : memref<64x128xf32, #tpu.memory_space<vmem>>)
      %dma_start3A_94 = arith.constant 0 : i32
      %dma_start3A_95 = arith.constant 0 : i32
      %dma_start3A_96 = tpu.memref_slice %arg17[%dma_start3A_94, %dma_start3A_95] : memref<10000x128xf32, #tpu.memory_space<vmem_shared>> -> memref<10000x128xf32, #tpu.memory_space<vmem_shared>>
      tpu.enqueue_indirect_dma source(%arg11 : memref<64x128xf32, #tpu.memory_space<vmem>>) target(%dma_start3A_96 : memref<10000x128xf32, #tpu.memory_space<vmem_shared>>) offsets(%arg9 : memref<64xi32, #tpu.memory_space<vmem>>) semaphore(%arg20 : memref<!tpu.dma_semaphore, #tpu.memory_space<semaphore_mem>>) {add = true}
      %dma_start3A_97 = arith.constant 0 : i32
      %dma_start3A_98 = arith.constant 0 : i32
      %dma_start3A_99 = tpu.memref_slice %arg18[%dma_start3A_97, %dma_start3A_98] : memref<1280x128xf32, #tpu.memory_space<vmem_shared>> -> memref<1280x128xf32, #tpu.memory_space<vmem_shared>>
      tpu.enqueue_indirect_dma source(%arg12 : memref<64x128xf32, #tpu.memory_space<vmem>>) target(%dma_start3A_99 : memref<1280x128xf32, #tpu.memory_space<vmem_shared>>) offsets(%arg10 : memref<64xi32, #tpu.memory_space<vmem>>) semaphore(%arg20 : memref<!tpu.dma_semaphore, #tpu.memory_space<semaphore_mem>>) {add = true}
      %add3A_100 = arith.constant 1 : i32
      %add3A_101 = arith.addi %mul3A_53, %add3A_100 : i32
      %ge3A_102 = arith.constant 1 : i32
      %ge3A_103 = arith.cmpi sge, %add3A_101, %ge3A_102 : i32
      %convert_element_type3A_104 = arith.extui %ge3A_103 : i1 to i32
      %cond3A_105 = arith.constant 0 : i32
      %cond3A_106 = arith.cmpi ne, %convert_element_type3A_104, %cond3A_105 : i32
      scf.if %cond3A_106 {
        %dma_wait3A_150 = arith.constant 0 : i32
        %dma_wait3A_151 = arith.constant 0 : i32
        %dma_wait3A_152 = tpu.memref_slice %arg17[%dma_wait3A_150, %dma_wait3A_151] : memref<10000x128xf32, #tpu.memory_space<vmem_shared>> -> memref<10000x128xf32, #tpu.memory_space<vmem_shared>>
        tpu.wait_indirect_dma semaphore(%arg20 : memref<!tpu.dma_semaphore, #tpu.memory_space<semaphore_mem>>) src(%arg11 : memref<64x128xf32, #tpu.memory_space<vmem>>) dst(%dma_wait3A_152 : memref<10000x128xf32, #tpu.memory_space<vmem_shared>>)
        %dma_wait3A_153 = arith.constant 0 : i32
        %dma_wait3A_154 = arith.constant 0 : i32
        %dma_wait3A_155 = tpu.memref_slice %arg18[%dma_wait3A_153, %dma_wait3A_154] : memref<1280x128xf32, #tpu.memory_space<vmem_shared>> -> memref<1280x128xf32, #tpu.memory_space<vmem_shared>>
        tpu.wait_indirect_dma semaphore(%arg20 : memref<!tpu.dma_semaphore, #tpu.memory_space<semaphore_mem>>) src(%arg12 : memref<64x128xf32, #tpu.memory_space<vmem>>) dst(%dma_wait3A_155 : memref<1280x128xf32, #tpu.memory_space<vmem_shared>>)
      } else {
      }
      %le3A_107 = arith.constant 76 : i32
      %le3A_108 = arith.cmpi sle, %add3A_101, %le3A_107 : i32
      %convert_element_type3A_109 = arith.extui %le3A_108 : i1 to i32
      %cond3A_110 = arith.constant 0 : i32
      %cond3A_111 = arith.cmpi ne, %convert_element_type3A_109, %cond3A_110 : i32
      scf.if %cond3A_111 {
        %add3A_150 = arith.constant 1 : i32
        %add3A_151 = arith.addi %add3A_101, %add3A_150 : i32
        %mul3A_152 = arith.constant 32 : i32
        %mul3A_153 = arith.muli %add3A_151, %mul3A_152 : i32
        %add3A_154 = arith.addi %add3A, %mul3A_153 : i32
        %mul3A_155 = arith.constant 64 : i32
        %mul3A_156 = arith.muli %add3A_154, %mul3A_155 : i32
        %dma_start3A_157 = tpu.memref_slice %arg4[%mul3A_156] : memref<160000xi32, #tpu.memory_space<hbm>> -> memref<64xi32, #tpu.memory_space<hbm>>
        %dma_start3A_158 = tpu.memref_slice %arg4[%mul3A_156] : memref<160000xi32, #tpu.memory_space<hbm>> -> memref<64xi32, #tpu.memory_space<hbm>>
        tpu.enqueue_dma source(%dma_start3A_158 : memref<64xi32, #tpu.memory_space<hbm>>) target(%arg9 : memref<64xi32, #tpu.memory_space<vmem>>) target_semaphore(%arg19 : memref<!tpu.dma_semaphore, #tpu.memory_space<semaphore_mem>>)
        %mul3A_159 = arith.constant 32 : i32
        %mul3A_160 = arith.muli %add3A_151, %mul3A_159 : i32
        %add3A_161 = arith.addi %add3A, %mul3A_160 : i32
        %mul3A_162 = arith.constant 64 : i32
        %mul3A_163 = arith.muli %add3A_161, %mul3A_162 : i32
        %dma_start3A_164 = tpu.memref_slice %arg5[%mul3A_163] : memref<160000xi32, #tpu.memory_space<hbm>> -> memref<64xi32, #tpu.memory_space<hbm>>
        %dma_start3A_165 = tpu.memref_slice %arg5[%mul3A_163] : memref<160000xi32, #tpu.memory_space<hbm>> -> memref<64xi32, #tpu.memory_space<hbm>>
        tpu.enqueue_dma source(%dma_start3A_165 : memref<64xi32, #tpu.memory_space<hbm>>) target(%arg10 : memref<64xi32, #tpu.memory_space<vmem>>) target_semaphore(%arg19 : memref<!tpu.dma_semaphore, #tpu.memory_space<semaphore_mem>>)
        %mul3A_166 = arith.constant 32 : i32
        %mul3A_167 = arith.muli %add3A_151, %mul3A_166 : i32
        %add3A_168 = arith.addi %add3A, %mul3A_167 : i32
        %mul3A_169 = arith.constant 64 : i32
        %mul3A_170 = arith.muli %add3A_168, %mul3A_169 : i32
        %dma_start3A_171 = arith.constant 0 : i32
        %dma_start3A_172 = tpu.memref_slice %arg2[%mul3A_170, %dma_start3A_171] : memref<160000x128xf32, #tpu.memory_space<hbm>> -> memref<64x128xf32, #tpu.memory_space<hbm>>
        %dma_start3A_173 = arith.constant 0 : i32
        %dma_start3A_174 = tpu.memref_slice %arg2[%mul3A_170, %dma_start3A_173] : memref<160000x128xf32, #tpu.memory_space<hbm>> -> memref<64x128xf32, #tpu.memory_space<hbm>>
        tpu.enqueue_dma source(%dma_start3A_174 : memref<64x128xf32, #tpu.memory_space<hbm>>) target(%arg11 : memref<64x128xf32, #tpu.memory_space<vmem>>) target_semaphore(%arg19 : memref<!tpu.dma_semaphore, #tpu.memory_space<semaphore_mem>>)
        %mul3A_175 = arith.constant 32 : i32
        %mul3A_176 = arith.muli %add3A_151, %mul3A_175 : i32
        %add3A_177 = arith.addi %add3A, %mul3A_176 : i32
        %mul3A_178 = arith.constant 64 : i32
        %mul3A_179 = arith.muli %add3A_177, %mul3A_178 : i32
        %dma_start3A_180 = arith.constant 0 : i32
        %dma_start3A_181 = tpu.memref_slice %arg3[%mul3A_179, %dma_start3A_180] : memref<160000x128xf32, #tpu.memory_space<hbm>> -> memref<64x128xf32, #tpu.memory_space<hbm>>
        %dma_start3A_182 = arith.constant 0 : i32
        %dma_start3A_183 = tpu.memref_slice %arg3[%mul3A_179, %dma_start3A_182] : memref<160000x128xf32, #tpu.memory_space<hbm>> -> memref<64x128xf32, #tpu.memory_space<hbm>>
        tpu.enqueue_dma source(%dma_start3A_183 : memref<64x128xf32, #tpu.memory_space<hbm>>) target(%arg12 : memref<64x128xf32, #tpu.memory_space<vmem>>) target_semaphore(%arg19 : memref<!tpu.dma_semaphore, #tpu.memory_space<semaphore_mem>>)
      } else {
      }
      %mul3A_112 = arith.constant 32 : i32
      %mul3A_113 = arith.muli %add3A_101, %mul3A_112 : i32
      %add3A_114 = arith.addi %add3A, %mul3A_113 : i32
      %mul3A_115 = arith.constant 64 : i32
      %mul3A_116 = arith.muli %add3A_114, %mul3A_115 : i32
      %dma_wait3A_117 = tpu.memref_slice %arg4[%mul3A_116] : memref<160000xi32, #tpu.memory_space<hbm>> -> memref<64xi32, #tpu.memory_space<hbm>>
      %dma_wait3A_118 = tpu.memref_slice %arg4[%mul3A_116] : memref<160000xi32, #tpu.memory_space<hbm>> -> memref<64xi32, #tpu.memory_space<hbm>>
      tpu.wait_dma2 semaphore(%arg19 : memref<!tpu.dma_semaphore, #tpu.memory_space<semaphore_mem>>) src(%dma_wait3A_118 : memref<64xi32, #tpu.memory_space<hbm>>) dst(%arg13 : memref<64xi32, #tpu.memory_space<vmem>>)
      %mul3A_119 = arith.constant 32 : i32
      %mul3A_120 = arith.muli %add3A_101, %mul3A_119 : i32
      %add3A_121 = arith.addi %add3A, %mul3A_120 : i32
      %mul3A_122 = arith.constant 64 : i32
      %mul3A_123 = arith.muli %add3A_121, %mul3A_122 : i32
      %dma_wait3A_124 = tpu.memref_slice %arg5[%mul3A_123] : memref<160000xi32, #tpu.memory_space<hbm>> -> memref<64xi32, #tpu.memory_space<hbm>>
      %dma_wait3A_125 = tpu.memref_slice %arg5[%mul3A_123] : memref<160000xi32, #tpu.memory_space<hbm>> -> memref<64xi32, #tpu.memory_space<hbm>>
      tpu.wait_dma2 semaphore(%arg19 : memref<!tpu.dma_semaphore, #tpu.memory_space<semaphore_mem>>) src(%dma_wait3A_125 : memref<64xi32, #tpu.memory_space<hbm>>) dst(%arg14 : memref<64xi32, #tpu.memory_space<vmem>>)
      %mul3A_126 = arith.constant 32 : i32
      %mul3A_127 = arith.muli %add3A_101, %mul3A_126 : i32
      %add3A_128 = arith.addi %add3A, %mul3A_127 : i32
      %mul3A_129 = arith.constant 64 : i32
      %mul3A_130 = arith.muli %add3A_128, %mul3A_129 : i32
      %dma_wait3A_131 = arith.constant 0 : i32
      %dma_wait3A_132 = tpu.memref_slice %arg2[%mul3A_130, %dma_wait3A_131] : memref<160000x128xf32, #tpu.memory_space<hbm>> -> memref<64x128xf32, #tpu.memory_space<hbm>>
      %dma_wait3A_133 = arith.constant 0 : i32
      %dma_wait3A_134 = tpu.memref_slice %arg2[%mul3A_130, %dma_wait3A_133] : memref<160000x128xf32, #tpu.memory_space<hbm>> -> memref<64x128xf32, #tpu.memory_space<hbm>>
      tpu.wait_dma2 semaphore(%arg19 : memref<!tpu.dma_semaphore, #tpu.memory_space<semaphore_mem>>) src(%dma_wait3A_134 : memref<64x128xf32, #tpu.memory_space<hbm>>) dst(%arg15 : memref<64x128xf32, #tpu.memory_space<vmem>>)
      %mul3A_135 = arith.constant 32 : i32
      %mul3A_136 = arith.muli %add3A_101, %mul3A_135 : i32
      %add3A_137 = arith.addi %add3A, %mul3A_136 : i32
      %mul3A_138 = arith.constant 64 : i32
      %mul3A_139 = arith.muli %add3A_137, %mul3A_138 : i32
      %dma_wait3A_140 = arith.constant 0 : i32
      %dma_wait3A_141 = tpu.memref_slice %arg3[%mul3A_139, %dma_wait3A_140] : memref<160000x128xf32, #tpu.memory_space<hbm>> -> memref<64x128xf32, #tpu.memory_space<hbm>>
      %dma_wait3A_142 = arith.constant 0 : i32
      %dma_wait3A_143 = tpu.memref_slice %arg3[%mul3A_139, %dma_wait3A_142] : memref<160000x128xf32, #tpu.memory_space<hbm>> -> memref<64x128xf32, #tpu.memory_space<hbm>>
      tpu.wait_dma2 semaphore(%arg19 : memref<!tpu.dma_semaphore, #tpu.memory_space<semaphore_mem>>) src(%dma_wait3A_143 : memref<64x128xf32, #tpu.memory_space<hbm>>) dst(%arg16 : memref<64x128xf32, #tpu.memory_space<vmem>>)
      %dma_start3A_144 = arith.constant 0 : i32
      %dma_start3A_145 = arith.constant 0 : i32
      %dma_start3A_146 = tpu.memref_slice %arg17[%dma_start3A_144, %dma_start3A_145] : memref<10000x128xf32, #tpu.memory_space<vmem_shared>> -> memref<10000x128xf32, #tpu.memory_space<vmem_shared>>
      tpu.enqueue_indirect_dma source(%arg15 : memref<64x128xf32, #tpu.memory_space<vmem>>) target(%dma_start3A_146 : memref<10000x128xf32, #tpu.memory_space<vmem_shared>>) offsets(%arg13 : memref<64xi32, #tpu.memory_space<vmem>>) semaphore(%arg20 : memref<!tpu.dma_semaphore, #tpu.memory_space<semaphore_mem>>) {add = true}
      %dma_start3A_147 = arith.constant 0 : i32
      %dma_start3A_148 = arith.constant 0 : i32
      %dma_start3A_149 = tpu.memref_slice %arg18[%dma_start3A_147, %dma_start3A_148] : memref<1280x128xf32, #tpu.memory_space<vmem_shared>> -> memref<1280x128xf32, #tpu.memory_space<vmem_shared>>
      tpu.enqueue_indirect_dma source(%arg16 : memref<64x128xf32, #tpu.memory_space<vmem>>) target(%dma_start3A_149 : memref<1280x128xf32, #tpu.memory_space<vmem_shared>>) offsets(%arg14 : memref<64xi32, #tpu.memory_space<vmem>>) semaphore(%arg20 : memref<!tpu.dma_semaphore, #tpu.memory_space<semaphore_mem>>) {add = true}
    }
    %scan3A_38 = arith.constant 39 : i32
    %dma_wait3A = arith.constant 0 : i32
    %dma_wait3A_39 = arith.constant 0 : i32
    %dma_wait3A_40 = tpu.memref_slice %arg17[%dma_wait3A, %dma_wait3A_39] : memref<10000x128xf32, #tpu.memory_space<vmem_shared>> -> memref<10000x128xf32, #tpu.memory_space<vmem_shared>>
    tpu.wait_indirect_dma semaphore(%arg20 : memref<!tpu.dma_semaphore, #tpu.memory_space<semaphore_mem>>) src(%arg15 : memref<64x128xf32, #tpu.memory_space<vmem>>) dst(%dma_wait3A_40 : memref<10000x128xf32, #tpu.memory_space<vmem_shared>>)
    %dma_wait3A_41 = arith.constant 0 : i32
    %dma_wait3A_42 = arith.constant 0 : i32
    %dma_wait3A_43 = tpu.memref_slice %arg18[%dma_wait3A_41, %dma_wait3A_42] : memref<1280x128xf32, #tpu.memory_space<vmem_shared>> -> memref<1280x128xf32, #tpu.memory_space<vmem_shared>>
    tpu.wait_indirect_dma semaphore(%arg20 : memref<!tpu.dma_semaphore, #tpu.memory_space<semaphore_mem>>) src(%arg16 : memref<64x128xf32, #tpu.memory_space<vmem>>) dst(%dma_wait3A_43 : memref<1280x128xf32, #tpu.memory_space<vmem_shared>>)
    %lt3A = arith.constant 4 : i32
    %lt3A_44 = arith.cmpi slt, %add3A, %lt3A : i32
    %convert_element_type3A = arith.extui %lt3A_44 : i1 to i32
    %cond3A = arith.constant 0 : i32
    %cond3A_45 = arith.cmpi ne, %convert_element_type3A, %cond3A : i32
    scf.if %cond3A_45 {
      %add3A_51 = arith.constant 2496 : i32
      %add3A_52 = arith.addi %add3A, %add3A_51 : i32
      %mul3A_53 = arith.constant 64 : i32
      %mul3A_54 = arith.muli %add3A_52, %mul3A_53 : i32
      %dma_start3A_55 = tpu.memref_slice %arg4[%mul3A_54] : memref<160000xi32, #tpu.memory_space<hbm>> -> memref<64xi32, #tpu.memory_space<hbm>>
      %dma_start3A_56 = tpu.memref_slice %arg4[%mul3A_54] : memref<160000xi32, #tpu.memory_space<hbm>> -> memref<64xi32, #tpu.memory_space<hbm>>
      tpu.enqueue_dma source(%dma_start3A_56 : memref<64xi32, #tpu.memory_space<hbm>>) target(%arg9 : memref<64xi32, #tpu.memory_space<vmem>>) target_semaphore(%arg19 : memref<!tpu.dma_semaphore, #tpu.memory_space<semaphore_mem>>)
      %add3A_57 = arith.constant 2496 : i32
      %add3A_58 = arith.addi %add3A, %add3A_57 : i32
      %mul3A_59 = arith.constant 64 : i32
      %mul3A_60 = arith.muli %add3A_58, %mul3A_59 : i32
      %dma_start3A_61 = tpu.memref_slice %arg5[%mul3A_60] : memref<160000xi32, #tpu.memory_space<hbm>> -> memref<64xi32, #tpu.memory_space<hbm>>
      %dma_start3A_62 = tpu.memref_slice %arg5[%mul3A_60] : memref<160000xi32, #tpu.memory_space<hbm>> -> memref<64xi32, #tpu.memory_space<hbm>>
      tpu.enqueue_dma source(%dma_start3A_62 : memref<64xi32, #tpu.memory_space<hbm>>) target(%arg10 : memref<64xi32, #tpu.memory_space<vmem>>) target_semaphore(%arg19 : memref<!tpu.dma_semaphore, #tpu.memory_space<semaphore_mem>>)
      %add3A_63 = arith.constant 2496 : i32
      %add3A_64 = arith.addi %add3A, %add3A_63 : i32
      %mul3A_65 = arith.constant 64 : i32
      %mul3A_66 = arith.muli %add3A_64, %mul3A_65 : i32
      %dma_start3A_67 = arith.constant 0 : i32
      %dma_start3A_68 = tpu.memref_slice %arg2[%mul3A_66, %dma_start3A_67] : memref<160000x128xf32, #tpu.memory_space<hbm>> -> memref<64x128xf32, #tpu.memory_space<hbm>>
      %dma_start3A_69 = arith.constant 0 : i32
      %dma_start3A_70 = tpu.memref_slice %arg2[%mul3A_66, %dma_start3A_69] : memref<160000x128xf32, #tpu.memory_space<hbm>> -> memref<64x128xf32, #tpu.memory_space<hbm>>
      tpu.enqueue_dma source(%dma_start3A_70 : memref<64x128xf32, #tpu.memory_space<hbm>>) target(%arg11 : memref<64x128xf32, #tpu.memory_space<vmem>>) target_semaphore(%arg19 : memref<!tpu.dma_semaphore, #tpu.memory_space<semaphore_mem>>)
      %add3A_71 = arith.constant 2496 : i32
      %add3A_72 = arith.addi %add3A, %add3A_71 : i32
      %mul3A_73 = arith.constant 64 : i32
      %mul3A_74 = arith.muli %add3A_72, %mul3A_73 : i32
      %dma_start3A_75 = arith.constant 0 : i32
      %dma_start3A_76 = tpu.memref_slice %arg3[%mul3A_74, %dma_start3A_75] : memref<160000x128xf32, #tpu.memory_space<hbm>> -> memref<64x128xf32, #tpu.memory_space<hbm>>
      %dma_start3A_77 = arith.constant 0 : i32
      %dma_start3A_78 = tpu.memref_slice %arg3[%mul3A_74, %dma_start3A_77] : memref<160000x128xf32, #tpu.memory_space<hbm>> -> memref<64x128xf32, #tpu.memory_space<hbm>>
      tpu.enqueue_dma source(%dma_start3A_78 : memref<64x128xf32, #tpu.memory_space<hbm>>) target(%arg12 : memref<64x128xf32, #tpu.memory_space<vmem>>) target_semaphore(%arg19 : memref<!tpu.dma_semaphore, #tpu.memory_space<semaphore_mem>>)
      %add3A_79 = arith.constant 2496 : i32
      %add3A_80 = arith.addi %add3A, %add3A_79 : i32
      %mul3A_81 = arith.constant 64 : i32
      %mul3A_82 = arith.muli %add3A_80, %mul3A_81 : i32
      %dma_wait3A_83 = tpu.memref_slice %arg4[%mul3A_82] : memref<160000xi32, #tpu.memory_space<hbm>> -> memref<64xi32, #tpu.memory_space<hbm>>
      %dma_wait3A_84 = tpu.memref_slice %arg4[%mul3A_82] : memref<160000xi32, #tpu.memory_space<hbm>> -> memref<64xi32, #tpu.memory_space<hbm>>
      tpu.wait_dma2 semaphore(%arg19 : memref<!tpu.dma_semaphore, #tpu.memory_space<semaphore_mem>>) src(%dma_wait3A_84 : memref<64xi32, #tpu.memory_space<hbm>>) dst(%arg9 : memref<64xi32, #tpu.memory_space<vmem>>)
      %add3A_85 = arith.constant 2496 : i32
      %add3A_86 = arith.addi %add3A, %add3A_85 : i32
      %mul3A_87 = arith.constant 64 : i32
      %mul3A_88 = arith.muli %add3A_86, %mul3A_87 : i32
      %dma_wait3A_89 = tpu.memref_slice %arg5[%mul3A_88] : memref<160000xi32, #tpu.memory_space<hbm>> -> memref<64xi32, #tpu.memory_space<hbm>>
      %dma_wait3A_90 = tpu.memref_slice %arg5[%mul3A_88] : memref<160000xi32, #tpu.memory_space<hbm>> -> memref<64xi32, #tpu.memory_space<hbm>>
      tpu.wait_dma2 semaphore(%arg19 : memref<!tpu.dma_semaphore, #tpu.memory_space<semaphore_mem>>) src(%dma_wait3A_90 : memref<64xi32, #tpu.memory_space<hbm>>) dst(%arg10 : memref<64xi32, #tpu.memory_space<vmem>>)
      %add3A_91 = arith.constant 2496 : i32
      %add3A_92 = arith.addi %add3A, %add3A_91 : i32
      %mul3A_93 = arith.constant 64 : i32
      %mul3A_94 = arith.muli %add3A_92, %mul3A_93 : i32
      %dma_wait3A_95 = arith.constant 0 : i32
      %dma_wait3A_96 = tpu.memref_slice %arg2[%mul3A_94, %dma_wait3A_95] : memref<160000x128xf32, #tpu.memory_space<hbm>> -> memref<64x128xf32, #tpu.memory_space<hbm>>
      %dma_wait3A_97 = arith.constant 0 : i32
      %dma_wait3A_98 = tpu.memref_slice %arg2[%mul3A_94, %dma_wait3A_97] : memref<160000x128xf32, #tpu.memory_space<hbm>> -> memref<64x128xf32, #tpu.memory_space<hbm>>
      tpu.wait_dma2 semaphore(%arg19 : memref<!tpu.dma_semaphore, #tpu.memory_space<semaphore_mem>>) src(%dma_wait3A_98 : memref<64x128xf32, #tpu.memory_space<hbm>>) dst(%arg11 : memref<64x128xf32, #tpu.memory_space<vmem>>)
      %add3A_99 = arith.constant 2496 : i32
      %add3A_100 = arith.addi %add3A, %add3A_99 : i32
      %mul3A_101 = arith.constant 64 : i32
      %mul3A_102 = arith.muli %add3A_100, %mul3A_101 : i32
      %dma_wait3A_103 = arith.constant 0 : i32
      %dma_wait3A_104 = tpu.memref_slice %arg3[%mul3A_102, %dma_wait3A_103] : memref<160000x128xf32, #tpu.memory_space<hbm>> -> memref<64x128xf32, #tpu.memory_space<hbm>>
      %dma_wait3A_105 = arith.constant 0 : i32
      %dma_wait3A_106 = tpu.memref_slice %arg3[%mul3A_102, %dma_wait3A_105] : memref<160000x128xf32, #tpu.memory_space<hbm>> -> memref<64x128xf32, #tpu.memory_space<hbm>>
      tpu.wait_dma2 semaphore(%arg19 : memref<!tpu.dma_semaphore, #tpu.memory_space<semaphore_mem>>) src(%dma_wait3A_106 : memref<64x128xf32, #tpu.memory_space<hbm>>) dst(%arg12 : memref<64x128xf32, #tpu.memory_space<vmem>>)
      "tpu.region"() ({
        %run_scoped3A = tpu.sem_alloc : memref<!tpu.dma_semaphore, #tpu.memory_space<semaphore_mem>>
        %dma_start3A_107 = arith.constant 0 : i32
        %dma_start3A_108 = arith.constant 0 : i32
        %dma_start3A_109 = tpu.memref_slice %arg17[%dma_start3A_107, %dma_start3A_108] : memref<10000x128xf32, #tpu.memory_space<vmem_shared>> -> memref<10000x128xf32, #tpu.memory_space<vmem_shared>>
        tpu.enqueue_indirect_dma source(%arg11 : memref<64x128xf32, #tpu.memory_space<vmem>>) target(%dma_start3A_109 : memref<10000x128xf32, #tpu.memory_space<vmem_shared>>) offsets(%arg9 : memref<64xi32, #tpu.memory_space<vmem>>) semaphore(%run_scoped3A : memref<!tpu.dma_semaphore, #tpu.memory_space<semaphore_mem>>) {add = true}
        %dma_wait3A_110 = arith.constant 0 : i32
        %dma_wait3A_111 = arith.constant 0 : i32
        %dma_wait3A_112 = tpu.memref_slice %arg17[%dma_wait3A_110, %dma_wait3A_111] : memref<10000x128xf32, #tpu.memory_space<vmem_shared>> -> memref<10000x128xf32, #tpu.memory_space<vmem_shared>>
        tpu.wait_indirect_dma semaphore(%run_scoped3A : memref<!tpu.dma_semaphore, #tpu.memory_space<semaphore_mem>>) src(%arg11 : memref<64x128xf32, #tpu.memory_space<vmem>>) dst(%dma_wait3A_112 : memref<10000x128xf32, #tpu.memory_space<vmem_shared>>)
        tpu.yield
      }) : () -> ()
      "tpu.region"() ({
        %run_scoped3A = tpu.sem_alloc : memref<!tpu.dma_semaphore, #tpu.memory_space<semaphore_mem>>
        %dma_start3A_107 = arith.constant 0 : i32
        %dma_start3A_108 = arith.constant 0 : i32
        %dma_start3A_109 = tpu.memref_slice %arg18[%dma_start3A_107, %dma_start3A_108] : memref<1280x128xf32, #tpu.memory_space<vmem_shared>> -> memref<1280x128xf32, #tpu.memory_space<vmem_shared>>
        tpu.enqueue_indirect_dma source(%arg12 : memref<64x128xf32, #tpu.memory_space<vmem>>) target(%dma_start3A_109 : memref<1280x128xf32, #tpu.memory_space<vmem_shared>>) offsets(%arg10 : memref<64xi32, #tpu.memory_space<vmem>>) semaphore(%run_scoped3A : memref<!tpu.dma_semaphore, #tpu.memory_space<semaphore_mem>>) {add = true}
        %dma_wait3A_110 = arith.constant 0 : i32
        %dma_wait3A_111 = arith.constant 0 : i32
        %dma_wait3A_112 = tpu.memref_slice %arg18[%dma_wait3A_110, %dma_wait3A_111] : memref<1280x128xf32, #tpu.memory_space<vmem_shared>> -> memref<1280x128xf32, #tpu.memory_space<vmem_shared>>
        tpu.wait_indirect_dma semaphore(%run_scoped3A : memref<!tpu.dma_semaphore, #tpu.memory_space<semaphore_mem>>) src(%arg12 : memref<64x128xf32, #tpu.memory_space<vmem>>) dst(%dma_wait3A_112 : memref<1280x128xf32, #tpu.memory_space<vmem_shared>>)
        tpu.yield
      }) : () -> ()
    } else {
    }
    %barrier3A_46 = arith.constant 0 : index
    tpu.barrier barrier_id(%barrier3A_46)
    "tpu.region"() ({
      %run_scoped3A = tpu.sem_alloc : memref<!tpu.dma_semaphore, #tpu.memory_space<semaphore_mem>>
      %dma_start3A_51 = arith.constant 0 : i32
      %dma_start3A_52 = tpu.memref_slice %arg7[%arg0, %mul3A_2, %dma_start3A_51] : memref<2x10000x128xf32, #tpu.memory_space<hbm>> -> memref<1x640x128xf32, #tpu.memory_space<hbm>>
      %dma_start3A_53 = tpu.memref_squeeze %dma_start3A_52 : memref<1x640x128xf32, #tpu.memory_space<hbm>> -> memref<640x128xf32, #tpu.memory_space<hbm>>
      %dma_start3A_54 = arith.constant 0 : i32
      %dma_start3A_55 = tpu.memref_slice %arg17[%mul3A_2, %dma_start3A_54] : memref<10000x128xf32, #tpu.memory_space<vmem_shared>> -> memref<640x128xf32, #tpu.memory_space<vmem_shared>>
      tpu.enqueue_dma source(%dma_start3A_55 : memref<640x128xf32, #tpu.memory_space<vmem_shared>>) target(%dma_start3A_53 : memref<640x128xf32, #tpu.memory_space<hbm>>) target_semaphore(%run_scoped3A : memref<!tpu.dma_semaphore, #tpu.memory_space<semaphore_mem>>)
      %dma_wait3A_56 = arith.constant 0 : i32
      %dma_wait3A_57 = tpu.memref_slice %arg7[%arg0, %mul3A_2, %dma_wait3A_56] : memref<2x10000x128xf32, #tpu.memory_space<hbm>> -> memref<1x640x128xf32, #tpu.memory_space<hbm>>
      %dma_wait3A_58 = tpu.memref_squeeze %dma_wait3A_57 : memref<1x640x128xf32, #tpu.memory_space<hbm>> -> memref<640x128xf32, #tpu.memory_space<hbm>>
      %dma_wait3A_59 = arith.constant 0 : i32
      %dma_wait3A_60 = tpu.memref_slice %arg17[%mul3A_2, %dma_wait3A_59] : memref<10000x128xf32, #tpu.memory_space<vmem_shared>> -> memref<640x128xf32, #tpu.memory_space<vmem_shared>>
      tpu.wait_dma2 semaphore(%run_scoped3A : memref<!tpu.dma_semaphore, #tpu.memory_space<semaphore_mem>>) src(%dma_wait3A_60 : memref<640x128xf32, #tpu.memory_space<vmem_shared>>) dst(%dma_wait3A_58 : memref<640x128xf32, #tpu.memory_space<hbm>>)
      tpu.yield
    }) : () -> ()
    %mul3A_47 = arith.constant 80 : i32
    %mul3A_48 = arith.muli %arg1, %mul3A_47 : i32
    %mul3A_49 = arith.constant 80 : i32
    %mul3A_50 = arith.muli %arg1, %mul3A_49 : i32
    "tpu.region"() ({
      %run_scoped3A = tpu.sem_alloc : memref<!tpu.dma_semaphore, #tpu.memory_space<semaphore_mem>>
      %dma_start3A_51 = arith.constant 0 : i32
      %dma_start3A_52 = tpu.memref_slice %arg8[%arg0, %mul3A_50, %dma_start3A_51] : memref<2x1280x128xf32, #tpu.memory_space<hbm>> -> memref<1x80x128xf32, #tpu.memory_space<hbm>>
      %dma_start3A_53 = tpu.memref_squeeze %dma_start3A_52 : memref<1x80x128xf32, #tpu.memory_space<hbm>> -> memref<80x128xf32, #tpu.memory_space<hbm>>
      %dma_start3A_54 = arith.constant 0 : i32
      %dma_start3A_55 = tpu.memref_slice %arg18[%mul3A_48, %dma_start3A_54] : memref<1280x128xf32, #tpu.memory_space<vmem_shared>> -> memref<80x128xf32, #tpu.memory_space<vmem_shared>>
      tpu.enqueue_dma source(%dma_start3A_55 : memref<80x128xf32, #tpu.memory_space<vmem_shared>>) target(%dma_start3A_53 : memref<80x128xf32, #tpu.memory_space<hbm>>) target_semaphore(%run_scoped3A : memref<!tpu.dma_semaphore, #tpu.memory_space<semaphore_mem>>)
      %dma_wait3A_56 = arith.constant 0 : i32
      %dma_wait3A_57 = tpu.memref_slice %arg8[%arg0, %mul3A_50, %dma_wait3A_56] : memref<2x1280x128xf32, #tpu.memory_space<hbm>> -> memref<1x80x128xf32, #tpu.memory_space<hbm>>
      %dma_wait3A_58 = tpu.memref_squeeze %dma_wait3A_57 : memref<1x80x128xf32, #tpu.memory_space<hbm>> -> memref<80x128xf32, #tpu.memory_space<hbm>>
      %dma_wait3A_59 = arith.constant 0 : i32
      %dma_wait3A_60 = tpu.memref_slice %arg18[%mul3A_48, %dma_wait3A_59] : memref<1280x128xf32, #tpu.memory_space<vmem_shared>> -> memref<80x128xf32, #tpu.memory_space<vmem_shared>>
      tpu.wait_dma2 semaphore(%run_scoped3A : memref<!tpu.dma_semaphore, #tpu.memory_space<semaphore_mem>>) src(%dma_wait3A_60 : memref<80x128xf32, #tpu.memory_space<vmem_shared>>) dst(%dma_wait3A_58 : memref<80x128xf32, #tpu.memory_space<hbm>>)
      tpu.yield
    }) : () -> ()
    return
  }
}

module attributes {stable_mosaic.version = 14 : i64} {
  func.func @_pre_body(%arg0: i32, %arg1: memref<2000x128xf32, #tpu.memory_space<vmem>>, %arg2: memref<128x128xf32, #tpu.memory_space<vmem>>, %arg3: memref<128x128xf32, #tpu.memory_space<vmem>>, %arg4: memref<2000x128xf32, #tpu.memory_space<vmem>>, %arg5: memref<2000x128xf32, #tpu.memory_space<vmem>>) attributes {dimension_semantics = [#tpu.dimension_semantics<arbitrary>], iteration_bounds = array<i64: 5>, scalar_prefetch = 0 : i64, scratch_operands = 0 : i64, tpu.core_type = #tpu.core_type<tc>, window_params = [{transform_indices = @transform_0, window_bounds = array<i64: 2000, 128>}, {pipeline_mode = #tpu.pipeline_mode<synchronous>, transform_indices = @transform_1, window_bounds = array<i64: 128, 128>}, {pipeline_mode = #tpu.pipeline_mode<synchronous>, transform_indices = @transform_2, window_bounds = array<i64: 128, 128>}, {transform_indices = @transform_3, window_bounds = array<i64: 2000, 128>}, {transform_indices = @transform_4, window_bounds = array<i64: 2000, 128>}]} {
    %get3A = arith.constant 0 : index
    %get3A_0 = arith.constant 0 : index
    %get3A_1 = vector.load %arg1[%get3A, %get3A_0] : memref<2000x128xf32, #tpu.memory_space<vmem>>, vector<2000x128xf32>
    %get3A_2 = arith.constant 0 : index
    %get3A_3 = arith.constant 0 : index
    %get3A_4 = vector.load %arg2[%get3A_2, %get3A_3] : memref<128x128xf32, #tpu.memory_space<vmem>>, vector<128x128xf32>
    %dot_general3A = arith.constant dense<0.000000e+00> : vector<2000x128xf32>
    %dot_general3A_5 = tpu.matmul %get3A_1, %get3A_4, %dot_general3A {dimension_numbers = #tpu.dot_dimension_numbers<[1], [0], [0], [1], [0, 0, 1, 1], [], []>, transpose_lhs_hint = false} : vector<2000x128xf32>, vector<128x128xf32>, vector<2000x128xf32> -> vector<2000x128xf32>
    %swap3A = arith.constant 0 : index
    %swap3A_6 = arith.constant 0 : index
    %swap3A_7 = vector.load %arg4[%swap3A, %swap3A_6] : memref<2000x128xf32, #tpu.memory_space<vmem>>, vector<2000x128xf32>
    tpu.vector_store %arg4[%swap3A, %swap3A_6], %dot_general3A_5 {strides = array<i32>} : memref<2000x128xf32, #tpu.memory_space<vmem>>, vector<2000x128xf32>,
    %get3A_8 = arith.constant 0 : index
    %get3A_9 = arith.constant 0 : index
    %get3A_10 = vector.load %arg3[%get3A_8, %get3A_9] : memref<128x128xf32, #tpu.memory_space<vmem>>, vector<128x128xf32>
    %dot_general3A_11 = arith.constant dense<0.000000e+00> : vector<2000x128xf32>
    %dot_general3A_12 = tpu.matmul %get3A_1, %get3A_10, %dot_general3A_11 {dimension_numbers = #tpu.dot_dimension_numbers<[1], [0], [0], [1], [0, 0, 1, 1], [], []>, transpose_lhs_hint = false} : vector<2000x128xf32>, vector<128x128xf32>, vector<2000x128xf32> -> vector<2000x128xf32>
    %swap3A_13 = arith.constant 0 : index
    %swap3A_14 = arith.constant 0 : index
    %swap3A_15 = vector.load %arg5[%swap3A_13, %swap3A_14] : memref<2000x128xf32, #tpu.memory_space<vmem>>, vector<2000x128xf32>
    tpu.vector_store %arg5[%swap3A_13, %swap3A_14], %dot_general3A_12 {strides = array<i32>} : memref<2000x128xf32, #tpu.memory_space<vmem>>, vector<2000x128xf32>,
    return
  }
  func.func @transform_0(%arg0: i32) -> (i32, i32) {
    %c0_i32 = arith.constant 0 : i32
    %c0_i32_0 = arith.constant 0 : i32
    return %arg0, %c0_i32 : i32, i32
  }
  func.func @transform_1(%arg0: i32) -> (i32, i32) {
    %c0_i32 = arith.constant 0 : i32
    %c0_i32_0 = arith.constant 0 : i32
    %c0_i32_1 = arith.constant 0 : i32
    return %c0_i32, %c0_i32_0 : i32, i32
  }
  func.func @transform_2(%arg0: i32) -> (i32, i32) {
    %c0_i32 = arith.constant 0 : i32
    %c0_i32_0 = arith.constant 0 : i32
    %c0_i32_1 = arith.constant 0 : i32
    return %c0_i32, %c0_i32_0 : i32, i32
  }
  func.func @transform_3(%arg0: i32) -> (i32, i32) {
    %c0_i32 = arith.constant 0 : i32
    %c0_i32_0 = arith.constant 0 : i32
    return %arg0, %c0_i32 : i32, i32
  }
  func.func @transform_4(%arg0: i32) -> (i32, i32) {
    %c0_i32 = arith.constant 0 : i32
    %c0_i32_0 = arith.constant 0 : i32
    return %arg0, %c0_i32 : i32, i32
  }
}

module attributes {stable_mosaic.version = 14 : i64} {
  func.func @_edge_body(%arg0: i32, %arg1: memref<2000x128xf32, #tpu.memory_space<vmem>>, %arg2: memref<2000x16xf32, #tpu.memory_space<vmem>>, %arg3: memref<2000x16xf32, #tpu.memory_space<vmem>>, %arg4: memref<1x128xf32, #tpu.memory_space<vmem>>, %arg5: memref<16x128xf32, #tpu.memory_space<vmem>>, %arg6: memref<1x128xf32, #tpu.memory_space<vmem>>, %arg7: memref<128x128xf32, #tpu.memory_space<vmem>>, %arg8: memref<1x128xf32, #tpu.memory_space<vmem>>, %arg9: memref<128x128xf32, #tpu.memory_space<vmem>>, %arg10: memref<1x128xf32, #tpu.memory_space<vmem>>, %arg11: memref<1x128xf32, #tpu.memory_space<vmem>>, %arg12: memref<2000x128xf32, #tpu.memory_space<vmem>>, %arg13: memref<2000x128xf32, #tpu.memory_space<vmem>>) attributes {dimension_semantics = [#tpu.dimension_semantics<arbitrary>], iteration_bounds = array<i64: 80>, scalar_prefetch = 0 : i64, scratch_operands = 0 : i64, tpu.core_type = #tpu.core_type<tc>, window_params = [{transform_indices = @transform_0, window_bounds = array<i64: 2000, 128>}, {transform_indices = @transform_1, window_bounds = array<i64: 2000, 16>}, {transform_indices = @transform_2, window_bounds = array<i64: 2000, 16>}, {pipeline_mode = #tpu.pipeline_mode<synchronous>, transform_indices = @transform_3, window_bounds = array<i64: 1, 128>}, {pipeline_mode = #tpu.pipeline_mode<synchronous>, transform_indices = @transform_4, window_bounds = array<i64: 16, 128>}, {pipeline_mode = #tpu.pipeline_mode<synchronous>, transform_indices = @transform_5, window_bounds = array<i64: 1, 128>}, {pipeline_mode = #tpu.pipeline_mode<synchronous>, transform_indices = @transform_6, window_bounds = array<i64: 128, 128>}, {pipeline_mode = #tpu.pipeline_mode<synchronous>, transform_indices = @transform_7, window_bounds = array<i64: 1, 128>}, {pipeline_mode = #tpu.pipeline_mode<synchronous>, transform_indices = @transform_8, window_bounds = array<i64: 128, 128>}, {pipeline_mode = #tpu.pipeline_mode<synchronous>, transform_indices = @transform_9, window_bounds = array<i64: 1, 128>}, {pipeline_mode = #tpu.pipeline_mode<synchronous>, transform_indices = @transform_10, window_bounds = array<i64: 1, 128>}, {transform_indices = @transform_11, window_bounds = array<i64: 2000, 128>}, {transform_indices = @transform_12, window_bounds = array<i64: 2000, 128>}]} {
    %get3A = arith.constant 0 : index
    %get3A_0 = arith.constant 0 : index
    %get3A_1 = vector.load %arg1[%get3A, %get3A_0] : memref<2000x128xf32, #tpu.memory_space<vmem>>, vector<2000x128xf32>
    %get3A_2 = arith.constant 0 : index
    %get3A_3 = arith.constant 0 : index
    %get3A_4 = vector.load %arg2[%get3A_2, %get3A_3] : memref<2000x16xf32, #tpu.memory_space<vmem>>, vector<2000x16xf32>
    %slice3A = vector.extract_strided_slice %get3A_4 {offsets = [0, 3], sizes = [2000, 1], strides = [1, 1]} : vector<2000x16xf32> to vector<2000x1xf32>
    %get3A_5 = arith.constant 0 : index
    %get3A_6 = arith.constant 0 : index
    %get3A_7 = vector.load %arg4[%get3A_5, %get3A_6] : memref<1x128xf32, #tpu.memory_space<vmem>>, vector<1x128xf32>
    %mul3A = vector.broadcast %slice3A : vector<2000x1xf32> to vector<2000x128xf32>
    %mul3A_8 = vector.broadcast %get3A_7 : vector<1x128xf32> to vector<2000x128xf32>
    %mul3A_9 = arith.mulf %mul3A, %mul3A_8 : vector<2000x128xf32>
    %add3A = arith.addf %get3A_1, %mul3A_9 : vector<2000x128xf32>
    %get3A_10 = arith.constant 0 : index
    %get3A_11 = arith.constant 0 : index
    %get3A_12 = vector.load %arg6[%get3A_10, %get3A_11] : memref<1x128xf32, #tpu.memory_space<vmem>>, vector<1x128xf32>
    %add3A_13 = vector.broadcast %get3A_12 : vector<1x128xf32> to vector<2000x128xf32>
    %add3A_14 = arith.addf %add3A, %add3A_13 : vector<2000x128xf32>
    %get3A_15 = arith.constant 0 : index
    %get3A_16 = arith.constant 0 : index
    %get3A_17 = vector.load %arg3[%get3A_15, %get3A_16] : memref<2000x16xf32, #tpu.memory_space<vmem>>, vector<2000x16xf32>
    %get3A_18 = arith.constant 0 : index
    %get3A_19 = arith.constant 0 : index
    %get3A_20 = vector.load %arg5[%get3A_18, %get3A_19] : memref<16x128xf32, #tpu.memory_space<vmem>>, vector<16x128xf32>
    %dot_general3A = arith.constant dense<0.000000e+00> : vector<2000x128xf32>
    %dot_general3A_21 = tpu.matmul %get3A_17, %get3A_20, %dot_general3A {dimension_numbers = #tpu.dot_dimension_numbers<[1], [0], [0], [1], [0, 0, 1, 1], [], []>, transpose_lhs_hint = false} : vector<2000x16xf32>, vector<16x128xf32>, vector<2000x128xf32> -> vector<2000x128xf32>
    %add3A_22 = arith.addf %add3A_14, %dot_general3A_21 : vector<2000x128xf32>
    %neg3A = arith.constant 0.000000e+00 : f32
    %neg3A_23 = vector.broadcast %neg3A : f32 to vector<2000x128xf32>
    %neg3A_24 = arith.subf %neg3A_23, %add3A_22 : vector<2000x128xf32>
    %exp3A = math.exp %neg3A_24 : vector<2000x128xf32>
    %add3A_25 = arith.constant 1.000000e+00 : f32
    %add3A_26 = vector.broadcast %add3A_25 : f32 to vector<2000x128xf32>
    %add3A_27 = arith.addf %add3A_26, %exp3A : vector<2000x128xf32>
    %div3A = arith.divf %add3A_22, %add3A_27 : vector<2000x128xf32>
    %get3A_28 = arith.constant 0 : index
    %get3A_29 = arith.constant 0 : index
    %get3A_30 = vector.load %arg7[%get3A_28, %get3A_29] : memref<128x128xf32, #tpu.memory_space<vmem>>, vector<128x128xf32>
    %dot_general3A_31 = arith.constant dense<0.000000e+00> : vector<2000x128xf32>
    %dot_general3A_32 = tpu.matmul %div3A, %get3A_30, %dot_general3A_31 {dimension_numbers = #tpu.dot_dimension_numbers<[1], [0], [0], [1], [0, 0, 1, 1], [], []>, transpose_lhs_hint = false} : vector<2000x128xf32>, vector<128x128xf32>, vector<2000x128xf32> -> vector<2000x128xf32>
    %get3A_33 = arith.constant 0 : index
    %get3A_34 = arith.constant 0 : index
    %get3A_35 = vector.load %arg8[%get3A_33, %get3A_34] : memref<1x128xf32, #tpu.memory_space<vmem>>, vector<1x128xf32>
    %add3A_36 = vector.broadcast %get3A_35 : vector<1x128xf32> to vector<2000x128xf32>
    %add3A_37 = arith.addf %dot_general3A_32, %add3A_36 : vector<2000x128xf32>
    %neg3A_38 = arith.constant 0.000000e+00 : f32
    %neg3A_39 = vector.broadcast %neg3A_38 : f32 to vector<2000x128xf32>
    %neg3A_40 = arith.subf %neg3A_39, %add3A_37 : vector<2000x128xf32>
    %exp3A_41 = math.exp %neg3A_40 : vector<2000x128xf32>
    %add3A_42 = arith.constant 1.000000e+00 : f32
    %add3A_43 = vector.broadcast %add3A_42 : f32 to vector<2000x128xf32>
    %add3A_44 = arith.addf %add3A_43, %exp3A_41 : vector<2000x128xf32>
    %div3A_45 = arith.divf %add3A_37, %add3A_44 : vector<2000x128xf32>
    %get3A_46 = arith.constant 0 : index
    %get3A_47 = arith.constant 0 : index
    %get3A_48 = vector.load %arg9[%get3A_46, %get3A_47] : memref<128x128xf32, #tpu.memory_space<vmem>>, vector<128x128xf32>
    %dot_general3A_49 = arith.constant dense<0.000000e+00> : vector<2000x128xf32>
    %dot_general3A_50 = tpu.matmul %div3A_45, %get3A_48, %dot_general3A_49 {dimension_numbers = #tpu.dot_dimension_numbers<[1], [0], [0], [1], [0, 0, 1, 1], [], []>, transpose_lhs_hint = false} : vector<2000x128xf32>, vector<128x128xf32>, vector<2000x128xf32> -> vector<2000x128xf32>
    %get3A_51 = arith.constant 0 : index
    %get3A_52 = arith.constant 0 : index
    %get3A_53 = vector.load %arg10[%get3A_51, %get3A_52] : memref<1x128xf32, #tpu.memory_space<vmem>>, vector<1x128xf32>
    %add3A_54 = vector.broadcast %get3A_53 : vector<1x128xf32> to vector<2000x128xf32>
    %add3A_55 = arith.addf %dot_general3A_50, %add3A_54 : vector<2000x128xf32>
    %neg3A_56 = arith.constant 0.000000e+00 : f32
    %neg3A_57 = vector.broadcast %neg3A_56 : f32 to vector<2000x128xf32>
    %neg3A_58 = arith.subf %neg3A_57, %add3A_55 : vector<2000x128xf32>
    %exp3A_59 = math.exp %neg3A_58 : vector<2000x128xf32>
    %add3A_60 = arith.constant 1.000000e+00 : f32
    %add3A_61 = vector.broadcast %add3A_60 : f32 to vector<2000x128xf32>
    %add3A_62 = arith.addf %add3A_61, %exp3A_59 : vector<2000x128xf32>
    %div3A_63 = arith.divf %add3A_55, %add3A_62 : vector<2000x128xf32>
    %get3A_64 = arith.constant 0 : index
    %get3A_65 = arith.constant 0 : index
    %get3A_66 = vector.load %arg11[%get3A_64, %get3A_65] : memref<1x128xf32, #tpu.memory_space<vmem>>, vector<1x128xf32>
    %mul3A_67 = vector.broadcast %get3A_66 : vector<1x128xf32> to vector<2000x128xf32>
    %mul3A_68 = arith.mulf %div3A_63, %mul3A_67 : vector<2000x128xf32>
    %reduce_sum3A = arith.constant dense<0.000000e+00> : vector<2000xf32>
    %reduce_sum3A_69 = vector.multi_reduction <add>, %mul3A_68, %reduce_sum3A [1] : vector<2000x128xf32> to vector<2000xf32>
    %broadcast_in_dim3A = vector.shape_cast %reduce_sum3A_69 : vector<2000xf32> to vector<2000x1xf32>
    %sqrt3A = math.sqrt %slice3A : vector<2000x1xf32>
    %add3A_70 = arith.constant 9.99999993E-9 : f32
    %add3A_71 = vector.broadcast %add3A_70 : f32 to vector<2000x1xf32>
    %add3A_72 = arith.addf %sqrt3A, %add3A_71 : vector<2000x1xf32>
    %div3A_73 = arith.divf %broadcast_in_dim3A, %add3A_72 : vector<2000x1xf32>
    %iota3A = tpu.iota {dimensions = array<i32: 1>} : vector<2000x16xi32>
    %mul3A_74 = vector.broadcast %div3A_73 : vector<2000x1xf32> to vector<2000x16xf32>
    %mul3A_75 = arith.mulf %get3A_4, %mul3A_74 : vector<2000x16xf32>
    %lt3A = arith.constant 3 : i32
    %lt3A_76 = vector.broadcast %lt3A : i32 to vector<2000x16xi32>
    %lt3A_77 = arith.cmpi slt, %iota3A, %lt3A_76 : vector<2000x16xi32>
    %jit3A = arith.constant 1.000000e+00 : f32
    %jit3A_78 = arith.constant 0.000000e+00 : f32
    %broadcast_in_dim3A_79 = vector.broadcast %jit3A : f32 to vector<2000x16xf32>
    %broadcast_in_dim3A_80 = vector.broadcast %jit3A_78 : f32 to vector<2000x16xf32>
    %select_n3A = arith.select %lt3A_77, %broadcast_in_dim3A_79, %broadcast_in_dim3A_80 : vector<2000x16xi1>, vector<2000x16xf32>
    %mul3A_81 = arith.mulf %mul3A_75, %select_n3A : vector<2000x16xf32>
    %eq3A = arith.constant 3 : i32
    %eq3A_82 = vector.broadcast %eq3A : i32 to vector<2000x16xi32>
    %eq3A_83 = arith.cmpi eq, %iota3A, %eq3A_82 : vector<2000x16xi32>
    %jit3A_84 = arith.constant 1.000000e+00 : f32
    %jit3A_85 = arith.constant 0.000000e+00 : f32
    %broadcast_in_dim3A_86 = vector.broadcast %jit3A_84 : f32 to vector<2000x16xf32>
    %broadcast_in_dim3A_87 = vector.broadcast %jit3A_85 : f32 to vector<2000x16xf32>
    %select_n3A_88 = arith.select %eq3A_83, %broadcast_in_dim3A_86, %broadcast_in_dim3A_87 : vector<2000x16xi1>, vector<2000x16xf32>
    %add3A_89 = arith.addf %mul3A_81, %select_n3A_88 : vector<2000x16xf32>
    %slice3A_90 = vector.extract_strided_slice %get3A_4 {offsets = [0, 4], sizes = [2000, 1], strides = [1, 1]} : vector<2000x16xf32> to vector<2000x1xf32>
    %convert_element_type3A = arith.fptosi %slice3A_90 : vector<2000x1xf32> to vector<2000x1xi32>
    %iota3A_91 = tpu.iota {dimensions = array<i32: 1>} : vector<2000x128xi32>
    %concatenate3A = tpu.concatenate %add3A_89, %add3A_89, %add3A_89, %add3A_89, %add3A_89, %add3A_89, %add3A_89, %add3A_89 in 1 : vector<2000x16xf32>, vector<2000x16xf32>, vector<2000x16xf32>, vector<2000x16xf32>, vector<2000x16xf32>, vector<2000x16xf32>, vector<2000x16xf32>, vector<2000x16xf32> -> vector<2000x128xf32>
    %jit3A_92 = arith.constant 16 : i32
    %div3A_93 = vector.broadcast %jit3A_92 : i32 to vector<2000x128xi32>
    %div3A_94 = arith.divsi %iota3A_91, %div3A_93 : vector<2000x128xi32>
    %sign3A = arith.constant 0 : i32
    %sign3A_95 = vector.broadcast %sign3A : i32 to vector<2000x128xi32>
    %sign3A_96 = arith.cmpi sgt, %iota3A_91, %sign3A_95 : vector<2000x128xi32>
    %sign3A_97 = arith.extui %sign3A_96 : vector<2000x128xi1> to vector<2000x128xi32>
    %sign3A_98 = arith.constant 0 : i32
    %sign3A_99 = vector.broadcast %sign3A_98 : i32 to vector<2000x128xi32>
    %sign3A_100 = arith.cmpi slt, %iota3A_91, %sign3A_99 : vector<2000x128xi32>
    %sign3A_101 = arith.extui %sign3A_100 : vector<2000x128xi1> to vector<2000x128xi32>
    %sign3A_102 = arith.subi %sign3A_97, %sign3A_101 : vector<2000x128xi32>
    %sign3A_103 = arith.constant 0 : i32
    %sign3A_104 = arith.cmpi sgt, %jit3A_92, %sign3A_103 : i32
    %sign3A_105 = arith.extui %sign3A_104 : i1 to i32
    %sign3A_106 = arith.constant 0 : i32
    %sign3A_107 = arith.cmpi slt, %jit3A_92, %sign3A_106 : i32
    %sign3A_108 = arith.extui %sign3A_107 : i1 to i32
    %sign3A_109 = arith.subi %sign3A_105, %sign3A_108 : i32
    %ne3A = vector.broadcast %sign3A_109 : i32 to vector<2000x128xi32>
    %ne3A_110 = arith.cmpi ne, %sign3A_102, %ne3A : vector<2000x128xi32>
    %rem3A = vector.broadcast %jit3A_92 : i32 to vector<2000x128xi32>
    %rem3A_111 = arith.remsi %iota3A_91, %rem3A : vector<2000x128xi32>
    %ne3A_112 = arith.constant 0 : i32
    %ne3A_113 = vector.broadcast %ne3A_112 : i32 to vector<2000x128xi32>
    %ne3A_114 = arith.cmpi ne, %rem3A_111, %ne3A_113 : vector<2000x128xi32>
    %and3A = arith.andi %ne3A_110, %ne3A_114 : vector<2000x128xi1>
    %sub3A = arith.constant 1 : i32
    %sub3A_115 = vector.broadcast %sub3A : i32 to vector<2000x128xi32>
    %sub3A_116 = arith.subi %div3A_94, %sub3A_115 : vector<2000x128xi32>
    %select_n3A_117 = arith.select %and3A, %sub3A_116, %div3A_94 : vector<2000x128xi1>, vector<2000x128xi32>
    %eq3A_118 = vector.broadcast %convert_element_type3A : vector<2000x1xi32> to vector<2000x128xi32>
    %eq3A_119 = arith.cmpi eq, %select_n3A_117, %eq3A_118 : vector<2000x128xi32>
    %jit3A_120 = arith.constant 0.000000e+00 : f32
    %broadcast_in_dim3A_121 = vector.broadcast %jit3A_120 : f32 to vector<2000x128xf32>
    %select_n3A_122 = arith.select %eq3A_119, %concatenate3A, %broadcast_in_dim3A_121 : vector<2000x128xi1>, vector<2000x128xf32>
    %swap3A = arith.constant 0 : index
    %swap3A_123 = arith.constant 0 : index
    %swap3A_124 = vector.load %arg12[%swap3A, %swap3A_123] : memref<2000x128xf32, #tpu.memory_space<vmem>>, vector<2000x128xf32>
    tpu.vector_store %arg12[%swap3A, %swap3A_123], %div3A_45 {strides = array<i32>} : memref<2000x128xf32, #tpu.memory_space<vmem>>, vector<2000x128xf32>,
    %swap3A_125 = arith.constant 0 : index
    %swap3A_126 = arith.constant 0 : index
    %swap3A_127 = vector.load %arg13[%swap3A_125, %swap3A_126] : memref<2000x128xf32, #tpu.memory_space<vmem>>, vector<2000x128xf32>
    tpu.vector_store %arg13[%swap3A_125, %swap3A_126], %select_n3A_122 {strides = array<i32>} : memref<2000x128xf32, #tpu.memory_space<vmem>>, vector<2000x128xf32>,
    return
  }
  func.func @transform_0(%arg0: i32) -> (i32, i32) {
    %c0_i32 = arith.constant 0 : i32
    %c0_i32_0 = arith.constant 0 : i32
    return %arg0, %c0_i32 : i32, i32
  }
  func.func @transform_1(%arg0: i32) -> (i32, i32) {
    %c0_i32 = arith.constant 0 : i32
    %c0_i32_0 = arith.constant 0 : i32
    return %arg0, %c0_i32 : i32, i32
  }
  func.func @transform_2(%arg0: i32) -> (i32, i32) {
    %c0_i32 = arith.constant 0 : i32
    %c0_i32_0 = arith.constant 0 : i32
    return %arg0, %c0_i32 : i32, i32
  }
  func.func @transform_3(%arg0: i32) -> (i32, i32) {
    %c0_i32 = arith.constant 0 : i32
    %c0_i32_0 = arith.constant 0 : i32
    %c0_i32_1 = arith.constant 0 : i32
    return %c0_i32, %c0_i32_0 : i32, i32
  }
  func.func @transform_4(%arg0: i32) -> (i32, i32) {
    %c0_i32 = arith.constant 0 : i32
    %c0_i32_0 = arith.constant 0 : i32
    %c0_i32_1 = arith.constant 0 : i32
    return %c0_i32, %c0_i32_0 : i32, i32
  }
  func.func @transform_5(%arg0: i32) -> (i32, i32) {
    %c0_i32 = arith.constant 0 : i32
    %c0_i32_0 = arith.constant 0 : i32
    %c0_i32_1 = arith.constant 0 : i32
    return %c0_i32, %c0_i32_0 : i32, i32
  }
  func.func @transform_6(%arg0: i32) -> (i32, i32) {
    %c0_i32 = arith.constant 0 : i32
    %c0_i32_0 = arith.constant 0 : i32
    %c0_i32_1 = arith.constant 0 : i32
    return %c0_i32, %c0_i32_0 : i32, i32
  }
  func.func @transform_7(%arg0: i32) -> (i32, i32) {
    %c0_i32 = arith.constant 0 : i32
    %c0_i32_0 = arith.constant 0 : i32
    %c0_i32_1 = arith.constant 0 : i32
    return %c0_i32, %c0_i32_0 : i32, i32
  }
  func.func @transform_8(%arg0: i32) -> (i32, i32) {
    %c0_i32 = arith.constant 0 : i32
    %c0_i32_0 = arith.constant 0 : i32
    %c0_i32_1 = arith.constant 0 : i32
    return %c0_i32, %c0_i32_0 : i32, i32
  }
  func.func @transform_9(%arg0: i32) -> (i32, i32) {
    %c0_i32 = arith.constant 0 : i32
    %c0_i32_0 = arith.constant 0 : i32
    %c0_i32_1 = arith.constant 0 : i32
    return %c0_i32, %c0_i32_0 : i32, i32
  }
  func.func @transform_10(%arg0: i32) -> (i32, i32) {
    %c0_i32 = arith.constant 0 : i32
    %c0_i32_0 = arith.constant 0 : i32
    %c0_i32_1 = arith.constant 0 : i32
    return %c0_i32, %c0_i32_0 : i32, i32
  }
  func.func @transform_11(%arg0: i32) -> (i32, i32) {
    %c0_i32 = arith.constant 0 : i32
    %c0_i32_0 = arith.constant 0 : i32
    return %arg0, %c0_i32 : i32, i32
  }
  func.func @transform_12(%arg0: i32) -> (i32, i32) {
    %c0_i32 = arith.constant 0 : i32
    %c0_i32_0 = arith.constant 0 : i32
    return %arg0, %c0_i32 : i32, i32
  }
}

module attributes {stable_mosaic.version = 14 : i64} {
  func.func @_node_body(%arg0: i32, %arg1: memref<2000x128xf32, #tpu.memory_space<vmem>>, %arg2: memref<2x2000x128xf32, #tpu.memory_space<vmem>>, %arg3: memref<2x2000x16xf32, #tpu.memory_space<vmem>>, %arg4: memref<2000x16xf32, #tpu.memory_space<vmem>>, %arg5: memref<128x128xf32, #tpu.memory_space<vmem>>, %arg6: memref<128x128xf32, #tpu.memory_space<vmem>>, %arg7: memref<1x128xf32, #tpu.memory_space<vmem>>, %arg8: memref<128x128xf32, #tpu.memory_space<vmem>>, %arg9: memref<1x128xf32, #tpu.memory_space<vmem>>, %arg10: memref<1x128xf32, #tpu.memory_space<vmem>>, %arg11: memref<1x128xf32, #tpu.memory_space<vmem>>, %arg12: memref<2000x128xf32, #tpu.memory_space<vmem>>, %arg13: memref<2000x16xf32, #tpu.memory_space<vmem>>) attributes {dimension_semantics = [#tpu.dimension_semantics<arbitrary>], iteration_bounds = array<i64: 5>, scalar_prefetch = 0 : i64, scratch_operands = 0 : i64, tpu.core_type = #tpu.core_type<tc>, window_params = [{transform_indices = @transform_0, window_bounds = array<i64: 2000, 128>}, {transform_indices = @transform_1, window_bounds = array<i64: 2, 2000, 128>}, {transform_indices = @transform_2, window_bounds = array<i64: 2, 2000, 16>}, {transform_indices = @transform_3, window_bounds = array<i64: 2000, 16>}, {pipeline_mode = #tpu.pipeline_mode<synchronous>, transform_indices = @transform_4, window_bounds = array<i64: 128, 128>}, {pipeline_mode = #tpu.pipeline_mode<synchronous>, transform_indices = @transform_5, window_bounds = array<i64: 128, 128>}, {pipeline_mode = #tpu.pipeline_mode<synchronous>, transform_indices = @transform_6, window_bounds = array<i64: 1, 128>}, {pipeline_mode = #tpu.pipeline_mode<synchronous>, transform_indices = @transform_7, window_bounds = array<i64: 128, 128>}, {pipeline_mode = #tpu.pipeline_mode<synchronous>, transform_indices = @transform_8, window_bounds = array<i64: 1, 128>}, {pipeline_mode = #tpu.pipeline_mode<synchronous>, transform_indices = @transform_9, window_bounds = array<i64: 1, 128>}, {pipeline_mode = #tpu.pipeline_mode<synchronous>, transform_indices = @transform_10, window_bounds = array<i64: 1, 128>}, {transform_indices = @transform_11, window_bounds = array<i64: 2000, 128>}, {transform_indices = @transform_12, window_bounds = array<i64: 2000, 16>}]} {
    %get3A = arith.constant 0 : index
    %get3A_0 = arith.constant 0 : index
    %get3A_1 = vector.load %arg1[%get3A, %get3A_0] : memref<2000x128xf32, #tpu.memory_space<vmem>>, vector<2000x128xf32>
    %get3A_2 = arith.constant 0 : index
    %get3A_3 = arith.constant 0 : index
    %get3A_4 = arith.constant 0 : index
    %get3A_5 = vector.load %arg2[%get3A_2, %get3A_3, %get3A_4] : memref<2x2000x128xf32, #tpu.memory_space<vmem>>, vector<1x2000x128xf32>
    %get3A_6 = vector.shape_cast %get3A_5 : vector<1x2000x128xf32> to vector<2000x128xf32>
    %get3A_7 = arith.constant 1 : index
    %get3A_8 = arith.constant 0 : index
    %get3A_9 = arith.constant 0 : index
    %get3A_10 = vector.load %arg2[%get3A_7, %get3A_8, %get3A_9] : memref<2x2000x128xf32, #tpu.memory_space<vmem>>, vector<1x2000x128xf32>
    %get3A_11 = vector.shape_cast %get3A_10 : vector<1x2000x128xf32> to vector<2000x128xf32>
    %add3A = arith.addf %get3A_6, %get3A_11 : vector<2000x128xf32>
    %get3A_12 = arith.constant 0 : index
    %get3A_13 = arith.constant 0 : index
    %get3A_14 = arith.constant 0 : index
    %get3A_15 = vector.load %arg3[%get3A_12, %get3A_13, %get3A_14] : memref<2x2000x16xf32, #tpu.memory_space<vmem>>, vector<1x2000x16xf32>
    %get3A_16 = vector.shape_cast %get3A_15 : vector<1x2000x16xf32> to vector<2000x16xf32>
    %get3A_17 = arith.constant 1 : index
    %get3A_18 = arith.constant 0 : index
    %get3A_19 = arith.constant 0 : index
    %get3A_20 = vector.load %arg3[%get3A_17, %get3A_18, %get3A_19] : memref<2x2000x16xf32, #tpu.memory_space<vmem>>, vector<1x2000x16xf32>
    %get3A_21 = vector.shape_cast %get3A_20 : vector<1x2000x16xf32> to vector<2000x16xf32>
    %add3A_22 = arith.addf %get3A_16, %get3A_21 : vector<2000x16xf32>
    %get3A_23 = arith.constant 0 : index
    %get3A_24 = arith.constant 0 : index
    %get3A_25 = vector.load %arg5[%get3A_23, %get3A_24] : memref<128x128xf32, #tpu.memory_space<vmem>>, vector<128x128xf32>
    %dot_general3A = arith.constant dense<0.000000e+00> : vector<2000x128xf32>
    %dot_general3A_26 = tpu.matmul %get3A_1, %get3A_25, %dot_general3A {dimension_numbers = #tpu.dot_dimension_numbers<[1], [0], [0], [1], [0, 0, 1, 1], [], []>, transpose_lhs_hint = false} : vector<2000x128xf32>, vector<128x128xf32>, vector<2000x128xf32> -> vector<2000x128xf32>
    %get3A_27 = arith.constant 0 : index
    %get3A_28 = arith.constant 0 : index
    %get3A_29 = vector.load %arg6[%get3A_27, %get3A_28] : memref<128x128xf32, #tpu.memory_space<vmem>>, vector<128x128xf32>
    %dot_general3A_30 = arith.constant dense<0.000000e+00> : vector<2000x128xf32>
    %dot_general3A_31 = tpu.matmul %add3A, %get3A_29, %dot_general3A_30 {dimension_numbers = #tpu.dot_dimension_numbers<[1], [0], [0], [1], [0, 0, 1, 1], [], []>, transpose_lhs_hint = false} : vector<2000x128xf32>, vector<128x128xf32>, vector<2000x128xf32> -> vector<2000x128xf32>
    %add3A_32 = arith.addf %dot_general3A_26, %dot_general3A_31 : vector<2000x128xf32>
    %get3A_33 = arith.constant 0 : index
    %get3A_34 = arith.constant 0 : index
    %get3A_35 = vector.load %arg7[%get3A_33, %get3A_34] : memref<1x128xf32, #tpu.memory_space<vmem>>, vector<1x128xf32>
    %add3A_36 = vector.broadcast %get3A_35 : vector<1x128xf32> to vector<2000x128xf32>
    %add3A_37 = arith.addf %add3A_32, %add3A_36 : vector<2000x128xf32>
    %neg3A = arith.constant 0.000000e+00 : f32
    %neg3A_38 = vector.broadcast %neg3A : f32 to vector<2000x128xf32>
    %neg3A_39 = arith.subf %neg3A_38, %add3A_37 : vector<2000x128xf32>
    %exp3A = math.exp %neg3A_39 : vector<2000x128xf32>
    %add3A_40 = arith.constant 1.000000e+00 : f32
    %add3A_41 = vector.broadcast %add3A_40 : f32 to vector<2000x128xf32>
    %add3A_42 = arith.addf %add3A_41, %exp3A : vector<2000x128xf32>
    %div3A = arith.divf %add3A_37, %add3A_42 : vector<2000x128xf32>
    %get3A_43 = arith.constant 0 : index
    %get3A_44 = arith.constant 0 : index
    %get3A_45 = vector.load %arg8[%get3A_43, %get3A_44] : memref<128x128xf32, #tpu.memory_space<vmem>>, vector<128x128xf32>
    %dot_general3A_46 = arith.constant dense<0.000000e+00> : vector<2000x128xf32>
    %dot_general3A_47 = tpu.matmul %div3A, %get3A_45, %dot_general3A_46 {dimension_numbers = #tpu.dot_dimension_numbers<[1], [0], [0], [1], [0, 0, 1, 1], [], []>, transpose_lhs_hint = false} : vector<2000x128xf32>, vector<128x128xf32>, vector<2000x128xf32> -> vector<2000x128xf32>
    %get3A_48 = arith.constant 0 : index
    %get3A_49 = arith.constant 0 : index
    %get3A_50 = vector.load %arg9[%get3A_48, %get3A_49] : memref<1x128xf32, #tpu.memory_space<vmem>>, vector<1x128xf32>
    %add3A_51 = vector.broadcast %get3A_50 : vector<1x128xf32> to vector<2000x128xf32>
    %add3A_52 = arith.addf %dot_general3A_47, %add3A_51 : vector<2000x128xf32>
    %add3A_53 = arith.addf %get3A_1, %add3A_52 : vector<2000x128xf32>
    %reduce_sum3A = arith.constant dense<0.000000e+00> : vector<2000xf32>
    %reduce_sum3A_54 = vector.multi_reduction <add>, %add3A_53, %reduce_sum3A [1] : vector<2000x128xf32> to vector<2000xf32>
    %broadcast_in_dim3A = vector.shape_cast %reduce_sum3A_54 : vector<2000xf32> to vector<2000x1xf32>
    %div3A_55 = arith.constant 1.280000e+02 : f32
    %div3A_56 = vector.broadcast %div3A_55 : f32 to vector<2000x1xf32>
    %div3A_57 = arith.divf %broadcast_in_dim3A, %div3A_56 : vector<2000x1xf32>
    %sub3A = vector.broadcast %div3A_57 : vector<2000x1xf32> to vector<2000x128xf32>
    %sub3A_58 = arith.subf %add3A_53, %sub3A : vector<2000x128xf32>
    %integer_pow3A = arith.mulf %sub3A_58, %sub3A_58 : vector<2000x128xf32>
    %reduce_sum3A_59 = arith.constant dense<0.000000e+00> : vector<2000xf32>
    %reduce_sum3A_60 = vector.multi_reduction <add>, %integer_pow3A, %reduce_sum3A_59 [1] : vector<2000x128xf32> to vector<2000xf32>
    %broadcast_in_dim3A_61 = vector.shape_cast %reduce_sum3A_60 : vector<2000xf32> to vector<2000x1xf32>
    %div3A_62 = arith.constant 1.280000e+02 : f32
    %div3A_63 = vector.broadcast %div3A_62 : f32 to vector<2000x1xf32>
    %div3A_64 = arith.divf %broadcast_in_dim3A_61, %div3A_63 : vector<2000x1xf32>
    %sub3A_65 = vector.broadcast %div3A_57 : vector<2000x1xf32> to vector<2000x128xf32>
    %sub3A_66 = arith.subf %add3A_53, %sub3A_65 : vector<2000x128xf32>
    %add3A_67 = arith.constant 9.99999974E-6 : f32
    %add3A_68 = vector.broadcast %add3A_67 : f32 to vector<2000x1xf32>
    %add3A_69 = arith.addf %div3A_64, %add3A_68 : vector<2000x1xf32>
    %sqrt3A = math.sqrt %add3A_69 : vector<2000x1xf32>
    %div3A_70 = vector.broadcast %sqrt3A : vector<2000x1xf32> to vector<2000x128xf32>
    %div3A_71 = arith.divf %sub3A_66, %div3A_70 : vector<2000x128xf32>
    %get3A_72 = arith.constant 0 : index
    %get3A_73 = arith.constant 0 : index
    %get3A_74 = vector.load %arg10[%get3A_72, %get3A_73] : memref<1x128xf32, #tpu.memory_space<vmem>>, vector<1x128xf32>
    %mul3A = vector.broadcast %get3A_74 : vector<1x128xf32> to vector<2000x128xf32>
    %mul3A_75 = arith.mulf %div3A_71, %mul3A : vector<2000x128xf32>
    %get3A_76 = arith.constant 0 : index
    %get3A_77 = arith.constant 0 : index
    %get3A_78 = vector.load %arg11[%get3A_76, %get3A_77] : memref<1x128xf32, #tpu.memory_space<vmem>>, vector<1x128xf32>
    %add3A_79 = vector.broadcast %get3A_78 : vector<1x128xf32> to vector<2000x128xf32>
    %add3A_80 = arith.addf %mul3A_75, %add3A_79 : vector<2000x128xf32>
    %swap3A = arith.constant 0 : index
    %swap3A_81 = arith.constant 0 : index
    %swap3A_82 = vector.load %arg12[%swap3A, %swap3A_81] : memref<2000x128xf32, #tpu.memory_space<vmem>>, vector<2000x128xf32>
    tpu.vector_store %arg12[%swap3A, %swap3A_81], %add3A_80 {strides = array<i32>} : memref<2000x128xf32, #tpu.memory_space<vmem>>, vector<2000x128xf32>,
    %slice3A = vector.extract_strided_slice %add3A_22 {offsets = [0, 3], sizes = [2000, 1], strides = [1, 1]} : vector<2000x16xf32> to vector<2000x1xf32>
    %get3A_83 = arith.constant 0 : index
    %get3A_84 = arith.constant 0 : index
    %get3A_85 = vector.load %arg4[%get3A_83, %get3A_84] : memref<2000x16xf32, #tpu.memory_space<vmem>>, vector<2000x16xf32>
    %add3A_86 = arith.constant 9.99999993E-9 : f32
    %add3A_87 = vector.broadcast %add3A_86 : f32 to vector<2000x1xf32>
    %add3A_88 = arith.addf %slice3A, %add3A_87 : vector<2000x1xf32>
    %div3A_89 = vector.broadcast %add3A_88 : vector<2000x1xf32> to vector<2000x16xf32>
    %div3A_90 = arith.divf %add3A_22, %div3A_89 : vector<2000x16xf32>
    %add3A_91 = arith.addf %get3A_85, %div3A_90 : vector<2000x16xf32>
    %swap3A_92 = arith.constant 0 : index
    %swap3A_93 = arith.constant 0 : index
    %swap3A_94 = vector.load %arg13[%swap3A_92, %swap3A_93] : memref<2000x16xf32, #tpu.memory_space<vmem>>, vector<2000x16xf32>
    tpu.vector_store %arg13[%swap3A_92, %swap3A_93], %add3A_91 {strides = array<i32>} : memref<2000x16xf32, #tpu.memory_space<vmem>>, vector<2000x16xf32>,
    return
  }
  func.func @transform_0(%arg0: i32) -> (i32, i32) {
    %c0_i32 = arith.constant 0 : i32
    %c0_i32_0 = arith.constant 0 : i32
    return %arg0, %c0_i32 : i32, i32
  }
  func.func @transform_1(%arg0: i32) -> (i32, i32, i32) {
    %c0_i32 = arith.constant 0 : i32
    %c0_i32_0 = arith.constant 0 : i32
    %c0_i32_1 = arith.constant 0 : i32
    return %c0_i32, %arg0, %c0_i32_0 : i32, i32, i32
  }
  func.func @transform_2(%arg0: i32) -> (i32, i32, i32) {
    %c0_i32 = arith.constant 0 : i32
    %c0_i32_0 = arith.constant 0 : i32
    %c0_i32_1 = arith.constant 0 : i32
    return %c0_i32, %arg0, %c0_i32_0 : i32, i32, i32
  }
  func.func @transform_3(%arg0: i32) -> (i32, i32) {
    %c0_i32 = arith.constant 0 : i32
    %c0_i32_0 = arith.constant 0 : i32
    return %arg0, %c0_i32 : i32, i32
  }
  func.func @transform_4(%arg0: i32) -> (i32, i32) {
    %c0_i32 = arith.constant 0 : i32
    %c0_i32_0 = arith.constant 0 : i32
    %c0_i32_1 = arith.constant 0 : i32
    return %c0_i32, %c0_i32_0 : i32, i32
  }
  func.func @transform_5(%arg0: i32) -> (i32, i32) {
    %c0_i32 = arith.constant 0 : i32
    %c0_i32_0 = arith.constant 0 : i32
    %c0_i32_1 = arith.constant 0 : i32
    return %c0_i32, %c0_i32_0 : i32, i32
  }
  func.func @transform_6(%arg0: i32) -> (i32, i32) {
    %c0_i32 = arith.constant 0 : i32
    %c0_i32_0 = arith.constant 0 : i32
    %c0_i32_1 = arith.constant 0 : i32
    return %c0_i32, %c0_i32_0 : i32, i32
  }
  func.func @transform_7(%arg0: i32) -> (i32, i32) {
    %c0_i32 = arith.constant 0 : i32
    %c0_i32_0 = arith.constant 0 : i32
    %c0_i32_1 = arith.constant 0 : i32
    return %c0_i32, %c0_i32_0 : i32, i32
  }
  func.func @transform_8(%arg0: i32) -> (i32, i32) {
    %c0_i32 = arith.constant 0 : i32
    %c0_i32_0 = arith.constant 0 : i32
    %c0_i32_1 = arith.constant 0 : i32
    return %c0_i32, %c0_i32_0 : i32, i32
  }
  func.func @transform_9(%arg0: i32) -> (i32, i32) {
    %c0_i32 = arith.constant 0 : i32
    %c0_i32_0 = arith.constant 0 : i32
    %c0_i32_1 = arith.constant 0 : i32
    return %c0_i32, %c0_i32_0 : i32, i32
  }
  func.func @transform_10(%arg0: i32) -> (i32, i32) {
    %c0_i32 = arith.constant 0 : i32
    %c0_i32_0 = arith.constant 0 : i32
    %c0_i32_1 = arith.constant 0 : i32
    return %c0_i32, %c0_i32_0 : i32, i32
  }
  func.func @transform_11(%arg0: i32) -> (i32, i32) {
    %c0_i32 = arith.constant 0 : i32
    %c0_i32_0 = arith.constant 0 : i32
    return %arg0, %c0_i32 : i32, i32
  }
  func.func @transform_12(%arg0: i32) -> (i32, i32) {
    %c0_i32 = arith.constant 0 : i32
    %c0_i32_0 = arith.constant 0 : i32
    return %arg0, %c0_i32 : i32, i32
  }
}

</mosaic_0001>

<sc_bundles>
// kernel: kernel.10.cloned.1.call-start
scs
__scs_entry_jumppad:
0x0: {  	(pc) =	sbr.rel $0x88, $3  }
0x1: {  	(tag) =	ssettag $0x0;
	lr =	simm.s32 $0x1  }
0x2: {  	[smem:$0x3F90] =	sst lr;
	_ =	strace $0xD0000000  }
0x3: {  	_ = 	snop  }
0x4: {  	_ = 	snop  }
0x5: {  	_ = 	snop  }
0x6: {  	_ = 	snop  }
0x7: {  	_ = 	snop  }
__scs_overlays_trampoline_lowered:
0x8: {  	[smem:$0x3F9F] =	sst s0  }
0x9: {  	[smem:$0x3FA0] =	sst s1  }
0xa: {  	[smem:$0x3FA1] =	sst s2  }
0xb: {  	[smem:$0x3FA2] =	sst s3  }
0xc: {  	[smem:$0x3FA3] =	sst s4  }
0xd: {  	[smem:$0x3FA4] =	sst s5  }
0xe: {  	[smem:$0x3FA5] =	sst s6  }
0xf: {  	[smem:$0x3FA6] =	sst s7  }
0x10: {  	[smem:$0x3FA7] =	sst s8  }
0x11: {  	[smem:$0x3FA8] =	sst s9;
	s0 =	simm.s32 @!p0 $0x0  }
0x12: {  	s1 =	sld [smem:$0x3F8E];
	s0 =	simm.s32 @p0 $0x1  }
0x13: {  	[smem:$0x3FA9] =	sst s0;
	s0 =	simm.s32 @!p1 $0x0  }
0x14: {  	s2 =	sld [smem:$0x3F8D];
	s0 =	simm.s32 @p1 $0x1  }
0x15: {  	[smem:$0x3FAA] =	sst s0;
	s0 =	simm.s32 @!p2 $0x0  }
0x16: {  	s3 =	sld [smem:$0x3FDB];
	s0 =	simm.s32 @p2 $0x1  }
0x17: {  	s4 =	simm.s32 $0x1BF5;
	[smem:$0x3FAC] =	sst s0  }
0x18: {  	s0 =	sld [smem:$0x3F8F];
	_ =	swait.ge [sflag:s4], $0x0  }
0x19: {  	s7 =	sld [smem:$0x3F90]  }
0x1a: {  	s8 =	sadd.s32 $0xFFFFE003, lr  }
0x1b: {  	s9 =	sadd.s32 $0xFFFFFEF7, lr;
	s5 =	simm.s32 $0xFFFFFFFF;
	p2 =	slt.u32 s8, $0xFFFFF086  }
0x1c: {  	p1 =	slt.u32 s9, $0xF7A;
	s5 =	simm.s32 @!p2 $0x0  }
0x1d: {  	s5 =	simm.s32 @p1 $0x1;
	p0 =	seq.s32 s7, s2  }
0x1e: {  	s7 =	smul.u32 @!p0 $0xF7A, s2;
	p2 =	seq.s32 @!p0 s5, $0x0  }
0x1f: {  	s9 =	smul.u32 $0xF7A, s1;
	s8 =	simm.s32 @!p0 $0x1BF5;
	p2 =	por !p2, p0  }
0x20: {  	[sflag:s8] =	ssyncset.s32 @!p0 $0xFFFFF086;
	s6 =	sadd.s32 @!p0 s3, s7;
	s7 =	simm.s32 @!p0 $0x108  }
0x21: {  	s3 =	sadd.s32 s3, s9;
	s6 =	sadd.s32 @!p0 $0x88, s6;
	s7 =	simm.s32 @p2 $0x1082  }
0x22: {  	[simem:s7], [sflag:s8] =	dma.local @!p0 [hbm:s6], $0xF7A  }
0x23: {  	s9 =	sor.u32 $0xD0000000, s2;
	s6 =	simm.s32 $0x108;
	_ =	swait.ge @!p0 [sflag:s8], $0x0  }
0x24: {  	s3 =	sadd.s32 $0x88, s3;
	s6 =	simm.s32 @!p1 $0x1082;
	[sflag:s4] =	ssyncset.s32 $0xFFFFF086  }
0x25: {  	[simem:s6], [sflag:s4] =	dma.local [hbm:s3], $0xF7A  }
0x26: {  	[smem:$0x3F90] =	sst s1;
	(tag) =	ssettag s2;
	_ =	strace s9  }
0x27: {  	s1 =	sld [smem:$0x3FA0]  }
0x28: {  	s2 =	sld [smem:$0x3FA1]  }
0x29: {  	s4 =	sld [smem:$0x3FA3]  }
0x2a: {  	p0 =	seq.s32 s5, $0x0;
	s5 =	sld [smem:$0x3FA4]  }
0x2b: {  	s6 =	sld [smem:$0x3FA5]  }
0x2c: {  	s7 =	sld [smem:$0x3FA6]  }
0x2d: {  	s3 =	simm.s32 $0x108;
	s8 =	sld [smem:$0x3FA7]  }
0x2e: {  	s3 =	simm.s32 @!p0 $0x1082;
	s9 =	sld [smem:$0x3FA8]  }
0x2f: {  	lr =	sadd.s32 s0, s3;
	s0 =	sld [smem:$0x3F9F]  }
0x30: {  	s3 =	sld [smem:$0x3FA2]  }
0x31: {  	[smem:$0x3FAB] =	sst s10  }
0x32: {  	s10 =	sld [smem:$0x3FA9];
	_ =	sdelay $0x3  }
0x33: {  	p0 =	seq.s32 s10, $0x1;
	s10 =	sld [smem:$0x3FAB];
	_ =	sdelay $0x3  }
0x34: {  	[smem:$0x3FAB] =	sst s10  }
0x35: {  	s10 =	sld [smem:$0x3FAA];
	_ =	sdelay $0x3  }
0x36: {  	p1 =	seq.s32 s10, $0x1;
	s10 =	sld [smem:$0x3FAB];
	_ =	sdelay $0x3  }
0x37: {  	[smem:$0x3FAB] =	sst s10  }
0x38: {  	s10 =	sld [smem:$0x3FAC]  }
0x39: {  	_ = 	snop;
	(pc) =	sbr.ind lr, $3  }
0x3a: {  	_ = 	snop  }
0x3b: {  	_ = 	snop  }
0x3c: {  	p2 =	seq.s32 s10, $0x1;
	s10 =	sld [smem:$0x3FAB]  }
0x3d: {  	_ =	shalt  }
0x3e: {  	_ =	shalt  }
0x3f: {  	_ =	shalt  }
0x40: {  	_ =	shalt  }
0x41: {  	_ =	shalt  }
0x42: {  	_ =	shalt  }
0x43: {  	_ =	shalt  }
0x44: {  	_ =	shalt  }
0x45: {  	_ =	shalt  }
0x46: {  	_ =	shalt  }
0x47: {  	_ =	shalt  }
0x48: {  	_ =	shalt  }
0x49: {  	_ =	shalt  }
0x4a: {  	_ =	shalt  }
0x4b: {  	_ =	shalt  }
0x4c: {  	_ =	shalt  }
0x4d: {  	_ =	shalt  }
0x4e: {  	_ =	shalt  }
0x4f: {  	_ =	shalt  }
0x50: {  	_ =	shalt  }
0x51: {  	_ =	shalt  }
0x52: {  	_ =	shalt  }
0x53: {  	_ =	shalt  }
0x54: {  	_ =	shalt  }
0x55: {  	_ =	shalt  }
0x56: {  	_ =	shalt  }
0x57: {  	_ =	shalt  }
0x58: {  	_ =	shalt  }
0x59: {  	_ =	shalt  }
0x5a: {  	_ =	shalt  }
0x5b: {  	_ =	shalt  }
0x5c: {  	_ =	shalt  }
0x5d: {  	_ =	shalt  }
0x5e: {  	_ =	shalt  }
0x5f: {  	_ =	shalt  }
0x60: {  	_ =	shalt  }
0x61: {  	_ =	shalt  }
0x62: {  	_ =	shalt  }
0x63: {  	_ =	shalt  }
0x64: {  	_ =	shalt  }
0x65: {  	_ =	shalt  }
0x66: {  	_ =	shalt  }
0x67: {  	_ =	shalt  }
0x68: {  	_ =	shalt  }
0x69: {  	_ =	shalt  }
0x6a: {  	_ =	shalt  }
0x6b: {  	_ =	shalt  }
0x6c: {  	_ =	shalt  }
0x6d: {  	_ =	shalt  }
0x6e: {  	_ =	shalt  }
0x6f: {  	_ =	shalt  }
0x70: {  	_ =	shalt  }
0x71: {  	_ =	shalt  }
0x72: {  	_ =	shalt  }
0x73: {  	_ =	shalt  }
0x74: {  	_ =	shalt  }
0x75: {  	_ =	shalt  }
0x76: {  	_ =	shalt  }
0x77: {  	_ =	shalt  }
0x78: {  	_ =	shalt  }
0x79: {  	_ =	shalt  }
0x7a: {  	_ =	shalt  }
0x7b: {  	_ =	shalt  }
0x7c: {  	_ =	shalt  }
0x7d: {  	_ =	shalt  }
0x7e: {  	_ =	shalt  }
0x7f: {  	_ =	shalt  }
0x80: {  	_ =	shalt  }
0x81: {  	_ =	shalt  }
0x82: {  	_ =	shalt  }
0x83: {  	_ =	shalt  }
0x84: {  	_ =	shalt  }
0x85: {  	_ =	shalt  }
0x86: {  	_ =	shalt  }
0x87: {  	_ =	shalt  }
.Lfunc_end0:
.L_simem_size_0:
called_computation.1_lowered:
.L_overlay_start_0:
0x88: {  	s2 =	sld [smem:$0x3FD9]  }
0x89: {  	s3 =	sld [smem:$0x3FFE];
	_ =	sdelay $0x1  }
0x8a: {  	s1 =	srdreg.scid  }
0x8b: {  	s0 =	sand.u32 $0x1, s1  }
0x8c: {  	s14 =	sshll.u32 s0, $0xA;
	s2 =	sadd.s32 s3, s2  }
0x8d: {  	s2 =	sadd.s32 s2, s14  }
0x8e: {  	[smem:$0x3FB7] =	sst s2  }
0x8f: {  	_ = 	snop  }
0x90: {  	s2 =	sld [smem:$0x3FD0];
	_ =	sdelay $0x2  }
0x91: {  	s15 =	simm.s32 $0xA;
	s4 =	simm.s32 $0x10  }
0x92: {  	[smem:s4], [sflag:s15] =	dma.local [hbm:s2], $0x1  }
0x93: {  	_ =	swait.eq [sflag:s15], $0x1  }
0x94: {  	[sflag:s15] =	ssyncset.done $0x0  }
0x95: {  	s16 =	sld [smem:$0x10];
	[sflag:s15] =	ssyncadd.s32 $0xFFFFFFFF  }
0x96: {  	s17 =	sld [smem:$0x12];
	(tm) =	ssettm $0x1  }
0x97: {  	s18 =	sld [smem:$0x3FFB];
	_ =	sdelay $0x3  }
0x98: {  	_ =	strace s18  }
0x99: {  	s4 =	sld [smem:$0x3FFC];
	_ =	sdelay $0x3  }
0x9a: {  	_ =	strace s4  }
0x9b: {  	s4 =	sld [smem:$0x3FFD];
	_ =	sdelay $0x3  }
0x9c: {  	_ =	strace s4  }
0x9d: {  	_ =	strace $0x8FFFFFFF  }
0x9e: {  	s19 =	sld [smem:$0x3FDB];
	_ =	sdelay $0x1  }
0x9f: {  	s5 =	simm.s32 $_scs_section_size  }
0xa0: {  	s6 =	simm.s32 $_size__tile_overlayer_lowered;
	s7 =	simm.s32 $_tile_overlayer_lowered  }
0xa1: {  	s22 =	simm.s32 $0x1BFF;
	s21 =	sshll.u32 s7, $0x1;
	s4 =	sadd.s32 s5, s19  }
0xa2: {  	s8 =	simm.s32 $0x0;
	s20 =	sshll.u32 s6, $0x1;
	s6 =	sadd.s32 s21, s4  }
0xa3: {  	[timem:s8], [sflag:s22] =	dma.local [hbm:s6], s20  }
0xa4: {  	_ =	swait.ge [sflag:s22], s20  }
0xa5: {  	s5 =	ssub.s32 $0x0, s20;
	[sflag:s22] =	ssyncset.done $0x0  }
0xa6: {  	[sflag:s22] =	ssyncadd.s32 s5;
	_ =	sdelay $0x1  }
0xa7: {  	s23 =	simm.s32 $0x1B8B  }
0xa8: {  	_ =	swait.ge [sflag:s23], $0x1  }
0xa9: {  	[sflag:s23] =	ssyncset.done $0x0  }
0xaa: {  	s25 =	simm.s32 $0x1B8E;
	s24 =	sld [smem:$0x3FFE];
	[sflag:s23] =	ssyncadd.s32 $0xFFFFFFFF  }
0xab: {  	s26 =	simm.s32 $execute0_lowered;
	[smem:$0x3FD2] =	sst s25  }
0xac: {  	s6 =	sshll.u32 s26, $0x1;
	_ =	strace $0x80000049;
	[dreg:$0x1] =	wrdreg $0xFFFFFFFF  }
0xad: {  	s28 =	simm.s32 $_size_execute0_lowered;
	s4 =	sadd.s32 s4, s6;
	[dreg:$0x0] =	wrdreg $0x0  }
0xae: {  	s6 =	sshll.u32 s28, $0x1;
	[dreg:$0x2] =	wrdreg s4  }
0xaf: {  	[dreg:$0x3] =	wrdreg s6  }
0xb0: {  	[dreg:$0x4] =	wrdreg $0xC0  }
0xb1: {  	_ =	task [dreg:s8], $0x5FFFF  }
0xb2: {  	[dreg:$0x1] =	wrdreg $0xFFFFFFFF  }
0xb3: {  	[dreg:$0x0] =	wrdreg $0x60  }
0xb4: {  	[dreg:$0x2] =	wrdreg s17  }
0xb5: {  	[dreg:$0x3] =	wrdreg s24  }
0xb6: {  	[dreg:$0x4] =	wrdreg s16  }
0xb7: {  	[dreg:$0x5] =	wrdreg $0x82000  }
0xb8: {  	[dreg:$0x6] =	wrdreg $0x1BA800  }
0xb9: {  	[dreg:$0x7] =	wrdreg $0x9  }
0xba: {  	_ =	task.clear_ibuf [dreg:s8], $0x8FFFF;
	_ =	strace $0x90000049  }
0xbb: {  	s29 =	simm.s32 $0x9;
	_ =	strace $0x8000004B  }
0xbc: {  	_ =	swait.ge [sflag:s29], $0x1  }
0xbd: {  	[sflag:s29] =	ssyncadd.s32 $0xFFFFFFFF  }
0xbe: {  	_ =	strace $0x9000004B  }
0xbf: {  	_ =	sfence  }
0xc0: {  	s30 =	sld [smem:$0x0];
	_ =	sdelay $0x2  }
0xc1: {  	s31 =	sshll.u32 s1, $0xD;
	s1 =	sshrl.u32 s1, $0x2  }
0xc2: {  	s3 =	sand.u32 $0x4000, s31;
	s1 =	sadd.s32 s1, s30  }
0xc3: {  	s0 =	sor.u32 s3, s0;
	s1 =	sshll.u32 s1, $0x11  }
0xc4: {  	s0 =	sor.u32 s1, s0  }
0xc5: {  	s0 =	sadd.s32 $0x8F2B, s0  }
0xc6: {  	[sflag:s0] =	ssyncadd.remote.s32 $0x1  }
0xc7: {  	_ =	sfence.sel $0xFFFF  }
0xc8: {  	[dreg:$0x0] =	wrdreg $0xFFFFFFFF;
	(pc) =	sbr.abs _section_cstart, $3  }
0xc9: {  	[dreg:$0x1] =	wrdreg $0xFFFFFFFF  }
0xca: {  	_ =	task.clear_ibuf [dreg:s8], $0x2FFFF;
	_ =	strace $0x9FFFFFFF  }
0xcb: {  	(tm) =	ssettm $0x7FFFFFFF  }
tec
execute0_lowered:
.L_overlay_start_1:
0x0: {  	(tag) =	ssettag $0x1  }
0x1: {  	s0 =	rddreg [dreg:$0x0]  }
0x2: {  	s1 =	rddreg [dreg:$0x1]  }
0x3: {  	s5 =	rddreg [dreg:$0x2]  }
0x4: {  	s2 =	rddreg [dreg:$0x3];
	s4 =	srdreg.scid  }
0x5: {  	s17 =	stileid.u32;
	s3 =	rddreg [dreg:$0x4]  }
0x6: {  	s28 =	simm.s32 $0x80;
	s29 =	simm.s32 $0x100;
	s30 =	simm.s32 $0x2100  }
0x7: {  	s31 =	simm.s32 $0x4100;
	s6 =	sand.u32 $0x1, s4;
	s7 =	smul.u32 $0x13800, s17  }
0x8: {  	s4 =	simm.s32 $0x0;
	s9 =	smul.u32 $0x2800, s17;
	s11 =	sadd.s32 $0x793400, s1  }
0x9: {  	s12 =	sadd.s32 $0x5200, s1;
	s13 =	sadd.s32 $0x78E400, s1;
	s15 =	smul.u32 $0x4E000, s17  }
0xa: {  	s16 =	sshll.u32 s17, $0x1;
	p0 =	sgt.u32 s17, $0x1;
	s8 =	smul.u32 $0x138800, s6  }
0xb: {  	[smem:$0x7FF] =	sst s4;
	s10 =	smul.u32 $0x28000, s6;
	s14 =	ssub.s32 $0x2, s6  }
0xc: {  	_ =	strace $0x8000004A;
	s26 =	sshrl.u32 s14, $0x1;
	s19 =	sshrl.u32 s15, $0x2  }
0xd: {  	s8 =	sadd.s32 s7, s8;
	s10 =	sadd.s32 s9, s10;
	s7 =	sshrl.u32 s7, $0x3  }
0xe: {  	s9 =	sshrl.u32 s9, $0x3;
	s8 =	sshrl.u32 s8, $0x3;
	s10 =	sshrl.u32 s10, $0x3  }
0xf: {  	s7 =	sadd.s32 s5, s7;
	s5 =	sadd.s32 s5, s9;
	s8 =	sadd.s32 s8, s1  }
0x10: {  	s1 =	sadd.s32 s10, s1;
	s10 =	ssub.s32 s14, s26;
	[dreg:$0x6] =	wrdreg s7  }
0x11: {  	s14 =	sor.u32 s6, s16;
	s7 =	smul.u32 $0xA000, s17;
	[dreg:$0x7] =	wrdreg s5  }
0x12: {  	s16 =	sshll.u32 s6, $0x3;
	s18 =	sshll.u32 s14, $0x3;
	s21 =	sshll.u32 s14, $0x6  }
0x13: {  	s23 =	sshll.u32 s14, $0xA;
	s20 =	sadd.s32 s12, s18;
	s22 =	sadd.s32 s13, s18  }
0x14: {  	s5 =	sor.u32 $0x27000, s21;
	s14 =	sadd.s32 s0, s23;
	[dreg:$0x8] =	wrdreg s20  }
0x15: {  	s9 =	sadd.s32 s11, s23;
	s18 =	sshll.u32 s17, $0xB;
	[dreg:$0x9] =	wrdreg s22  }
0x16: {  	s21 =	sshll.u32 s17, $0x6;
	s23 =	sshrl.u32 s7, $0x2;
	[dreg:$0xa] =	wrdreg s14  }
0x17: {  	s7 =	simm.s32 $0x40;
	[dreg:$0xb] =	wrdreg s9;
	s20 =	sadd.s32 s18, s11  }
0x18: {  	s24 =	sshrl.u32 s5, $0x3;
	s22 =	sadd.s32 s19, s2;
	[dreg:$0x10] =	wrdreg s20  }
0x19: {  	s5 =	sshll.u32 s5, $0x4;
	s25 =	sadd.s32 s12, s24;
	[dreg:$0x11] =	wrdreg s22  }
0x1a: {  	s14 =	sshll.u32 s17, $0x4;
	s9 =	sadd.s32 s13, s24;
	[dreg:$0xc] =	wrdreg s25  }
0x1b: {  	s18 =	sadd.s32 s18, s0;
	s26 =	sadd.s32 s0, s5;
	[dreg:$0xd] =	wrdreg s9  }
0x1c: {  	s5 =	sadd.s32 s11, s5;
	s15 =	sadd.s32 s14, s13;
	[dreg:$0xe] =	wrdreg s26  }
0x1d: {  	s20 =	sor.u32 $0x1C03, s21;
	s0 =	sadd.s32 s23, s3;
	[dreg:$0xf] =	wrdreg s5  }
0x1e: {  	s24 =	sadd.s32 $0x40400, s8;
	s8 =	simm.s32 $0x2;
	[dreg:$0x12] =	wrdreg s0  }
0x1f: {  	s5 =	sadd.s32 s14, s12;
	s15 =	sadd.s32 s16, s15;
	[dreg:$0x13] =	wrdreg s24  }
0x20: {  	s25 =	sadd.s32 $0x36400, s1;
	s26 =	smax.u32 s10, $0x1;
	s1 =	simm.s32 $0x4180  }
0x21: {  	s0 =	simm.s32 $0x4200;
	s9 =	simm.s32 $0x0;
	[dreg:$0x14] =	wrdreg s25  }
0x22: {  	s16 =	sadd.s32 s16, s5;
	[dreg:$0x15] =	wrdreg s26;
	s25 =	sshll.u32 s6, $0xA  }
0x23: {  	s26 =	simm.s32 $0x3;
	s5 =	simm.s32 $0x6200;
	s6 =	simm.s32 $0x1  }
.LBB2_1:
0x24: {  	s10 =	rddreg [dreg:$0x11]  }
0x25: {  	s11 =	rddreg [dreg:$0x6];
	s10 =	sshrl.u32 s10, $0x3  }
0x26: {  	[spmem:s10], [sflag:s20] =	dma.local [hbm:s11], $0x2800  }
0x27: {  	_ =	swait.ge [sflag:s26], $0x2800  }
0x28: {  	[sflag:s26] =	ssyncset.done $0x0;
	s21 =	rddreg [dreg:$0x12]  }
0x29: {  	s12 =	rddreg [dreg:$0x7];
	[sflag:s26] =	ssyncadd.s32 $0xFFFFD800;
	s11 =	sshrl.u32 s21, $0x3  }
0x2a: {  	[spmem:s11], [sflag:s20] =	dma.local [hbm:s12], $0x500  }
0x2b: {  	_ =	swait.ge [sflag:s26], $0x500  }
0x2c: {  	[sflag:s26] =	ssyncset.done $0x0  }
0x2d: {  	[sflag:s26] =	ssyncadd.s32 $0xFFFFFB00  }
0x2e: {  	[bflag:$0x0] =	sbarrier.arrive $0xFFFF  }
0x2f: {  	s22 =	rddreg [dreg:$0x8]  }
0x30: {  	[tilespmem:s4], [sflag:$0x1] =	stream.linear.gather [hbm4b:s22+s4], $0x40, $0x38;
	[tilespmem:$0x1E280] =	vst v63  }
0x31: {  	s23 =	rddreg [dreg:$0x9]  }
0x32: {  	[tilespmem:s28], [sflag:$0x1] =	stream.linear.gather [hbm4b:s23+s4], $0x40, $0x38;
	[tilespmem:$0x1E280] =	vst v63  }
0x33: {  	p1 =	por $0x1, $0x1;
	s24 =	rddreg [dreg:$0xa]  }
0x34: {  	[tilespmem:s29], [sflag:$0x1] =	stream.linear.gather [hbm4b:s24+s4], $0x2000, $0x38;
	[tilespmem:$0x1E280] =	vst v63  }
0x35: {  	s12 =	simm.s32 @!p1 $0x2;
	s13 =	rddreg [dreg:$0xb]  }
0x36: {  	[tilespmem:s30], [sflag:$0x1] =	stream.linear.gather [hbm4b:s13+s4], $0x2000, $0x38;
	[tilespmem:$0x1E280] =	vst v63  }
0x37: {  	_ =	swait.ge @!p1 [sflag:s12], $0x2000  }
0x38: {  	[sflag:s12] =	ssyncset.done @!p1 $0x0  }
0x39: {  	[sflag:s12] =	ssyncadd.s32 @!p1 $0xFFFFE000  }
0x3a: {  	_ =	swait.ge @!p1 [sflag:s12], $0x2000  }
0x3b: {  	s13 =	sadd.s32 $0x0, s16;
	[sflag:s12] =	ssyncset.done @!p1 $0x0  }
0x3c: {  	s17 =	sadd.s32 $0x0, s15;
	s14 =	sadd.s32 $0x100, s13;
	[sflag:s12] =	ssyncadd.s32 @!p1 $0xFFFFE000  }
0x3d: {  	[tilespmem:s31], [sflag:$0x1] =	stream.linear.gather [hbm4b:s14+s4], $0x40, $0x38;
	[tilespmem:$0x1E280] =	vst v63  }
0x3e: {  	s19 =	sadd.s32 $0x100, s17;
	s21 =	sadd.s32 s18, s25;
	s17 =	rddreg [dreg:$0x10]  }
0x3f: {  	[tilespmem:s1], [sflag:$0x1] =	stream.linear.gather [hbm4b:s19+s4], $0x40, $0x38;
	[tilespmem:$0x1E280] =	vst v63  }
0x40: {  	s22 =	sadd.s32 $0x8000, s21;
	s23 =	sadd.s32 s17, s25  }
0x41: {  	[tilespmem:s0], [sflag:$0x1] =	stream.linear.gather [hbm4b:s22+s4], $0x2000, $0x38;
	[tilespmem:$0x1E280] =	vst v63  }
0x42: {  	s24 =	sadd.s32 $0x8000, s23  }
0x43: {  	[tilespmem:s5], [sflag:$0x1] =	stream.linear.gather [hbm4b:s24+s4], $0x2000, $0x38;
	[tilespmem:$0x1E280] =	vst v63  }
0x44: {  	_ =	swait.ge [sflag:s6], $0x40  }
0x45: {  	[sflag:s6] =	ssyncset.done $0x0  }
0x46: {  	[sflag:s6] =	ssyncadd.s32 $0xFFFFFFC0  }
0x47: {  	_ =	swait.ge [sflag:s6], $0x40  }
0x48: {  	[sflag:s6] =	ssyncset.done $0x0  }
0x49: {  	[sflag:s6] =	ssyncadd.s32 $0xFFFFFFC0  }
0x4a: {  	_ =	swait.ge [sflag:s6], $0x2000  }
0x4b: {  	[sflag:s6] =	ssyncset.done $0x0  }
0x4c: {  	[sflag:s6] =	ssyncadd.s32 $0xFFFFE000  }
0x4d: {  	_ =	swait.ge [sflag:s6], $0x2000  }
0x4e: {  	[sflag:s6] =	ssyncset.done $0x0  }
0x4f: {  	[sflag:s6] =	ssyncadd.s32 $0xFFFFE000  }
0x50: {  	[spmem:s2] =	stream.indirect.scatter.add.f32 [tilespmem:s29], [sflag:$0x2], $0x80, s4, s7, $0xb8;
	[tilespmem:$0x1E280] =	vst v63  }
0x51: {  	_ = 	snop  }
0x52: {  	[spmem:s3] =	stream.indirect.scatter.add.f32 [tilespmem:s30], [sflag:$0x2], $0x80, s28, s7, $0xb8;
	[tilespmem:$0x1E280] =	vst v63  }
0x53: {  	_ =	swait.ge [sflag:s8], $0x2000  }
0x54: {  	[sflag:s8] =	ssyncset.done $0x0  }
0x55: {  	[sflag:s8] =	ssyncadd.s32 $0xFFFFE000  }
0x56: {  	p1 =	por $0x0, $0x0;
	_ =	swait.ge [sflag:s8], $0x2000  }
0x57: {  	s12 =	sadd.s32 @!p1 $0x0, s16;
	s13 =	sadd.s32 @!p1 $0x0, s15;
	[sflag:s8] =	ssyncset.done $0x0  }
0x58: {  	s14 =	simm.s32 @!p1 $0x0;
	s12 =	sadd.s32 @!p1 $0x200, s12;
	[sflag:s8] =	ssyncadd.s32 $0xFFFFE000  }
0x59: {  	[tilespmem:s14], [sflag:$0x1] =	stream.linear.gather @!p1 [hbm4b:s12+s14], $0x40, $0x38;
	[tilespmem:$0x1E280] =	vst v63  }
0x5a: {  	s19 =	sadd.s32 @!p1 s18, s25;
	s12 =	sadd.s32 @!p1 $0x200, s13;
	s13 =	simm.s32 @!p1 $0x80  }
0x5b: {  	[tilespmem:s13], [sflag:$0x1] =	stream.linear.gather @!p1 [hbm4b:s12+s14], $0x40, $0x38;
	[tilespmem:$0x1E280] =	vst v63  }
0x5c: {  	s12 =	sadd.s32 @!p1 $0x10000, s19;
	s13 =	simm.s32 @!p1 $0x100;
	s19 =	sadd.s32 @!p1 s17, s25  }
0x5d: {  	[tilespmem:s13], [sflag:$0x1] =	stream.linear.gather @!p1 [hbm4b:s12+s14], $0x2000, $0x38;
	[tilespmem:$0x1E280] =	vst v63  }
0x5e: {  	s12 =	sadd.s32 @!p1 $0x10000, s19;
	s13 =	simm.s32 @!p1 $0x2100  }
0x5f: {  	[tilespmem:s13], [sflag:$0x1] =	stream.linear.gather @!p1 [hbm4b:s12+s14], $0x2000, $0x38;
	[tilespmem:$0x1E280] =	vst v63  }
0x60: {  	_ =	swait.ge [sflag:s6], $0x40  }
0x61: {  	[sflag:s6] =	ssyncset.done $0x0  }
0x62: {  	[sflag:s6] =	ssyncadd.s32 $0xFFFFFFC0  }
0x63: {  	_ =	swait.ge [sflag:s6], $0x40  }
0x64: {  	[sflag:s6] =	ssyncset.done $0x0  }
0x65: {  	[sflag:s6] =	ssyncadd.s32 $0xFFFFFFC0  }
0x66: {  	_ =	swait.ge [sflag:s6], $0x2000  }
0x67: {  	[sflag:s6] =	ssyncset.done $0x0  }
0x68: {  	[sflag:s6] =	ssyncadd.s32 $0xFFFFE000  }
0x69: {  	p2 =	por $0x0, $0x0;
	s21 =	simm.s32 $0x400;
	_ =	swait.ge [sflag:s6], $0x2000  }
0x6a: {  	s19 =	simm.s32 $0x200;
	s13 =	sadd.s32 $0x10000, s18;
	[sflag:s6] =	ssyncset.done $0x0  }
0x6b: {  	s12 =	sadd.s32 $0x10000, s17;
	s14 =	simm.s32 $0x0;
	[sflag:s6] =	ssyncadd.s32 $0xFFFFE000  }
0x6c: {  	[spmem:s2] =	stream.indirect.scatter.add.f32 [tilespmem:s0], [sflag:$0x2], $0x80, s31, s7, $0xb8;
	[tilespmem:$0x1E280] =	vst v63  }
.LBB2_2:
0x6d: {  	s23 =	simm.s32 @!p2 $0x2  }
0x6e: {  	s14 =	sadd.s32 $0x1, s14;
	s22 =	smov.u32 s21;
	s21 =	sadd.s32 $0x200, s21  }
0x6f: {  	[spmem:s3] =	stream.indirect.scatter.add.f32 [tilespmem:s5], [sflag:$0x2], $0x80, s1, s7, $0xb8;
	[tilespmem:$0x1E280] =	vst v63  }
0x70: {  	p1 =	sne.s32 s21, $0x4E00;
	_ =	swait.ge @!p2 [sflag:s23], $0x2000  }
0x71: {  	[sflag:s23] =	ssyncset.done @!p2 $0x0  }
0x72: {  	[sflag:s23] =	ssyncadd.s32 @!p2 $0xFFFFE000  }
0x73: {  	_ =	swait.ge @!p2 [sflag:s23], $0x2000  }
0x74: {  	s24 =	sadd.s32 s19, s16;
	[sflag:s23] =	ssyncset.done @!p2 $0x0  }
0x75: {  	[sflag:s23] =	ssyncadd.s32 @!p2 $0xFFFFE000;
	s23 =	sadd.s32 $0x100, s24;
	s24 =	sadd.s32 s19, s15  }
0x76: {  	[tilespmem:s31], [sflag:$0x1] =	stream.linear.gather [hbm4b:s23+s4], $0x40, $0x38;
	[tilespmem:$0x1E280] =	vst v63  }
0x77: {  	s23 =	sadd.s32 $0x100, s24;
	s24 =	sadd.s32 s13, s25  }
0x78: {  	[tilespmem:s1], [sflag:$0x1] =	stream.linear.gather [hbm4b:s23+s4], $0x40, $0x38;
	[tilespmem:$0x1E280] =	vst v63  }
0x79: {  	s23 =	sadd.s32 $0x8000, s24;
	s24 =	sadd.s32 s12, s25  }
0x7a: {  	[tilespmem:s0], [sflag:$0x1] =	stream.linear.gather [hbm4b:s23+s4], $0x2000, $0x38;
	[tilespmem:$0x1E280] =	vst v63  }
0x7b: {  	s23 =	sadd.s32 $0x8000, s24  }
0x7c: {  	[tilespmem:s5], [sflag:$0x1] =	stream.linear.gather [hbm4b:s23+s4], $0x2000, $0x38;
	[tilespmem:$0x1E280] =	vst v63  }
0x7d: {  	_ =	swait.ge [sflag:s6], $0x40  }
0x7e: {  	[sflag:s6] =	ssyncset.done $0x0  }
0x7f: {  	[sflag:s6] =	ssyncadd.s32 $0xFFFFFFC0  }
0x80: {  	_ =	swait.ge [sflag:s6], $0x40  }
0x81: {  	[sflag:s6] =	ssyncset.done $0x0  }
0x82: {  	[sflag:s6] =	ssyncadd.s32 $0xFFFFFFC0  }
0x83: {  	_ =	swait.ge [sflag:s6], $0x2000  }
0x84: {  	[sflag:s6] =	ssyncset.done $0x0  }
0x85: {  	[sflag:s6] =	ssyncadd.s32 $0xFFFFE000  }
0x86: {  	_ =	swait.ge [sflag:s6], $0x2000  }
0x87: {  	[sflag:s6] =	ssyncset.done $0x0  }
0x88: {  	[sflag:s6] =	ssyncadd.s32 $0xFFFFE000  }
0x89: {  	[spmem:s2] =	stream.indirect.scatter.add.f32 [tilespmem:s29], [sflag:$0x2], $0x80, s4, s7, $0xb8;
	[tilespmem:$0x1E280] =	vst v63  }
0x8a: {  	_ = 	snop  }
0x8b: {  	[spmem:s3] =	stream.indirect.scatter.add.f32 [tilespmem:s30], [sflag:$0x2], $0x80, s28, s7, $0xb8;
	[tilespmem:$0x1E280] =	vst v63  }
0x8c: {  	_ =	swait.ge [sflag:s8], $0x2000  }
0x8d: {  	[sflag:s8] =	ssyncset.done $0x0  }
0x8e: {  	[sflag:s8] =	ssyncadd.s32 $0xFFFFE000  }
0x8f: {  	p2 =	sgt.u32 s14, $0x25;
	_ =	swait.ge [sflag:s8], $0x2000  }
0x90: {  	s23 =	sadd.s32 @!p2 s19, s16;
	s19 =	sadd.s32 @!p2 s19, s15;
	[sflag:s8] =	ssyncset.done $0x0  }
0x91: {  	s24 =	simm.s32 @!p2 $0x0;
	s23 =	sadd.s32 @!p2 $0x200, s23;
	[sflag:s8] =	ssyncadd.s32 $0xFFFFE000  }
0x92: {  	[tilespmem:s24], [sflag:$0x1] =	stream.linear.gather @!p2 [hbm4b:s23+s24], $0x40, $0x38;
	[tilespmem:$0x1E280] =	vst v63  }
0x93: {  	s17 =	sadd.s32 @!p2 s13, s25;
	s19 =	sadd.s32 @!p2 $0x200, s19;
	s23 =	simm.s32 @!p2 $0x80  }
0x94: {  	[tilespmem:s23], [sflag:$0x1] =	stream.linear.gather @!p2 [hbm4b:s19+s24], $0x40, $0x38;
	[tilespmem:$0x1E280] =	vst v63  }
0x95: {  	s17 =	sadd.s32 @!p2 $0x10000, s17;
	s19 =	simm.s32 @!p2 $0x100;
	s23 =	sadd.s32 @!p2 s12, s25  }
0x96: {  	[tilespmem:s19], [sflag:$0x1] =	stream.linear.gather @!p2 [hbm4b:s17+s24], $0x2000, $0x38;
	[tilespmem:$0x1E280] =	vst v63  }
0x97: {  	s17 =	sadd.s32 @!p2 $0x10000, s23;
	s23 =	simm.s32 @!p2 $0x2100;
	s19 =	smov.u32 s22  }
0x98: {  	[tilespmem:s23], [sflag:$0x1] =	stream.linear.gather @!p2 [hbm4b:s17+s24], $0x2000, $0x38;
	[tilespmem:$0x1E280] =	vst v63  }
0x99: {  	_ =	swait.ge [sflag:s6], $0x40  }
0x9a: {  	[sflag:s6] =	ssyncset.done $0x0  }
0x9b: {  	[sflag:s6] =	ssyncadd.s32 $0xFFFFFFC0  }
0x9c: {  	_ =	swait.ge [sflag:s6], $0x40  }
0x9d: {  	[sflag:s6] =	ssyncset.done $0x0  }
0x9e: {  	[sflag:s6] =	ssyncadd.s32 $0xFFFFFFC0  }
0x9f: {  	_ =	swait.ge [sflag:s6], $0x2000  }
0xa0: {  	[sflag:s6] =	ssyncset.done $0x0  }
.Ltmp0:
0xa1: {  	[sflag:s6] =	ssyncadd.s32 $0xFFFFE000;
	(pc) =	sbr.rel @p1 .LBB2_2-.Ltmp0, $4  }
0xa2: {  	_ =	swait.ge [sflag:s6], $0x2000  }
0xa3: {  	s13 =	sadd.s32 $0x10000, s13;
	[sflag:s6] =	ssyncset.done $0x0  }
0xa4: {  	s12 =	sadd.s32 $0x10000, s12;
	p2 =	seq.s32 s19, $0x0;
	[sflag:s6] =	ssyncadd.s32 $0xFFFFE000  }
0xa5: {  	[spmem:s2] =	stream.indirect.scatter.add.f32 [tilespmem:s0], [sflag:$0x2], $0x80, s31, s7, $0xb8;
	[tilespmem:$0x1E280] =	vst v63  }
0xa6: {  	s17 =	simm.s32 @!p2 $0x2  }
0xa7: {  	[spmem:s3] =	stream.indirect.scatter.add.f32 [tilespmem:s5], [sflag:$0x2], $0x80, s1, s7, $0xb8;
	[tilespmem:$0x1E280] =	vst v63  }
0xa8: {  	_ =	swait.ge @!p2 [sflag:s17], $0x2000  }
0xa9: {  	[sflag:s17] =	ssyncset.done @!p2 $0x0  }
0xaa: {  	[sflag:s17] =	ssyncadd.s32 @!p2 $0xFFFFE000  }
0xab: {  	_ =	swait.ge @!p2 [sflag:s17], $0x2000  }
0xac: {  	s21 =	sadd.s32 s19, s16;
	[sflag:s17] =	ssyncset.done @!p2 $0x0  }
0xad: {  	s23 =	sadd.s32 s19, s15;
	s22 =	sadd.s32 $0x100, s21;
	[sflag:s17] =	ssyncadd.s32 @!p2 $0xFFFFE000  }
0xae: {  	[tilespmem:s31], [sflag:$0x1] =	stream.linear.gather [hbm4b:s22+s4], $0x40, $0x38;
	[tilespmem:$0x1E280] =	vst v63  }
0xaf: {  	s24 =	sadd.s32 s13, s25;
	s17 =	sadd.s32 $0x100, s23  }
0xb0: {  	[tilespmem:s1], [sflag:$0x1] =	stream.linear.gather [hbm4b:s17+s4], $0x40, $0x38;
	[tilespmem:$0x1E280] =	vst v63  }
0xb1: {  	s21 =	sadd.s32 s12, s25;
	s17 =	sadd.s32 $0x8000, s24  }
0xb2: {  	[tilespmem:s0], [sflag:$0x1] =	stream.linear.gather [hbm4b:s17+s4], $0x2000, $0x38;
	[tilespmem:$0x1E280] =	vst v63  }
0xb3: {  	s17 =	sadd.s32 $0x8000, s21  }
0xb4: {  	[tilespmem:s5], [sflag:$0x1] =	stream.linear.gather [hbm4b:s17+s4], $0x2000, $0x38;
	[tilespmem:$0x1E280] =	vst v63  }
0xb5: {  	_ =	swait.ge [sflag:s6], $0x40  }
0xb6: {  	[sflag:s6] =	ssyncset.done $0x0  }
0xb7: {  	[sflag:s6] =	ssyncadd.s32 $0xFFFFFFC0  }
0xb8: {  	_ =	swait.ge [sflag:s6], $0x40  }
0xb9: {  	[sflag:s6] =	ssyncset.done $0x0  }
0xba: {  	[sflag:s6] =	ssyncadd.s32 $0xFFFFFFC0  }
0xbb: {  	_ =	swait.ge [sflag:s6], $0x2000  }
0xbc: {  	[sflag:s6] =	ssyncset.done $0x0  }
0xbd: {  	[sflag:s6] =	ssyncadd.s32 $0xFFFFE000  }
0xbe: {  	_ =	swait.ge [sflag:s6], $0x2000  }
0xbf: {  	[sflag:s6] =	ssyncset.done $0x0  }
0xc0: {  	[sflag:s6] =	ssyncadd.s32 $0xFFFFE000  }
0xc1: {  	[spmem:s2] =	stream.indirect.scatter.add.f32 [tilespmem:s29], [sflag:$0x2], $0x80, s4, s7, $0xb8;
	[tilespmem:$0x1E280] =	vst v63  }
0xc2: {  	_ = 	snop  }
0xc3: {  	[spmem:s3] =	stream.indirect.scatter.add.f32 [tilespmem:s30], [sflag:$0x2], $0x80, s28, s7, $0xb8;
	[tilespmem:$0x1E280] =	vst v63  }
0xc4: {  	_ =	swait.ge [sflag:s8], $0x2000  }
0xc5: {  	s14 =	sadd.s32 $0x1, s14;
	[sflag:s8] =	ssyncset.done $0x0  }
0xc6: {  	p1 =	sgt.u32 s14, $0x25;
	[sflag:s8] =	ssyncadd.s32 $0xFFFFE000  }
0xc7: {  	s14 =	sadd.s32 @!p1 s19, s16;
	_ =	swait.ge [sflag:s8], $0x2000  }
0xc8: {  	s14 =	sadd.s32 @!p1 $0x200, s14;
	[sflag:s8] =	ssyncset.done $0x0  }
0xc9: {  	s17 =	sadd.s32 @!p1 s19, s15;
	s19 =	simm.s32 @!p1 $0x0;
	[sflag:s8] =	ssyncadd.s32 $0xFFFFE000  }
0xca: {  	[tilespmem:s19], [sflag:$0x1] =	stream.linear.gather @!p1 [hbm4b:s14+s19], $0x40, $0x38;
	[tilespmem:$0x1E280] =	vst v63  }
0xcb: {  	s13 =	sadd.s32 @!p1 s13, s25;
	s14 =	sadd.s32 @!p1 $0x200, s17;
	s17 =	simm.s32 @!p1 $0x80  }
0xcc: {  	[tilespmem:s17], [sflag:$0x1] =	stream.linear.gather @!p1 [hbm4b:s14+s19], $0x40, $0x38;
	[tilespmem:$0x1E280] =	vst v63  }
0xcd: {  	s12 =	sadd.s32 @!p1 s12, s25;
	s13 =	sadd.s32 @!p1 $0x10000, s13;
	s14 =	simm.s32 @!p1 $0x100  }
0xce: {  	[tilespmem:s14], [sflag:$0x1] =	stream.linear.gather @!p1 [hbm4b:s13+s19], $0x2000, $0x38;
	[tilespmem:$0x1E280] =	vst v63  }
0xcf: {  	s12 =	sadd.s32 @!p1 $0x10000, s12;
	s13 =	simm.s32 @!p1 $0x2100  }
0xd0: {  	[tilespmem:s13], [sflag:$0x1] =	stream.linear.gather @!p1 [hbm4b:s12+s19], $0x2000, $0x38;
	[tilespmem:$0x1E280] =	vst v63  }
0xd1: {  	_ =	swait.ge [sflag:s6], $0x40  }
0xd2: {  	[sflag:s6] =	ssyncset.done $0x0  }
0xd3: {  	[sflag:s6] =	ssyncadd.s32 $0xFFFFFFC0  }
0xd4: {  	_ =	swait.ge [sflag:s6], $0x40  }
0xd5: {  	[sflag:s6] =	ssyncset.done $0x0  }
0xd6: {  	[sflag:s6] =	ssyncadd.s32 $0xFFFFFFC0  }
0xd7: {  	_ =	swait.ge [sflag:s6], $0x2000  }
0xd8: {  	[sflag:s6] =	ssyncset.done $0x0  }
0xd9: {  	[sflag:s6] =	ssyncadd.s32 $0xFFFFE000  }
0xda: {  	_ =	swait.ge [sflag:s6], $0x2000  }
0xdb: {  	[sflag:s6] =	ssyncset.done $0x0  }
0xdc: {  	[sflag:s6] =	ssyncadd.s32 $0xFFFFE000  }
0xdd: {  	[spmem:s2] =	stream.indirect.scatter.add.f32 [tilespmem:s0], [sflag:$0x2], $0x80, s31, s7, $0xb8;
	[tilespmem:$0x1E280] =	vst v63  }
0xde: {  	_ = 	snop  }
0xdf: {  	[spmem:s3] =	stream.indirect.scatter.add.f32 [tilespmem:s5], [sflag:$0x2], $0x80, s1, s7, $0xb8;
	[tilespmem:$0x1E280] =	vst v63  }
0xe0: {  	_ =	swait.ge [sflag:s8], $0x2000  }
0xe1: {  	[sflag:s8] =	ssyncset.done $0x0  }
0xe2: {  	[sflag:s8] =	ssyncadd.s32 $0xFFFFE000  }
0xe3: {  	_ =	swait.ge [sflag:s8], $0x2000  }
0xe4: {  	[sflag:s8] =	ssyncset.done $0x0  }
0xe5: {  	s12 =	simm.s32 @!p0 $0x0;
	s13 =	rddreg [dreg:$0xc];
	[sflag:s8] =	ssyncadd.s32 $0xFFFFE000  }
0xe6: {  	[tilespmem:s12], [sflag:$0x1] =	stream.linear.gather @!p0 [hbm4b:s13+s12], $0x40, $0x38;
	[tilespmem:$0x1E280] =	vst v63  }
0xe7: {  	s14 =	rddreg [dreg:$0xd];
	s13 =	simm.s32 @!p0 $0x80  }
0xe8: {  	[tilespmem:s13], [sflag:$0x1] =	stream.linear.gather @!p0 [hbm4b:s14+s12], $0x40, $0x38;
	[tilespmem:$0x1E280] =	vst v63  }
0xe9: {  	s17 =	rddreg [dreg:$0xe];
	s14 =	simm.s32 @!p0 $0x100  }
0xea: {  	[tilespmem:s14], [sflag:$0x1] =	stream.linear.gather @!p0 [hbm4b:s17+s12], $0x2000, $0x38;
	[tilespmem:$0x1E280] =	vst v63  }
0xeb: {  	s19 =	rddreg [dreg:$0xf];
	s17 =	simm.s32 @!p0 $0x2100  }
0xec: {  	[tilespmem:s17], [sflag:$0x1] =	stream.linear.gather @!p0 [hbm4b:s19+s12], $0x2000, $0x38;
	[tilespmem:$0x1E280] =	vst v63  }
0xed: {  	s19 =	simm.s32 @!p0 $0x1  }
0xee: {  	_ =	swait.ge @!p0 [sflag:s19], $0x40  }
0xef: {  	[sflag:s19] =	ssyncset.done @!p0 $0x0  }
0xf0: {  	[sflag:s19] =	ssyncadd.s32 @!p0 $0xFFFFFFC0  }
0xf1: {  	_ =	swait.ge @!p0 [sflag:s19], $0x40  }
0xf2: {  	[sflag:s19] =	ssyncset.done @!p0 $0x0  }
0xf3: {  	[sflag:s19] =	ssyncadd.s32 @!p0 $0xFFFFFFC0  }
0xf4: {  	_ =	swait.ge @!p0 [sflag:s19], $0x2000  }
0xf5: {  	[sflag:s19] =	ssyncset.done @!p0 $0x0  }
0xf6: {  	[sflag:s19] =	ssyncadd.s32 @!p0 $0xFFFFE000  }
0xf7: {  	_ =	swait.ge @!p0 [sflag:s19], $0x2000  }
0xf8: {  	[sflag:s19] =	ssyncset.done @!p0 $0x0  }
0xf9: {  	[sflag:s19] =	ssyncadd.s32 @!p0 $0xFFFFE000;
	s19 =	simm.s32 @!p0 $0x40  }
0xfa: {  	[spmem:s2] =	stream.indirect.scatter.add.f32 @!p0 [tilespmem:s14], [sflag:$0x3], $0x80, s12, s19, $0xb8;
	[tilespmem:$0x1E280] =	vst v63  }
0xfb: {  	s12 =	simm.s32 @!p0 $0x3  }
0xfc: {  	_ =	swait.ge @!p0 [sflag:s12], $0x2000  }
0xfd: {  	[sflag:s12] =	ssyncset.done @!p0 $0x0  }
0xfe: {  	[sflag:s12] =	ssyncadd.s32 @!p0 $0xFFFFE000  }
0xff: {  	[spmem:s3] =	stream.indirect.scatter.add.f32 @!p0 [tilespmem:s17], [sflag:$0x3], $0x80, s13, s19, $0xb8;
	[tilespmem:$0x1E280] =	vst v63  }
0x100: {  	_ =	swait.ge @!p0 [sflag:s12], $0x2000  }
0x101: {  	[sflag:s12] =	ssyncset.done @!p0 $0x0  }
0x102: {  	[sflag:s12] =	ssyncadd.s32 @!p0 $0xFFFFE000  }
0x103: {  	[bflag:$0x0] =	sbarrier.arrive $0xFFFF  }
0x104: {  	s22 =	rddreg [dreg:$0x13]  }
0x105: {  	[hbm:s22], [sflag:s20] =	dma.local [spmem:s10], $0x2800  }
0x106: {  	_ =	swait.ge [sflag:s26], $0x2800  }
0x107: {  	[sflag:s26] =	ssyncset.done $0x0  }
0x108: {  	s23 =	rddreg [dreg:$0x14];
	[sflag:s26] =	ssyncadd.s32 $0xFFFFD800  }
0x109: {  	[hbm:s23], [sflag:s20] =	dma.local [spmem:s11], $0x500  }
0x10a: {  	_ =	swait.ge [sflag:s26], $0x500  }
0x10b: {  	s9 =	sadd.s32 $0x1, s9;
	s24 =	rddreg [dreg:$0x15]  }
0x10c: {  	p1 =	sne.s32 s9, s24  }
.Ltmp1:
0x10d: {  	_ = 	snop;
	(pc) =	sbr.rel @p1 .LBB2_1-.Ltmp1, $3  }
0x10e: {  	_ =	sdelay $0x1  }
0x10f: {  	[sflag:s26] =	ssyncset.done $0x0  }
0x110: {  	[sflag:s26] =	ssyncadd.s32 $0xFFFFFB00  }
0x111: {  	_ =	sfence.sel $0x180000  }
0x112: {  	[bflag:$0x0] =	sbarrier.arrive $0xFFFF  }
0x113: {  	_ =	strace $0x9000004A  }
0x114: {  	s0 =	stileid.u32;
	[bflag:$0x2] =	sbarrier.arrive $0xFFFF  }
0x115: {  	p0 =	sne.s32 s0, $0x0;
	s0 =	rddreg [dreg:$0x5]  }
0x116: {  	s0 =	sadd.s32 @!p0 $0x100000, s0  }
0x117: {  	[sflag:s0] =	ssyncadd.tile.s32 @!p0 $0x1;
	_ =	shalt  }
.Lfunc_end2:
_tile_overlayer_lowered:
.L_overlay_start_2:
0x118: {  	(tag) =	ssettag $0x2  }
0x119: {  	s0 =	rddreg [dreg:$0x0];
	s2 =	stileid.u32  }
0x11a: {  	s1 =	rddreg [dreg:$0x1];
	p0 =	sne.s32 s2, $0x0  }
0x11b: {  	s3 =	rddreg [dreg:$0x2];
	[bflag:$0x3] =	sbarrier.arrive $0xFFFF;
	s2 =	simm.s32 @!p0 $0x1C03  }
0x11c: {  	[timem:s3], [sflag:s2] =	dma.local @!p0 [hbm:s0], s1  }
0x11d: {  	s0 =	simm.s32 @!p0 $0x3  }
0x11e: {  	_ =	swait.ge @!p0 [sflag:s0], s1  }
0x11f: {  	s1 =	ssub.s32 @!p0 $0x0, s1;
	[sflag:s0] =	ssyncset.done @!p0 $0x0  }
0x120: {  	[sflag:s0] =	ssyncadd.s32 @!p0 s1  }
0x121: {  	[bflag:$0x3] =	sbarrier.arrive $0xFFFF  }
0x122: {  	_ =	shalt  }

// kernel: kernel.7.cloned.1.call-start
scs
__scs_entry_jumppad:
0x0: {  	(pc) =	sbr.rel $0x88, $3  }
0x1: {  	(tag) =	ssettag $0x0;
	lr =	simm.s32 $0x1  }
0x2: {  	[smem:$0x3F90] =	sst lr;
	_ =	strace $0xD0000000  }
0x3: {  	_ = 	snop  }
0x4: {  	_ = 	snop  }
0x5: {  	_ = 	snop  }
0x6: {  	_ = 	snop  }
0x7: {  	_ = 	snop  }
__scs_overlays_trampoline_lowered:
0x8: {  	[smem:$0x3F9F] =	sst s0  }
0x9: {  	[smem:$0x3FA0] =	sst s1  }
0xa: {  	[smem:$0x3FA1] =	sst s2  }
0xb: {  	[smem:$0x3FA2] =	sst s3  }
0xc: {  	[smem:$0x3FA3] =	sst s4  }
0xd: {  	[smem:$0x3FA4] =	sst s5  }
0xe: {  	[smem:$0x3FA5] =	sst s6  }
0xf: {  	[smem:$0x3FA6] =	sst s7  }
0x10: {  	[smem:$0x3FA7] =	sst s8  }
0x11: {  	[smem:$0x3FA8] =	sst s9;
	s0 =	simm.s32 @!p0 $0x0  }
0x12: {  	s1 =	sld [smem:$0x3F8E];
	s0 =	simm.s32 @p0 $0x1  }
0x13: {  	[smem:$0x3FA9] =	sst s0;
	s0 =	simm.s32 @!p1 $0x0  }
0x14: {  	s2 =	sld [smem:$0x3F8D];
	s0 =	simm.s32 @p1 $0x1  }
0x15: {  	[smem:$0x3FAA] =	sst s0;
	s0 =	simm.s32 @!p2 $0x0  }
0x16: {  	s3 =	sld [smem:$0x3FDB];
	s0 =	simm.s32 @p2 $0x1  }
0x17: {  	s4 =	simm.s32 $0x1BF5;
	[smem:$0x3FAC] =	sst s0  }
0x18: {  	s0 =	sld [smem:$0x3F8F];
	_ =	swait.ge [sflag:s4], $0x0  }
0x19: {  	s7 =	sld [smem:$0x3F90]  }
0x1a: {  	s8 =	sadd.s32 $0xFFFFE003, lr  }
0x1b: {  	s9 =	sadd.s32 $0xFFFFFEF7, lr;
	s5 =	simm.s32 $0xFFFFFFFF;
	p2 =	slt.u32 s8, $0xFFFFF086  }
0x1c: {  	p1 =	slt.u32 s9, $0xF7A;
	s5 =	simm.s32 @!p2 $0x0  }
0x1d: {  	s5 =	simm.s32 @p1 $0x1;
	p0 =	seq.s32 s7, s2  }
0x1e: {  	s7 =	smul.u32 @!p0 $0xF7A, s2;
	p2 =	seq.s32 @!p0 s5, $0x0  }
0x1f: {  	s9 =	smul.u32 $0xF7A, s1;
	s8 =	simm.s32 @!p0 $0x1BF5;
	p2 =	por !p2, p0  }
0x20: {  	[sflag:s8] =	ssyncset.s32 @!p0 $0xFFFFF086;
	s6 =	sadd.s32 @!p0 s3, s7;
	s7 =	simm.s32 @!p0 $0x108  }
0x21: {  	s3 =	sadd.s32 s3, s9;
	s6 =	sadd.s32 @!p0 $0x88, s6;
	s7 =	simm.s32 @p2 $0x1082  }
0x22: {  	[simem:s7], [sflag:s8] =	dma.local @!p0 [hbm:s6], $0xF7A  }
0x23: {  	s9 =	sor.u32 $0xD0000000, s2;
	s6 =	simm.s32 $0x108;
	_ =	swait.ge @!p0 [sflag:s8], $0x0  }
0x24: {  	s3 =	sadd.s32 $0x88, s3;
	s6 =	simm.s32 @!p1 $0x1082;
	[sflag:s4] =	ssyncset.s32 $0xFFFFF086  }
0x25: {  	[simem:s6], [sflag:s4] =	dma.local [hbm:s3], $0xF7A  }
0x26: {  	[smem:$0x3F90] =	sst s1;
	(tag) =	ssettag s2;
	_ =	strace s9  }
0x27: {  	s1 =	sld [smem:$0x3FA0]  }
0x28: {  	s2 =	sld [smem:$0x3FA1]  }
0x29: {  	s4 =	sld [smem:$0x3FA3]  }
0x2a: {  	p0 =	seq.s32 s5, $0x0;
	s5 =	sld [smem:$0x3FA4]  }
0x2b: {  	s6 =	sld [smem:$0x3FA5]  }
0x2c: {  	s7 =	sld [smem:$0x3FA6]  }
0x2d: {  	s3 =	simm.s32 $0x108;
	s8 =	sld [smem:$0x3FA7]  }
0x2e: {  	s3 =	simm.s32 @!p0 $0x1082;
	s9 =	sld [smem:$0x3FA8]  }
0x2f: {  	lr =	sadd.s32 s0, s3;
	s0 =	sld [smem:$0x3F9F]  }
0x30: {  	s3 =	sld [smem:$0x3FA2]  }
0x31: {  	[smem:$0x3FAB] =	sst s10  }
0x32: {  	s10 =	sld [smem:$0x3FA9];
	_ =	sdelay $0x3  }
0x33: {  	p0 =	seq.s32 s10, $0x1;
	s10 =	sld [smem:$0x3FAB];
	_ =	sdelay $0x3  }
0x34: {  	[smem:$0x3FAB] =	sst s10  }
0x35: {  	s10 =	sld [smem:$0x3FAA];
	_ =	sdelay $0x3  }
0x36: {  	p1 =	seq.s32 s10, $0x1;
	s10 =	sld [smem:$0x3FAB];
	_ =	sdelay $0x3  }
0x37: {  	[smem:$0x3FAB] =	sst s10  }
0x38: {  	s10 =	sld [smem:$0x3FAC]  }
0x39: {  	_ = 	snop;
	(pc) =	sbr.ind lr, $3  }
0x3a: {  	_ = 	snop  }
0x3b: {  	_ = 	snop  }
0x3c: {  	p2 =	seq.s32 s10, $0x1;
	s10 =	sld [smem:$0x3FAB]  }
0x3d: {  	_ =	shalt  }
0x3e: {  	_ =	shalt  }
0x3f: {  	_ =	shalt  }
0x40: {  	_ =	shalt  }
0x41: {  	_ =	shalt  }
0x42: {  	_ =	shalt  }
0x43: {  	_ =	shalt  }
0x44: {  	_ =	shalt  }
0x45: {  	_ =	shalt  }
0x46: {  	_ =	shalt  }
0x47: {  	_ =	shalt  }
0x48: {  	_ =	shalt  }
0x49: {  	_ =	shalt  }
0x4a: {  	_ =	shalt  }
0x4b: {  	_ =	shalt  }
0x4c: {  	_ =	shalt  }
0x4d: {  	_ =	shalt  }
0x4e: {  	_ =	shalt  }
0x4f: {  	_ =	shalt  }
0x50: {  	_ =	shalt  }
0x51: {  	_ =	shalt  }
0x52: {  	_ =	shalt  }
0x53: {  	_ =	shalt  }
0x54: {  	_ =	shalt  }
0x55: {  	_ =	shalt  }
0x56: {  	_ =	shalt  }
0x57: {  	_ =	shalt  }
0x58: {  	_ =	shalt  }
0x59: {  	_ =	shalt  }
0x5a: {  	_ =	shalt  }
0x5b: {  	_ =	shalt  }
0x5c: {  	_ =	shalt  }
0x5d: {  	_ =	shalt  }
0x5e: {  	_ =	shalt  }
0x5f: {  	_ =	shalt  }
0x60: {  	_ =	shalt  }
0x61: {  	_ =	shalt  }
0x62: {  	_ =	shalt  }
0x63: {  	_ =	shalt  }
0x64: {  	_ =	shalt  }
0x65: {  	_ =	shalt  }
0x66: {  	_ =	shalt  }
0x67: {  	_ =	shalt  }
0x68: {  	_ =	shalt  }
0x69: {  	_ =	shalt  }
0x6a: {  	_ =	shalt  }
0x6b: {  	_ =	shalt  }
0x6c: {  	_ =	shalt  }
0x6d: {  	_ =	shalt  }
0x6e: {  	_ =	shalt  }
0x6f: {  	_ =	shalt  }
0x70: {  	_ =	shalt  }
0x71: {  	_ =	shalt  }
0x72: {  	_ =	shalt  }
0x73: {  	_ =	shalt  }
0x74: {  	_ =	shalt  }
0x75: {  	_ =	shalt  }
0x76: {  	_ =	shalt  }
0x77: {  	_ =	shalt  }
0x78: {  	_ =	shalt  }
0x79: {  	_ =	shalt  }
0x7a: {  	_ =	shalt  }
0x7b: {  	_ =	shalt  }
0x7c: {  	_ =	shalt  }
0x7d: {  	_ =	shalt  }
0x7e: {  	_ =	shalt  }
0x7f: {  	_ =	shalt  }
0x80: {  	_ =	shalt  }
0x81: {  	_ =	shalt  }
0x82: {  	_ =	shalt  }
0x83: {  	_ =	shalt  }
0x84: {  	_ =	shalt  }
0x85: {  	_ =	shalt  }
0x86: {  	_ =	shalt  }
0x87: {  	_ =	shalt  }
.Lfunc_end0:
.L_simem_size_0:
called_computation_lowered:
.L_overlay_start_0:
0x88: {  	s2 =	sld [smem:$0x3FD9]  }
0x89: {  	s3 =	sld [smem:$0x3FFE];
	_ =	sdelay $0x1  }
0x8a: {  	s1 =	srdreg.scid  }
0x8b: {  	s0 =	sand.u32 $0x1, s1  }
0x8c: {  	s14 =	sshll.u32 s0, $0xA;
	s2 =	sadd.s32 s3, s2  }
0x8d: {  	s2 =	sadd.s32 s2, s14  }
0x8e: {  	[smem:$0x3FB7] =	sst s2  }
0x8f: {  	_ = 	snop  }
0x90: {  	s2 =	sld [smem:$0x3FD0];
	_ =	sdelay $0x2  }
0x91: {  	s15 =	simm.s32 $0xA;
	s4 =	simm.s32 $0x10  }
0x92: {  	[smem:s4], [sflag:s15] =	dma.local [hbm:s2], $0x1  }
0x93: {  	_ =	swait.eq [sflag:s15], $0x1  }
0x94: {  	s16 =	sld [smem:$0x10];
	[sflag:s15] =	ssyncset.done $0x0  }
0x95: {  	s17 =	sld [smem:$0x11];
	[sflag:s15] =	ssyncadd.s32 $0xFFFFFFFF  }
0x96: {  	s18 =	sld [smem:$0x12];
	(tm) =	ssettm $0x1  }
0x97: {  	s5 =	sld [smem:$0x3FFB];
	_ =	sdelay $0x3  }
0x98: {  	_ =	strace s5  }
0x99: {  	s5 =	sld [smem:$0x3FFC];
	_ =	sdelay $0x3  }
0x9a: {  	_ =	strace s5  }
0x9b: {  	s5 =	sld [smem:$0x3FFD];
	_ =	sdelay $0x3  }
0x9c: {  	_ =	strace s5  }
0x9d: {  	_ =	strace $0x8FFFFFFF  }
0x9e: {  	s19 =	sld [smem:$0x3FDB];
	_ =	sdelay $0x1  }
0x9f: {  	s6 =	simm.s32 $_scs_section_size  }
0xa0: {  	s7 =	simm.s32 $_size__tile_overlayer_lowered;
	s8 =	simm.s32 $_tile_overlayer_lowered  }
0xa1: {  	s22 =	simm.s32 $0x1BFF;
	s21 =	sshll.u32 s8, $0x1;
	s5 =	sadd.s32 s6, s19  }
0xa2: {  	s9 =	simm.s32 $0x0;
	s20 =	sshll.u32 s7, $0x1;
	s7 =	sadd.s32 s21, s5  }
0xa3: {  	[timem:s9], [sflag:s22] =	dma.local [hbm:s7], s20  }
0xa4: {  	_ =	swait.ge [sflag:s22], s20  }
0xa5: {  	s6 =	ssub.s32 $0x0, s20;
	[sflag:s22] =	ssyncset.done $0x0  }
0xa6: {  	[sflag:s22] =	ssyncadd.s32 s6;
	_ =	sdelay $0x1  }
0xa7: {  	s23 =	simm.s32 $0x1B8B  }
0xa8: {  	_ =	swait.ge [sflag:s23], $0x1  }
0xa9: {  	[sflag:s23] =	ssyncset.done $0x0  }
0xaa: {  	s25 =	simm.s32 $0x1B8E;
	s24 =	sld [smem:$0x3FFE];
	[sflag:s23] =	ssyncadd.s32 $0xFFFFFFFF  }
0xab: {  	s26 =	simm.s32 $execute0_lowered;
	[smem:$0x3FD2] =	sst s25  }
0xac: {  	s7 =	sshll.u32 s26, $0x1;
	_ =	strace $0x80000046;
	[dreg:$0x1] =	wrdreg $0xFFFFFFFF  }
0xad: {  	s28 =	simm.s32 $_size_execute0_lowered;
	s5 =	sadd.s32 s5, s7;
	[dreg:$0x0] =	wrdreg $0x0  }
0xae: {  	s7 =	sshll.u32 s28, $0x1;
	[dreg:$0x2] =	wrdreg s5  }
0xaf: {  	[dreg:$0x3] =	wrdreg s7  }
0xb0: {  	[dreg:$0x4] =	wrdreg $0xC0  }
0xb1: {  	_ =	task [dreg:s9], $0x5FFFF  }
0xb2: {  	[dreg:$0x1] =	wrdreg $0xFFFFFFFF  }
0xb3: {  	[dreg:$0x0] =	wrdreg $0x60  }
0xb4: {  	[dreg:$0x2] =	wrdreg s16  }
0xb5: {  	[dreg:$0x3] =	wrdreg s18  }
0xb6: {  	[dreg:$0x4] =	wrdreg s24  }
0xb7: {  	[dreg:$0x5] =	wrdreg s17  }
0xb8: {  	[dreg:$0x6] =	wrdreg $0x9  }
0xb9: {  	_ =	task.clear_ibuf [dreg:s9], $0x7FFFF;
	_ =	strace $0x90000046  }
0xba: {  	s29 =	simm.s32 $0x9;
	_ =	strace $0x80000048  }
0xbb: {  	_ =	swait.ge [sflag:s29], $0x1  }
0xbc: {  	[sflag:s29] =	ssyncadd.s32 $0xFFFFFFFF  }
0xbd: {  	_ =	strace $0x90000048  }
0xbe: {  	_ =	sfence  }
0xbf: {  	s30 =	sld [smem:$0x0];
	_ =	sdelay $0x2  }
0xc0: {  	s31 =	sshll.u32 s1, $0xD;
	s1 =	sshrl.u32 s1, $0x2  }
0xc1: {  	s3 =	sand.u32 $0x4000, s31;
	s1 =	sadd.s32 s1, s30  }
0xc2: {  	s0 =	sor.u32 s3, s0;
	s1 =	sshll.u32 s1, $0x11  }
0xc3: {  	s0 =	sor.u32 s1, s0  }
0xc4: {  	s0 =	sadd.s32 $0x8F2B, s0  }
0xc5: {  	[sflag:s0] =	ssyncadd.remote.s32 $0x1  }
0xc6: {  	_ =	sfence.sel $0xFFFF  }
0xc7: {  	[dreg:$0x0] =	wrdreg $0xFFFFFFFF;
	(pc) =	sbr.abs _section_cstart, $3  }
0xc8: {  	[dreg:$0x1] =	wrdreg $0xFFFFFFFF  }
0xc9: {  	_ =	task.clear_ibuf [dreg:s9], $0x2FFFF;
	_ =	strace $0x9FFFFFFF  }
0xca: {  	(tm) =	ssettm $0x7FFFFFFF  }
0xcb: {  	_ =	shalt  }
tec
execute0_lowered:
.L_overlay_start_1:
0x0: {  	(tag) =	ssettag $0x1  }
0x1: {  	s1 =	rddreg [dreg:$0x0]  }
0x2: {  	s2 =	rddreg [dreg:$0x1]  }
0x3: {  	s0 =	srdreg.scid;
	s3 =	rddreg [dreg:$0x2]  }
0x4: {  	s26 =	stileid.u32;
	s4 =	rddreg [dreg:$0x3]  }
0x5: {  	s6 =	simm.s32 $0x0;
	s14 =	simm.s32 $0x3;
	s15 =	simm.s32 $0x1400  }
0x6: {  	v0 =	vlaneseq.u32;
	s16 =	simm.s32 $0x11800;
	s17 =	simm.s32 $0x50;
	s18 =	simm.s32 $0x2800  }
0x7: {  	s19 =	simm.s32 $0x5000;
	s20 =	simm.s32 $0xA000;
	s21 =	simm.s32 $0xC800;
	v0 =	vmul.u32 $0x80, v0  }
0x8: {  	v1 =	vimm.f32 $0.0e+00;
	s22 =	simm.s32 $0x1;
	s0 =	sand.u32 $0x1, s0;
	s5 =	sshll.u32 s26, $0x1  }
0x9: {  	s23 =	simm.s32 $0x7800;
	s24 =	simm.s32 $0x2;
	s5 =	sor.u32 s0, s5;
	v2 =	vor.u32 $0x1, v0;
	v3 =	vor.u32 $0x2, v0;
	v4 =	vor.u32 $0x3, v0  }
0xa: {  	s25 =	simm.s32 $0xF000;
	s29 =	simm.s32 $0x0;
	s7 =	smul.u32 $0x276, s5;
	v5 =	vor.u32 $0x4, v0;
	v6 =	vor.u32 $0x800, v0;
	v7 =	vor.u32 $0x801, v0  }
0xb: {  	[smem:$0x7FF] =	sst s6;
	s0 =	ssub.s32 $0x2, s0;
	s8 =	smul.u32 $0x2800, s5;
	v8 =	vor.u32 $0x802, v0;
	v9 =	vor.u32 $0x803, v0;
	v10 =	vor.u32 $0x804, v0  }
.Ltmp0:
0xc: {  	p0 =	sgt.u32 s26, $0x7;
	s9 =	sshrl.u32 s0, $0x1;
	v11 =	vor.u32 $0x1000, v0;
	v12 =	vor.u32 $0x1001, v0;
	v13 =	vor.u32 $0x1002, v0;
	(pc) =	sbr.rel .LBB2_1-.Ltmp0, $4  }
0xd: {  	_ =	strace $0x80000047;
	v14 =	vor.u32 $0x1003, v0;
	v15 =	vor.u32 $0x1004, v0;
	v16 =	vor.u32 $0x1800, v0;
	s0 =	ssub.s32 s0, s9;
	s10 =	sadd.s32 s7, s3  }
0xe: {  	v17 =	vor.u32 $0x1801, v0;
	v18 =	vor.u32 $0x1802, v0;
	v19 =	vor.u32 $0x1803, v0;
	s7 =	sadd.s32 $0x3B400, s3;
	s11 =	sshrl.u32 s8, $0x3;
	s8 =	sadd.s32 $0x2AC400, s3  }
0xf: {  	v20 =	vor.u32 $0x1804, v0;
	v21 =	vor.u32 $0x2000, v0;
	v22 =	vor.u32 $0x2001, v0;
	s13 =	smax.u32 s0, $0x1;
	s31 =	sadd.s32 $0x26C000, s11;
	s9 =	sadd.s32 $0xA200, s10  }
0x10: {  	v23 =	vor.u32 $0x2002, v0;
	v24 =	vor.u32 $0x2003, v0;
	v25 =	vor.u32 $0x2004, v0;
	s10 =	sadd.s32 $0x36400, s10;
	s11 =	sadd.s32 s7, s31;
	s12 =	sadd.s32 s8, s31  }
.LBB2_13:
0x11: {  	s29 =	sadd.s32 $0x1, s29  }
0x12: {  	p1 =	sne.s32 s29, s13  }
.Ltmp1:
0x13: {  	_ = 	snop;
	(pc) =	sbr.rel @!p1 .LBB2_14-.Ltmp1, $1  }
0x14: {  	_ =	sdelay $0x3  }
.LBB2_1:
0x15: {  	[tilespmem:s6], [sflag:$0x3] =	stream.linear.gather [hbm4b:s9+s6], $0x13B0, $0x38;
	[tilespmem:$0x18D80] =	vst v63  }
0x16: {  	_ =	swait.ge [sflag:s14], $0x13B0  }
0x17: {  	[sflag:s14] =	ssyncset.done $0x0  }
0x18: {  	[sflag:s14] =	ssyncadd.s32 $0xFFFFEC50  }
0x19: {  	[tilespmem:s15], [sflag:$0x3] =	stream.linear.gather [hbm4b:s10+s6], $0x13B0, $0x38;
	[tilespmem:$0x18D80] =	vst v63  }
0x1a: {  	_ =	swait.ge [sflag:s14], $0x13B0  }
0x1b: {  	[sflag:s14] =	ssyncset.done $0x0  }
0x1c: {  	[sflag:s14] =	ssyncadd.s32 $0xFFFFEC50  }
0x1d: {  	[tilespmem:s16], [sflag:$0x3] =	stream.linear.gather [hbm4b:s4+s6], $0x7580, $0x38;
	[tilespmem:$0x18D80] =	vst v63  }
0x1e: {  	_ =	swait.ge [sflag:s14], $0x7580  }
0x1f: {  	[sflag:s14] =	ssyncset.done $0x0  }
0x20: {  	s0 =	simm.s32 $0x200;
	s3 =	simm.s32 $0x0;
	[sflag:s14] =	ssyncadd.s32 $0xFFFF8A80  }
.LBB2_2:
0x21: {  	p1 =	sne.s32 s0, $0x9E00;
	[tilespmem:s3+$0x7800] =	vst v1;
	s26 =	smov.u32 s0;
	s0 =	sadd.s32 $0x200, s0  }
.Ltmp2:
0x22: {  	[tilespmem:s3+$0xF000] =	vst v1;
	(pc) =	sbr.rel @p1 .LBB2_2-.Ltmp2, $2  }
0x23: {  	_ =	sdelay $0x2  }
0x24: {  	s3 =	sshra.s32 s26, $0x2  }
0x25: {  	[tilespmem:s3+$0x7800] =	vst v1  }
0x26: {  	[tilespmem:s3+$0xF000] =	vst v1;
	s30 =	simm.s32 $0x0  }
0x27: {  	[tilespmem:s18], [sflag:$0x1] =	stream.indirect.gather [hbm4b:s1+s17], $0x80, s30, s17, $0xb8;
	[tilespmem:$0x18D80] =	vst v63  }
0x28: {  	_ = 	snop  }
0x29: {  	[tilespmem:s19], [sflag:$0x1] =	stream.indirect.gather [hbm4b:s2+s17], $0x80, s15, s17, $0xb8;
	[tilespmem:$0x18D80] =	vst v63  }
.LBB2_4:
0x2a: {  	p1 =	seq.s32 s30, $0x0  }
0x2b: {  	s0 =	simm.s32 @!p1 $0x2  }
0x2c: {  	_ =	swait.ge @!p1 [sflag:s0], $0x2800  }
0x2d: {  	[sflag:s0] =	ssyncset.done @!p1 $0x0  }
0x2e: {  	[sflag:s0] =	ssyncadd.s32 @!p1 $0xFFFFD800  }
0x2f: {  	s31 =	smul.u32 $0xA0, s30;
	_ =	swait.ge @!p1 [sflag:s0], $0x2800  }
0x30: {  	[sflag:s0] =	ssyncset.done @!p1 $0x0  }
0x31: {  	s26 =	sadd.s32 $0x50, s31;
	[sflag:s0] =	ssyncadd.s32 @!p1 $0xFFFFD800  }
0x32: {  	[tilespmem:s20], [sflag:$0x1] =	stream.indirect.gather [hbm4b:s1+s17], $0x80, s26, s17, $0xb8;
	[tilespmem:$0x18D80] =	vst v63  }
0x33: {  	s28 =	sadd.s32 $0x1450, s31  }
0x34: {  	[tilespmem:s21], [sflag:$0x1] =	stream.indirect.gather [hbm4b:s2+s17], $0x80, s28, s17, $0xb8;
	[tilespmem:$0x18D80] =	vst v63  }
0x35: {  	_ =	swait.ge [sflag:s22], $0x2800  }
0x36: {  	[sflag:s22] =	ssyncset.done $0x0  }
0x37: {  	[sflag:s22] =	ssyncadd.s32 $0xFFFFD800  }
0x38: {  	_ =	swait.ge [sflag:s22], $0x2800  }
0x39: {  	[sflag:s22] =	ssyncset.done $0x0  }
0x3a: {  	s0 =	simm.s32 $0x0;
	[sflag:s22] =	ssyncadd.s32 $0xFFFFD800  }
0x3b: {  	v33 =	vld [tilespmem:s0+$0x5000]  }
0x3c: {  	v37 =	vld [tilespmem:s0+$0x5010]  }
0x3d: {  	v31 =	vld [tilespmem:s0+$0x5020]  }
0x3e: {  	v30 =	vld [tilespmem:s0+$0x5030]  }
0x3f: {  	v29 =	vld [tilespmem:s0+$0x5040]  }
0x40: {  	v28 =	vld [tilespmem:s0+$0x5050]  }
0x41: {  	v27 =	vld [tilespmem:s0+$0x5060]  }
0x42: {  	v26 =	vld [tilespmem:s0+$0x5070]  }
0x43: {  	v38 =	vld [tilespmem:s0+$0x2800]  }
0x44: {  	v39 =	vld [tilespmem:s0+$0x2810]  }
0x45: {  	v36 =	vld [tilespmem:s0+$0x2820]  }
0x46: {  	v35 =	vld [tilespmem:s0+$0x2830]  }
0x47: {  	v34 =	vld [tilespmem:s0+$0x2840]  }
0x48: {  	v32 =	vld [tilespmem:s0+$0x2850];
	v38 =	vadd.f32 v33, v38  }
0x49: {  	s3 =	sshll.u32 s30, $0x1;
	s26 =	simm.s32 $0x200;
	v37 =	vadd.f32 v37, v39;
	v33 =	vld [tilespmem:s0+$0x2860]  }
.LBB2_5:
0x4a: {  	s28 =	sshra.s32 s26, $0x2;
	p1 =	sne.s32 s26, $0x9E00;
	[tilespmem:s0+$0x2800] =	vst v38;
	v31 =	vadd.f32 v31, v36;
	v36 =	vld [tilespmem:s0+$0x2870]  }
0x4b: {  	v38 =	vld [tilespmem:s28+$0x5000];
	[tilespmem:s0+$0x2810] =	vst v37;
	v30 =	vadd.f32 v30, v35  }
0x4c: {  	v37 =	vld [tilespmem:s28+$0x5010];
	[tilespmem:s0+$0x2820] =	vst v31;
	v29 =	vadd.f32 v29, v34  }
0x4d: {  	v31 =	vld [tilespmem:s28+$0x5020];
	[tilespmem:s0+$0x2830] =	vst v30;
	v28 =	vadd.f32 v28, v32  }
0x4e: {  	v30 =	vld [tilespmem:s28+$0x5030];
	[tilespmem:s0+$0x2840] =	vst v29;
	v27 =	vadd.f32 v27, v33  }
0x4f: {  	v29 =	vld [tilespmem:s28+$0x5040];
	[tilespmem:s0+$0x2850] =	vst v28;
	v26 =	vadd.f32 v26, v36  }
0x50: {  	v28 =	vld [tilespmem:s28+$0x5050];
	[tilespmem:s0+$0x2860] =	vst v27  }
0x51: {  	v27 =	vld [tilespmem:s28+$0x5060];
	[tilespmem:s0+$0x2870] =	vst v26;
	s0 =	smov.u32 s28  }
0x52: {  	v26 =	vld [tilespmem:s0+$0x5070]  }
0x53: {  	v32 =	vld [tilespmem:s0+$0x2800]  }
0x54: {  	v33 =	vld [tilespmem:s0+$0x2810]  }
.Ltmp3:
0x55: {  	v36 =	vld [tilespmem:s0+$0x2820];
	(pc) =	sbr.rel @p1 .LBB2_5-.Ltmp3, $4  }
0x56: {  	v35 =	vld [tilespmem:s0+$0x2830]  }
0x57: {  	v34 =	vld [tilespmem:s0+$0x2840]  }
0x58: {  	v38 =	vadd.f32 v38, v32;
	v32 =	vld [tilespmem:s0+$0x2850]  }
0x59: {  	s26 =	sadd.s32 $0x200, s26;
	v37 =	vadd.f32 v37, v33;
	v33 =	vld [tilespmem:s0+$0x2860]  }
0x5a: {  	[tilespmem:s0+$0x2800] =	vst v38;
	v31 =	vadd.f32 v31, v36;
	v55 =	vld [tilespmem:s0+$0x2870]  }
0x5b: {  	[tilespmem:s0+$0x2810] =	vst v37;
	v30 =	vadd.f32 v30, v35  }
0x5c: {  	[tilespmem:s0+$0x2820] =	vst v31;
	v29 =	vadd.f32 v29, v34  }
0x5d: {  	[tilespmem:s0+$0x2830] =	vst v30;
	v28 =	vadd.f32 v28, v32  }
0x5e: {  	[tilespmem:s0+$0x2840] =	vst v29;
	v27 =	vadd.f32 v27, v33  }
0x5f: {  	[tilespmem:s0+$0x2850] =	vst v28;
	v26 =	vadd.f32 v26, v55  }
0x60: {  	[tilespmem:s0+$0x2860] =	vst v27  }
0x61: {  	[tilespmem:s0+$0x2870] =	vst v26  }
0x62: {  	v26 =	vld [tilespmem:s31+$0x0]  }
0x63: {  	v27 =	vld [tilespmem:s31+$0x1400];
	_ =	sdelay $0x3  }
0x64: {  	v28 =	vmul.u32 $0x3, v26  }
0x65: {  	v27 =	vmul.u32 $0x3, v27;
	_ =	sdelay $0x4  }
0x66: {  	v29 =	vld.idx.msk [tilespmem:v28+s16+$0x0], $0xffff  }
0x67: {  	v30 =	vld.idx.msk [tilespmem:v27+s16+$0x0], $0xffff;
	_ =	sdelay $0x2  }
0x68: {  	v31 =	vadd.s32 $0x1, v28  }
0x69: {  	v56 =	vadd.s32 $0x1, v27  }
0x6a: {  	v29 =	vsub.f32 v29, v30;
	_ =	sdelay $0x1  }
0x6b: {  	[tilespmem:v0+s23+$0x0] =	vst.idx.msk $0xffff, v29  }
0x6c: {  	v30 =	vld.idx.msk [tilespmem:v31+s16+$0x0], $0xffff  }
0x6d: {  	v31 =	vld.idx.msk [tilespmem:v56+s16+$0x0], $0xffff;
	_ =	sdelay $0x2  }
0x6e: {  	v28 =	vadd.s32 $0x2, v28  }
0x6f: {  	v27 =	vadd.s32 $0x2, v27  }
0x70: {  	v30 =	vsub.f32 v30, v31;
	_ =	sdelay $0x1  }
0x71: {  	[tilespmem:v2+s23+$0x0] =	vst.idx.msk $0xffff, v30  }
0x72: {  	v28 =	vld.idx.msk [tilespmem:v28+s16+$0x0], $0xffff  }
0x73: {  	v27 =	vld.idx.msk [tilespmem:v27+s16+$0x0], $0xffff;
	_ =	sdelay $0x4  }
0x74: {  	v29 =	vmul.f32 v29, v29;
	v30 =	vmul.f32 v30, v30;
	v27 =	vsub.f32 v28, v27;
	_ =	sdelay $0x1  }
0x75: {  	v28 =	vadd.f32 v30, v29;
	v29 =	vmul.f32 v27, v27;
	_ =	sdelay $0x1  }
0x76: {  	v26 =	vand.u32 $0x7, v26;
	v28 =	vadd.f32 v29, v28  }
0x77: {  	v26 =	vcvt.s32.f32 v26;
	[tilespmem:v3+s23+$0x0] =	vst.idx.msk $0xffff, v27  }
0x78: {  	[tilespmem:v4+s23+$0x0] =	vst.idx.msk $0xffff, v28  }
0x79: {  	s26 =	sor.u32 $0x10, s31;
	[tilespmem:v5+s23+$0x0] =	vst.idx.msk $0xffff, v26  }
0x7a: {  	v26 =	vld [tilespmem:s26+$0x0]  }
0x7b: {  	v27 =	vld [tilespmem:s31+$0x1410];
	_ =	sdelay $0x3  }
0x7c: {  	v28 =	vmul.u32 $0x3, v26  }
0x7d: {  	v27 =	vmul.u32 $0x3, v27;
	_ =	sdelay $0x4  }
0x7e: {  	v29 =	vld.idx.msk [tilespmem:v28+s16+$0x0], $0xffff  }
0x7f: {  	v30 =	vld.idx.msk [tilespmem:v27+s16+$0x0], $0xffff;
	_ =	sdelay $0x2  }
0x80: {  	v31 =	vadd.s32 $0x1, v28  }
0x81: {  	v57 =	vadd.s32 $0x1, v27  }
0x82: {  	v29 =	vsub.f32 v29, v30;
	_ =	sdelay $0x1  }
0x83: {  	[tilespmem:v6+s23+$0x0] =	vst.idx.msk $0xffff, v29  }
0x84: {  	v30 =	vld.idx.msk [tilespmem:v31+s16+$0x0], $0xffff  }
0x85: {  	v31 =	vld.idx.msk [tilespmem:v57+s16+$0x0], $0xffff;
	_ =	sdelay $0x2  }
0x86: {  	v28 =	vadd.s32 $0x2, v28  }
0x87: {  	v27 =	vadd.s32 $0x2, v27  }
0x88: {  	v30 =	vsub.f32 v30, v31;
	_ =	sdelay $0x1  }
0x89: {  	[tilespmem:v7+s23+$0x0] =	vst.idx.msk $0xffff, v30  }
0x8a: {  	v28 =	vld.idx.msk [tilespmem:v28+s16+$0x0], $0xffff  }
0x8b: {  	v27 =	vld.idx.msk [tilespmem:v27+s16+$0x0], $0xffff;
	_ =	sdelay $0x4  }
0x8c: {  	v29 =	vmul.f32 v29, v29;
	v30 =	vmul.f32 v30, v30;
	v27 =	vsub.f32 v28, v27;
	_ =	sdelay $0x1  }
0x8d: {  	v28 =	vadd.f32 v30, v29;
	v29 =	vmul.f32 v27, v27;
	_ =	sdelay $0x1  }
0x8e: {  	v26 =	vand.u32 $0x7, v26;
	v28 =	vadd.f32 v29, v28  }
0x8f: {  	v26 =	vcvt.s32.f32 v26;
	[tilespmem:v8+s23+$0x0] =	vst.idx.msk $0xffff, v27  }
0x90: {  	[tilespmem:v9+s23+$0x0] =	vst.idx.msk $0xffff, v28  }
0x91: {  	[tilespmem:v10+s23+$0x0] =	vst.idx.msk $0xffff, v26  }
0x92: {  	v26 =	vld [tilespmem:s31+$0x20]  }
0x93: {  	v27 =	vld [tilespmem:s31+$0x1420];
	_ =	sdelay $0x3  }
0x94: {  	v28 =	vmul.u32 $0x3, v26  }
0x95: {  	v27 =	vmul.u32 $0x3, v27;
	_ =	sdelay $0x4  }
0x96: {  	v29 =	vld.idx.msk [tilespmem:v28+s16+$0x0], $0xffff  }
0x97: {  	v30 =	vld.idx.msk [tilespmem:v27+s16+$0x0], $0xffff;
	_ =	sdelay $0x2  }
0x98: {  	v31 =	vadd.s32 $0x1, v28  }
0x99: {  	v58 =	vadd.s32 $0x1, v27  }
0x9a: {  	v29 =	vsub.f32 v29, v30;
	_ =	sdelay $0x1  }
0x9b: {  	[tilespmem:v11+s23+$0x0] =	vst.idx.msk $0xffff, v29  }
0x9c: {  	v30 =	vld.idx.msk [tilespmem:v31+s16+$0x0], $0xffff  }
0x9d: {  	v31 =	vld.idx.msk [tilespmem:v58+s16+$0x0], $0xffff;
	_ =	sdelay $0x2  }
0x9e: {  	v28 =	vadd.s32 $0x2, v28  }
0x9f: {  	v27 =	vadd.s32 $0x2, v27  }
0xa0: {  	v30 =	vsub.f32 v30, v31;
	_ =	sdelay $0x1  }
0xa1: {  	[tilespmem:v12+s23+$0x0] =	vst.idx.msk $0xffff, v30  }
0xa2: {  	v28 =	vld.idx.msk [tilespmem:v28+s16+$0x0], $0xffff  }
0xa3: {  	v27 =	vld.idx.msk [tilespmem:v27+s16+$0x0], $0xffff;
	_ =	sdelay $0x4  }
0xa4: {  	v29 =	vmul.f32 v29, v29;
	v30 =	vmul.f32 v30, v30;
	v27 =	vsub.f32 v28, v27;
	_ =	sdelay $0x1  }
0xa5: {  	v28 =	vadd.f32 v30, v29;
	v29 =	vmul.f32 v27, v27;
	_ =	sdelay $0x1  }
0xa6: {  	v26 =	vand.u32 $0x7, v26;
	v28 =	vadd.f32 v29, v28  }
0xa7: {  	v26 =	vcvt.s32.f32 v26;
	[tilespmem:v13+s23+$0x0] =	vst.idx.msk $0xffff, v27  }
0xa8: {  	[tilespmem:v14+s23+$0x0] =	vst.idx.msk $0xffff, v28  }
0xa9: {  	[tilespmem:v15+s23+$0x0] =	vst.idx.msk $0xffff, v26  }
0xaa: {  	v26 =	vld [tilespmem:s31+$0x30]  }
0xab: {  	v27 =	vld [tilespmem:s31+$0x1430];
	_ =	sdelay $0x3  }
0xac: {  	v28 =	vmul.u32 $0x3, v26  }
0xad: {  	v27 =	vmul.u32 $0x3, v27;
	_ =	sdelay $0x4  }
0xae: {  	v29 =	vld.idx.msk [tilespmem:v28+s16+$0x0], $0xffff  }
0xaf: {  	v30 =	vld.idx.msk [tilespmem:v27+s16+$0x0], $0xffff;
	_ =	sdelay $0x2  }
0xb0: {  	v31 =	vadd.s32 $0x1, v28  }
0xb1: {  	v59 =	vadd.s32 $0x1, v27  }
0xb2: {  	v29 =	vsub.f32 v29, v30;
	_ =	sdelay $0x1  }
0xb3: {  	[tilespmem:v16+s23+$0x0] =	vst.idx.msk $0xffff, v29  }
0xb4: {  	v30 =	vld.idx.msk [tilespmem:v31+s16+$0x0], $0xffff  }
0xb5: {  	v31 =	vld.idx.msk [tilespmem:v59+s16+$0x0], $0xffff;
	_ =	sdelay $0x2  }
0xb6: {  	v28 =	vadd.s32 $0x2, v28  }
0xb7: {  	v27 =	vadd.s32 $0x2, v27  }
0xb8: {  	v30 =	vsub.f32 v30, v31;
	_ =	sdelay $0x1  }
0xb9: {  	[tilespmem:v17+s23+$0x0] =	vst.idx.msk $0xffff, v30  }
0xba: {  	v28 =	vld.idx.msk [tilespmem:v28+s16+$0x0], $0xffff  }
0xbb: {  	v27 =	vld.idx.msk [tilespmem:v27+s16+$0x0], $0xffff;
	_ =	sdelay $0x4  }
0xbc: {  	v29 =	vmul.f32 v29, v29;
	v30 =	vmul.f32 v30, v30;
	v27 =	vsub.f32 v28, v27;
	_ =	sdelay $0x1  }
0xbd: {  	v28 =	vadd.f32 v30, v29;
	v29 =	vmul.f32 v27, v27;
	_ =	sdelay $0x1  }
0xbe: {  	v26 =	vand.u32 $0x7, v26;
	v28 =	vadd.f32 v29, v28  }
0xbf: {  	v26 =	vcvt.s32.f32 v26;
	[tilespmem:v18+s23+$0x0] =	vst.idx.msk $0xffff, v27  }
0xc0: {  	[tilespmem:v19+s23+$0x0] =	vst.idx.msk $0xffff, v28  }
0xc1: {  	[tilespmem:v20+s23+$0x0] =	vst.idx.msk $0xffff, v26  }
0xc2: {  	v26 =	vld [tilespmem:s31+$0x40]  }
0xc3: {  	v27 =	vld [tilespmem:s31+$0x1440];
	_ =	sdelay $0x3  }
0xc4: {  	v28 =	vmul.u32 $0x3, v26  }
0xc5: {  	v27 =	vmul.u32 $0x3, v27;
	_ =	sdelay $0x4  }
0xc6: {  	v29 =	vld.idx.msk [tilespmem:v28+s16+$0x0], $0xffff  }
0xc7: {  	v30 =	vld.idx.msk [tilespmem:v27+s16+$0x0], $0xffff;
	_ =	sdelay $0x2  }
0xc8: {  	v31 =	vadd.s32 $0x1, v28  }
0xc9: {  	v60 =	vadd.s32 $0x1, v27  }
0xca: {  	v29 =	vsub.f32 v29, v30;
	_ =	sdelay $0x1  }
0xcb: {  	[tilespmem:v21+s23+$0x0] =	vst.idx.msk $0xffff, v29  }
0xcc: {  	v30 =	vld.idx.msk [tilespmem:v31+s16+$0x0], $0xffff  }
0xcd: {  	v31 =	vld.idx.msk [tilespmem:v60+s16+$0x0], $0xffff;
	_ =	sdelay $0x2  }
0xce: {  	v28 =	vadd.s32 $0x2, v28  }
0xcf: {  	v27 =	vadd.s32 $0x2, v27  }
0xd0: {  	v30 =	vsub.f32 v30, v31;
	_ =	sdelay $0x1  }
0xd1: {  	[tilespmem:v22+s23+$0x0] =	vst.idx.msk $0xffff, v30  }
0xd2: {  	v28 =	vld.idx.msk [tilespmem:v28+s16+$0x0], $0xffff  }
0xd3: {  	v27 =	vld.idx.msk [tilespmem:v27+s16+$0x0], $0xffff;
	_ =	sdelay $0x4  }
0xd4: {  	v29 =	vmul.f32 v29, v29;
	v30 =	vmul.f32 v30, v30;
	v27 =	vsub.f32 v28, v27;
	_ =	sdelay $0x1  }
0xd5: {  	v28 =	vadd.f32 v30, v29;
	v29 =	vmul.f32 v27, v27  }
0xd6: {  	s28 =	sshll.u32 s30, $0x6  }
0xd7: {  	s0 =	sor.u32 s5, s28;
	v26 =	vand.u32 $0x7, v26;
	v28 =	vadd.f32 v29, v28  }
0xd8: {  	s0 =	smul.u32 $0x500, s0;
	v26 =	vcvt.s32.f32 v26;
	[tilespmem:v23+s23+$0x0] =	vst.idx.msk $0xffff, v27  }
0xd9: {  	[tilespmem:v24+s23+$0x0] =	vst.idx.msk $0xffff, v28  }
0xda: {  	s26 =	sadd.s32 s7, s0;
	[tilespmem:v25+s23+$0x0] =	vst.idx.msk $0xffff, v26  }
0xdb: {  	[hbm4b:s26+s6] =	stream.linear.scatter [tilespmem:s18], [sflag:$0x2], $0x2800, $0x38;
	[tilespmem:$0x18D80] =	vst v63  }
0xdc: {  	s0 =	sadd.s32 s8, s0  }
0xdd: {  	[hbm4b:s0+s6] =	stream.linear.scatter [tilespmem:s23], [sflag:$0x2], $0x2800, $0x38;
	[tilespmem:$0x18D80] =	vst v63  }
0xde: {  	_ =	swait.ge [sflag:s24], $0x2800  }
0xdf: {  	[sflag:s24] =	ssyncset.done $0x0  }
0xe0: {  	s3 =	sor.u32 $0x1, s3;
	[sflag:s24] =	ssyncadd.s32 $0xFFFFD800  }
0xe1: {  	p1 =	sgt.u32 s3, $0x3C;
	_ =	swait.ge [sflag:s24], $0x2800  }
0xe2: {  	s28 =	simm.s32 @!p1 $0x2800;
	[sflag:s24] =	ssyncset.done $0x0  }
0xe3: {  	s26 =	simm.s32 @!p1 $0x50;
	s0 =	sadd.s32 @!p1 $0xA0, s31;
	[sflag:s24] =	ssyncadd.s32 $0xFFFFD800  }
0xe4: {  	[tilespmem:s28], [sflag:$0x1] =	stream.indirect.gather @!p1 [hbm4b:s1+s26], $0x80, s0, s26, $0xb8;
	[tilespmem:$0x18D80] =	vst v63  }
0xe5: {  	s0 =	sadd.s32 @!p1 $0x14A0, s31;
	s28 =	simm.s32 @!p1 $0x5000  }
0xe6: {  	[tilespmem:s28], [sflag:$0x1] =	stream.indirect.gather @!p1 [hbm4b:s2+s26], $0x80, s0, s26, $0xb8;
	[tilespmem:$0x18D80] =	vst v63  }
0xe7: {  	_ =	swait.ge [sflag:s22], $0x2800  }
0xe8: {  	[sflag:s22] =	ssyncset.done $0x0  }
0xe9: {  	[sflag:s22] =	ssyncadd.s32 $0xFFFFD800  }
0xea: {  	_ =	swait.ge [sflag:s22], $0x2800  }
0xeb: {  	[sflag:s22] =	ssyncset.done $0x0  }
0xec: {  	s0 =	simm.s32 $0x0;
	[sflag:s22] =	ssyncadd.s32 $0xFFFFD800  }
0xed: {  	v61 =	vld [tilespmem:s0+$0xC800]  }
0xee: {  	v62 =	vld [tilespmem:s0+$0xC810]  }
0xef: {  	v31 =	vld [tilespmem:s0+$0xC820]  }
0xf0: {  	v30 =	vld [tilespmem:s0+$0xC830]  }
0xf1: {  	v29 =	vld [tilespmem:s0+$0xC840]  }
0xf2: {  	v28 =	vld [tilespmem:s0+$0xC850]  }
0xf3: {  	v27 =	vld [tilespmem:s0+$0xC860]  }
0xf4: {  	v26 =	vld [tilespmem:s0+$0xC870]  }
0xf5: {  	v63 =	vld [tilespmem:s0+$0xA000]  }
0xf6: {  	v39 =	vld [tilespmem:s0+$0xA010]  }
0xf7: {  	v36 =	vld [tilespmem:s0+$0xA020]  }
0xf8: {  	v35 =	vld [tilespmem:s0+$0xA030]  }
0xf9: {  	v34 =	vld [tilespmem:s0+$0xA040]  }
0xfa: {  	v32 =	vld [tilespmem:s0+$0xA050];
	v38 =	vadd.f32 v61, v63  }
0xfb: {  	s26 =	simm.s32 $0x200;
	v33 =	vld [tilespmem:s0+$0xA060];
	v37 =	vadd.f32 v62, v39  }
.LBB2_7:
0xfc: {  	s28 =	sshra.s32 s26, $0x2;
	p1 =	sne.s32 s26, $0x9E00;
	[tilespmem:s0+$0xA000] =	vst v38;
	v31 =	vadd.f32 v31, v36;
	v36 =	vld [tilespmem:s0+$0xA070]  }
0xfd: {  	v38 =	vld [tilespmem:s28+$0xC800];
	[tilespmem:s0+$0xA010] =	vst v37;
	v30 =	vadd.f32 v30, v35  }
0xfe: {  	v37 =	vld [tilespmem:s28+$0xC810];
	[tilespmem:s0+$0xA020] =	vst v31;
	v29 =	vadd.f32 v29, v34  }
0xff: {  	v31 =	vld [tilespmem:s28+$0xC820];
	[tilespmem:s0+$0xA030] =	vst v30;
	v28 =	vadd.f32 v28, v32  }
0x100: {  	v30 =	vld [tilespmem:s28+$0xC830];
	[tilespmem:s0+$0xA040] =	vst v29;
	v27 =	vadd.f32 v27, v33  }
0x101: {  	v29 =	vld [tilespmem:s28+$0xC840];
	[tilespmem:s0+$0xA050] =	vst v28;
	v26 =	vadd.f32 v26, v36  }
0x102: {  	v28 =	vld [tilespmem:s28+$0xC850];
	[tilespmem:s0+$0xA060] =	vst v27  }
0x103: {  	v27 =	vld [tilespmem:s28+$0xC860];
	[tilespmem:s0+$0xA070] =	vst v26;
	s0 =	smov.u32 s28  }
0x104: {  	v26 =	vld [tilespmem:s0+$0xC870]  }
0x105: {  	v32 =	vld [tilespmem:s0+$0xA000]  }
0x106: {  	v33 =	vld [tilespmem:s0+$0xA010]  }
.Ltmp4:
0x107: {  	v36 =	vld [tilespmem:s0+$0xA020];
	(pc) =	sbr.rel @p1 .LBB2_7-.Ltmp4, $4  }
0x108: {  	v35 =	vld [tilespmem:s0+$0xA030]  }
0x109: {  	v34 =	vld [tilespmem:s0+$0xA040]  }
0x10a: {  	v38 =	vadd.f32 v38, v32;
	v32 =	vld [tilespmem:s0+$0xA050]  }
0x10b: {  	s26 =	sadd.s32 $0x200, s26;
	v37 =	vadd.f32 v37, v33;
	v33 =	vld [tilespmem:s0+$0xA060]  }
0x10c: {  	[tilespmem:s0+$0xA000] =	vst v38;
	v31 =	vadd.f32 v31, v36;
	v51 =	vld [tilespmem:s0+$0xA070]  }
0x10d: {  	[tilespmem:s0+$0xA010] =	vst v37;
	v30 =	vadd.f32 v30, v35  }
0x10e: {  	[tilespmem:s0+$0xA020] =	vst v31;
	v29 =	vadd.f32 v29, v34  }
0x10f: {  	[tilespmem:s0+$0xA030] =	vst v30;
	v28 =	vadd.f32 v28, v32  }
0x110: {  	[tilespmem:s0+$0xA040] =	vst v29;
	v27 =	vadd.f32 v27, v33  }
0x111: {  	[tilespmem:s0+$0xA050] =	vst v28;
	v26 =	vadd.f32 v26, v51  }
0x112: {  	s31 =	smul.u32 $0x50, s3;
	[tilespmem:s0+$0xA060] =	vst v27  }
0x113: {  	[tilespmem:s0+$0xA070] =	vst v26  }
0x114: {  	v26 =	vld [tilespmem:s31+$0x0]  }
0x115: {  	v27 =	vld [tilespmem:s31+$0x1400];
	_ =	sdelay $0x3  }
0x116: {  	v52 =	vmul.u32 $0x3, v26  }
0x117: {  	v27 =	vmul.u32 $0x3, v27;
	_ =	sdelay $0x4  }
0x118: {  	v29 =	vld.idx.msk [tilespmem:v52+s16+$0x0], $0xffff  }
0x119: {  	v30 =	vld.idx.msk [tilespmem:v27+s16+$0x0], $0xffff;
	_ =	sdelay $0x2  }
0x11a: {  	v53 =	vadd.s32 $0x1, v52  }
0x11b: {  	v54 =	vadd.s32 $0x1, v27  }
0x11c: {  	v29 =	vsub.f32 v29, v30;
	_ =	sdelay $0x1  }
0x11d: {  	[tilespmem:v0+s25+$0x0] =	vst.idx.msk $0xffff, v29  }
0x11e: {  	v55 =	vld.idx.msk [tilespmem:v53+s16+$0x0], $0xffff  }
0x11f: {  	v56 =	vld.idx.msk [tilespmem:v54+s16+$0x0], $0xffff;
	_ =	sdelay $0x2  }
0x120: {  	v28 =	vadd.s32 $0x2, v52  }
0x121: {  	v27 =	vadd.s32 $0x2, v27  }
0x122: {  	v30 =	vsub.f32 v55, v56;
	_ =	sdelay $0x1  }
0x123: {  	[tilespmem:v2+s25+$0x0] =	vst.idx.msk $0xffff, v30  }
0x124: {  	v28 =	vld.idx.msk [tilespmem:v28+s16+$0x0], $0xffff  }
0x125: {  	v27 =	vld.idx.msk [tilespmem:v27+s16+$0x0], $0xffff;
	_ =	sdelay $0x4  }
0x126: {  	v29 =	vmul.f32 v29, v29;
	v30 =	vmul.f32 v30, v30;
	v27 =	vsub.f32 v28, v27;
	_ =	sdelay $0x1  }
0x127: {  	v57 =	vadd.f32 v30, v29;
	v58 =	vmul.f32 v27, v27;
	_ =	sdelay $0x1  }
0x128: {  	v26 =	vand.u32 $0x7, v26;
	v28 =	vadd.f32 v58, v57  }
0x129: {  	v26 =	vcvt.s32.f32 v26;
	[tilespmem:v3+s25+$0x0] =	vst.idx.msk $0xffff, v27  }
0x12a: {  	[tilespmem:v4+s25+$0x0] =	vst.idx.msk $0xffff, v28  }
0x12b: {  	[tilespmem:v5+s25+$0x0] =	vst.idx.msk $0xffff, v26  }
0x12c: {  	v26 =	vld [tilespmem:s31+$0x10]  }
0x12d: {  	v27 =	vld [tilespmem:s31+$0x1410];
	_ =	sdelay $0x3  }
0x12e: {  	v59 =	vmul.u32 $0x3, v26  }
0x12f: {  	v27 =	vmul.u32 $0x3, v27;
	_ =	sdelay $0x4  }
0x130: {  	v60 =	vld.idx.msk [tilespmem:v59+s16+$0x0], $0xffff  }
0x131: {  	v61 =	vld.idx.msk [tilespmem:v27+s16+$0x0], $0xffff;
	_ =	sdelay $0x2  }
0x132: {  	v62 =	vadd.s32 $0x1, v59  }
0x133: {  	v63 =	vadd.s32 $0x1, v27  }
0x134: {  	v29 =	vsub.f32 v60, v61;
	_ =	sdelay $0x1  }
0x135: {  	[tilespmem:v6+s25+$0x0] =	vst.idx.msk $0xffff, v29  }
0x136: {  	v33 =	vld.idx.msk [tilespmem:v62+s16+$0x0], $0xffff  }
0x137: {  	v34 =	vld.idx.msk [tilespmem:v63+s16+$0x0], $0xffff;
	_ =	sdelay $0x2  }
0x138: {  	v28 =	vadd.s32 $0x2, v59  }
0x139: {  	v27 =	vadd.s32 $0x2, v27  }
0x13a: {  	v30 =	vsub.f32 v33, v34;
	_ =	sdelay $0x1  }
0x13b: {  	[tilespmem:v7+s25+$0x0] =	vst.idx.msk $0xffff, v30  }
0x13c: {  	v28 =	vld.idx.msk [tilespmem:v28+s16+$0x0], $0xffff  }
0x13d: {  	v27 =	vld.idx.msk [tilespmem:v27+s16+$0x0], $0xffff;
	_ =	sdelay $0x4  }
0x13e: {  	v29 =	vmul.f32 v29, v29;
	v30 =	vmul.f32 v30, v30;
	v27 =	vsub.f32 v28, v27;
	_ =	sdelay $0x1  }
0x13f: {  	v35 =	vadd.f32 v30, v29;
	v36 =	vmul.f32 v27, v27;
	_ =	sdelay $0x1  }
0x140: {  	v26 =	vand.u32 $0x7, v26;
	v28 =	vadd.f32 v36, v35  }
0x141: {  	v26 =	vcvt.s32.f32 v26;
	[tilespmem:v8+s25+$0x0] =	vst.idx.msk $0xffff, v27  }
0x142: {  	[tilespmem:v9+s25+$0x0] =	vst.idx.msk $0xffff, v28  }
0x143: {  	[tilespmem:v10+s25+$0x0] =	vst.idx.msk $0xffff, v26  }
0x144: {  	v26 =	vld [tilespmem:s31+$0x20]  }
0x145: {  	v27 =	vld [tilespmem:s31+$0x1420];
	_ =	sdelay $0x3  }
0x146: {  	v37 =	vmul.u32 $0x3, v26  }
0x147: {  	v27 =	vmul.u32 $0x3, v27;
	_ =	sdelay $0x4  }
0x148: {  	v38 =	vld.idx.msk [tilespmem:v37+s16+$0x0], $0xffff  }
0x149: {  	v39 =	vld.idx.msk [tilespmem:v27+s16+$0x0], $0xffff;
	_ =	sdelay $0x2  }
0x14a: {  	v40 =	vadd.s32 $0x1, v37  }
0x14b: {  	v41 =	vadd.s32 $0x1, v27  }
0x14c: {  	v29 =	vsub.f32 v38, v39;
	_ =	sdelay $0x1  }
0x14d: {  	[tilespmem:v11+s25+$0x0] =	vst.idx.msk $0xffff, v29  }
0x14e: {  	v42 =	vld.idx.msk [tilespmem:v40+s16+$0x0], $0xffff  }
0x14f: {  	v43 =	vld.idx.msk [tilespmem:v41+s16+$0x0], $0xffff;
	_ =	sdelay $0x2  }
0x150: {  	v28 =	vadd.s32 $0x2, v37  }
0x151: {  	v27 =	vadd.s32 $0x2, v27  }
0x152: {  	v30 =	vsub.f32 v42, v43;
	_ =	sdelay $0x1  }
0x153: {  	[tilespmem:v12+s25+$0x0] =	vst.idx.msk $0xffff, v30  }
0x154: {  	v28 =	vld.idx.msk [tilespmem:v28+s16+$0x0], $0xffff  }
0x155: {  	v27 =	vld.idx.msk [tilespmem:v27+s16+$0x0], $0xffff;
	_ =	sdelay $0x4  }
0x156: {  	v29 =	vmul.f32 v29, v29;
	v30 =	vmul.f32 v30, v30;
	v27 =	vsub.f32 v28, v27;
	_ =	sdelay $0x1  }
0x157: {  	v44 =	vadd.f32 v30, v29;
	v45 =	vmul.f32 v27, v27;
	_ =	sdelay $0x1  }
0x158: {  	v26 =	vand.u32 $0x7, v26;
	v28 =	vadd.f32 v45, v44  }
0x159: {  	v26 =	vcvt.s32.f32 v26;
	[tilespmem:v13+s25+$0x0] =	vst.idx.msk $0xffff, v27  }
0x15a: {  	[tilespmem:v14+s25+$0x0] =	vst.idx.msk $0xffff, v28  }
0x15b: {  	[tilespmem:v15+s25+$0x0] =	vst.idx.msk $0xffff, v26  }
0x15c: {  	v26 =	vld [tilespmem:s31+$0x30]  }
0x15d: {  	v27 =	vld [tilespmem:s31+$0x1430];
	_ =	sdelay $0x3  }
0x15e: {  	v46 =	vmul.u32 $0x3, v26  }
0x15f: {  	v27 =	vmul.u32 $0x3, v27;
	_ =	sdelay $0x4  }
0x160: {  	v47 =	vld.idx.msk [tilespmem:v46+s16+$0x0], $0xffff  }
0x161: {  	v48 =	vld.idx.msk [tilespmem:v27+s16+$0x0], $0xffff;
	_ =	sdelay $0x2  }
0x162: {  	v49 =	vadd.s32 $0x1, v46  }
0x163: {  	v50 =	vadd.s32 $0x1, v27  }
0x164: {  	v29 =	vsub.f32 v47, v48;
	_ =	sdelay $0x1  }
0x165: {  	[tilespmem:v16+s25+$0x0] =	vst.idx.msk $0xffff, v29  }
0x166: {  	v51 =	vld.idx.msk [tilespmem:v49+s16+$0x0], $0xffff  }
0x167: {  	v52 =	vld.idx.msk [tilespmem:v50+s16+$0x0], $0xffff;
	_ =	sdelay $0x2  }
0x168: {  	v28 =	vadd.s32 $0x2, v46  }
0x169: {  	v27 =	vadd.s32 $0x2, v27  }
0x16a: {  	v30 =	vsub.f32 v51, v52;
	_ =	sdelay $0x1  }
0x16b: {  	[tilespmem:v17+s25+$0x0] =	vst.idx.msk $0xffff, v30  }
0x16c: {  	v28 =	vld.idx.msk [tilespmem:v28+s16+$0x0], $0xffff  }
0x16d: {  	v27 =	vld.idx.msk [tilespmem:v27+s16+$0x0], $0xffff;
	_ =	sdelay $0x4  }
0x16e: {  	v29 =	vmul.f32 v29, v29;
	v30 =	vmul.f32 v30, v30;
	v27 =	vsub.f32 v28, v27;
	_ =	sdelay $0x1  }
0x16f: {  	v53 =	vadd.f32 v30, v29;
	v54 =	vmul.f32 v27, v27;
	_ =	sdelay $0x1  }
0x170: {  	v26 =	vand.u32 $0x7, v26;
	v28 =	vadd.f32 v54, v53  }
0x171: {  	v26 =	vcvt.s32.f32 v26;
	[tilespmem:v18+s25+$0x0] =	vst.idx.msk $0xffff, v27  }
0x172: {  	[tilespmem:v19+s25+$0x0] =	vst.idx.msk $0xffff, v28  }
0x173: {  	[tilespmem:v20+s25+$0x0] =	vst.idx.msk $0xffff, v26  }
0x174: {  	v26 =	vld [tilespmem:s31+$0x40]  }
0x175: {  	v27 =	vld [tilespmem:s31+$0x1440];
	_ =	sdelay $0x3  }
0x176: {  	v55 =	vmul.u32 $0x3, v26  }
0x177: {  	v27 =	vmul.u32 $0x3, v27;
	_ =	sdelay $0x4  }
0x178: {  	v56 =	vld.idx.msk [tilespmem:v55+s16+$0x0], $0xffff  }
0x179: {  	v57 =	vld.idx.msk [tilespmem:v27+s16+$0x0], $0xffff;
	_ =	sdelay $0x2  }
0x17a: {  	v58 =	vadd.s32 $0x1, v55  }
0x17b: {  	v59 =	vadd.s32 $0x1, v27  }
0x17c: {  	v29 =	vsub.f32 v56, v57;
	_ =	sdelay $0x1  }
0x17d: {  	[tilespmem:v21+s25+$0x0] =	vst.idx.msk $0xffff, v29  }
0x17e: {  	v60 =	vld.idx.msk [tilespmem:v58+s16+$0x0], $0xffff  }
0x17f: {  	v61 =	vld.idx.msk [tilespmem:v59+s16+$0x0], $0xffff;
	_ =	sdelay $0x2  }
0x180: {  	v28 =	vadd.s32 $0x2, v55  }
0x181: {  	v27 =	vadd.s32 $0x2, v27  }
0x182: {  	v30 =	vsub.f32 v60, v61;
	_ =	sdelay $0x1  }
0x183: {  	[tilespmem:v22+s25+$0x0] =	vst.idx.msk $0xffff, v30  }
0x184: {  	v28 =	vld.idx.msk [tilespmem:v28+s16+$0x0], $0xffff  }
0x185: {  	v27 =	vld.idx.msk [tilespmem:v27+s16+$0x0], $0xffff;
	_ =	sdelay $0x4  }
0x186: {  	v29 =	vmul.f32 v29, v29;
	v30 =	vmul.f32 v30, v30;
	v27 =	vsub.f32 v28, v27;
	_ =	sdelay $0x1  }
0x187: {  	v62 =	vadd.f32 v30, v29;
	v63 =	vmul.f32 v27, v27  }
0x188: {  	s28 =	sshll.u32 s3, $0x5  }
0x189: {  	s30 =	sadd.s32 $0x1, s30;
	s0 =	sor.u32 s5, s28;
	v26 =	vand.u32 $0x7, v26;
	v28 =	vadd.f32 v63, v62  }
0x18a: {  	p1 =	sne.s32 s30, $0x1F;
	s0 =	smul.u32 $0x500, s0;
	v26 =	vcvt.s32.f32 v26;
	[tilespmem:v23+s25+$0x0] =	vst.idx.msk $0xffff, v27  }
.Ltmp5:
0x18b: {  	[tilespmem:v24+s25+$0x0] =	vst.idx.msk $0xffff, v28;
	(pc) =	sbr.rel @p1 .LBB2_4-.Ltmp5, $4  }
0x18c: {  	s31 =	sadd.s32 s7, s0;
	[tilespmem:v25+s25+$0x0] =	vst.idx.msk $0xffff, v26  }
0x18d: {  	[hbm4b:s31+s6] =	stream.linear.scatter [tilespmem:s20], [sflag:$0x2], $0x2800, $0x38;
	[tilespmem:$0x18D80] =	vst v63  }
0x18e: {  	s0 =	sadd.s32 s8, s0  }
0x18f: {  	[hbm4b:s0+s6] =	stream.linear.scatter [tilespmem:s25], [sflag:$0x2], $0x2800, $0x38;
	[tilespmem:$0x18D80] =	vst v63  }
0x190: {  	_ =	swait.ge [sflag:s24], $0x2800  }
.Ltmp6:
0x191: {  	[sflag:s24] =	ssyncset.done $0x0;
	(pc) =	sbr.rel @p0 .LBB2_13-.Ltmp6, $4  }
0x192: {  	[sflag:s24] =	ssyncadd.s32 $0xFFFFD800  }
0x193: {  	_ =	swait.ge [sflag:s24], $0x2800  }
0x194: {  	[sflag:s24] =	ssyncset.done $0x0  }
0x195: {  	[sflag:s24] =	ssyncadd.s32 $0xFFFFD800  }
0x196: {  	s0 =	simm.s32 $0x1360  }
0x197: {  	[tilespmem:s18], [sflag:$0x1] =	stream.indirect.gather [hbm4b:s1+s17], $0x80, s0, s17, $0xb8;
	[tilespmem:$0x18D80] =	vst v63  }
0x198: {  	_ =	swait.ge [sflag:s22], $0x2800  }
0x199: {  	[sflag:s22] =	ssyncset.done $0x0  }
0x19a: {  	s31 =	simm.s32 $0x2760;
	[sflag:s22] =	ssyncadd.s32 $0xFFFFD800  }
0x19b: {  	[tilespmem:s19], [sflag:$0x1] =	stream.indirect.gather [hbm4b:s2+s17], $0x80, s31, s17, $0xb8;
	[tilespmem:$0x18D80] =	vst v63  }
0x19c: {  	_ =	swait.ge [sflag:s22], $0x2800  }
0x19d: {  	[sflag:s22] =	ssyncset.done $0x0  }
0x19e: {  	s0 =	simm.s32 $0x0;
	[sflag:s22] =	ssyncadd.s32 $0xFFFFD800  }
0x19f: {  	v33 =	vld [tilespmem:s0+$0x5000]  }
0x1a0: {  	v37 =	vld [tilespmem:s0+$0x5010]  }
0x1a1: {  	v31 =	vld [tilespmem:s0+$0x5020]  }
0x1a2: {  	v30 =	vld [tilespmem:s0+$0x5030]  }
0x1a3: {  	v29 =	vld [tilespmem:s0+$0x5040]  }
0x1a4: {  	v28 =	vld [tilespmem:s0+$0x5050]  }
0x1a5: {  	v27 =	vld [tilespmem:s0+$0x5060]  }
0x1a6: {  	v26 =	vld [tilespmem:s0+$0x5070]  }
0x1a7: {  	v38 =	vld [tilespmem:s0+$0x2800]  }
0x1a8: {  	v39 =	vld [tilespmem:s0+$0x2810]  }
0x1a9: {  	v36 =	vld [tilespmem:s0+$0x2820]  }
0x1aa: {  	v35 =	vld [tilespmem:s0+$0x2830]  }
0x1ab: {  	v34 =	vld [tilespmem:s0+$0x2840]  }
0x1ac: {  	v32 =	vld [tilespmem:s0+$0x2850];
	v38 =	vadd.f32 v33, v38  }
0x1ad: {  	s3 =	simm.s32 $0x200;
	v37 =	vadd.f32 v37, v39;
	v33 =	vld [tilespmem:s0+$0x2860]  }
.LBB2_11:
0x1ae: {  	s26 =	sshra.s32 s3, $0x2;
	p1 =	sne.s32 s3, $0x9E00;
	[tilespmem:s0+$0x2800] =	vst v38;
	v31 =	vadd.f32 v31, v36;
	v36 =	vld [tilespmem:s0+$0x2870]  }
0x1af: {  	v38 =	vld [tilespmem:s26+$0x5000];
	[tilespmem:s0+$0x2810] =	vst v37;
	v30 =	vadd.f32 v30, v35  }
0x1b0: {  	v37 =	vld [tilespmem:s26+$0x5010];
	[tilespmem:s0+$0x2820] =	vst v31;
	v29 =	vadd.f32 v29, v34  }
0x1b1: {  	v31 =	vld [tilespmem:s26+$0x5020];
	[tilespmem:s0+$0x2830] =	vst v30;
	v28 =	vadd.f32 v28, v32  }
0x1b2: {  	v30 =	vld [tilespmem:s26+$0x5030];
	[tilespmem:s0+$0x2840] =	vst v29;
	v27 =	vadd.f32 v27, v33  }
0x1b3: {  	v29 =	vld [tilespmem:s26+$0x5040];
	[tilespmem:s0+$0x2850] =	vst v28;
	v26 =	vadd.f32 v26, v36  }
0x1b4: {  	v28 =	vld [tilespmem:s26+$0x5050];
	[tilespmem:s0+$0x2860] =	vst v27  }
0x1b5: {  	v27 =	vld [tilespmem:s26+$0x5060];
	[tilespmem:s0+$0x2870] =	vst v26;
	s0 =	smov.u32 s26  }
0x1b6: {  	v26 =	vld [tilespmem:s0+$0x5070]  }
0x1b7: {  	v32 =	vld [tilespmem:s0+$0x2800]  }
0x1b8: {  	v33 =	vld [tilespmem:s0+$0x2810]  }
.Ltmp7:
0x1b9: {  	v36 =	vld [tilespmem:s0+$0x2820];
	(pc) =	sbr.rel @p1 .LBB2_11-.Ltmp7, $4  }
0x1ba: {  	v35 =	vld [tilespmem:s0+$0x2830]  }
0x1bb: {  	v34 =	vld [tilespmem:s0+$0x2840]  }
0x1bc: {  	v38 =	vadd.f32 v38, v32;
	v32 =	vld [tilespmem:s0+$0x2850]  }
0x1bd: {  	s3 =	sadd.s32 $0x200, s3;
	v37 =	vadd.f32 v37, v33;
	v33 =	vld [tilespmem:s0+$0x2860]  }
0x1be: {  	[tilespmem:s0+$0x2800] =	vst v38;
	v31 =	vadd.f32 v31, v36;
	v51 =	vld [tilespmem:s0+$0x2870]  }
0x1bf: {  	[tilespmem:s0+$0x2810] =	vst v37;
	v30 =	vadd.f32 v30, v35  }
0x1c0: {  	[tilespmem:s0+$0x2820] =	vst v31;
	v29 =	vadd.f32 v29, v34  }
0x1c1: {  	[tilespmem:s0+$0x2830] =	vst v30;
	v28 =	vadd.f32 v28, v32  }
0x1c2: {  	[tilespmem:s0+$0x2840] =	vst v29;
	v27 =	vadd.f32 v27, v33  }
0x1c3: {  	[tilespmem:s0+$0x2850] =	vst v28;
	v26 =	vadd.f32 v26, v51  }
0x1c4: {  	[tilespmem:s0+$0x2860] =	vst v27  }
0x1c5: {  	[tilespmem:s0+$0x2870] =	vst v26  }
0x1c6: {  	v26 =	vld [tilespmem:$0x1360]  }
0x1c7: {  	v27 =	vld [tilespmem:$0x2760];
	_ =	sdelay $0x3  }
0x1c8: {  	v52 =	vmul.u32 $0x3, v26  }
0x1c9: {  	v27 =	vmul.u32 $0x3, v27;
	_ =	sdelay $0x4  }
0x1ca: {  	v29 =	vld.idx.msk [tilespmem:v52+s16+$0x0], $0xffff  }
0x1cb: {  	v30 =	vld.idx.msk [tilespmem:v27+s16+$0x0], $0xffff;
	_ =	sdelay $0x2  }
0x1cc: {  	v53 =	vadd.s32 $0x1, v52  }
0x1cd: {  	v54 =	vadd.s32 $0x1, v27  }
0x1ce: {  	v29 =	vsub.f32 v29, v30;
	_ =	sdelay $0x1  }
0x1cf: {  	[tilespmem:v0+s23+$0x0] =	vst.idx.msk $0xffff, v29  }
0x1d0: {  	v55 =	vld.idx.msk [tilespmem:v53+s16+$0x0], $0xffff  }
0x1d1: {  	v56 =	vld.idx.msk [tilespmem:v54+s16+$0x0], $0xffff;
	_ =	sdelay $0x2  }
0x1d2: {  	v28 =	vadd.s32 $0x2, v52  }
0x1d3: {  	v27 =	vadd.s32 $0x2, v27  }
0x1d4: {  	v30 =	vsub.f32 v55, v56;
	_ =	sdelay $0x1  }
0x1d5: {  	[tilespmem:v2+s23+$0x0] =	vst.idx.msk $0xffff, v30  }
0x1d6: {  	v28 =	vld.idx.msk [tilespmem:v28+s16+$0x0], $0xffff  }
0x1d7: {  	v27 =	vld.idx.msk [tilespmem:v27+s16+$0x0], $0xffff;
	_ =	sdelay $0x4  }
0x1d8: {  	v29 =	vmul.f32 v29, v29;
	v30 =	vmul.f32 v30, v30;
	v27 =	vsub.f32 v28, v27;
	_ =	sdelay $0x1  }
0x1d9: {  	v57 =	vadd.f32 v30, v29;
	v58 =	vmul.f32 v27, v27;
	_ =	sdelay $0x1  }
0x1da: {  	v26 =	vand.u32 $0x7, v26;
	v28 =	vadd.f32 v58, v57  }
0x1db: {  	v26 =	vcvt.s32.f32 v26;
	[tilespmem:v3+s23+$0x0] =	vst.idx.msk $0xffff, v27  }
0x1dc: {  	[tilespmem:v4+s23+$0x0] =	vst.idx.msk $0xffff, v28  }
0x1dd: {  	[tilespmem:v5+s23+$0x0] =	vst.idx.msk $0xffff, v26  }
0x1de: {  	v26 =	vld [tilespmem:$0x1370]  }
0x1df: {  	v27 =	vld [tilespmem:$0x2770];
	_ =	sdelay $0x3  }
0x1e0: {  	v59 =	vmul.u32 $0x3, v26  }
0x1e1: {  	v27 =	vmul.u32 $0x3, v27;
	_ =	sdelay $0x4  }
0x1e2: {  	v60 =	vld.idx.msk [tilespmem:v59+s16+$0x0], $0xffff  }
0x1e3: {  	v61 =	vld.idx.msk [tilespmem:v27+s16+$0x0], $0xffff;
	_ =	sdelay $0x2  }
0x1e4: {  	v62 =	vadd.s32 $0x1, v59  }
0x1e5: {  	v63 =	vadd.s32 $0x1, v27  }
0x1e6: {  	v29 =	vsub.f32 v60, v61;
	_ =	sdelay $0x1  }
0x1e7: {  	[tilespmem:v6+s23+$0x0] =	vst.idx.msk $0xffff, v29  }
0x1e8: {  	v33 =	vld.idx.msk [tilespmem:v62+s16+$0x0], $0xffff  }
0x1e9: {  	v34 =	vld.idx.msk [tilespmem:v63+s16+$0x0], $0xffff;
	_ =	sdelay $0x2  }
0x1ea: {  	v28 =	vadd.s32 $0x2, v59  }
0x1eb: {  	v27 =	vadd.s32 $0x2, v27  }
0x1ec: {  	v30 =	vsub.f32 v33, v34;
	_ =	sdelay $0x1  }
0x1ed: {  	[tilespmem:v7+s23+$0x0] =	vst.idx.msk $0xffff, v30  }
0x1ee: {  	v28 =	vld.idx.msk [tilespmem:v28+s16+$0x0], $0xffff  }
0x1ef: {  	v27 =	vld.idx.msk [tilespmem:v27+s16+$0x0], $0xffff;
	_ =	sdelay $0x4  }
0x1f0: {  	v29 =	vmul.f32 v29, v29;
	v30 =	vmul.f32 v30, v30;
	v27 =	vsub.f32 v28, v27;
	_ =	sdelay $0x1  }
0x1f1: {  	v35 =	vadd.f32 v30, v29;
	v36 =	vmul.f32 v27, v27;
	_ =	sdelay $0x1  }
0x1f2: {  	v26 =	vand.u32 $0x7, v26;
	v28 =	vadd.f32 v36, v35  }
0x1f3: {  	v26 =	vcvt.s32.f32 v26;
	[tilespmem:v8+s23+$0x0] =	vst.idx.msk $0xffff, v27  }
0x1f4: {  	[tilespmem:v9+s23+$0x0] =	vst.idx.msk $0xffff, v28  }
0x1f5: {  	[tilespmem:v10+s23+$0x0] =	vst.idx.msk $0xffff, v26  }
0x1f6: {  	v26 =	vld [tilespmem:$0x1380]  }
0x1f7: {  	v27 =	vld [tilespmem:$0x2780];
	_ =	sdelay $0x3  }
0x1f8: {  	v37 =	vmul.u32 $0x3, v26  }
0x1f9: {  	v27 =	vmul.u32 $0x3, v27;
	_ =	sdelay $0x4  }
0x1fa: {  	v38 =	vld.idx.msk [tilespmem:v37+s16+$0x0], $0xffff  }
0x1fb: {  	v39 =	vld.idx.msk [tilespmem:v27+s16+$0x0], $0xffff;
	_ =	sdelay $0x2  }
0x1fc: {  	v40 =	vadd.s32 $0x1, v37  }
0x1fd: {  	v41 =	vadd.s32 $0x1, v27  }
0x1fe: {  	v29 =	vsub.f32 v38, v39;
	_ =	sdelay $0x1  }
0x1ff: {  	[tilespmem:v11+s23+$0x0] =	vst.idx.msk $0xffff, v29  }
0x200: {  	v42 =	vld.idx.msk [tilespmem:v40+s16+$0x0], $0xffff  }
0x201: {  	v43 =	vld.idx.msk [tilespmem:v41+s16+$0x0], $0xffff;
	_ =	sdelay $0x2  }
0x202: {  	v28 =	vadd.s32 $0x2, v37  }
0x203: {  	v27 =	vadd.s32 $0x2, v27  }
0x204: {  	v30 =	vsub.f32 v42, v43;
	_ =	sdelay $0x1  }
0x205: {  	[tilespmem:v12+s23+$0x0] =	vst.idx.msk $0xffff, v30  }
0x206: {  	v28 =	vld.idx.msk [tilespmem:v28+s16+$0x0], $0xffff  }
0x207: {  	v27 =	vld.idx.msk [tilespmem:v27+s16+$0x0], $0xffff;
	_ =	sdelay $0x4  }
0x208: {  	v29 =	vmul.f32 v29, v29;
	v30 =	vmul.f32 v30, v30;
	v27 =	vsub.f32 v28, v27;
	_ =	sdelay $0x1  }
0x209: {  	v44 =	vadd.f32 v30, v29;
	v45 =	vmul.f32 v27, v27;
	_ =	sdelay $0x1  }
0x20a: {  	v26 =	vand.u32 $0x7, v26;
	v28 =	vadd.f32 v45, v44  }
0x20b: {  	v26 =	vcvt.s32.f32 v26;
	[tilespmem:v13+s23+$0x0] =	vst.idx.msk $0xffff, v27  }
0x20c: {  	[tilespmem:v14+s23+$0x0] =	vst.idx.msk $0xffff, v28  }
0x20d: {  	[tilespmem:v15+s23+$0x0] =	vst.idx.msk $0xffff, v26  }
0x20e: {  	v26 =	vld [tilespmem:$0x1390]  }
0x20f: {  	v27 =	vld [tilespmem:$0x2790];
	_ =	sdelay $0x3  }
0x210: {  	v46 =	vmul.u32 $0x3, v26  }
0x211: {  	v27 =	vmul.u32 $0x3, v27;
	_ =	sdelay $0x4  }
0x212: {  	v47 =	vld.idx.msk [tilespmem:v46+s16+$0x0], $0xffff  }
0x213: {  	v48 =	vld.idx.msk [tilespmem:v27+s16+$0x0], $0xffff;
	_ =	sdelay $0x2  }
0x214: {  	v49 =	vadd.s32 $0x1, v46  }
0x215: {  	v50 =	vadd.s32 $0x1, v27  }
0x216: {  	v29 =	vsub.f32 v47, v48;
	_ =	sdelay $0x1  }
0x217: {  	[tilespmem:v16+s23+$0x0] =	vst.idx.msk $0xffff, v29  }
0x218: {  	v51 =	vld.idx.msk [tilespmem:v49+s16+$0x0], $0xffff  }
0x219: {  	v52 =	vld.idx.msk [tilespmem:v50+s16+$0x0], $0xffff;
	_ =	sdelay $0x2  }
0x21a: {  	v28 =	vadd.s32 $0x2, v46  }
0x21b: {  	v27 =	vadd.s32 $0x2, v27  }
0x21c: {  	v30 =	vsub.f32 v51, v52;
	_ =	sdelay $0x1  }
0x21d: {  	[tilespmem:v17+s23+$0x0] =	vst.idx.msk $0xffff, v30  }
0x21e: {  	v28 =	vld.idx.msk [tilespmem:v28+s16+$0x0], $0xffff  }
0x21f: {  	v27 =	vld.idx.msk [tilespmem:v27+s16+$0x0], $0xffff;
	_ =	sdelay $0x4  }
0x220: {  	v29 =	vmul.f32 v29, v29;
	v30 =	vmul.f32 v30, v30;
	v27 =	vsub.f32 v28, v27;
	_ =	sdelay $0x1  }
0x221: {  	v53 =	vadd.f32 v30, v29;
	v54 =	vmul.f32 v27, v27;
	_ =	sdelay $0x1  }
0x222: {  	v26 =	vand.u32 $0x7, v26;
	v28 =	vadd.f32 v54, v53  }
0x223: {  	v26 =	vcvt.s32.f32 v26;
	[tilespmem:v18+s23+$0x0] =	vst.idx.msk $0xffff, v27  }
0x224: {  	[tilespmem:v19+s23+$0x0] =	vst.idx.msk $0xffff, v28  }
0x225: {  	[tilespmem:v20+s23+$0x0] =	vst.idx.msk $0xffff, v26  }
0x226: {  	v26 =	vld [tilespmem:$0x13A0]  }
0x227: {  	v27 =	vld [tilespmem:$0x27A0];
	_ =	sdelay $0x3  }
0x228: {  	v55 =	vmul.u32 $0x3, v26  }
0x229: {  	v27 =	vmul.u32 $0x3, v27;
	_ =	sdelay $0x4  }
0x22a: {  	v56 =	vld.idx.msk [tilespmem:v55+s16+$0x0], $0xffff  }
0x22b: {  	v57 =	vld.idx.msk [tilespmem:v27+s16+$0x0], $0xffff;
	_ =	sdelay $0x2  }
0x22c: {  	v58 =	vadd.s32 $0x1, v55  }
0x22d: {  	v59 =	vadd.s32 $0x1, v27  }
0x22e: {  	v29 =	vsub.f32 v56, v57;
	_ =	sdelay $0x1  }
0x22f: {  	[tilespmem:v21+s23+$0x0] =	vst.idx.msk $0xffff, v29  }
0x230: {  	v60 =	vld.idx.msk [tilespmem:v58+s16+$0x0], $0xffff  }
0x231: {  	v61 =	vld.idx.msk [tilespmem:v59+s16+$0x0], $0xffff;
	_ =	sdelay $0x2  }
0x232: {  	v28 =	vadd.s32 $0x2, v55  }
0x233: {  	v27 =	vadd.s32 $0x2, v27  }
0x234: {  	v30 =	vsub.f32 v60, v61;
	_ =	sdelay $0x1  }
0x235: {  	[tilespmem:v22+s23+$0x0] =	vst.idx.msk $0xffff, v30  }
0x236: {  	v28 =	vld.idx.msk [tilespmem:v28+s16+$0x0], $0xffff  }
0x237: {  	v27 =	vld.idx.msk [tilespmem:v27+s16+$0x0], $0xffff;
	_ =	sdelay $0x4  }
0x238: {  	v29 =	vmul.f32 v29, v29;
	v30 =	vmul.f32 v30, v30;
	v27 =	vsub.f32 v28, v27;
	_ =	sdelay $0x1  }
0x239: {  	v62 =	vadd.f32 v30, v29;
	v63 =	vmul.f32 v27, v27;
	_ =	sdelay $0x1  }
0x23a: {  	v26 =	vand.u32 $0x7, v26;
	v28 =	vadd.f32 v63, v62  }
0x23b: {  	v26 =	vcvt.s32.f32 v26;
	[tilespmem:v23+s23+$0x0] =	vst.idx.msk $0xffff, v27  }
0x23c: {  	[tilespmem:v24+s23+$0x0] =	vst.idx.msk $0xffff, v28  }
0x23d: {  	[tilespmem:v25+s23+$0x0] =	vst.idx.msk $0xffff, v26  }
0x23e: {  	[hbm4b:s11+s6] =	stream.linear.scatter [tilespmem:s18], [sflag:$0x3], $0x2800, $0x38;
	[tilespmem:$0x18D80] =	vst v63  }
0x23f: {  	_ =	swait.ge [sflag:s14], $0x2800  }
0x240: {  	[sflag:s14] =	ssyncset.done $0x0  }
.Ltmp8:
0x241: {  	[sflag:s14] =	ssyncadd.s32 $0xFFFFD800;
	(pc) =	sbr.rel .LBB2_13-.Ltmp8, $4  }
0x242: {  	[hbm4b:s12+s6] =	stream.linear.scatter [tilespmem:s23], [sflag:$0x3], $0x2800, $0x38;
	[tilespmem:$0x18D80] =	vst v63  }
0x243: {  	_ =	swait.ge [sflag:s14], $0x2800  }
0x244: {  	[sflag:s14] =	ssyncset.done $0x0  }
0x245: {  	[sflag:s14] =	ssyncadd.s32 $0xFFFFD800  }
.LBB2_14:
0x246: {  	_ =	sfence.sel $0x180000  }
0x247: {  	[bflag:$0x0] =	sbarrier.arrive $0xFFFF  }
0x248: {  	_ =	strace $0x90000047  }
0x249: {  	s0 =	stileid.u32;
	[bflag:$0x2] =	sbarrier.arrive $0xFFFF  }
0x24a: {  	p0 =	sne.s32 s0, $0x0;
	s0 =	rddreg [dreg:$0x4]  }
0x24b: {  	s0 =	sadd.s32 @!p0 $0x100000, s0  }
0x24c: {  	[sflag:s0] =	ssyncadd.tile.s32 @!p0 $0x1;
	_ =	shalt  }
.Lfunc_end2:
_tile_overlayer_lowered:
.L_overlay_start_2:
0x24d: {  	(tag) =	ssettag $0x2  }
0x24e: {  	s0 =	rddreg [dreg:$0x0];
	s2 =	stileid.u32  }
0x24f: {  	s1 =	rddreg [dreg:$0x1];
	p0 =	sne.s32 s2, $0x0  }
0x250: {  	s3 =	rddreg [dreg:$0x2];
	[bflag:$0x3] =	sbarrier.arrive $0xFFFF;
	s2 =	simm.s32 @!p0 $0x1C03  }
0x251: {  	[timem:s3], [sflag:s2] =	dma.local @!p0 [hbm:s0], s1  }
0x252: {  	s0 =	simm.s32 @!p0 $0x3  }
0x253: {  	_ =	swait.ge @!p0 [sflag:s0], s1  }
0x254: {  	s1 =	ssub.s32 @!p0 $0x0, s1;
	[sflag:s0] =	ssyncset.done @!p0 $0x0  }
0x255: {  	[sflag:s0] =	ssyncadd.s32 @!p0 s1  }
0x256: {  	[bflag:$0x3] =	sbarrier.arrive $0xFFFF  }
0x257: {  	_ =	shalt  }

</sc_bundles>
